<compile_context>
chip_gen: v7x
topology: tpu7x:2x2x1
jax: 0.10.2.dev20260603
libtpu: 0.0.44.dev20260713+nightly
codegen_flags: <defaults>
</compile_context>

<pallas_src>
import functools

import jax
import jax.numpy as jnp
from jax import lax
from jax.experimental import pallas as pl
from jax.experimental.pallas import tpu as pltpu
from jax.experimental.pallas import tpu_sc as plsc

N_NODES = 10000
N_PAD = 10112
E_EDGES = 320000
K_CHUNK = 128
NWORK = 32
N_STEPS = 80
E_PAD = N_STEPS * NWORK * K_CHUNK
ROW_BLK = 632



def _dense_body(x, w_ref, as_ref, ad_ref, hs_ref, ad_out_ref, F):
    h = jnp.dot(x, w_ref[...], preferred_element_type=jnp.float32)
    a_s = jnp.dot(h, as_ref[...], preferred_element_type=jnp.float32)
    a_d = jnp.dot(h, ad_ref[...], preferred_element_type=jnp.float32)
    hs_ref[:, :F] = h
    hs_ref[:, F:] = a_s
    ad_out_ref[...] = a_d


def _first_dense_kernel(x_ref, w_ref, as_ref, ad_ref, hs_ref, ad_out_ref, *, F):
    _dense_body(x_ref[...], w_ref, as_ref, ad_ref, hs_ref, ad_out_ref, F)


def _norm_dense_kernel(acc_ref, b_ref, p_ref, w_ref, as_ref, ad_ref,
                       hs_ref, ad_out_ref, *, Fp, F):
    acc = acc_ref[0] + acc_ref[1]
    h_agg = acc[:, :Fp]
    den = acc[:, Fp:]
    denw = jnp.dot(den, p_ref[...], preferred_element_type=jnp.float32) + 1e-16
    x = jnp.maximum(h_agg / denw + b_ref[...], 0.0)
    _dense_body(x, w_ref, as_ref, ad_ref, hs_ref, ad_out_ref, F)


def _final_kernel(acc_ref, b_ref, out_ref):
    acc = acc_ref[0] + acc_ref[1]
    h_agg = acc[:, :128]
    sel = (lax.broadcasted_iota(jnp.int32, (16, 1), 0) == 0).astype(jnp.float32)
    den = jnp.dot(acc[:, 128:], sel, preferred_element_type=jnp.float32) + 1e-16
    out_ref[...] = jax.nn.sigmoid(h_agg / den + b_ref[...])


def _dense_call(x, w, as16, ad16, F):
    Fin = x.shape[1]
    G = F + 16
    grid = (N_PAD // ROW_BLK,)
    return pl.pallas_call(
        functools.partial(_first_dense_kernel, F=F),
        grid=grid,
        in_specs=[
            pl.BlockSpec((ROW_BLK, Fin), lambda i: (i, 0)),
            pl.BlockSpec((Fin, F), lambda i: (0, 0)),
            pl.BlockSpec((F, 16), lambda i: (0, 0)),
            pl.BlockSpec((F, 16), lambda i: (0, 0)),
        ],
        out_specs=[
            pl.BlockSpec((ROW_BLK, G), lambda i: (i, 0)),
            pl.BlockSpec((ROW_BLK, 16), lambda i: (i, 0)),
        ],
        out_shape=[
            jax.ShapeDtypeStruct((N_PAD, G), jnp.float32),
            jax.ShapeDtypeStruct((N_PAD, 16), jnp.float32),
        ],
    )(x, w, as16, ad16)


def _norm_dense_call(acc, b, p16, w, as16, ad16, Fp, F):
    Gp = Fp + 16
    G = F + 16
    grid = (N_PAD // ROW_BLK,)
    return pl.pallas_call(
        functools.partial(_norm_dense_kernel, Fp=Fp, F=F),
        grid=grid,
        in_specs=[
            pl.BlockSpec((2, ROW_BLK, Gp), lambda i: (0, i, 0)),
            pl.BlockSpec((1, Fp), lambda i: (0, 0)),
            pl.BlockSpec((16, Fp), lambda i: (0, 0)),
            pl.BlockSpec((Fp, F), lambda i: (0, 0)),
            pl.BlockSpec((F, 16), lambda i: (0, 0)),
            pl.BlockSpec((F, 16), lambda i: (0, 0)),
        ],
        out_specs=[
            pl.BlockSpec((ROW_BLK, G), lambda i: (i, 0)),
            pl.BlockSpec((ROW_BLK, 16), lambda i: (i, 0)),
        ],
        out_shape=[
            jax.ShapeDtypeStruct((N_PAD, G), jnp.float32),
            jax.ShapeDtypeStruct((N_PAD, 16), jnp.float32),
        ],
    )(acc, b, p16, w, as16, ad16)


def _final_call(acc, b):
    grid = (N_PAD // ROW_BLK,)
    return pl.pallas_call(
        _final_kernel,
        grid=grid,
        in_specs=[
            pl.BlockSpec((2, ROW_BLK, 144), lambda i: (0, i, 0)),
            pl.BlockSpec((1, 128), lambda i: (0, 0)),
        ],
        out_specs=pl.BlockSpec((ROW_BLK, 128), lambda i: (i, 0)),
        out_shape=jax.ShapeDtypeStruct((N_PAD, 128), jnp.float32),
    )(acc, b)



def _make_edge_kernel(F, H):
    G = F + 16
    C = F // H
    mesh = plsc.VectorSubcoreMesh(core_axis_name="c", subcore_axis_name="s")
    rows_per_sub = N_PAD // 16

    @functools.partial(
        pl.kernel,
        mesh=mesh,
        compiler_params=pltpu.CompilerParams(use_tc_tiling_on_sc=False),
        out_type=jax.ShapeDtypeStruct((2, N_PAD, G), jnp.float32),
        scratch_types=[
            pltpu.VMEM((K_CHUNK,), jnp.int32),
            pltpu.VMEM((K_CHUNK,), jnp.int32),
            pltpu.VMEM((K_CHUNK,), jnp.int32),
            pltpu.VMEM((K_CHUNK,), jnp.int32),
            pltpu.VMEM((K_CHUNK, G), jnp.float32),
            pltpu.VMEM((K_CHUNK, G), jnp.float32),
            pltpu.VMEM((K_CHUNK, 16), jnp.float32),
            pltpu.VMEM_SHARED((N_PAD, G), jnp.float32),
            pltpu.SemaphoreType.DMA,
            pltpu.SemaphoreType.DMA,
        ],
    )
    def edge_kernel(src_hbm, dst_hbm, hs_hbm, ad_hbm, acc_hbm,
                    src_v0, dst_v0, src_v1, dst_v1, rowsrc0, rowsrc1,
                    adrows, acc_sh, sem1, sem2):
        cid = lax.axis_index("c")
        sid = lax.axis_index("s")
        wid = cid * 16 + sid

        def zrow(i, _):
            for j in range(G // 16):
                rowsrc0[i, pl.ds(j * 16, 16)] = jnp.zeros((16,), jnp.float32)
            return 0
        lax.fori_loop(0, K_CHUNK, zrow, 0)
        for t in range(rows_per_sub // K_CHUNK):
            pltpu.sync_copy(
                rowsrc0, acc_sh.at[pl.ds(sid * rows_per_sub + t * K_CHUNK, K_CHUNK)])
        rem = rows_per_sub % K_CHUNK
        if rem:
            pltpu.sync_copy(
                rowsrc0.at[pl.ds(0, rem)],
                acc_sh.at[pl.ds(sid * rows_per_sub
                                + (rows_per_sub // K_CHUNK) * K_CHUNK, rem)])
        plsc.subcore_barrier()

        def load_idx(s, sv, dv):
            base = (s * NWORK + wid) * K_CHUNK
            pltpu.sync_copy(src_hbm.at[pl.ds(base, K_CHUNK)], sv)
            pltpu.sync_copy(dst_hbm.at[pl.ds(base, K_CHUNK)], dv)

        def process(rowsrc, dv):
            def mul_row(k, _):
                arow = rowsrc[k, pl.ds(F, 16)]
                drow = adrows[k, pl.ds(0, 16)]
                e = arow + drow
                e = jnp.maximum(e, 0.2 * e)
                w_row = jnp.exp(e)
                rowsrc[k, pl.ds(F, 16)] = w_row
                for hh in range(H):
                    s_w = w_row[hh]
                    for j in range(C // 16):
                        off = hh * C + j * 16
                        rowsrc[k, pl.ds(off, 16)] = rowsrc[k, pl.ds(off, 16)] * s_w
                return 0
            lax.fori_loop(0, K_CHUNK, mul_row, 0)
            pltpu.sync_copy(rowsrc, acc_sh.at[dv], add=True)

        load_idx(0, src_v0, dst_v0)
        pltpu.async_copy(hs_hbm.at[src_v0], rowsrc0, sem1)

        def pair(i, _):
            c0 = 2 * i
            load_idx(c0 + 1, src_v1, dst_v1)
            pltpu.async_copy(hs_hbm.at[src_v1], rowsrc1, sem1).wait()
            pltpu.async_copy(ad_hbm.at[dst_v0], adrows, sem2).wait()
            process(rowsrc0, dst_v0)
            c2 = jnp.where(c0 + 2 >= N_STEPS, 0, c0 + 2)
            load_idx(c2, src_v0, dst_v0)
            pltpu.async_copy(hs_hbm.at[src_v0], rowsrc0, sem1).wait()
            pltpu.async_copy(ad_hbm.at[dst_v1], adrows, sem2).wait()
            process(rowsrc1, dst_v1)
            return 0
        lax.fori_loop(0, N_STEPS // 2, pair, 0)
        pltpu.make_async_copy(hs_hbm.at[src_v0], rowsrc0, sem1).wait()

        plsc.subcore_barrier()
        pltpu.sync_copy(
            acc_sh.at[pl.ds(sid * rows_per_sub, rows_per_sub)],
            acc_hbm.at[cid, pl.ds(sid * rows_per_sub, rows_per_sub)])

    return edge_kernel


_EDGE_128_4 = _make_edge_kernel(128, 4)
_EDGE_32_1 = _make_edge_kernel(32, 1)
_EDGE_128_1 = _make_edge_kernel(128, 1)



def _attn_mats(p, heads, out_ch):
    F = heads * out_ch
    eye = jnp.eye(16, dtype=jnp.float32)[:heads]
    as16 = (p["a_src"][:, :, None] * eye[:, None, :]).reshape(F, 16)
    ad16 = (p["a_dst"][:, :, None] * eye[:, None, :]).reshape(F, 16)
    return as16, ad16


def _widen_mat(heads, out_ch):
    F = heads * out_ch
    eye = jnp.eye(16, dtype=jnp.float32)[:, :heads]
    return (eye[:, :, None] * jnp.ones((out_ch,), jnp.float32)).reshape(16, F)


def _edge_jnp(src, dst, hs, ad, F, H):
    G = F + 16
    C = F // H
    a_s = hs[:, F:]
    h = hs[:, :F]
    e = a_s[src] + ad[src * 0 + dst]
    e = jnp.maximum(e, 0.2 * e)
    w = jnp.exp(e)
    wh = jnp.repeat(w[:, :H], C, axis=1) * h[src]
    comb = jnp.concatenate([wh, w], axis=1)
    acc = jax.ops.segment_sum(comb, dst, num_segments=N_PAD)
    return jnp.stack([acc, jnp.zeros_like(acc)])


def kernel(x, edge_index, params):
    src = edge_index[0]
    dst = edge_index[1]
    x_pad = jnp.pad(x, ((0, N_PAD - N_NODES), (0, 0)))
    pad_e = E_PAD - E_EDGES
    src_p = jnp.concatenate([src, jnp.zeros((pad_e,), jnp.int32)])
    dst_p = jnp.concatenate([dst, jnp.full((pad_e,), N_NODES, jnp.int32)])

    p1, p2, p3, p4 = params["enc1"], params["enc2"], params["dec1"], params["dec2"]
    as1, ad1 = _attn_mats(p1, 4, 32)
    as2, ad2 = _attn_mats(p2, 1, 32)
    as3, ad3 = _attn_mats(p3, 4, 32)
    as4, ad4 = _attn_mats(p4, 1, 128)

    hs, ad = _dense_call(x_pad, p1["W"], as1, ad1, 128)
    acc = _EDGE_128_4(src_p, dst_p, hs, ad)

    hs, ad = _norm_dense_call(acc, p1["b"][None, :], _widen_mat(4, 32),
                              p2["W"], as2, ad2, 128, 32)
    acc = _EDGE_32_1(src_p, dst_p, hs, ad)

    hs, ad = _norm_dense_call(acc, p2["b"][None, :], _widen_mat(1, 32),
                              p3["W"], as3, ad3, 32, 128)
    acc = _EDGE_128_4(src_p, dst_p, hs, ad)

    hs, ad = _norm_dense_call(acc, p3["b"][None, :], _widen_mat(4, 32),
                              p4["W"], as4, ad4, 128, 128)
    acc = _EDGE_128_1(src_p, dst_p, hs, ad)

    out = _final_call(acc, p4["b"][None, :])
    return out[:N_NODES]

# --- scband reference (transcript-rebuilt; emitter-appended) ---
"""Pipeline reference for scband-autoencoder-38070590112092 (READ-ONLY COPY).

The authoritative reference and input builder live on the scoring server;
editing this copy changes nothing except your own understanding.
"""

import jax, jax.numpy as jnp
import numpy as np

N = 10000
E = 320000
TIME_DIM = 128
HID = 32
HEADS = 4


def _make_layer(key, in_dim, out_ch, heads):
    k1, k2, k3 = jax.random.split(key, 3)
    return {
        "W": jax.random.normal(k1, (in_dim, heads * out_ch), dtype=jnp.float32) * (1.0 / np.sqrt(in_dim)),
        "a_src": jax.random.normal(k2, (heads, out_ch), dtype=jnp.float32) * 0.1,
        "a_dst": jax.random.normal(k3, (heads, out_ch), dtype=jnp.float32) * 0.1,
        "b": jnp.zeros((heads * out_ch,), dtype=jnp.float32),
    }


def setup_inputs(seed: int = 0) -> dict:
    key = jax.random.key(seed)
    kx, ke, k1, k2, k3, k4 = jax.random.split(key, 6)
    x = jax.random.normal(kx, (N, TIME_DIM), dtype=jnp.float32)
    edge_index = jax.random.randint(ke, (2, E), 0, N, dtype=jnp.int32)
    params = {
        "enc1": _make_layer(k1, TIME_DIM, HID, HEADS),
        "enc2": _make_layer(k2, HID * HEADS, HID, 1),
        "dec1": _make_layer(k3, HID, HID, HEADS),
        "dec2": _make_layer(k4, HID * HEADS, TIME_DIM, 1),
    }
    return {"x": x, "edge_index": edge_index, "params": params}


def _gat_conv(x, src, dst, p, heads, out_ch):
    n = x.shape[0]
    h = (x @ p["W"]).reshape(n, heads, out_ch)
    a_s = (h * p["a_src"][None, :, :]).sum(-1)  # [N, heads]
    a_d = (h * p["a_dst"][None, :, :]).sum(-1)  # [N, heads]
    e = jax.nn.leaky_relu(a_s[src] + a_d[dst], 0.2)  # [E, heads]
    m = jax.lax.stop_gradient(jax.ops.segment_max(e, dst, num_segments=n))
    m = jnp.where(jnp.isfinite(m), m, 0.0)
    ex = jnp.exp(e - m[dst])
    den = jax.ops.segment_sum(ex, dst, num_segments=n)
    alpha = ex / (den[dst] + 1e-16)  # softmax over incoming edges
    msg = h[src] * alpha[:, :, None]  # [E, heads, out_ch]
    out = jax.ops.segment_sum(msg, dst, num_segments=n)
    return out.reshape(n, heads * out_ch) + p["b"]


def reference(x, edge_index, params):
    src = edge_index[0]
    dst = edge_index[1]
    h = jax.nn.relu(_gat_conv(x, src, dst, params["enc1"], HEADS, HID))
    h = jax.nn.relu(_gat_conv(h, src, dst, params["enc2"], 1, HID))
    h = jax.nn.relu(_gat_conv(h, src, dst, params["dec1"], HEADS, HID))
    out = jax.nn.sigmoid(_gat_conv(h, src, dst, params["dec2"], 1, TIME_DIM))
    return out

if __name__ == "__main__":
    import jax
    _d = setup_inputs()
    print(jax.jit(kernel)(*tuple(_d.values())))

</pallas_src>

<mosaic_0001>
#map = affine_map<(d0, d1) -> (0)>
#map1 = affine_map<(d0, d1) -> (0, 0)>
#map2 = affine_map<(d0, d1) -> (0, 0, 0)>
module attributes {stable_mosaic.version = 14 : i64} {
  func.func @edge_kernel(%arg0: i32, %arg1: i32, %arg2: memref<327680xi32, #tpu.memory_space<hbm>>, %arg3: memref<327680xi32, #tpu.memory_space<hbm>>, %arg4: memref<10112x144xf32, #tpu.memory_space<hbm>>, %arg5: memref<10112x16xf32, #tpu.memory_space<hbm>>, %arg6: memref<2x10112x144xf32, #tpu.memory_space<hbm>>, %arg7: memref<128xi32, #tpu.memory_space<vmem>>, %arg8: memref<128xi32, #tpu.memory_space<vmem>>, %arg9: memref<128xi32, #tpu.memory_space<vmem>>, %arg10: memref<128xi32, #tpu.memory_space<vmem>>, %arg11: memref<128x144xf32, #tpu.memory_space<vmem>>, %arg12: memref<128x144xf32, #tpu.memory_space<vmem>>, %arg13: memref<128x16xf32, #tpu.memory_space<vmem>>, %arg14: memref<10112x144xf32, #tpu.memory_space<vmem_shared>>, %arg15: memref<!tpu.dma_semaphore, #tpu.memory_space<semaphore_mem>>, %arg16: memref<!tpu.dma_semaphore, #tpu.memory_space<semaphore_mem>>) attributes {dimension_semantics = [#tpu.dimension_semantics<core_parallel>, #tpu.dimension_semantics<subcore_parallel>], iteration_bounds = array<i64: 2, 16>, scalar_prefetch = 0 : i64, scratch_operands = 10 : i64, tpu.core_type = #tpu.core_type<sc_vector_subcore>, window_params = [{transform_indices = #map}, {transform_indices = #map}, {transform_indices = #map1}, {transform_indices = #map1}, {transform_indices = #map2}]} {
    %mul3A = arith.constant 16 : i32
    %mul3A_0 = arith.muli %arg0, %mul3A : i32
    %add3A = arith.addi %mul3A_0, %arg1 : i32
    %scan3A = arith.constant 0 : i32
    %scan3A_1 = arith.constant 0 : i32
    %scan3A_2 = arith.constant 128 : i32
    %scan3A_3 = arith.addi %scan3A_1, %scan3A_2 : i32
    %scan3A_4 = arith.constant 1 : i32
    %scan3A_5 = scf.for %scan3A_47 = %scan3A_1 to %scan3A_3 step %scan3A_4 iter_args(%scan3A_48 = %scan3A) -> (i32)  : i32 {
      %broadcast_in_dim3A = arith.constant 0.000000e+00 : f32
      %broadcast_in_dim3A_49 = vector.broadcast %broadcast_in_dim3A : f32 to vector<16xf32>
      %swap3A = arith.index_cast %scan3A_47 : i32 to index
      %swap3A_50 = arith.constant 0 : index
      %swap3A_51 = tpu.vector_load %arg11[%swap3A, %swap3A_50] {strides = array<i32>} : memref<128x144xf32, #tpu.memory_space<vmem>>, vector<1x16xf32>,
      %swap3A_52 = vector.shape_cast %swap3A_51 : vector<1x16xf32> to vector<16xf32>
      %swap3A_53 = vector.shape_cast %broadcast_in_dim3A_49 : vector<16xf32> to vector<1x16xf32>
      tpu.vector_store %arg11[%swap3A, %swap3A_50], %swap3A_53 {strides = array<i32>} : memref<128x144xf32, #tpu.memory_space<vmem>>, vector<1x16xf32>,
      %broadcast_in_dim3A_54 = arith.constant 0.000000e+00 : f32
      %broadcast_in_dim3A_55 = vector.broadcast %broadcast_in_dim3A_54 : f32 to vector<16xf32>
      %swap3A_56 = arith.index_cast %scan3A_47 : i32 to index
      %swap3A_57 = arith.constant 16 : index
      %swap3A_58 = tpu.vector_load %arg11[%swap3A_56, %swap3A_57] {strides = array<i32>} : memref<128x144xf32, #tpu.memory_space<vmem>>, vector<1x16xf32>,
      %swap3A_59 = vector.shape_cast %swap3A_58 : vector<1x16xf32> to vector<16xf32>
      %swap3A_60 = vector.shape_cast %broadcast_in_dim3A_55 : vector<16xf32> to vector<1x16xf32>
      tpu.vector_store %arg11[%swap3A_56, %swap3A_57], %swap3A_60 {strides = array<i32>} : memref<128x144xf32, #tpu.memory_space<vmem>>, vector<1x16xf32>,
      %broadcast_in_dim3A_61 = arith.constant 0.000000e+00 : f32
      %broadcast_in_dim3A_62 = vector.broadcast %broadcast_in_dim3A_61 : f32 to vector<16xf32>
      %swap3A_63 = arith.index_cast %scan3A_47 : i32 to index
      %swap3A_64 = arith.constant 32 : index
      %swap3A_65 = tpu.vector_load %arg11[%swap3A_63, %swap3A_64] {strides = array<i32>} : memref<128x144xf32, #tpu.memory_space<vmem>>, vector<1x16xf32>,
      %swap3A_66 = vector.shape_cast %swap3A_65 : vector<1x16xf32> to vector<16xf32>
      %swap3A_67 = vector.shape_cast %broadcast_in_dim3A_62 : vector<16xf32> to vector<1x16xf32>
      tpu.vector_store %arg11[%swap3A_63, %swap3A_64], %swap3A_67 {strides = array<i32>} : memref<128x144xf32, #tpu.memory_space<vmem>>, vector<1x16xf32>,
      %broadcast_in_dim3A_68 = arith.constant 0.000000e+00 : f32
      %broadcast_in_dim3A_69 = vector.broadcast %broadcast_in_dim3A_68 : f32 to vector<16xf32>
      %swap3A_70 = arith.index_cast %scan3A_47 : i32 to index
      %swap3A_71 = arith.constant 48 : index
      %swap3A_72 = tpu.vector_load %arg11[%swap3A_70, %swap3A_71] {strides = array<i32>} : memref<128x144xf32, #tpu.memory_space<vmem>>, vector<1x16xf32>,
      %swap3A_73 = vector.shape_cast %swap3A_72 : vector<1x16xf32> to vector<16xf32>
      %swap3A_74 = vector.shape_cast %broadcast_in_dim3A_69 : vector<16xf32> to vector<1x16xf32>
      tpu.vector_store %arg11[%swap3A_70, %swap3A_71], %swap3A_74 {strides = array<i32>} : memref<128x144xf32, #tpu.memory_space<vmem>>, vector<1x16xf32>,
      %broadcast_in_dim3A_75 = arith.constant 0.000000e+00 : f32
      %broadcast_in_dim3A_76 = vector.broadcast %broadcast_in_dim3A_75 : f32 to vector<16xf32>
      %swap3A_77 = arith.index_cast %scan3A_47 : i32 to index
      %swap3A_78 = arith.constant 64 : index
      %swap3A_79 = tpu.vector_load %arg11[%swap3A_77, %swap3A_78] {strides = array<i32>} : memref<128x144xf32, #tpu.memory_space<vmem>>, vector<1x16xf32>,
      %swap3A_80 = vector.shape_cast %swap3A_79 : vector<1x16xf32> to vector<16xf32>
      %swap3A_81 = vector.shape_cast %broadcast_in_dim3A_76 : vector<16xf32> to vector<1x16xf32>
      tpu.vector_store %arg11[%swap3A_77, %swap3A_78], %swap3A_81 {strides = array<i32>} : memref<128x144xf32, #tpu.memory_space<vmem>>, vector<1x16xf32>,
      %broadcast_in_dim3A_82 = arith.constant 0.000000e+00 : f32
      %broadcast_in_dim3A_83 = vector.broadcast %broadcast_in_dim3A_82 : f32 to vector<16xf32>
      %swap3A_84 = arith.index_cast %scan3A_47 : i32 to index
      %swap3A_85 = arith.constant 80 : index
      %swap3A_86 = tpu.vector_load %arg11[%swap3A_84, %swap3A_85] {strides = array<i32>} : memref<128x144xf32, #tpu.memory_space<vmem>>, vector<1x16xf32>,
      %swap3A_87 = vector.shape_cast %swap3A_86 : vector<1x16xf32> to vector<16xf32>
      %swap3A_88 = vector.shape_cast %broadcast_in_dim3A_83 : vector<16xf32> to vector<1x16xf32>
      tpu.vector_store %arg11[%swap3A_84, %swap3A_85], %swap3A_88 {strides = array<i32>} : memref<128x144xf32, #tpu.memory_space<vmem>>, vector<1x16xf32>,
      %broadcast_in_dim3A_89 = arith.constant 0.000000e+00 : f32
      %broadcast_in_dim3A_90 = vector.broadcast %broadcast_in_dim3A_89 : f32 to vector<16xf32>
      %swap3A_91 = arith.index_cast %scan3A_47 : i32 to index
      %swap3A_92 = arith.constant 96 : index
      %swap3A_93 = tpu.vector_load %arg11[%swap3A_91, %swap3A_92] {strides = array<i32>} : memref<128x144xf32, #tpu.memory_space<vmem>>, vector<1x16xf32>,
      %swap3A_94 = vector.shape_cast %swap3A_93 : vector<1x16xf32> to vector<16xf32>
      %swap3A_95 = vector.shape_cast %broadcast_in_dim3A_90 : vector<16xf32> to vector<1x16xf32>
      tpu.vector_store %arg11[%swap3A_91, %swap3A_92], %swap3A_95 {strides = array<i32>} : memref<128x144xf32, #tpu.memory_space<vmem>>, vector<1x16xf32>,
      %broadcast_in_dim3A_96 = arith.constant 0.000000e+00 : f32
      %broadcast_in_dim3A_97 = vector.broadcast %broadcast_in_dim3A_96 : f32 to vector<16xf32>
      %swap3A_98 = arith.index_cast %scan3A_47 : i32 to index
      %swap3A_99 = arith.constant 112 : index
      %swap3A_100 = tpu.vector_load %arg11[%swap3A_98, %swap3A_99] {strides = array<i32>} : memref<128x144xf32, #tpu.memory_space<vmem>>, vector<1x16xf32>,
      %swap3A_101 = vector.shape_cast %swap3A_100 : vector<1x16xf32> to vector<16xf32>
      %swap3A_102 = vector.shape_cast %broadcast_in_dim3A_97 : vector<16xf32> to vector<1x16xf32>
      tpu.vector_store %arg11[%swap3A_98, %swap3A_99], %swap3A_102 {strides = array<i32>} : memref<128x144xf32, #tpu.memory_space<vmem>>, vector<1x16xf32>,
      %broadcast_in_dim3A_103 = arith.constant 0.000000e+00 : f32
      %broadcast_in_dim3A_104 = vector.broadcast %broadcast_in_dim3A_103 : f32 to vector<16xf32>
      %swap3A_105 = arith.index_cast %scan3A_47 : i32 to index
      %swap3A_106 = arith.constant 128 : index
      %swap3A_107 = tpu.vector_load %arg11[%swap3A_105, %swap3A_106] {strides = array<i32>} : memref<128x144xf32, #tpu.memory_space<vmem>>, vector<1x16xf32>,
      %swap3A_108 = vector.shape_cast %swap3A_107 : vector<1x16xf32> to vector<16xf32>
      %swap3A_109 = vector.shape_cast %broadcast_in_dim3A_104 : vector<16xf32> to vector<1x16xf32>
      tpu.vector_store %arg11[%swap3A_105, %swap3A_106], %swap3A_109 {strides = array<i32>} : memref<128x144xf32, #tpu.memory_space<vmem>>, vector<1x16xf32>,
      %scan3A_110 = arith.constant 0 : i32
      scf.yield %scan3A_110 : i32
    }
    %scan3A_6 = arith.constant 128 : i32
    %mul3A_7 = arith.constant 632 : i32
    %mul3A_8 = arith.muli %arg1, %mul3A_7 : i32
    %add3A_9 = arith.constant 0 : i32
    %add3A_10 = arith.addi %mul3A_8, %add3A_9 : i32
    "tpu.region"() ({
      %run_scoped3A = tpu.sem_alloc : memref<!tpu.dma_semaphore, #tpu.memory_space<semaphore_mem>>
      %dma_start3A_47 = arith.constant 0 : i32
      %dma_start3A_48 = tpu.memref_slice %arg14[%add3A_10, %dma_start3A_47] : memref<10112x144xf32, #tpu.memory_space<vmem_shared>> -> memref<128x144xf32, #tpu.memory_space<vmem_shared>>
      %dma_start3A_49 = arith.constant 0 : i32
      %dma_start3A_50 = tpu.memref_slice %arg14[%add3A_10, %dma_start3A_49] : memref<10112x144xf32, #tpu.memory_space<vmem_shared>> -> memref<128x144xf32, #tpu.memory_space<vmem_shared>>
      tpu.enqueue_dma source(%arg11 : memref<128x144xf32, #tpu.memory_space<vmem>>) target(%dma_start3A_50 : memref<128x144xf32, #tpu.memory_space<vmem_shared>>) target_semaphore(%run_scoped3A : memref<!tpu.dma_semaphore, #tpu.memory_space<semaphore_mem>>)
      %dma_wait3A_51 = arith.constant 0 : i32
      %dma_wait3A_52 = tpu.memref_slice %arg14[%add3A_10, %dma_wait3A_51] : memref<10112x144xf32, #tpu.memory_space<vmem_shared>> -> memref<128x144xf32, #tpu.memory_space<vmem_shared>>
      %dma_wait3A_53 = arith.constant 0 : i32
      %dma_wait3A_54 = tpu.memref_slice %arg14[%add3A_10, %dma_wait3A_53] : memref<10112x144xf32, #tpu.memory_space<vmem_shared>> -> memref<128x144xf32, #tpu.memory_space<vmem_shared>>
      tpu.wait_dma2 semaphore(%run_scoped3A : memref<!tpu.dma_semaphore, #tpu.memory_space<semaphore_mem>>) src(%arg11 : memref<128x144xf32, #tpu.memory_space<vmem>>) dst(%dma_wait3A_54 : memref<128x144xf32, #tpu.memory_space<vmem_shared>>)
      tpu.yield
    }) : () -> ()
    %mul3A_11 = arith.constant 632 : i32
    %mul3A_12 = arith.muli %arg1, %mul3A_11 : i32
    %add3A_13 = arith.constant 128 : i32
    %add3A_14 = arith.addi %mul3A_12, %add3A_13 : i32
    "tpu.region"() ({
      %run_scoped3A = tpu.sem_alloc : memref<!tpu.dma_semaphore, #tpu.memory_space<semaphore_mem>>
      %dma_start3A_47 = arith.constant 0 : i32
      %dma_start3A_48 = tpu.memref_slice %arg14[%add3A_14, %dma_start3A_47] : memref<10112x144xf32, #tpu.memory_space<vmem_shared>> -> memref<128x144xf32, #tpu.memory_space<vmem_shared>>
      %dma_start3A_49 = arith.constant 0 : i32
      %dma_start3A_50 = tpu.memref_slice %arg14[%add3A_14, %dma_start3A_49] : memref<10112x144xf32, #tpu.memory_space<vmem_shared>> -> memref<128x144xf32, #tpu.memory_space<vmem_shared>>
      tpu.enqueue_dma source(%arg11 : memref<128x144xf32, #tpu.memory_space<vmem>>) target(%dma_start3A_50 : memref<128x144xf32, #tpu.memory_space<vmem_shared>>) target_semaphore(%run_scoped3A : memref<!tpu.dma_semaphore, #tpu.memory_space<semaphore_mem>>)
      %dma_wait3A_51 = arith.constant 0 : i32
      %dma_wait3A_52 = tpu.memref_slice %arg14[%add3A_14, %dma_wait3A_51] : memref<10112x144xf32, #tpu.memory_space<vmem_shared>> -> memref<128x144xf32, #tpu.memory_space<vmem_shared>>
      %dma_wait3A_53 = arith.constant 0 : i32
      %dma_wait3A_54 = tpu.memref_slice %arg14[%add3A_14, %dma_wait3A_53] : memref<10112x144xf32, #tpu.memory_space<vmem_shared>> -> memref<128x144xf32, #tpu.memory_space<vmem_shared>>
      tpu.wait_dma2 semaphore(%run_scoped3A : memref<!tpu.dma_semaphore, #tpu.memory_space<semaphore_mem>>) src(%arg11 : memref<128x144xf32, #tpu.memory_space<vmem>>) dst(%dma_wait3A_54 : memref<128x144xf32, #tpu.memory_space<vmem_shared>>)
      tpu.yield
    }) : () -> ()
    %mul3A_15 = arith.constant 632 : i32
    %mul3A_16 = arith.muli %arg1, %mul3A_15 : i32
    %add3A_17 = arith.constant 256 : i32
    %add3A_18 = arith.addi %mul3A_16, %add3A_17 : i32
    "tpu.region"() ({
      %run_scoped3A = tpu.sem_alloc : memref<!tpu.dma_semaphore, #tpu.memory_space<semaphore_mem>>
      %dma_start3A_47 = arith.constant 0 : i32
      %dma_start3A_48 = tpu.memref_slice %arg14[%add3A_18, %dma_start3A_47] : memref<10112x144xf32, #tpu.memory_space<vmem_shared>> -> memref<128x144xf32, #tpu.memory_space<vmem_shared>>
      %dma_start3A_49 = arith.constant 0 : i32
      %dma_start3A_50 = tpu.memref_slice %arg14[%add3A_18, %dma_start3A_49] : memref<10112x144xf32, #tpu.memory_space<vmem_shared>> -> memref<128x144xf32, #tpu.memory_space<vmem_shared>>
      tpu.enqueue_dma source(%arg11 : memref<128x144xf32, #tpu.memory_space<vmem>>) target(%dma_start3A_50 : memref<128x144xf32, #tpu.memory_space<vmem_shared>>) target_semaphore(%run_scoped3A : memref<!tpu.dma_semaphore, #tpu.memory_space<semaphore_mem>>)
      %dma_wait3A_51 = arith.constant 0 : i32
      %dma_wait3A_52 = tpu.memref_slice %arg14[%add3A_18, %dma_wait3A_51] : memref<10112x144xf32, #tpu.memory_space<vmem_shared>> -> memref<128x144xf32, #tpu.memory_space<vmem_shared>>
      %dma_wait3A_53 = arith.constant 0 : i32
      %dma_wait3A_54 = tpu.memref_slice %arg14[%add3A_18, %dma_wait3A_53] : memref<10112x144xf32, #tpu.memory_space<vmem_shared>> -> memref<128x144xf32, #tpu.memory_space<vmem_shared>>
      tpu.wait_dma2 semaphore(%run_scoped3A : memref<!tpu.dma_semaphore, #tpu.memory_space<semaphore_mem>>) src(%arg11 : memref<128x144xf32, #tpu.memory_space<vmem>>) dst(%dma_wait3A_54 : memref<128x144xf32, #tpu.memory_space<vmem_shared>>)
      tpu.yield
    }) : () -> ()
    %mul3A_19 = arith.constant 632 : i32
    %mul3A_20 = arith.muli %arg1, %mul3A_19 : i32
    %add3A_21 = arith.constant 384 : i32
    %add3A_22 = arith.addi %mul3A_20, %add3A_21 : i32
    "tpu.region"() ({
      %run_scoped3A = tpu.sem_alloc : memref<!tpu.dma_semaphore, #tpu.memory_space<semaphore_mem>>
      %dma_start3A_47 = arith.constant 0 : i32
      %dma_start3A_48 = tpu.memref_slice %arg14[%add3A_22, %dma_start3A_47] : memref<10112x144xf32, #tpu.memory_space<vmem_shared>> -> memref<128x144xf32, #tpu.memory_space<vmem_shared>>
      %dma_start3A_49 = arith.constant 0 : i32
      %dma_start3A_50 = tpu.memref_slice %arg14[%add3A_22, %dma_start3A_49] : memref<10112x144xf32, #tpu.memory_space<vmem_shared>> -> memref<128x144xf32, #tpu.memory_space<vmem_shared>>
      tpu.enqueue_dma source(%arg11 : memref<128x144xf32, #tpu.memory_space<vmem>>) target(%dma_start3A_50 : memref<128x144xf32, #tpu.memory_space<vmem_shared>>) target_semaphore(%run_scoped3A : memref<!tpu.dma_semaphore, #tpu.memory_space<semaphore_mem>>)
      %dma_wait3A_51 = arith.constant 0 : i32
      %dma_wait3A_52 = tpu.memref_slice %arg14[%add3A_22, %dma_wait3A_51] : memref<10112x144xf32, #tpu.memory_space<vmem_shared>> -> memref<128x144xf32, #tpu.memory_space<vmem_shared>>
      %dma_wait3A_53 = arith.constant 0 : i32
      %dma_wait3A_54 = tpu.memref_slice %arg14[%add3A_22, %dma_wait3A_53] : memref<10112x144xf32, #tpu.memory_space<vmem_shared>> -> memref<128x144xf32, #tpu.memory_space<vmem_shared>>
      tpu.wait_dma2 semaphore(%run_scoped3A : memref<!tpu.dma_semaphore, #tpu.memory_space<semaphore_mem>>) src(%arg11 : memref<128x144xf32, #tpu.memory_space<vmem>>) dst(%dma_wait3A_54 : memref<128x144xf32, #tpu.memory_space<vmem_shared>>)
      tpu.yield
    }) : () -> ()
    %mul3A_23 = arith.constant 632 : i32
    %mul3A_24 = arith.muli %arg1, %mul3A_23 : i32
    %add3A_25 = arith.constant 512 : i32
    %add3A_26 = arith.addi %mul3A_24, %add3A_25 : i32
    "tpu.region"() ({
      %run_scoped3A = tpu.sem_alloc : memref<!tpu.dma_semaphore, #tpu.memory_space<semaphore_mem>>
      %dma_start3A_47 = arith.constant 0 : i32
      %dma_start3A_48 = arith.constant 0 : i32
      %dma_start3A_49 = tpu.memref_slice %arg11[%dma_start3A_47, %dma_start3A_48] : memref<128x144xf32, #tpu.memory_space<vmem>> -> memref<120x144xf32, #tpu.memory_space<vmem>>
      %dma_start3A_50 = arith.constant 0 : i32
      %dma_start3A_51 = tpu.memref_slice %arg14[%add3A_26, %dma_start3A_50] : memref<10112x144xf32, #tpu.memory_space<vmem_shared>> -> memref<120x144xf32, #tpu.memory_space<vmem_shared>>
      %dma_start3A_52 = arith.constant 0 : i32
      %dma_start3A_53 = tpu.memref_slice %arg14[%add3A_26, %dma_start3A_52] : memref<10112x144xf32, #tpu.memory_space<vmem_shared>> -> memref<120x144xf32, #tpu.memory_space<vmem_shared>>
      %dma_start3A_54 = arith.constant 0 : i32
      %dma_start3A_55 = arith.constant 0 : i32
      %dma_start3A_56 = tpu.memref_slice %arg11[%dma_start3A_54, %dma_start3A_55] : memref<128x144xf32, #tpu.memory_space<vmem>> -> memref<120x144xf32, #tpu.memory_space<vmem>>
      tpu.enqueue_dma source(%dma_start3A_56 : memref<120x144xf32, #tpu.memory_space<vmem>>) target(%dma_start3A_53 : memref<120x144xf32, #tpu.memory_space<vmem_shared>>) target_semaphore(%run_scoped3A : memref<!tpu.dma_semaphore, #tpu.memory_space<semaphore_mem>>)
      %dma_wait3A_57 = arith.constant 0 : i32
      %dma_wait3A_58 = arith.constant 0 : i32
      %dma_wait3A_59 = tpu.memref_slice %arg11[%dma_wait3A_57, %dma_wait3A_58] : memref<128x144xf32, #tpu.memory_space<vmem>> -> memref<120x144xf32, #tpu.memory_space<vmem>>
      %dma_wait3A_60 = arith.constant 0 : i32
      %dma_wait3A_61 = tpu.memref_slice %arg14[%add3A_26, %dma_wait3A_60] : memref<10112x144xf32, #tpu.memory_space<vmem_shared>> -> memref<120x144xf32, #tpu.memory_space<vmem_shared>>
      %dma_wait3A_62 = arith.constant 0 : i32
      %dma_wait3A_63 = tpu.memref_slice %arg14[%add3A_26, %dma_wait3A_62] : memref<10112x144xf32, #tpu.memory_space<vmem_shared>> -> memref<120x144xf32, #tpu.memory_space<vmem_shared>>
      %dma_wait3A_64 = arith.constant 0 : i32
      %dma_wait3A_65 = arith.constant 0 : i32
      %dma_wait3A_66 = tpu.memref_slice %arg11[%dma_wait3A_64, %dma_wait3A_65] : memref<128x144xf32, #tpu.memory_space<vmem>> -> memref<120x144xf32, #tpu.memory_space<vmem>>
      tpu.wait_dma2 semaphore(%run_scoped3A : memref<!tpu.dma_semaphore, #tpu.memory_space<semaphore_mem>>) src(%dma_wait3A_66 : memref<120x144xf32, #tpu.memory_space<vmem>>) dst(%dma_wait3A_63 : memref<120x144xf32, #tpu.memory_space<vmem_shared>>)
      tpu.yield
    }) : () -> ()
    %barrier3A = arith.constant 0 : index
    tpu.barrier barrier_id(%barrier3A)
    %add3A_27 = arith.constant 0 : i32
    %add3A_28 = arith.addi %add3A_27, %add3A : i32
    %mul3A_29 = arith.constant 128 : i32
    %mul3A_30 = arith.muli %add3A_28, %mul3A_29 : i32
    "tpu.region"() ({
      %run_scoped3A = tpu.sem_alloc : memref<!tpu.dma_semaphore, #tpu.memory_space<semaphore_mem>>
      %dma_start3A_47 = tpu.memref_slice %arg2[%mul3A_30] : memref<327680xi32, #tpu.memory_space<hbm>> -> memref<128xi32, #tpu.memory_space<hbm>>
      %dma_start3A_48 = tpu.memref_slice %arg2[%mul3A_30] : memref<327680xi32, #tpu.memory_space<hbm>> -> memref<128xi32, #tpu.memory_space<hbm>>
      tpu.enqueue_dma source(%dma_start3A_48 : memref<128xi32, #tpu.memory_space<hbm>>) target(%arg7 : memref<128xi32, #tpu.memory_space<vmem>>) target_semaphore(%run_scoped3A : memref<!tpu.dma_semaphore, #tpu.memory_space<semaphore_mem>>)
      %dma_wait3A_49 = tpu.memref_slice %arg2[%mul3A_30] : memref<327680xi32, #tpu.memory_space<hbm>> -> memref<128xi32, #tpu.memory_space<hbm>>
      %dma_wait3A_50 = tpu.memref_slice %arg2[%mul3A_30] : memref<327680xi32, #tpu.memory_space<hbm>> -> memref<128xi32, #tpu.memory_space<hbm>>
      tpu.wait_dma2 semaphore(%run_scoped3A : memref<!tpu.dma_semaphore, #tpu.memory_space<semaphore_mem>>) src(%dma_wait3A_50 : memref<128xi32, #tpu.memory_space<hbm>>) dst(%arg7 : memref<128xi32, #tpu.memory_space<vmem>>)
      tpu.yield
    }) : () -> ()
    "tpu.region"() ({
      %run_scoped3A = tpu.sem_alloc : memref<!tpu.dma_semaphore, #tpu.memory_space<semaphore_mem>>
      %dma_start3A_47 = tpu.memref_slice %arg3[%mul3A_30] : memref<327680xi32, #tpu.memory_space<hbm>> -> memref<128xi32, #tpu.memory_space<hbm>>
      %dma_start3A_48 = tpu.memref_slice %arg3[%mul3A_30] : memref<327680xi32, #tpu.memory_space<hbm>> -> memref<128xi32, #tpu.memory_space<hbm>>
      tpu.enqueue_dma source(%dma_start3A_48 : memref<128xi32, #tpu.memory_space<hbm>>) target(%arg8 : memref<128xi32, #tpu.memory_space<vmem>>) target_semaphore(%run_scoped3A : memref<!tpu.dma_semaphore, #tpu.memory_space<semaphore_mem>>)
      %dma_wait3A_49 = tpu.memref_slice %arg3[%mul3A_30] : memref<327680xi32, #tpu.memory_space<hbm>> -> memref<128xi32, #tpu.memory_space<hbm>>
      %dma_wait3A_50 = tpu.memref_slice %arg3[%mul3A_30] : memref<327680xi32, #tpu.memory_space<hbm>> -> memref<128xi32, #tpu.memory_space<hbm>>
      tpu.wait_dma2 semaphore(%run_scoped3A : memref<!tpu.dma_semaphore, #tpu.memory_space<semaphore_mem>>) src(%dma_wait3A_50 : memref<128xi32, #tpu.memory_space<hbm>>) dst(%arg8 : memref<128xi32, #tpu.memory_space<vmem>>)
      tpu.yield
    }) : () -> ()
    %dma_start3A = arith.constant 0 : i32
    %dma_start3A_31 = arith.constant 0 : i32
    %dma_start3A_32 = tpu.memref_slice %arg4[%dma_start3A, %dma_start3A_31] : memref<10112x144xf32, #tpu.memory_space<hbm>> -> memref<10112x144xf32, #tpu.memory_space<hbm>>
    tpu.enqueue_indirect_dma source(%dma_start3A_32 : memref<10112x144xf32, #tpu.memory_space<hbm>>) target(%arg11 : memref<128x144xf32, #tpu.memory_space<vmem>>) offsets(%arg7 : memref<128xi32, #tpu.memory_space<vmem>>) semaphore(%arg15 : memref<!tpu.dma_semaphore, #tpu.memory_space<semaphore_mem>>)
    %scan3A_33 = arith.constant 0 : i32
    %scan3A_34 = arith.constant 0 : i32
    %scan3A_35 = arith.constant 40 : i32
    %scan3A_36 = arith.addi %scan3A_34, %scan3A_35 : i32
    %scan3A_37 = arith.constant 1 : i32
    %scan3A_38 = scf.for %scan3A_47 = %scan3A_34 to %scan3A_36 step %scan3A_37 iter_args(%scan3A_48 = %scan3A_33) -> (i32)  : i32 {
      %mul3A_49 = arith.constant 2 : i32
      %mul3A_50 = arith.muli %mul3A_49, %scan3A_47 : i32
      %add3A_51 = arith.constant 1 : i32
      %add3A_52 = arith.addi %mul3A_50, %add3A_51 : i32
      %mul3A_53 = arith.constant 32 : i32
      %mul3A_54 = arith.muli %add3A_52, %mul3A_53 : i32
      %add3A_55 = arith.addi %mul3A_54, %add3A : i32
      %mul3A_56 = arith.constant 128 : i32
      %mul3A_57 = arith.muli %add3A_55, %mul3A_56 : i32
      "tpu.region"() ({
        %run_scoped3A = tpu.sem_alloc : memref<!tpu.dma_semaphore, #tpu.memory_space<semaphore_mem>>
        %dma_start3A_107 = tpu.memref_slice %arg2[%mul3A_57] : memref<327680xi32, #tpu.memory_space<hbm>> -> memref<128xi32, #tpu.memory_space<hbm>>
        %dma_start3A_108 = tpu.memref_slice %arg2[%mul3A_57] : memref<327680xi32, #tpu.memory_space<hbm>> -> memref<128xi32, #tpu.memory_space<hbm>>
        tpu.enqueue_dma source(%dma_start3A_108 : memref<128xi32, #tpu.memory_space<hbm>>) target(%arg9 : memref<128xi32, #tpu.memory_space<vmem>>) target_semaphore(%run_scoped3A : memref<!tpu.dma_semaphore, #tpu.memory_space<semaphore_mem>>)
        %dma_wait3A_109 = tpu.memref_slice %arg2[%mul3A_57] : memref<327680xi32, #tpu.memory_space<hbm>> -> memref<128xi32, #tpu.memory_space<hbm>>
        %dma_wait3A_110 = tpu.memref_slice %arg2[%mul3A_57] : memref<327680xi32, #tpu.memory_space<hbm>> -> memref<128xi32, #tpu.memory_space<hbm>>
        tpu.wait_dma2 semaphore(%run_scoped3A : memref<!tpu.dma_semaphore, #tpu.memory_space<semaphore_mem>>) src(%dma_wait3A_110 : memref<128xi32, #tpu.memory_space<hbm>>) dst(%arg9 : memref<128xi32, #tpu.memory_space<vmem>>)
        tpu.yield
      }) : () -> ()
      "tpu.region"() ({
        %run_scoped3A = tpu.sem_alloc : memref<!tpu.dma_semaphore, #tpu.memory_space<semaphore_mem>>
        %dma_start3A_107 = tpu.memref_slice %arg3[%mul3A_57] : memref<327680xi32, #tpu.memory_space<hbm>> -> memref<128xi32, #tpu.memory_space<hbm>>
        %dma_start3A_108 = tpu.memref_slice %arg3[%mul3A_57] : memref<327680xi32, #tpu.memory_space<hbm>> -> memref<128xi32, #tpu.memory_space<hbm>>
        tpu.enqueue_dma source(%dma_start3A_108 : memref<128xi32, #tpu.memory_space<hbm>>) target(%arg10 : memref<128xi32, #tpu.memory_space<vmem>>) target_semaphore(%run_scoped3A : memref<!tpu.dma_semaphore, #tpu.memory_space<semaphore_mem>>)
        %dma_wait3A_109 = tpu.memref_slice %arg3[%mul3A_57] : memref<327680xi32, #tpu.memory_space<hbm>> -> memref<128xi32, #tpu.memory_space<hbm>>
        %dma_wait3A_110 = tpu.memref_slice %arg3[%mul3A_57] : memref<327680xi32, #tpu.memory_space<hbm>> -> memref<128xi32, #tpu.memory_space<hbm>>
        tpu.wait_dma2 semaphore(%run_scoped3A : memref<!tpu.dma_semaphore, #tpu.memory_space<semaphore_mem>>) src(%dma_wait3A_110 : memref<128xi32, #tpu.memory_space<hbm>>) dst(%arg10 : memref<128xi32, #tpu.memory_space<vmem>>)
        tpu.yield
      }) : () -> ()
      %dma_start3A_58 = arith.constant 0 : i32
      %dma_start3A_59 = arith.constant 0 : i32
      %dma_start3A_60 = tpu.memref_slice %arg4[%dma_start3A_58, %dma_start3A_59] : memref<10112x144xf32, #tpu.memory_space<hbm>> -> memref<10112x144xf32, #tpu.memory_space<hbm>>
      tpu.enqueue_indirect_dma source(%dma_start3A_60 : memref<10112x144xf32, #tpu.memory_space<hbm>>) target(%arg12 : memref<128x144xf32, #tpu.memory_space<vmem>>) offsets(%arg9 : memref<128xi32, #tpu.memory_space<vmem>>) semaphore(%arg15 : memref<!tpu.dma_semaphore, #tpu.memory_space<semaphore_mem>>)
      %dma_wait3A_61 = arith.constant 0 : i32
      %dma_wait3A_62 = arith.constant 0 : i32
      %dma_wait3A_63 = tpu.memref_slice %arg4[%dma_wait3A_61, %dma_wait3A_62] : memref<10112x144xf32, #tpu.memory_space<hbm>> -> memref<10112x144xf32, #tpu.memory_space<hbm>>
      tpu.wait_indirect_dma semaphore(%arg15 : memref<!tpu.dma_semaphore, #tpu.memory_space<semaphore_mem>>) src(%dma_wait3A_63 : memref<10112x144xf32, #tpu.memory_space<hbm>>) dst(%arg12 : memref<128x144xf32, #tpu.memory_space<vmem>>)
      %dma_start3A_64 = arith.constant 0 : i32
      %dma_start3A_65 = arith.constant 0 : i32
      %dma_start3A_66 = tpu.memref_slice %arg5[%dma_start3A_64, %dma_start3A_65] : memref<10112x16xf32, #tpu.memory_space<hbm>> -> memref<10112x16xf32, #tpu.memory_space<hbm>>
      tpu.enqueue_indirect_dma source(%dma_start3A_66 : memref<10112x16xf32, #tpu.memory_space<hbm>>) target(%arg13 : memref<128x16xf32, #tpu.memory_space<vmem>>) offsets(%arg8 : memref<128xi32, #tpu.memory_space<vmem>>) semaphore(%arg16 : memref<!tpu.dma_semaphore, #tpu.memory_space<semaphore_mem>>)
      %dma_wait3A_67 = arith.constant 0 : i32
      %dma_wait3A_68 = arith.constant 0 : i32
      %dma_wait3A_69 = tpu.memref_slice %arg5[%dma_wait3A_67, %dma_wait3A_68] : memref<10112x16xf32, #tpu.memory_space<hbm>> -> memref<10112x16xf32, #tpu.memory_space<hbm>>
      tpu.wait_indirect_dma semaphore(%arg16 : memref<!tpu.dma_semaphore, #tpu.memory_space<semaphore_mem>>) src(%dma_wait3A_69 : memref<10112x16xf32, #tpu.memory_space<hbm>>) dst(%arg13 : memref<128x16xf32, #tpu.memory_space<vmem>>)
      %scan3A_70 = arith.constant 0 : i32
      %scan3A_71 = arith.constant 0 : i32
      %scan3A_72 = arith.constant 128 : i32
      %scan3A_73 = arith.addi %scan3A_71, %scan3A_72 : i32
      %scan3A_74 = arith.constant 1 : i32
      %scan3A_75 = scf.for %scan3A_107 = %scan3A_71 to %scan3A_73 step %scan3A_74 iter_args(%scan3A_108 = %scan3A_70) -> (i32)  : i32 {
        %get3A = arith.index_cast %scan3A_107 : i32 to index
        %get3A_109 = arith.constant 128 : index
        %get3A_110 = tpu.vector_load %arg11[%get3A, %get3A_109] {strides = array<i32>} : memref<128x144xf32, #tpu.memory_space<vmem>>, vector<1x16xf32>,
        %get3A_111 = vector.shape_cast %get3A_110 : vector<1x16xf32> to vector<16xf32>
        %get3A_112 = arith.index_cast %scan3A_107 : i32 to index
        %get3A_113 = arith.constant 0 : index
        %get3A_114 = tpu.vector_load %arg13[%get3A_112, %get3A_113] {strides = array<i32>} : memref<128x16xf32, #tpu.memory_space<vmem>>, vector<1x16xf32>,
        %get3A_115 = vector.shape_cast %get3A_114 : vector<1x16xf32> to vector<16xf32>
        %add3A_116 = arith.addf %get3A_111, %get3A_115 : vector<16xf32>
        %mul3A_117 = arith.constant 2.000000e-01 : f32
        %mul3A_118 = vector.broadcast %mul3A_117 : f32 to vector<16xf32>
        %mul3A_119 = arith.mulf %mul3A_118, %add3A_116 : vector<16xf32>
        %max3A = arith.maximumf %add3A_116, %mul3A_119 : vector<16xf32>
        %exp3A = math.exp %max3A : vector<16xf32>
        %swap3A = arith.index_cast %scan3A_107 : i32 to index
        %swap3A_120 = arith.constant 128 : index
        %swap3A_121 = tpu.vector_load %arg11[%swap3A, %swap3A_120] {strides = array<i32>} : memref<128x144xf32, #tpu.memory_space<vmem>>, vector<1x16xf32>,
        %swap3A_122 = vector.shape_cast %swap3A_121 : vector<1x16xf32> to vector<16xf32>
        %swap3A_123 = vector.shape_cast %exp3A : vector<16xf32> to vector<1x16xf32>
        tpu.vector_store %arg11[%swap3A, %swap3A_120], %swap3A_123 {strides = array<i32>} : memref<128x144xf32, #tpu.memory_space<vmem>>, vector<1x16xf32>,
        %slice3A = vector.extract_strided_slice %exp3A {offsets = [0], sizes = [1], strides = [1]} : vector<16xf32> to vector<1xf32>
        %squeeze3A = vector.extract %slice3A[0] : f32 from vector<1xf32>
        %get3A_124 = arith.index_cast %scan3A_107 : i32 to index
        %get3A_125 = arith.constant 0 : index
        %get3A_126 = tpu.vector_load %arg11[%get3A_124, %get3A_125] {strides = array<i32>} : memref<128x144xf32, #tpu.memory_space<vmem>>, vector<1x16xf32>,
        %get3A_127 = vector.shape_cast %get3A_126 : vector<1x16xf32> to vector<16xf32>
        %mul3A_128 = vector.broadcast %squeeze3A : f32 to vector<16xf32>
        %mul3A_129 = arith.mulf %get3A_127, %mul3A_128 : vector<16xf32>
        %swap3A_130 = arith.index_cast %scan3A_107 : i32 to index
        %swap3A_131 = arith.constant 0 : index
        %swap3A_132 = tpu.vector_load %arg11[%swap3A_130, %swap3A_131] {strides = array<i32>} : memref<128x144xf32, #tpu.memory_space<vmem>>, vector<1x16xf32>,
        %swap3A_133 = vector.shape_cast %swap3A_132 : vector<1x16xf32> to vector<16xf32>
        %swap3A_134 = vector.shape_cast %mul3A_129 : vector<16xf32> to vector<1x16xf32>
        tpu.vector_store %arg11[%swap3A_130, %swap3A_131], %swap3A_134 {strides = array<i32>} : memref<128x144xf32, #tpu.memory_space<vmem>>, vector<1x16xf32>,
        %get3A_135 = arith.index_cast %scan3A_107 : i32 to index
        %get3A_136 = arith.constant 16 : index
        %get3A_137 = tpu.vector_load %arg11[%get3A_135, %get3A_136] {strides = array<i32>} : memref<128x144xf32, #tpu.memory_space<vmem>>, vector<1x16xf32>,
        %get3A_138 = vector.shape_cast %get3A_137 : vector<1x16xf32> to vector<16xf32>
        %mul3A_139 = vector.broadcast %squeeze3A : f32 to vector<16xf32>
        %mul3A_140 = arith.mulf %get3A_138, %mul3A_139 : vector<16xf32>
        %swap3A_141 = arith.index_cast %scan3A_107 : i32 to index
        %swap3A_142 = arith.constant 16 : index
        %swap3A_143 = tpu.vector_load %arg11[%swap3A_141, %swap3A_142] {strides = array<i32>} : memref<128x144xf32, #tpu.memory_space<vmem>>, vector<1x16xf32>,
        %swap3A_144 = vector.shape_cast %swap3A_143 : vector<1x16xf32> to vector<16xf32>
        %swap3A_145 = vector.shape_cast %mul3A_140 : vector<16xf32> to vector<1x16xf32>
        tpu.vector_store %arg11[%swap3A_141, %swap3A_142], %swap3A_145 {strides = array<i32>} : memref<128x144xf32, #tpu.memory_space<vmem>>, vector<1x16xf32>,
        %get3A_146 = arith.index_cast %scan3A_107 : i32 to index
        %get3A_147 = arith.constant 32 : index
        %get3A_148 = tpu.vector_load %arg11[%get3A_146, %get3A_147] {strides = array<i32>} : memref<128x144xf32, #tpu.memory_space<vmem>>, vector<1x16xf32>,
        %get3A_149 = vector.shape_cast %get3A_148 : vector<1x16xf32> to vector<16xf32>
        %mul3A_150 = vector.broadcast %squeeze3A : f32 to vector<16xf32>
        %mul3A_151 = arith.mulf %get3A_149, %mul3A_150 : vector<16xf32>
        %swap3A_152 = arith.index_cast %scan3A_107 : i32 to index
        %swap3A_153 = arith.constant 32 : index
        %swap3A_154 = tpu.vector_load %arg11[%swap3A_152, %swap3A_153] {strides = array<i32>} : memref<128x144xf32, #tpu.memory_space<vmem>>, vector<1x16xf32>,
        %swap3A_155 = vector.shape_cast %swap3A_154 : vector<1x16xf32> to vector<16xf32>
        %swap3A_156 = vector.shape_cast %mul3A_151 : vector<16xf32> to vector<1x16xf32>
        tpu.vector_store %arg11[%swap3A_152, %swap3A_153], %swap3A_156 {strides = array<i32>} : memref<128x144xf32, #tpu.memory_space<vmem>>, vector<1x16xf32>,
        %get3A_157 = arith.index_cast %scan3A_107 : i32 to index
        %get3A_158 = arith.constant 48 : index
        %get3A_159 = tpu.vector_load %arg11[%get3A_157, %get3A_158] {strides = array<i32>} : memref<128x144xf32, #tpu.memory_space<vmem>>, vector<1x16xf32>,
        %get3A_160 = vector.shape_cast %get3A_159 : vector<1x16xf32> to vector<16xf32>
        %mul3A_161 = vector.broadcast %squeeze3A : f32 to vector<16xf32>
        %mul3A_162 = arith.mulf %get3A_160, %mul3A_161 : vector<16xf32>
        %swap3A_163 = arith.index_cast %scan3A_107 : i32 to index
        %swap3A_164 = arith.constant 48 : index
        %swap3A_165 = tpu.vector_load %arg11[%swap3A_163, %swap3A_164] {strides = array<i32>} : memref<128x144xf32, #tpu.memory_space<vmem>>, vector<1x16xf32>,
        %swap3A_166 = vector.shape_cast %swap3A_165 : vector<1x16xf32> to vector<16xf32>
        %swap3A_167 = vector.shape_cast %mul3A_162 : vector<16xf32> to vector<1x16xf32>
        tpu.vector_store %arg11[%swap3A_163, %swap3A_164], %swap3A_167 {strides = array<i32>} : memref<128x144xf32, #tpu.memory_space<vmem>>, vector<1x16xf32>,
        %get3A_168 = arith.index_cast %scan3A_107 : i32 to index
        %get3A_169 = arith.constant 64 : index
        %get3A_170 = tpu.vector_load %arg11[%get3A_168, %get3A_169] {strides = array<i32>} : memref<128x144xf32, #tpu.memory_space<vmem>>, vector<1x16xf32>,
        %get3A_171 = vector.shape_cast %get3A_170 : vector<1x16xf32> to vector<16xf32>
        %mul3A_172 = vector.broadcast %squeeze3A : f32 to vector<16xf32>
        %mul3A_173 = arith.mulf %get3A_171, %mul3A_172 : vector<16xf32>
        %swap3A_174 = arith.index_cast %scan3A_107 : i32 to index
        %swap3A_175 = arith.constant 64 : index
        %swap3A_176 = tpu.vector_load %arg11[%swap3A_174, %swap3A_175] {strides = array<i32>} : memref<128x144xf32, #tpu.memory_space<vmem>>, vector<1x16xf32>,
        %swap3A_177 = vector.shape_cast %swap3A_176 : vector<1x16xf32> to vector<16xf32>
        %swap3A_178 = vector.shape_cast %mul3A_173 : vector<16xf32> to vector<1x16xf32>
        tpu.vector_store %arg11[%swap3A_174, %swap3A_175], %swap3A_178 {strides = array<i32>} : memref<128x144xf32, #tpu.memory_space<vmem>>, vector<1x16xf32>,
        %get3A_179 = arith.index_cast %scan3A_107 : i32 to index
        %get3A_180 = arith.constant 80 : index
        %get3A_181 = tpu.vector_load %arg11[%get3A_179, %get3A_180] {strides = array<i32>} : memref<128x144xf32, #tpu.memory_space<vmem>>, vector<1x16xf32>,
        %get3A_182 = vector.shape_cast %get3A_181 : vector<1x16xf32> to vector<16xf32>
        %mul3A_183 = vector.broadcast %squeeze3A : f32 to vector<16xf32>
        %mul3A_184 = arith.mulf %get3A_182, %mul3A_183 : vector<16xf32>
        %swap3A_185 = arith.index_cast %scan3A_107 : i32 to index
        %swap3A_186 = arith.constant 80 : index
        %swap3A_187 = tpu.vector_load %arg11[%swap3A_185, %swap3A_186] {strides = array<i32>} : memref<128x144xf32, #tpu.memory_space<vmem>>, vector<1x16xf32>,
        %swap3A_188 = vector.shape_cast %swap3A_187 : vector<1x16xf32> to vector<16xf32>
        %swap3A_189 = vector.shape_cast %mul3A_184 : vector<16xf32> to vector<1x16xf32>
        tpu.vector_store %arg11[%swap3A_185, %swap3A_186], %swap3A_189 {strides = array<i32>} : memref<128x144xf32, #tpu.memory_space<vmem>>, vector<1x16xf32>,
        %get3A_190 = arith.index_cast %scan3A_107 : i32 to index
        %get3A_191 = arith.constant 96 : index
        %get3A_192 = tpu.vector_load %arg11[%get3A_190, %get3A_191] {strides = array<i32>} : memref<128x144xf32, #tpu.memory_space<vmem>>, vector<1x16xf32>,
        %get3A_193 = vector.shape_cast %get3A_192 : vector<1x16xf32> to vector<16xf32>
        %mul3A_194 = vector.broadcast %squeeze3A : f32 to vector<16xf32>
        %mul3A_195 = arith.mulf %get3A_193, %mul3A_194 : vector<16xf32>
        %swap3A_196 = arith.index_cast %scan3A_107 : i32 to index
        %swap3A_197 = arith.constant 96 : index
        %swap3A_198 = tpu.vector_load %arg11[%swap3A_196, %swap3A_197] {strides = array<i32>} : memref<128x144xf32, #tpu.memory_space<vmem>>, vector<1x16xf32>,
        %swap3A_199 = vector.shape_cast %swap3A_198 : vector<1x16xf32> to vector<16xf32>
        %swap3A_200 = vector.shape_cast %mul3A_195 : vector<16xf32> to vector<1x16xf32>
        tpu.vector_store %arg11[%swap3A_196, %swap3A_197], %swap3A_200 {strides = array<i32>} : memref<128x144xf32, #tpu.memory_space<vmem>>, vector<1x16xf32>,
        %get3A_201 = arith.index_cast %scan3A_107 : i32 to index
        %get3A_202 = arith.constant 112 : index
        %get3A_203 = tpu.vector_load %arg11[%get3A_201, %get3A_202] {strides = array<i32>} : memref<128x144xf32, #tpu.memory_space<vmem>>, vector<1x16xf32>,
        %get3A_204 = vector.shape_cast %get3A_203 : vector<1x16xf32> to vector<16xf32>
        %mul3A_205 = vector.broadcast %squeeze3A : f32 to vector<16xf32>
        %mul3A_206 = arith.mulf %get3A_204, %mul3A_205 : vector<16xf32>
        %swap3A_207 = arith.index_cast %scan3A_107 : i32 to index
        %swap3A_208 = arith.constant 112 : index
        %swap3A_209 = tpu.vector_load %arg11[%swap3A_207, %swap3A_208] {strides = array<i32>} : memref<128x144xf32, #tpu.memory_space<vmem>>, vector<1x16xf32>,
        %swap3A_210 = vector.shape_cast %swap3A_209 : vector<1x16xf32> to vector<16xf32>
        %swap3A_211 = vector.shape_cast %mul3A_206 : vector<16xf32> to vector<1x16xf32>
        tpu.vector_store %arg11[%swap3A_207, %swap3A_208], %swap3A_211 {strides = array<i32>} : memref<128x144xf32, #tpu.memory_space<vmem>>, vector<1x16xf32>,
        %scan3A_212 = arith.constant 0 : i32
        scf.yield %scan3A_212 : i32
      }
      %scan3A_76 = arith.constant 128 : i32
      "tpu.region"() ({
        %run_scoped3A = tpu.sem_alloc : memref<!tpu.dma_semaphore, #tpu.memory_space<semaphore_mem>>
        %dma_start3A_107 = arith.constant 0 : i32
        %dma_start3A_108 = arith.constant 0 : i32
        %dma_start3A_109 = tpu.memref_slice %arg14[%dma_start3A_107, %dma_start3A_108] : memref<10112x144xf32, #tpu.memory_space<vmem_shared>> -> memref<10112x144xf32, #tpu.memory_space<vmem_shared>>
        tpu.enqueue_indirect_dma source(%arg11 : memref<128x144xf32, #tpu.memory_space<vmem>>) target(%dma_start3A_109 : memref<10112x144xf32, #tpu.memory_space<vmem_shared>>) offsets(%arg8 : memref<128xi32, #tpu.memory_space<vmem>>) semaphore(%run_scoped3A : memref<!tpu.dma_semaphore, #tpu.memory_space<semaphore_mem>>) {add = true}
        %dma_wait3A_110 = arith.constant 0 : i32
        %dma_wait3A_111 = arith.constant 0 : i32
        %dma_wait3A_112 = tpu.memref_slice %arg14[%dma_wait3A_110, %dma_wait3A_111] : memref<10112x144xf32, #tpu.memory_space<vmem_shared>> -> memref<10112x144xf32, #tpu.memory_space<vmem_shared>>
        tpu.wait_indirect_dma semaphore(%run_scoped3A : memref<!tpu.dma_semaphore, #tpu.memory_space<semaphore_mem>>) src(%arg11 : memref<128x144xf32, #tpu.memory_space<vmem>>) dst(%dma_wait3A_112 : memref<10112x144xf32, #tpu.memory_space<vmem_shared>>)
        tpu.yield
      }) : () -> ()
      %add3A_77 = arith.constant 2 : i32
      %add3A_78 = arith.addi %mul3A_50, %add3A_77 : i32
      %ge3A = arith.constant 80 : i32
      %ge3A_79 = arith.cmpi sge, %add3A_78, %ge3A : i32
      %add3A_80 = arith.constant 2 : i32
      %add3A_81 = arith.addi %mul3A_50, %add3A_80 : i32
      %jit3A = arith.constant 0 : i32
      %select_n3A = arith.select %ge3A_79, %jit3A, %add3A_81 : i32
      %mul3A_82 = arith.constant 32 : i32
      %mul3A_83 = arith.muli %select_n3A, %mul3A_82 : i32
      %add3A_84 = arith.addi %mul3A_83, %add3A : i32
      %mul3A_85 = arith.constant 128 : i32
      %mul3A_86 = arith.muli %add3A_84, %mul3A_85 : i32
      "tpu.region"() ({
        %run_scoped3A = tpu.sem_alloc : memref<!tpu.dma_semaphore, #tpu.memory_space<semaphore_mem>>
        %dma_start3A_107 = tpu.memref_slice %arg2[%mul3A_86] : memref<327680xi32, #tpu.memory_space<hbm>> -> memref<128xi32, #tpu.memory_space<hbm>>
        %dma_start3A_108 = tpu.memref_slice %arg2[%mul3A_86] : memref<327680xi32, #tpu.memory_space<hbm>> -> memref<128xi32, #tpu.memory_space<hbm>>
        tpu.enqueue_dma source(%dma_start3A_108 : memref<128xi32, #tpu.memory_space<hbm>>) target(%arg7 : memref<128xi32, #tpu.memory_space<vmem>>) target_semaphore(%run_scoped3A : memref<!tpu.dma_semaphore, #tpu.memory_space<semaphore_mem>>)
        %dma_wait3A_109 = tpu.memref_slice %arg2[%mul3A_86] : memref<327680xi32, #tpu.memory_space<hbm>> -> memref<128xi32, #tpu.memory_space<hbm>>
        %dma_wait3A_110 = tpu.memref_slice %arg2[%mul3A_86] : memref<327680xi32, #tpu.memory_space<hbm>> -> memref<128xi32, #tpu.memory_space<hbm>>
        tpu.wait_dma2 semaphore(%run_scoped3A : memref<!tpu.dma_semaphore, #tpu.memory_space<semaphore_mem>>) src(%dma_wait3A_110 : memref<128xi32, #tpu.memory_space<hbm>>) dst(%arg7 : memref<128xi32, #tpu.memory_space<vmem>>)
        tpu.yield
      }) : () -> ()
      "tpu.region"() ({
        %run_scoped3A = tpu.sem_alloc : memref<!tpu.dma_semaphore, #tpu.memory_space<semaphore_mem>>
        %dma_start3A_107 = tpu.memref_slice %arg3[%mul3A_86] : memref<327680xi32, #tpu.memory_space<hbm>> -> memref<128xi32, #tpu.memory_space<hbm>>
        %dma_start3A_108 = tpu.memref_slice %arg3[%mul3A_86] : memref<327680xi32, #tpu.memory_space<hbm>> -> memref<128xi32, #tpu.memory_space<hbm>>
        tpu.enqueue_dma source(%dma_start3A_108 : memref<128xi32, #tpu.memory_space<hbm>>) target(%arg8 : memref<128xi32, #tpu.memory_space<vmem>>) target_semaphore(%run_scoped3A : memref<!tpu.dma_semaphore, #tpu.memory_space<semaphore_mem>>)
        %dma_wait3A_109 = tpu.memref_slice %arg3[%mul3A_86] : memref<327680xi32, #tpu.memory_space<hbm>> -> memref<128xi32, #tpu.memory_space<hbm>>
        %dma_wait3A_110 = tpu.memref_slice %arg3[%mul3A_86] : memref<327680xi32, #tpu.memory_space<hbm>> -> memref<128xi32, #tpu.memory_space<hbm>>
        tpu.wait_dma2 semaphore(%run_scoped3A : memref<!tpu.dma_semaphore, #tpu.memory_space<semaphore_mem>>) src(%dma_wait3A_110 : memref<128xi32, #tpu.memory_space<hbm>>) dst(%arg8 : memref<128xi32, #tpu.memory_space<vmem>>)
        tpu.yield
      }) : () -> ()
      %dma_start3A_87 = arith.constant 0 : i32
      %dma_start3A_88 = arith.constant 0 : i32
      %dma_start3A_89 = tpu.memref_slice %arg4[%dma_start3A_87, %dma_start3A_88] : memref<10112x144xf32, #tpu.memory_space<hbm>> -> memref<10112x144xf32, #tpu.memory_space<hbm>>
      tpu.enqueue_indirect_dma source(%dma_start3A_89 : memref<10112x144xf32, #tpu.memory_space<hbm>>) target(%arg11 : memref<128x144xf32, #tpu.memory_space<vmem>>) offsets(%arg7 : memref<128xi32, #tpu.memory_space<vmem>>) semaphore(%arg15 : memref<!tpu.dma_semaphore, #tpu.memory_space<semaphore_mem>>)
      %dma_wait3A_90 = arith.constant 0 : i32
      %dma_wait3A_91 = arith.constant 0 : i32
      %dma_wait3A_92 = tpu.memref_slice %arg4[%dma_wait3A_90, %dma_wait3A_91] : memref<10112x144xf32, #tpu.memory_space<hbm>> -> memref<10112x144xf32, #tpu.memory_space<hbm>>
      tpu.wait_indirect_dma semaphore(%arg15 : memref<!tpu.dma_semaphore, #tpu.memory_space<semaphore_mem>>) src(%dma_wait3A_92 : memref<10112x144xf32, #tpu.memory_space<hbm>>) dst(%arg11 : memref<128x144xf32, #tpu.memory_space<vmem>>)
      %dma_start3A_93 = arith.constant 0 : i32
      %dma_start3A_94 = arith.constant 0 : i32
      %dma_start3A_95 = tpu.memref_slice %arg5[%dma_start3A_93, %dma_start3A_94] : memref<10112x16xf32, #tpu.memory_space<hbm>> -> memref<10112x16xf32, #tpu.memory_space<hbm>>
      tpu.enqueue_indirect_dma source(%dma_start3A_95 : memref<10112x16xf32, #tpu.memory_space<hbm>>) target(%arg13 : memref<128x16xf32, #tpu.memory_space<vmem>>) offsets(%arg10 : memref<128xi32, #tpu.memory_space<vmem>>) semaphore(%arg16 : memref<!tpu.dma_semaphore, #tpu.memory_space<semaphore_mem>>)
      %dma_wait3A_96 = arith.constant 0 : i32
      %dma_wait3A_97 = arith.constant 0 : i32
      %dma_wait3A_98 = tpu.memref_slice %arg5[%dma_wait3A_96, %dma_wait3A_97] : memref<10112x16xf32, #tpu.memory_space<hbm>> -> memref<10112x16xf32, #tpu.memory_space<hbm>>
      tpu.wait_indirect_dma semaphore(%arg16 : memref<!tpu.dma_semaphore, #tpu.memory_space<semaphore_mem>>) src(%dma_wait3A_98 : memref<10112x16xf32, #tpu.memory_space<hbm>>) dst(%arg13 : memref<128x16xf32, #tpu.memory_space<vmem>>)
      %scan3A_99 = arith.constant 0 : i32
      %scan3A_100 = arith.constant 0 : i32
      %scan3A_101 = arith.constant 128 : i32
      %scan3A_102 = arith.addi %scan3A_100, %scan3A_101 : i32
      %scan3A_103 = arith.constant 1 : i32
      %scan3A_104 = scf.for %scan3A_107 = %scan3A_100 to %scan3A_102 step %scan3A_103 iter_args(%scan3A_108 = %scan3A_99) -> (i32)  : i32 {
        %get3A = arith.index_cast %scan3A_107 : i32 to index
        %get3A_109 = arith.constant 128 : index
        %get3A_110 = tpu.vector_load %arg12[%get3A, %get3A_109] {strides = array<i32>} : memref<128x144xf32, #tpu.memory_space<vmem>>, vector<1x16xf32>,
        %get3A_111 = vector.shape_cast %get3A_110 : vector<1x16xf32> to vector<16xf32>
        %get3A_112 = arith.index_cast %scan3A_107 : i32 to index
        %get3A_113 = arith.constant 0 : index
        %get3A_114 = tpu.vector_load %arg13[%get3A_112, %get3A_113] {strides = array<i32>} : memref<128x16xf32, #tpu.memory_space<vmem>>, vector<1x16xf32>,
        %get3A_115 = vector.shape_cast %get3A_114 : vector<1x16xf32> to vector<16xf32>
        %add3A_116 = arith.addf %get3A_111, %get3A_115 : vector<16xf32>
        %mul3A_117 = arith.constant 2.000000e-01 : f32
        %mul3A_118 = vector.broadcast %mul3A_117 : f32 to vector<16xf32>
        %mul3A_119 = arith.mulf %mul3A_118, %add3A_116 : vector<16xf32>
        %max3A = arith.maximumf %add3A_116, %mul3A_119 : vector<16xf32>
        %exp3A = math.exp %max3A : vector<16xf32>
        %swap3A = arith.index_cast %scan3A_107 : i32 to index
        %swap3A_120 = arith.constant 128 : index
        %swap3A_121 = tpu.vector_load %arg12[%swap3A, %swap3A_120] {strides = array<i32>} : memref<128x144xf32, #tpu.memory_space<vmem>>, vector<1x16xf32>,
        %swap3A_122 = vector.shape_cast %swap3A_121 : vector<1x16xf32> to vector<16xf32>
        %swap3A_123 = vector.shape_cast %exp3A : vector<16xf32> to vector<1x16xf32>
        tpu.vector_store %arg12[%swap3A, %swap3A_120], %swap3A_123 {strides = array<i32>} : memref<128x144xf32, #tpu.memory_space<vmem>>, vector<1x16xf32>,
        %slice3A = vector.extract_strided_slice %exp3A {offsets = [0], sizes = [1], strides = [1]} : vector<16xf32> to vector<1xf32>
        %squeeze3A = vector.extract %slice3A[0] : f32 from vector<1xf32>
        %get3A_124 = arith.index_cast %scan3A_107 : i32 to index
        %get3A_125 = arith.constant 0 : index
        %get3A_126 = tpu.vector_load %arg12[%get3A_124, %get3A_125] {strides = array<i32>} : memref<128x144xf32, #tpu.memory_space<vmem>>, vector<1x16xf32>,
        %get3A_127 = vector.shape_cast %get3A_126 : vector<1x16xf32> to vector<16xf32>
        %mul3A_128 = vector.broadcast %squeeze3A : f32 to vector<16xf32>
        %mul3A_129 = arith.mulf %get3A_127, %mul3A_128 : vector<16xf32>
        %swap3A_130 = arith.index_cast %scan3A_107 : i32 to index
        %swap3A_131 = arith.constant 0 : index
        %swap3A_132 = tpu.vector_load %arg12[%swap3A_130, %swap3A_131] {strides = array<i32>} : memref<128x144xf32, #tpu.memory_space<vmem>>, vector<1x16xf32>,
        %swap3A_133 = vector.shape_cast %swap3A_132 : vector<1x16xf32> to vector<16xf32>
        %swap3A_134 = vector.shape_cast %mul3A_129 : vector<16xf32> to vector<1x16xf32>
        tpu.vector_store %arg12[%swap3A_130, %swap3A_131], %swap3A_134 {strides = array<i32>} : memref<128x144xf32, #tpu.memory_space<vmem>>, vector<1x16xf32>,
        %get3A_135 = arith.index_cast %scan3A_107 : i32 to index
        %get3A_136 = arith.constant 16 : index
        %get3A_137 = tpu.vector_load %arg12[%get3A_135, %get3A_136] {strides = array<i32>} : memref<128x144xf32, #tpu.memory_space<vmem>>, vector<1x16xf32>,
        %get3A_138 = vector.shape_cast %get3A_137 : vector<1x16xf32> to vector<16xf32>
        %mul3A_139 = vector.broadcast %squeeze3A : f32 to vector<16xf32>
        %mul3A_140 = arith.mulf %get3A_138, %mul3A_139 : vector<16xf32>
        %swap3A_141 = arith.index_cast %scan3A_107 : i32 to index
        %swap3A_142 = arith.constant 16 : index
        %swap3A_143 = tpu.vector_load %arg12[%swap3A_141, %swap3A_142] {strides = array<i32>} : memref<128x144xf32, #tpu.memory_space<vmem>>, vector<1x16xf32>,
        %swap3A_144 = vector.shape_cast %swap3A_143 : vector<1x16xf32> to vector<16xf32>
        %swap3A_145 = vector.shape_cast %mul3A_140 : vector<16xf32> to vector<1x16xf32>
        tpu.vector_store %arg12[%swap3A_141, %swap3A_142], %swap3A_145 {strides = array<i32>} : memref<128x144xf32, #tpu.memory_space<vmem>>, vector<1x16xf32>,
        %get3A_146 = arith.index_cast %scan3A_107 : i32 to index
        %get3A_147 = arith.constant 32 : index
        %get3A_148 = tpu.vector_load %arg12[%get3A_146, %get3A_147] {strides = array<i32>} : memref<128x144xf32, #tpu.memory_space<vmem>>, vector<1x16xf32>,
        %get3A_149 = vector.shape_cast %get3A_148 : vector<1x16xf32> to vector<16xf32>
        %mul3A_150 = vector.broadcast %squeeze3A : f32 to vector<16xf32>
        %mul3A_151 = arith.mulf %get3A_149, %mul3A_150 : vector<16xf32>
        %swap3A_152 = arith.index_cast %scan3A_107 : i32 to index
        %swap3A_153 = arith.constant 32 : index
        %swap3A_154 = tpu.vector_load %arg12[%swap3A_152, %swap3A_153] {strides = array<i32>} : memref<128x144xf32, #tpu.memory_space<vmem>>, vector<1x16xf32>,
        %swap3A_155 = vector.shape_cast %swap3A_154 : vector<1x16xf32> to vector<16xf32>
        %swap3A_156 = vector.shape_cast %mul3A_151 : vector<16xf32> to vector<1x16xf32>
        tpu.vector_store %arg12[%swap3A_152, %swap3A_153], %swap3A_156 {strides = array<i32>} : memref<128x144xf32, #tpu.memory_space<vmem>>, vector<1x16xf32>,
        %get3A_157 = arith.index_cast %scan3A_107 : i32 to index
        %get3A_158 = arith.constant 48 : index
        %get3A_159 = tpu.vector_load %arg12[%get3A_157, %get3A_158] {strides = array<i32>} : memref<128x144xf32, #tpu.memory_space<vmem>>, vector<1x16xf32>,
        %get3A_160 = vector.shape_cast %get3A_159 : vector<1x16xf32> to vector<16xf32>
        %mul3A_161 = vector.broadcast %squeeze3A : f32 to vector<16xf32>
        %mul3A_162 = arith.mulf %get3A_160, %mul3A_161 : vector<16xf32>
        %swap3A_163 = arith.index_cast %scan3A_107 : i32 to index
        %swap3A_164 = arith.constant 48 : index
        %swap3A_165 = tpu.vector_load %arg12[%swap3A_163, %swap3A_164] {strides = array<i32>} : memref<128x144xf32, #tpu.memory_space<vmem>>, vector<1x16xf32>,
        %swap3A_166 = vector.shape_cast %swap3A_165 : vector<1x16xf32> to vector<16xf32>
        %swap3A_167 = vector.shape_cast %mul3A_162 : vector<16xf32> to vector<1x16xf32>
        tpu.vector_store %arg12[%swap3A_163, %swap3A_164], %swap3A_167 {strides = array<i32>} : memref<128x144xf32, #tpu.memory_space<vmem>>, vector<1x16xf32>,
        %get3A_168 = arith.index_cast %scan3A_107 : i32 to index
        %get3A_169 = arith.constant 64 : index
        %get3A_170 = tpu.vector_load %arg12[%get3A_168, %get3A_169] {strides = array<i32>} : memref<128x144xf32, #tpu.memory_space<vmem>>, vector<1x16xf32>,
        %get3A_171 = vector.shape_cast %get3A_170 : vector<1x16xf32> to vector<16xf32>
        %mul3A_172 = vector.broadcast %squeeze3A : f32 to vector<16xf32>
        %mul3A_173 = arith.mulf %get3A_171, %mul3A_172 : vector<16xf32>
        %swap3A_174 = arith.index_cast %scan3A_107 : i32 to index
        %swap3A_175 = arith.constant 64 : index
        %swap3A_176 = tpu.vector_load %arg12[%swap3A_174, %swap3A_175] {strides = array<i32>} : memref<128x144xf32, #tpu.memory_space<vmem>>, vector<1x16xf32>,
        %swap3A_177 = vector.shape_cast %swap3A_176 : vector<1x16xf32> to vector<16xf32>
        %swap3A_178 = vector.shape_cast %mul3A_173 : vector<16xf32> to vector<1x16xf32>
        tpu.vector_store %arg12[%swap3A_174, %swap3A_175], %swap3A_178 {strides = array<i32>} : memref<128x144xf32, #tpu.memory_space<vmem>>, vector<1x16xf32>,
        %get3A_179 = arith.index_cast %scan3A_107 : i32 to index
        %get3A_180 = arith.constant 80 : index
        %get3A_181 = tpu.vector_load %arg12[%get3A_179, %get3A_180] {strides = array<i32>} : memref<128x144xf32, #tpu.memory_space<vmem>>, vector<1x16xf32>,
        %get3A_182 = vector.shape_cast %get3A_181 : vector<1x16xf32> to vector<16xf32>
        %mul3A_183 = vector.broadcast %squeeze3A : f32 to vector<16xf32>
        %mul3A_184 = arith.mulf %get3A_182, %mul3A_183 : vector<16xf32>
        %swap3A_185 = arith.index_cast %scan3A_107 : i32 to index
        %swap3A_186 = arith.constant 80 : index
        %swap3A_187 = tpu.vector_load %arg12[%swap3A_185, %swap3A_186] {strides = array<i32>} : memref<128x144xf32, #tpu.memory_space<vmem>>, vector<1x16xf32>,
        %swap3A_188 = vector.shape_cast %swap3A_187 : vector<1x16xf32> to vector<16xf32>
        %swap3A_189 = vector.shape_cast %mul3A_184 : vector<16xf32> to vector<1x16xf32>
        tpu.vector_store %arg12[%swap3A_185, %swap3A_186], %swap3A_189 {strides = array<i32>} : memref<128x144xf32, #tpu.memory_space<vmem>>, vector<1x16xf32>,
        %get3A_190 = arith.index_cast %scan3A_107 : i32 to index
        %get3A_191 = arith.constant 96 : index
        %get3A_192 = tpu.vector_load %arg12[%get3A_190, %get3A_191] {strides = array<i32>} : memref<128x144xf32, #tpu.memory_space<vmem>>, vector<1x16xf32>,
        %get3A_193 = vector.shape_cast %get3A_192 : vector<1x16xf32> to vector<16xf32>
        %mul3A_194 = vector.broadcast %squeeze3A : f32 to vector<16xf32>
        %mul3A_195 = arith.mulf %get3A_193, %mul3A_194 : vector<16xf32>
        %swap3A_196 = arith.index_cast %scan3A_107 : i32 to index
        %swap3A_197 = arith.constant 96 : index
        %swap3A_198 = tpu.vector_load %arg12[%swap3A_196, %swap3A_197] {strides = array<i32>} : memref<128x144xf32, #tpu.memory_space<vmem>>, vector<1x16xf32>,
        %swap3A_199 = vector.shape_cast %swap3A_198 : vector<1x16xf32> to vector<16xf32>
        %swap3A_200 = vector.shape_cast %mul3A_195 : vector<16xf32> to vector<1x16xf32>
        tpu.vector_store %arg12[%swap3A_196, %swap3A_197], %swap3A_200 {strides = array<i32>} : memref<128x144xf32, #tpu.memory_space<vmem>>, vector<1x16xf32>,
        %get3A_201 = arith.index_cast %scan3A_107 : i32 to index
        %get3A_202 = arith.constant 112 : index
        %get3A_203 = tpu.vector_load %arg12[%get3A_201, %get3A_202] {strides = array<i32>} : memref<128x144xf32, #tpu.memory_space<vmem>>, vector<1x16xf32>,
        %get3A_204 = vector.shape_cast %get3A_203 : vector<1x16xf32> to vector<16xf32>
        %mul3A_205 = vector.broadcast %squeeze3A : f32 to vector<16xf32>
        %mul3A_206 = arith.mulf %get3A_204, %mul3A_205 : vector<16xf32>
        %swap3A_207 = arith.index_cast %scan3A_107 : i32 to index
        %swap3A_208 = arith.constant 112 : index
        %swap3A_209 = tpu.vector_load %arg12[%swap3A_207, %swap3A_208] {strides = array<i32>} : memref<128x144xf32, #tpu.memory_space<vmem>>, vector<1x16xf32>,
        %swap3A_210 = vector.shape_cast %swap3A_209 : vector<1x16xf32> to vector<16xf32>
        %swap3A_211 = vector.shape_cast %mul3A_206 : vector<16xf32> to vector<1x16xf32>
        tpu.vector_store %arg12[%swap3A_207, %swap3A_208], %swap3A_211 {strides = array<i32>} : memref<128x144xf32, #tpu.memory_space<vmem>>, vector<1x16xf32>,
        %scan3A_212 = arith.constant 0 : i32
        scf.yield %scan3A_212 : i32
      }
      %scan3A_105 = arith.constant 128 : i32
      "tpu.region"() ({
        %run_scoped3A = tpu.sem_alloc : memref<!tpu.dma_semaphore, #tpu.memory_space<semaphore_mem>>
        %dma_start3A_107 = arith.constant 0 : i32
        %dma_start3A_108 = arith.constant 0 : i32
        %dma_start3A_109 = tpu.memref_slice %arg14[%dma_start3A_107, %dma_start3A_108] : memref<10112x144xf32, #tpu.memory_space<vmem_shared>> -> memref<10112x144xf32, #tpu.memory_space<vmem_shared>>
        tpu.enqueue_indirect_dma source(%arg12 : memref<128x144xf32, #tpu.memory_space<vmem>>) target(%dma_start3A_109 : memref<10112x144xf32, #tpu.memory_space<vmem_shared>>) offsets(%arg10 : memref<128xi32, #tpu.memory_space<vmem>>) semaphore(%run_scoped3A : memref<!tpu.dma_semaphore, #tpu.memory_space<semaphore_mem>>) {add = true}
        %dma_wait3A_110 = arith.constant 0 : i32
        %dma_wait3A_111 = arith.constant 0 : i32
        %dma_wait3A_112 = tpu.memref_slice %arg14[%dma_wait3A_110, %dma_wait3A_111] : memref<10112x144xf32, #tpu.memory_space<vmem_shared>> -> memref<10112x144xf32, #tpu.memory_space<vmem_shared>>
        tpu.wait_indirect_dma semaphore(%run_scoped3A : memref<!tpu.dma_semaphore, #tpu.memory_space<semaphore_mem>>) src(%arg12 : memref<128x144xf32, #tpu.memory_space<vmem>>) dst(%dma_wait3A_112 : memref<10112x144xf32, #tpu.memory_space<vmem_shared>>)
        tpu.yield
      }) : () -> ()
      %scan3A_106 = arith.constant 0 : i32
      scf.yield %scan3A_106 : i32
    }
    %scan3A_39 = arith.constant 40 : i32
    %dma_wait3A = arith.constant 0 : i32
    %dma_wait3A_40 = arith.constant 0 : i32
    %dma_wait3A_41 = tpu.memref_slice %arg4[%dma_wait3A, %dma_wait3A_40] : memref<10112x144xf32, #tpu.memory_space<hbm>> -> memref<10112x144xf32, #tpu.memory_space<hbm>>
    tpu.wait_indirect_dma semaphore(%arg15 : memref<!tpu.dma_semaphore, #tpu.memory_space<semaphore_mem>>) src(%dma_wait3A_41 : memref<10112x144xf32, #tpu.memory_space<hbm>>) dst(%arg11 : memref<128x144xf32, #tpu.memory_space<vmem>>)
    %barrier3A_42 = arith.constant 0 : index
    tpu.barrier barrier_id(%barrier3A_42)
    %mul3A_43 = arith.constant 632 : i32
    %mul3A_44 = arith.muli %arg1, %mul3A_43 : i32
    %mul3A_45 = arith.constant 632 : i32
    %mul3A_46 = arith.muli %arg1, %mul3A_45 : i32
    "tpu.region"() ({
      %run_scoped3A = tpu.sem_alloc : memref<!tpu.dma_semaphore, #tpu.memory_space<semaphore_mem>>
      %dma_start3A_47 = arith.constant 0 : i32
      %dma_start3A_48 = tpu.memref_slice %arg6[%arg0, %mul3A_46, %dma_start3A_47] : memref<2x10112x144xf32, #tpu.memory_space<hbm>> -> memref<1x632x144xf32, #tpu.memory_space<hbm>>
      %dma_start3A_49 = tpu.memref_squeeze %dma_start3A_48 : memref<1x632x144xf32, #tpu.memory_space<hbm>> -> memref<632x144xf32, #tpu.memory_space<hbm>>
      %dma_start3A_50 = arith.constant 0 : i32
      %dma_start3A_51 = tpu.memref_slice %arg14[%mul3A_44, %dma_start3A_50] : memref<10112x144xf32, #tpu.memory_space<vmem_shared>> -> memref<632x144xf32, #tpu.memory_space<vmem_shared>>
      tpu.enqueue_dma source(%dma_start3A_51 : memref<632x144xf32, #tpu.memory_space<vmem_shared>>) target(%dma_start3A_49 : memref<632x144xf32, #tpu.memory_space<hbm>>) target_semaphore(%run_scoped3A : memref<!tpu.dma_semaphore, #tpu.memory_space<semaphore_mem>>)
      %dma_wait3A_52 = arith.constant 0 : i32
      %dma_wait3A_53 = tpu.memref_slice %arg6[%arg0, %mul3A_46, %dma_wait3A_52] : memref<2x10112x144xf32, #tpu.memory_space<hbm>> -> memref<1x632x144xf32, #tpu.memory_space<hbm>>
      %dma_wait3A_54 = tpu.memref_squeeze %dma_wait3A_53 : memref<1x632x144xf32, #tpu.memory_space<hbm>> -> memref<632x144xf32, #tpu.memory_space<hbm>>
      %dma_wait3A_55 = arith.constant 0 : i32
      %dma_wait3A_56 = tpu.memref_slice %arg14[%mul3A_44, %dma_wait3A_55] : memref<10112x144xf32, #tpu.memory_space<vmem_shared>> -> memref<632x144xf32, #tpu.memory_space<vmem_shared>>
      tpu.wait_dma2 semaphore(%run_scoped3A : memref<!tpu.dma_semaphore, #tpu.memory_space<semaphore_mem>>) src(%dma_wait3A_56 : memref<632x144xf32, #tpu.memory_space<vmem_shared>>) dst(%dma_wait3A_54 : memref<632x144xf32, #tpu.memory_space<hbm>>)
      tpu.yield
    }) : () -> ()
    return
  }
}

#map = affine_map<(d0, d1) -> (0)>
#map1 = affine_map<(d0, d1) -> (0, 0)>
#map2 = affine_map<(d0, d1) -> (0, 0, 0)>
module attributes {stable_mosaic.version = 14 : i64} {
  func.func @edge_kernel(%arg0: i32, %arg1: i32, %arg2: memref<327680xi32, #tpu.memory_space<hbm>>, %arg3: memref<327680xi32, #tpu.memory_space<hbm>>, %arg4: memref<10112x144xf32, #tpu.memory_space<hbm>>, %arg5: memref<10112x16xf32, #tpu.memory_space<hbm>>, %arg6: memref<2x10112x144xf32, #tpu.memory_space<hbm>>, %arg7: memref<128xi32, #tpu.memory_space<vmem>>, %arg8: memref<128xi32, #tpu.memory_space<vmem>>, %arg9: memref<128xi32, #tpu.memory_space<vmem>>, %arg10: memref<128xi32, #tpu.memory_space<vmem>>, %arg11: memref<128x144xf32, #tpu.memory_space<vmem>>, %arg12: memref<128x144xf32, #tpu.memory_space<vmem>>, %arg13: memref<128x16xf32, #tpu.memory_space<vmem>>, %arg14: memref<10112x144xf32, #tpu.memory_space<vmem_shared>>, %arg15: memref<!tpu.dma_semaphore, #tpu.memory_space<semaphore_mem>>, %arg16: memref<!tpu.dma_semaphore, #tpu.memory_space<semaphore_mem>>) attributes {dimension_semantics = [#tpu.dimension_semantics<core_parallel>, #tpu.dimension_semantics<subcore_parallel>], iteration_bounds = array<i64: 2, 16>, scalar_prefetch = 0 : i64, scratch_operands = 10 : i64, tpu.core_type = #tpu.core_type<sc_vector_subcore>, window_params = [{transform_indices = #map}, {transform_indices = #map}, {transform_indices = #map1}, {transform_indices = #map1}, {transform_indices = #map2}]} {
    %mul3A = arith.constant 16 : i32
    %mul3A_0 = arith.muli %arg0, %mul3A : i32
    %add3A = arith.addi %mul3A_0, %arg1 : i32
    %scan3A = arith.constant 0 : i32
    %scan3A_1 = arith.constant 0 : i32
    %scan3A_2 = arith.constant 128 : i32
    %scan3A_3 = arith.addi %scan3A_1, %scan3A_2 : i32
    %scan3A_4 = arith.constant 1 : i32
    %scan3A_5 = scf.for %scan3A_47 = %scan3A_1 to %scan3A_3 step %scan3A_4 iter_args(%scan3A_48 = %scan3A) -> (i32)  : i32 {
      %broadcast_in_dim3A = arith.constant 0.000000e+00 : f32
      %broadcast_in_dim3A_49 = vector.broadcast %broadcast_in_dim3A : f32 to vector<16xf32>
      %swap3A = arith.index_cast %scan3A_47 : i32 to index
      %swap3A_50 = arith.constant 0 : index
      %swap3A_51 = tpu.vector_load %arg11[%swap3A, %swap3A_50] {strides = array<i32>} : memref<128x144xf32, #tpu.memory_space<vmem>>, vector<1x16xf32>,
      %swap3A_52 = vector.shape_cast %swap3A_51 : vector<1x16xf32> to vector<16xf32>
      %swap3A_53 = vector.shape_cast %broadcast_in_dim3A_49 : vector<16xf32> to vector<1x16xf32>
      tpu.vector_store %arg11[%swap3A, %swap3A_50], %swap3A_53 {strides = array<i32>} : memref<128x144xf32, #tpu.memory_space<vmem>>, vector<1x16xf32>,
      %broadcast_in_dim3A_54 = arith.constant 0.000000e+00 : f32
      %broadcast_in_dim3A_55 = vector.broadcast %broadcast_in_dim3A_54 : f32 to vector<16xf32>
      %swap3A_56 = arith.index_cast %scan3A_47 : i32 to index
      %swap3A_57 = arith.constant 16 : index
      %swap3A_58 = tpu.vector_load %arg11[%swap3A_56, %swap3A_57] {strides = array<i32>} : memref<128x144xf32, #tpu.memory_space<vmem>>, vector<1x16xf32>,
      %swap3A_59 = vector.shape_cast %swap3A_58 : vector<1x16xf32> to vector<16xf32>
      %swap3A_60 = vector.shape_cast %broadcast_in_dim3A_55 : vector<16xf32> to vector<1x16xf32>
      tpu.vector_store %arg11[%swap3A_56, %swap3A_57], %swap3A_60 {strides = array<i32>} : memref<128x144xf32, #tpu.memory_space<vmem>>, vector<1x16xf32>,
      %broadcast_in_dim3A_61 = arith.constant 0.000000e+00 : f32
      %broadcast_in_dim3A_62 = vector.broadcast %broadcast_in_dim3A_61 : f32 to vector<16xf32>
      %swap3A_63 = arith.index_cast %scan3A_47 : i32 to index
      %swap3A_64 = arith.constant 32 : index
      %swap3A_65 = tpu.vector_load %arg11[%swap3A_63, %swap3A_64] {strides = array<i32>} : memref<128x144xf32, #tpu.memory_space<vmem>>, vector<1x16xf32>,
      %swap3A_66 = vector.shape_cast %swap3A_65 : vector<1x16xf32> to vector<16xf32>
      %swap3A_67 = vector.shape_cast %broadcast_in_dim3A_62 : vector<16xf32> to vector<1x16xf32>
      tpu.vector_store %arg11[%swap3A_63, %swap3A_64], %swap3A_67 {strides = array<i32>} : memref<128x144xf32, #tpu.memory_space<vmem>>, vector<1x16xf32>,
      %broadcast_in_dim3A_68 = arith.constant 0.000000e+00 : f32
      %broadcast_in_dim3A_69 = vector.broadcast %broadcast_in_dim3A_68 : f32 to vector<16xf32>
      %swap3A_70 = arith.index_cast %scan3A_47 : i32 to index
      %swap3A_71 = arith.constant 48 : index
      %swap3A_72 = tpu.vector_load %arg11[%swap3A_70, %swap3A_71] {strides = array<i32>} : memref<128x144xf32, #tpu.memory_space<vmem>>, vector<1x16xf32>,
      %swap3A_73 = vector.shape_cast %swap3A_72 : vector<1x16xf32> to vector<16xf32>
      %swap3A_74 = vector.shape_cast %broadcast_in_dim3A_69 : vector<16xf32> to vector<1x16xf32>
      tpu.vector_store %arg11[%swap3A_70, %swap3A_71], %swap3A_74 {strides = array<i32>} : memref<128x144xf32, #tpu.memory_space<vmem>>, vector<1x16xf32>,
      %broadcast_in_dim3A_75 = arith.constant 0.000000e+00 : f32
      %broadcast_in_dim3A_76 = vector.broadcast %broadcast_in_dim3A_75 : f32 to vector<16xf32>
      %swap3A_77 = arith.index_cast %scan3A_47 : i32 to index
      %swap3A_78 = arith.constant 64 : index
      %swap3A_79 = tpu.vector_load %arg11[%swap3A_77, %swap3A_78] {strides = array<i32>} : memref<128x144xf32, #tpu.memory_space<vmem>>, vector<1x16xf32>,
      %swap3A_80 = vector.shape_cast %swap3A_79 : vector<1x16xf32> to vector<16xf32>
      %swap3A_81 = vector.shape_cast %broadcast_in_dim3A_76 : vector<16xf32> to vector<1x16xf32>
      tpu.vector_store %arg11[%swap3A_77, %swap3A_78], %swap3A_81 {strides = array<i32>} : memref<128x144xf32, #tpu.memory_space<vmem>>, vector<1x16xf32>,
      %broadcast_in_dim3A_82 = arith.constant 0.000000e+00 : f32
      %broadcast_in_dim3A_83 = vector.broadcast %broadcast_in_dim3A_82 : f32 to vector<16xf32>
      %swap3A_84 = arith.index_cast %scan3A_47 : i32 to index
      %swap3A_85 = arith.constant 80 : index
      %swap3A_86 = tpu.vector_load %arg11[%swap3A_84, %swap3A_85] {strides = array<i32>} : memref<128x144xf32, #tpu.memory_space<vmem>>, vector<1x16xf32>,
      %swap3A_87 = vector.shape_cast %swap3A_86 : vector<1x16xf32> to vector<16xf32>
      %swap3A_88 = vector.shape_cast %broadcast_in_dim3A_83 : vector<16xf32> to vector<1x16xf32>
      tpu.vector_store %arg11[%swap3A_84, %swap3A_85], %swap3A_88 {strides = array<i32>} : memref<128x144xf32, #tpu.memory_space<vmem>>, vector<1x16xf32>,
      %broadcast_in_dim3A_89 = arith.constant 0.000000e+00 : f32
      %broadcast_in_dim3A_90 = vector.broadcast %broadcast_in_dim3A_89 : f32 to vector<16xf32>
      %swap3A_91 = arith.index_cast %scan3A_47 : i32 to index
      %swap3A_92 = arith.constant 96 : index
      %swap3A_93 = tpu.vector_load %arg11[%swap3A_91, %swap3A_92] {strides = array<i32>} : memref<128x144xf32, #tpu.memory_space<vmem>>, vector<1x16xf32>,
      %swap3A_94 = vector.shape_cast %swap3A_93 : vector<1x16xf32> to vector<16xf32>
      %swap3A_95 = vector.shape_cast %broadcast_in_dim3A_90 : vector<16xf32> to vector<1x16xf32>
      tpu.vector_store %arg11[%swap3A_91, %swap3A_92], %swap3A_95 {strides = array<i32>} : memref<128x144xf32, #tpu.memory_space<vmem>>, vector<1x16xf32>,
      %broadcast_in_dim3A_96 = arith.constant 0.000000e+00 : f32
      %broadcast_in_dim3A_97 = vector.broadcast %broadcast_in_dim3A_96 : f32 to vector<16xf32>
      %swap3A_98 = arith.index_cast %scan3A_47 : i32 to index
      %swap3A_99 = arith.constant 112 : index
      %swap3A_100 = tpu.vector_load %arg11[%swap3A_98, %swap3A_99] {strides = array<i32>} : memref<128x144xf32, #tpu.memory_space<vmem>>, vector<1x16xf32>,
      %swap3A_101 = vector.shape_cast %swap3A_100 : vector<1x16xf32> to vector<16xf32>
      %swap3A_102 = vector.shape_cast %broadcast_in_dim3A_97 : vector<16xf32> to vector<1x16xf32>
      tpu.vector_store %arg11[%swap3A_98, %swap3A_99], %swap3A_102 {strides = array<i32>} : memref<128x144xf32, #tpu.memory_space<vmem>>, vector<1x16xf32>,
      %broadcast_in_dim3A_103 = arith.constant 0.000000e+00 : f32
      %broadcast_in_dim3A_104 = vector.broadcast %broadcast_in_dim3A_103 : f32 to vector<16xf32>
      %swap3A_105 = arith.index_cast %scan3A_47 : i32 to index
      %swap3A_106 = arith.constant 128 : index
      %swap3A_107 = tpu.vector_load %arg11[%swap3A_105, %swap3A_106] {strides = array<i32>} : memref<128x144xf32, #tpu.memory_space<vmem>>, vector<1x16xf32>,
      %swap3A_108 = vector.shape_cast %swap3A_107 : vector<1x16xf32> to vector<16xf32>
      %swap3A_109 = vector.shape_cast %broadcast_in_dim3A_104 : vector<16xf32> to vector<1x16xf32>
      tpu.vector_store %arg11[%swap3A_105, %swap3A_106], %swap3A_109 {strides = array<i32>} : memref<128x144xf32, #tpu.memory_space<vmem>>, vector<1x16xf32>,
      %scan3A_110 = arith.constant 0 : i32
      scf.yield %scan3A_110 : i32
    }
    %scan3A_6 = arith.constant 128 : i32
    %mul3A_7 = arith.constant 632 : i32
    %mul3A_8 = arith.muli %arg1, %mul3A_7 : i32
    %add3A_9 = arith.constant 0 : i32
    %add3A_10 = arith.addi %mul3A_8, %add3A_9 : i32
    "tpu.region"() ({
      %run_scoped3A = tpu.sem_alloc : memref<!tpu.dma_semaphore, #tpu.memory_space<semaphore_mem>>
      %dma_start3A_47 = arith.constant 0 : i32
      %dma_start3A_48 = tpu.memref_slice %arg14[%add3A_10, %dma_start3A_47] : memref<10112x144xf32, #tpu.memory_space<vmem_shared>> -> memref<128x144xf32, #tpu.memory_space<vmem_shared>>
      %dma_start3A_49 = arith.constant 0 : i32
      %dma_start3A_50 = tpu.memref_slice %arg14[%add3A_10, %dma_start3A_49] : memref<10112x144xf32, #tpu.memory_space<vmem_shared>> -> memref<128x144xf32, #tpu.memory_space<vmem_shared>>
      tpu.enqueue_dma source(%arg11 : memref<128x144xf32, #tpu.memory_space<vmem>>) target(%dma_start3A_50 : memref<128x144xf32, #tpu.memory_space<vmem_shared>>) target_semaphore(%run_scoped3A : memref<!tpu.dma_semaphore, #tpu.memory_space<semaphore_mem>>)
      %dma_wait3A_51 = arith.constant 0 : i32
      %dma_wait3A_52 = tpu.memref_slice %arg14[%add3A_10, %dma_wait3A_51] : memref<10112x144xf32, #tpu.memory_space<vmem_shared>> -> memref<128x144xf32, #tpu.memory_space<vmem_shared>>
      %dma_wait3A_53 = arith.constant 0 : i32
      %dma_wait3A_54 = tpu.memref_slice %arg14[%add3A_10, %dma_wait3A_53] : memref<10112x144xf32, #tpu.memory_space<vmem_shared>> -> memref<128x144xf32, #tpu.memory_space<vmem_shared>>
      tpu.wait_dma2 semaphore(%run_scoped3A : memref<!tpu.dma_semaphore, #tpu.memory_space<semaphore_mem>>) src(%arg11 : memref<128x144xf32, #tpu.memory_space<vmem>>) dst(%dma_wait3A_54 : memref<128x144xf32, #tpu.memory_space<vmem_shared>>)
      tpu.yield
    }) : () -> ()
    %mul3A_11 = arith.constant 632 : i32
    %mul3A_12 = arith.muli %arg1, %mul3A_11 : i32
    %add3A_13 = arith.constant 128 : i32
    %add3A_14 = arith.addi %mul3A_12, %add3A_13 : i32
    "tpu.region"() ({
      %run_scoped3A = tpu.sem_alloc : memref<!tpu.dma_semaphore, #tpu.memory_space<semaphore_mem>>
      %dma_start3A_47 = arith.constant 0 : i32
      %dma_start3A_48 = tpu.memref_slice %arg14[%add3A_14, %dma_start3A_47] : memref<10112x144xf32, #tpu.memory_space<vmem_shared>> -> memref<128x144xf32, #tpu.memory_space<vmem_shared>>
      %dma_start3A_49 = arith.constant 0 : i32
      %dma_start3A_50 = tpu.memref_slice %arg14[%add3A_14, %dma_start3A_49] : memref<10112x144xf32, #tpu.memory_space<vmem_shared>> -> memref<128x144xf32, #tpu.memory_space<vmem_shared>>
      tpu.enqueue_dma source(%arg11 : memref<128x144xf32, #tpu.memory_space<vmem>>) target(%dma_start3A_50 : memref<128x144xf32, #tpu.memory_space<vmem_shared>>) target_semaphore(%run_scoped3A : memref<!tpu.dma_semaphore, #tpu.memory_space<semaphore_mem>>)
      %dma_wait3A_51 = arith.constant 0 : i32
      %dma_wait3A_52 = tpu.memref_slice %arg14[%add3A_14, %dma_wait3A_51] : memref<10112x144xf32, #tpu.memory_space<vmem_shared>> -> memref<128x144xf32, #tpu.memory_space<vmem_shared>>
      %dma_wait3A_53 = arith.constant 0 : i32
      %dma_wait3A_54 = tpu.memref_slice %arg14[%add3A_14, %dma_wait3A_53] : memref<10112x144xf32, #tpu.memory_space<vmem_shared>> -> memref<128x144xf32, #tpu.memory_space<vmem_shared>>
      tpu.wait_dma2 semaphore(%run_scoped3A : memref<!tpu.dma_semaphore, #tpu.memory_space<semaphore_mem>>) src(%arg11 : memref<128x144xf32, #tpu.memory_space<vmem>>) dst(%dma_wait3A_54 : memref<128x144xf32, #tpu.memory_space<vmem_shared>>)
      tpu.yield
    }) : () -> ()
    %mul3A_15 = arith.constant 632 : i32
    %mul3A_16 = arith.muli %arg1, %mul3A_15 : i32
    %add3A_17 = arith.constant 256 : i32
    %add3A_18 = arith.addi %mul3A_16, %add3A_17 : i32
    "tpu.region"() ({
      %run_scoped3A = tpu.sem_alloc : memref<!tpu.dma_semaphore, #tpu.memory_space<semaphore_mem>>
      %dma_start3A_47 = arith.constant 0 : i32
      %dma_start3A_48 = tpu.memref_slice %arg14[%add3A_18, %dma_start3A_47] : memref<10112x144xf32, #tpu.memory_space<vmem_shared>> -> memref<128x144xf32, #tpu.memory_space<vmem_shared>>
      %dma_start3A_49 = arith.constant 0 : i32
      %dma_start3A_50 = tpu.memref_slice %arg14[%add3A_18, %dma_start3A_49] : memref<10112x144xf32, #tpu.memory_space<vmem_shared>> -> memref<128x144xf32, #tpu.memory_space<vmem_shared>>
      tpu.enqueue_dma source(%arg11 : memref<128x144xf32, #tpu.memory_space<vmem>>) target(%dma_start3A_50 : memref<128x144xf32, #tpu.memory_space<vmem_shared>>) target_semaphore(%run_scoped3A : memref<!tpu.dma_semaphore, #tpu.memory_space<semaphore_mem>>)
      %dma_wait3A_51 = arith.constant 0 : i32
      %dma_wait3A_52 = tpu.memref_slice %arg14[%add3A_18, %dma_wait3A_51] : memref<10112x144xf32, #tpu.memory_space<vmem_shared>> -> memref<128x144xf32, #tpu.memory_space<vmem_shared>>
      %dma_wait3A_53 = arith.constant 0 : i32
      %dma_wait3A_54 = tpu.memref_slice %arg14[%add3A_18, %dma_wait3A_53] : memref<10112x144xf32, #tpu.memory_space<vmem_shared>> -> memref<128x144xf32, #tpu.memory_space<vmem_shared>>
      tpu.wait_dma2 semaphore(%run_scoped3A : memref<!tpu.dma_semaphore, #tpu.memory_space<semaphore_mem>>) src(%arg11 : memref<128x144xf32, #tpu.memory_space<vmem>>) dst(%dma_wait3A_54 : memref<128x144xf32, #tpu.memory_space<vmem_shared>>)
      tpu.yield
    }) : () -> ()
    %mul3A_19 = arith.constant 632 : i32
    %mul3A_20 = arith.muli %arg1, %mul3A_19 : i32
    %add3A_21 = arith.constant 384 : i32
    %add3A_22 = arith.addi %mul3A_20, %add3A_21 : i32
    "tpu.region"() ({
      %run_scoped3A = tpu.sem_alloc : memref<!tpu.dma_semaphore, #tpu.memory_space<semaphore_mem>>
      %dma_start3A_47 = arith.constant 0 : i32
      %dma_start3A_48 = tpu.memref_slice %arg14[%add3A_22, %dma_start3A_47] : memref<10112x144xf32, #tpu.memory_space<vmem_shared>> -> memref<128x144xf32, #tpu.memory_space<vmem_shared>>
      %dma_start3A_49 = arith.constant 0 : i32
      %dma_start3A_50 = tpu.memref_slice %arg14[%add3A_22, %dma_start3A_49] : memref<10112x144xf32, #tpu.memory_space<vmem_shared>> -> memref<128x144xf32, #tpu.memory_space<vmem_shared>>
      tpu.enqueue_dma source(%arg11 : memref<128x144xf32, #tpu.memory_space<vmem>>) target(%dma_start3A_50 : memref<128x144xf32, #tpu.memory_space<vmem_shared>>) target_semaphore(%run_scoped3A : memref<!tpu.dma_semaphore, #tpu.memory_space<semaphore_mem>>)
      %dma_wait3A_51 = arith.constant 0 : i32
      %dma_wait3A_52 = tpu.memref_slice %arg14[%add3A_22, %dma_wait3A_51] : memref<10112x144xf32, #tpu.memory_space<vmem_shared>> -> memref<128x144xf32, #tpu.memory_space<vmem_shared>>
      %dma_wait3A_53 = arith.constant 0 : i32
      %dma_wait3A_54 = tpu.memref_slice %arg14[%add3A_22, %dma_wait3A_53] : memref<10112x144xf32, #tpu.memory_space<vmem_shared>> -> memref<128x144xf32, #tpu.memory_space<vmem_shared>>
      tpu.wait_dma2 semaphore(%run_scoped3A : memref<!tpu.dma_semaphore, #tpu.memory_space<semaphore_mem>>) src(%arg11 : memref<128x144xf32, #tpu.memory_space<vmem>>) dst(%dma_wait3A_54 : memref<128x144xf32, #tpu.memory_space<vmem_shared>>)
      tpu.yield
    }) : () -> ()
    %mul3A_23 = arith.constant 632 : i32
    %mul3A_24 = arith.muli %arg1, %mul3A_23 : i32
    %add3A_25 = arith.constant 512 : i32
    %add3A_26 = arith.addi %mul3A_24, %add3A_25 : i32
    "tpu.region"() ({
      %run_scoped3A = tpu.sem_alloc : memref<!tpu.dma_semaphore, #tpu.memory_space<semaphore_mem>>
      %dma_start3A_47 = arith.constant 0 : i32
      %dma_start3A_48 = arith.constant 0 : i32
      %dma_start3A_49 = tpu.memref_slice %arg11[%dma_start3A_47, %dma_start3A_48] : memref<128x144xf32, #tpu.memory_space<vmem>> -> memref<120x144xf32, #tpu.memory_space<vmem>>
      %dma_start3A_50 = arith.constant 0 : i32
      %dma_start3A_51 = tpu.memref_slice %arg14[%add3A_26, %dma_start3A_50] : memref<10112x144xf32, #tpu.memory_space<vmem_shared>> -> memref<120x144xf32, #tpu.memory_space<vmem_shared>>
      %dma_start3A_52 = arith.constant 0 : i32
      %dma_start3A_53 = tpu.memref_slice %arg14[%add3A_26, %dma_start3A_52] : memref<10112x144xf32, #tpu.memory_space<vmem_shared>> -> memref<120x144xf32, #tpu.memory_space<vmem_shared>>
      %dma_start3A_54 = arith.constant 0 : i32
      %dma_start3A_55 = arith.constant 0 : i32
      %dma_start3A_56 = tpu.memref_slice %arg11[%dma_start3A_54, %dma_start3A_55] : memref<128x144xf32, #tpu.memory_space<vmem>> -> memref<120x144xf32, #tpu.memory_space<vmem>>
      tpu.enqueue_dma source(%dma_start3A_56 : memref<120x144xf32, #tpu.memory_space<vmem>>) target(%dma_start3A_53 : memref<120x144xf32, #tpu.memory_space<vmem_shared>>) target_semaphore(%run_scoped3A : memref<!tpu.dma_semaphore, #tpu.memory_space<semaphore_mem>>)
      %dma_wait3A_57 = arith.constant 0 : i32
      %dma_wait3A_58 = arith.constant 0 : i32
      %dma_wait3A_59 = tpu.memref_slice %arg11[%dma_wait3A_57, %dma_wait3A_58] : memref<128x144xf32, #tpu.memory_space<vmem>> -> memref<120x144xf32, #tpu.memory_space<vmem>>
      %dma_wait3A_60 = arith.constant 0 : i32
      %dma_wait3A_61 = tpu.memref_slice %arg14[%add3A_26, %dma_wait3A_60] : memref<10112x144xf32, #tpu.memory_space<vmem_shared>> -> memref<120x144xf32, #tpu.memory_space<vmem_shared>>
      %dma_wait3A_62 = arith.constant 0 : i32
      %dma_wait3A_63 = tpu.memref_slice %arg14[%add3A_26, %dma_wait3A_62] : memref<10112x144xf32, #tpu.memory_space<vmem_shared>> -> memref<120x144xf32, #tpu.memory_space<vmem_shared>>
      %dma_wait3A_64 = arith.constant 0 : i32
      %dma_wait3A_65 = arith.constant 0 : i32
      %dma_wait3A_66 = tpu.memref_slice %arg11[%dma_wait3A_64, %dma_wait3A_65] : memref<128x144xf32, #tpu.memory_space<vmem>> -> memref<120x144xf32, #tpu.memory_space<vmem>>
      tpu.wait_dma2 semaphore(%run_scoped3A : memref<!tpu.dma_semaphore, #tpu.memory_space<semaphore_mem>>) src(%dma_wait3A_66 : memref<120x144xf32, #tpu.memory_space<vmem>>) dst(%dma_wait3A_63 : memref<120x144xf32, #tpu.memory_space<vmem_shared>>)
      tpu.yield
    }) : () -> ()
    %barrier3A = arith.constant 0 : index
    tpu.barrier barrier_id(%barrier3A)
    %add3A_27 = arith.constant 0 : i32
    %add3A_28 = arith.addi %add3A_27, %add3A : i32
    %mul3A_29 = arith.constant 128 : i32
    %mul3A_30 = arith.muli %add3A_28, %mul3A_29 : i32
    "tpu.region"() ({
      %run_scoped3A = tpu.sem_alloc : memref<!tpu.dma_semaphore, #tpu.memory_space<semaphore_mem>>
      %dma_start3A_47 = tpu.memref_slice %arg2[%mul3A_30] : memref<327680xi32, #tpu.memory_space<hbm>> -> memref<128xi32, #tpu.memory_space<hbm>>
      %dma_start3A_48 = tpu.memref_slice %arg2[%mul3A_30] : memref<327680xi32, #tpu.memory_space<hbm>> -> memref<128xi32, #tpu.memory_space<hbm>>
      tpu.enqueue_dma source(%dma_start3A_48 : memref<128xi32, #tpu.memory_space<hbm>>) target(%arg7 : memref<128xi32, #tpu.memory_space<vmem>>) target_semaphore(%run_scoped3A : memref<!tpu.dma_semaphore, #tpu.memory_space<semaphore_mem>>)
      %dma_wait3A_49 = tpu.memref_slice %arg2[%mul3A_30] : memref<327680xi32, #tpu.memory_space<hbm>> -> memref<128xi32, #tpu.memory_space<hbm>>
      %dma_wait3A_50 = tpu.memref_slice %arg2[%mul3A_30] : memref<327680xi32, #tpu.memory_space<hbm>> -> memref<128xi32, #tpu.memory_space<hbm>>
      tpu.wait_dma2 semaphore(%run_scoped3A : memref<!tpu.dma_semaphore, #tpu.memory_space<semaphore_mem>>) src(%dma_wait3A_50 : memref<128xi32, #tpu.memory_space<hbm>>) dst(%arg7 : memref<128xi32, #tpu.memory_space<vmem>>)
      tpu.yield
    }) : () -> ()
    "tpu.region"() ({
      %run_scoped3A = tpu.sem_alloc : memref<!tpu.dma_semaphore, #tpu.memory_space<semaphore_mem>>
      %dma_start3A_47 = tpu.memref_slice %arg3[%mul3A_30] : memref<327680xi32, #tpu.memory_space<hbm>> -> memref<128xi32, #tpu.memory_space<hbm>>
      %dma_start3A_48 = tpu.memref_slice %arg3[%mul3A_30] : memref<327680xi32, #tpu.memory_space<hbm>> -> memref<128xi32, #tpu.memory_space<hbm>>
      tpu.enqueue_dma source(%dma_start3A_48 : memref<128xi32, #tpu.memory_space<hbm>>) target(%arg8 : memref<128xi32, #tpu.memory_space<vmem>>) target_semaphore(%run_scoped3A : memref<!tpu.dma_semaphore, #tpu.memory_space<semaphore_mem>>)
      %dma_wait3A_49 = tpu.memref_slice %arg3[%mul3A_30] : memref<327680xi32, #tpu.memory_space<hbm>> -> memref<128xi32, #tpu.memory_space<hbm>>
      %dma_wait3A_50 = tpu.memref_slice %arg3[%mul3A_30] : memref<327680xi32, #tpu.memory_space<hbm>> -> memref<128xi32, #tpu.memory_space<hbm>>
      tpu.wait_dma2 semaphore(%run_scoped3A : memref<!tpu.dma_semaphore, #tpu.memory_space<semaphore_mem>>) src(%dma_wait3A_50 : memref<128xi32, #tpu.memory_space<hbm>>) dst(%arg8 : memref<128xi32, #tpu.memory_space<vmem>>)
      tpu.yield
    }) : () -> ()
    %dma_start3A = arith.constant 0 : i32
    %dma_start3A_31 = arith.constant 0 : i32
    %dma_start3A_32 = tpu.memref_slice %arg4[%dma_start3A, %dma_start3A_31] : memref<10112x144xf32, #tpu.memory_space<hbm>> -> memref<10112x144xf32, #tpu.memory_space<hbm>>
    tpu.enqueue_indirect_dma source(%dma_start3A_32 : memref<10112x144xf32, #tpu.memory_space<hbm>>) target(%arg11 : memref<128x144xf32, #tpu.memory_space<vmem>>) offsets(%arg7 : memref<128xi32, #tpu.memory_space<vmem>>) semaphore(%arg15 : memref<!tpu.dma_semaphore, #tpu.memory_space<semaphore_mem>>)
    %scan3A_33 = arith.constant 0 : i32
    %scan3A_34 = arith.constant 0 : i32
    %scan3A_35 = arith.constant 40 : i32
    %scan3A_36 = arith.addi %scan3A_34, %scan3A_35 : i32
    %scan3A_37 = arith.constant 1 : i32
    %scan3A_38 = scf.for %scan3A_47 = %scan3A_34 to %scan3A_36 step %scan3A_37 iter_args(%scan3A_48 = %scan3A_33) -> (i32)  : i32 {
      %mul3A_49 = arith.constant 2 : i32
      %mul3A_50 = arith.muli %mul3A_49, %scan3A_47 : i32
      %add3A_51 = arith.constant 1 : i32
      %add3A_52 = arith.addi %mul3A_50, %add3A_51 : i32
      %mul3A_53 = arith.constant 32 : i32
      %mul3A_54 = arith.muli %add3A_52, %mul3A_53 : i32
      %add3A_55 = arith.addi %mul3A_54, %add3A : i32
      %mul3A_56 = arith.constant 128 : i32
      %mul3A_57 = arith.muli %add3A_55, %mul3A_56 : i32
      "tpu.region"() ({
        %run_scoped3A = tpu.sem_alloc : memref<!tpu.dma_semaphore, #tpu.memory_space<semaphore_mem>>
        %dma_start3A_107 = tpu.memref_slice %arg2[%mul3A_57] : memref<327680xi32, #tpu.memory_space<hbm>> -> memref<128xi32, #tpu.memory_space<hbm>>
        %dma_start3A_108 = tpu.memref_slice %arg2[%mul3A_57] : memref<327680xi32, #tpu.memory_space<hbm>> -> memref<128xi32, #tpu.memory_space<hbm>>
        tpu.enqueue_dma source(%dma_start3A_108 : memref<128xi32, #tpu.memory_space<hbm>>) target(%arg9 : memref<128xi32, #tpu.memory_space<vmem>>) target_semaphore(%run_scoped3A : memref<!tpu.dma_semaphore, #tpu.memory_space<semaphore_mem>>)
        %dma_wait3A_109 = tpu.memref_slice %arg2[%mul3A_57] : memref<327680xi32, #tpu.memory_space<hbm>> -> memref<128xi32, #tpu.memory_space<hbm>>
        %dma_wait3A_110 = tpu.memref_slice %arg2[%mul3A_57] : memref<327680xi32, #tpu.memory_space<hbm>> -> memref<128xi32, #tpu.memory_space<hbm>>
        tpu.wait_dma2 semaphore(%run_scoped3A : memref<!tpu.dma_semaphore, #tpu.memory_space<semaphore_mem>>) src(%dma_wait3A_110 : memref<128xi32, #tpu.memory_space<hbm>>) dst(%arg9 : memref<128xi32, #tpu.memory_space<vmem>>)
        tpu.yield
      }) : () -> ()
      "tpu.region"() ({
        %run_scoped3A = tpu.sem_alloc : memref<!tpu.dma_semaphore, #tpu.memory_space<semaphore_mem>>
        %dma_start3A_107 = tpu.memref_slice %arg3[%mul3A_57] : memref<327680xi32, #tpu.memory_space<hbm>> -> memref<128xi32, #tpu.memory_space<hbm>>
        %dma_start3A_108 = tpu.memref_slice %arg3[%mul3A_57] : memref<327680xi32, #tpu.memory_space<hbm>> -> memref<128xi32, #tpu.memory_space<hbm>>
        tpu.enqueue_dma source(%dma_start3A_108 : memref<128xi32, #tpu.memory_space<hbm>>) target(%arg10 : memref<128xi32, #tpu.memory_space<vmem>>) target_semaphore(%run_scoped3A : memref<!tpu.dma_semaphore, #tpu.memory_space<semaphore_mem>>)
        %dma_wait3A_109 = tpu.memref_slice %arg3[%mul3A_57] : memref<327680xi32, #tpu.memory_space<hbm>> -> memref<128xi32, #tpu.memory_space<hbm>>
        %dma_wait3A_110 = tpu.memref_slice %arg3[%mul3A_57] : memref<327680xi32, #tpu.memory_space<hbm>> -> memref<128xi32, #tpu.memory_space<hbm>>
        tpu.wait_dma2 semaphore(%run_scoped3A : memref<!tpu.dma_semaphore, #tpu.memory_space<semaphore_mem>>) src(%dma_wait3A_110 : memref<128xi32, #tpu.memory_space<hbm>>) dst(%arg10 : memref<128xi32, #tpu.memory_space<vmem>>)
        tpu.yield
      }) : () -> ()
      %dma_start3A_58 = arith.constant 0 : i32
      %dma_start3A_59 = arith.constant 0 : i32
      %dma_start3A_60 = tpu.memref_slice %arg4[%dma_start3A_58, %dma_start3A_59] : memref<10112x144xf32, #tpu.memory_space<hbm>> -> memref<10112x144xf32, #tpu.memory_space<hbm>>
      tpu.enqueue_indirect_dma source(%dma_start3A_60 : memref<10112x144xf32, #tpu.memory_space<hbm>>) target(%arg12 : memref<128x144xf32, #tpu.memory_space<vmem>>) offsets(%arg9 : memref<128xi32, #tpu.memory_space<vmem>>) semaphore(%arg15 : memref<!tpu.dma_semaphore, #tpu.memory_space<semaphore_mem>>)
      %dma_wait3A_61 = arith.constant 0 : i32
      %dma_wait3A_62 = arith.constant 0 : i32
      %dma_wait3A_63 = tpu.memref_slice %arg4[%dma_wait3A_61, %dma_wait3A_62] : memref<10112x144xf32, #tpu.memory_space<hbm>> -> memref<10112x144xf32, #tpu.memory_space<hbm>>
      tpu.wait_indirect_dma semaphore(%arg15 : memref<!tpu.dma_semaphore, #tpu.memory_space<semaphore_mem>>) src(%dma_wait3A_63 : memref<10112x144xf32, #tpu.memory_space<hbm>>) dst(%arg12 : memref<128x144xf32, #tpu.memory_space<vmem>>)
      %dma_start3A_64 = arith.constant 0 : i32
      %dma_start3A_65 = arith.constant 0 : i32
      %dma_start3A_66 = tpu.memref_slice %arg5[%dma_start3A_64, %dma_start3A_65] : memref<10112x16xf32, #tpu.memory_space<hbm>> -> memref<10112x16xf32, #tpu.memory_space<hbm>>
      tpu.enqueue_indirect_dma source(%dma_start3A_66 : memref<10112x16xf32, #tpu.memory_space<hbm>>) target(%arg13 : memref<128x16xf32, #tpu.memory_space<vmem>>) offsets(%arg8 : memref<128xi32, #tpu.memory_space<vmem>>) semaphore(%arg16 : memref<!tpu.dma_semaphore, #tpu.memory_space<semaphore_mem>>)
      %dma_wait3A_67 = arith.constant 0 : i32
      %dma_wait3A_68 = arith.constant 0 : i32
      %dma_wait3A_69 = tpu.memref_slice %arg5[%dma_wait3A_67, %dma_wait3A_68] : memref<10112x16xf32, #tpu.memory_space<hbm>> -> memref<10112x16xf32, #tpu.memory_space<hbm>>
      tpu.wait_indirect_dma semaphore(%arg16 : memref<!tpu.dma_semaphore, #tpu.memory_space<semaphore_mem>>) src(%dma_wait3A_69 : memref<10112x16xf32, #tpu.memory_space<hbm>>) dst(%arg13 : memref<128x16xf32, #tpu.memory_space<vmem>>)
      %scan3A_70 = arith.constant 0 : i32
      %scan3A_71 = arith.constant 0 : i32
      %scan3A_72 = arith.constant 128 : i32
      %scan3A_73 = arith.addi %scan3A_71, %scan3A_72 : i32
      %scan3A_74 = arith.constant 1 : i32
      %scan3A_75 = scf.for %scan3A_107 = %scan3A_71 to %scan3A_73 step %scan3A_74 iter_args(%scan3A_108 = %scan3A_70) -> (i32)  : i32 {
        %get3A = arith.index_cast %scan3A_107 : i32 to index
        %get3A_109 = arith.constant 128 : index
        %get3A_110 = tpu.vector_load %arg11[%get3A, %get3A_109] {strides = array<i32>} : memref<128x144xf32, #tpu.memory_space<vmem>>, vector<1x16xf32>,
        %get3A_111 = vector.shape_cast %get3A_110 : vector<1x16xf32> to vector<16xf32>
        %get3A_112 = arith.index_cast %scan3A_107 : i32 to index
        %get3A_113 = arith.constant 0 : index
        %get3A_114 = tpu.vector_load %arg13[%get3A_112, %get3A_113] {strides = array<i32>} : memref<128x16xf32, #tpu.memory_space<vmem>>, vector<1x16xf32>,
        %get3A_115 = vector.shape_cast %get3A_114 : vector<1x16xf32> to vector<16xf32>
        %add3A_116 = arith.addf %get3A_111, %get3A_115 : vector<16xf32>
        %mul3A_117 = arith.constant 2.000000e-01 : f32
        %mul3A_118 = vector.broadcast %mul3A_117 : f32 to vector<16xf32>
        %mul3A_119 = arith.mulf %mul3A_118, %add3A_116 : vector<16xf32>
        %max3A = arith.maximumf %add3A_116, %mul3A_119 : vector<16xf32>
        %exp3A = math.exp %max3A : vector<16xf32>
        %swap3A = arith.index_cast %scan3A_107 : i32 to index
        %swap3A_120 = arith.constant 128 : index
        %swap3A_121 = tpu.vector_load %arg11[%swap3A, %swap3A_120] {strides = array<i32>} : memref<128x144xf32, #tpu.memory_space<vmem>>, vector<1x16xf32>,
        %swap3A_122 = vector.shape_cast %swap3A_121 : vector<1x16xf32> to vector<16xf32>
        %swap3A_123 = vector.shape_cast %exp3A : vector<16xf32> to vector<1x16xf32>
        tpu.vector_store %arg11[%swap3A, %swap3A_120], %swap3A_123 {strides = array<i32>} : memref<128x144xf32, #tpu.memory_space<vmem>>, vector<1x16xf32>,
        %slice3A = vector.extract_strided_slice %exp3A {offsets = [0], sizes = [1], strides = [1]} : vector<16xf32> to vector<1xf32>
        %squeeze3A = vector.extract %slice3A[0] : f32 from vector<1xf32>
        %get3A_124 = arith.index_cast %scan3A_107 : i32 to index
        %get3A_125 = arith.constant 0 : index
        %get3A_126 = tpu.vector_load %arg11[%get3A_124, %get3A_125] {strides = array<i32>} : memref<128x144xf32, #tpu.memory_space<vmem>>, vector<1x16xf32>,
        %get3A_127 = vector.shape_cast %get3A_126 : vector<1x16xf32> to vector<16xf32>
        %mul3A_128 = vector.broadcast %squeeze3A : f32 to vector<16xf32>
        %mul3A_129 = arith.mulf %get3A_127, %mul3A_128 : vector<16xf32>
        %swap3A_130 = arith.index_cast %scan3A_107 : i32 to index
        %swap3A_131 = arith.constant 0 : index
        %swap3A_132 = tpu.vector_load %arg11[%swap3A_130, %swap3A_131] {strides = array<i32>} : memref<128x144xf32, #tpu.memory_space<vmem>>, vector<1x16xf32>,
        %swap3A_133 = vector.shape_cast %swap3A_132 : vector<1x16xf32> to vector<16xf32>
        %swap3A_134 = vector.shape_cast %mul3A_129 : vector<16xf32> to vector<1x16xf32>
        tpu.vector_store %arg11[%swap3A_130, %swap3A_131], %swap3A_134 {strides = array<i32>} : memref<128x144xf32, #tpu.memory_space<vmem>>, vector<1x16xf32>,
        %get3A_135 = arith.index_cast %scan3A_107 : i32 to index
        %get3A_136 = arith.constant 16 : index
        %get3A_137 = tpu.vector_load %arg11[%get3A_135, %get3A_136] {strides = array<i32>} : memref<128x144xf32, #tpu.memory_space<vmem>>, vector<1x16xf32>,
        %get3A_138 = vector.shape_cast %get3A_137 : vector<1x16xf32> to vector<16xf32>
        %mul3A_139 = vector.broadcast %squeeze3A : f32 to vector<16xf32>
        %mul3A_140 = arith.mulf %get3A_138, %mul3A_139 : vector<16xf32>
        %swap3A_141 = arith.index_cast %scan3A_107 : i32 to index
        %swap3A_142 = arith.constant 16 : index
        %swap3A_143 = tpu.vector_load %arg11[%swap3A_141, %swap3A_142] {strides = array<i32>} : memref<128x144xf32, #tpu.memory_space<vmem>>, vector<1x16xf32>,
        %swap3A_144 = vector.shape_cast %swap3A_143 : vector<1x16xf32> to vector<16xf32>
        %swap3A_145 = vector.shape_cast %mul3A_140 : vector<16xf32> to vector<1x16xf32>
        tpu.vector_store %arg11[%swap3A_141, %swap3A_142], %swap3A_145 {strides = array<i32>} : memref<128x144xf32, #tpu.memory_space<vmem>>, vector<1x16xf32>,
        %slice3A_146 = vector.extract_strided_slice %exp3A {offsets = [1], sizes = [1], strides = [1]} : vector<16xf32> to vector<1xf32>
        %squeeze3A_147 = vector.extract %slice3A_146[0] : f32 from vector<1xf32>
        %get3A_148 = arith.index_cast %scan3A_107 : i32 to index
        %get3A_149 = arith.constant 32 : index
        %get3A_150 = tpu.vector_load %arg11[%get3A_148, %get3A_149] {strides = array<i32>} : memref<128x144xf32, #tpu.memory_space<vmem>>, vector<1x16xf32>,
        %get3A_151 = vector.shape_cast %get3A_150 : vector<1x16xf32> to vector<16xf32>
        %mul3A_152 = vector.broadcast %squeeze3A_147 : f32 to vector<16xf32>
        %mul3A_153 = arith.mulf %get3A_151, %mul3A_152 : vector<16xf32>
        %swap3A_154 = arith.index_cast %scan3A_107 : i32 to index
        %swap3A_155 = arith.constant 32 : index
        %swap3A_156 = tpu.vector_load %arg11[%swap3A_154, %swap3A_155] {strides = array<i32>} : memref<128x144xf32, #tpu.memory_space<vmem>>, vector<1x16xf32>,
        %swap3A_157 = vector.shape_cast %swap3A_156 : vector<1x16xf32> to vector<16xf32>
        %swap3A_158 = vector.shape_cast %mul3A_153 : vector<16xf32> to vector<1x16xf32>
        tpu.vector_store %arg11[%swap3A_154, %swap3A_155], %swap3A_158 {strides = array<i32>} : memref<128x144xf32, #tpu.memory_space<vmem>>, vector<1x16xf32>,
        %get3A_159 = arith.index_cast %scan3A_107 : i32 to index
        %get3A_160 = arith.constant 48 : index
        %get3A_161 = tpu.vector_load %arg11[%get3A_159, %get3A_160] {strides = array<i32>} : memref<128x144xf32, #tpu.memory_space<vmem>>, vector<1x16xf32>,
        %get3A_162 = vector.shape_cast %get3A_161 : vector<1x16xf32> to vector<16xf32>
        %mul3A_163 = vector.broadcast %squeeze3A_147 : f32 to vector<16xf32>
        %mul3A_164 = arith.mulf %get3A_162, %mul3A_163 : vector<16xf32>
        %swap3A_165 = arith.index_cast %scan3A_107 : i32 to index
        %swap3A_166 = arith.constant 48 : index
        %swap3A_167 = tpu.vector_load %arg11[%swap3A_165, %swap3A_166] {strides = array<i32>} : memref<128x144xf32, #tpu.memory_space<vmem>>, vector<1x16xf32>,
        %swap3A_168 = vector.shape_cast %swap3A_167 : vector<1x16xf32> to vector<16xf32>
        %swap3A_169 = vector.shape_cast %mul3A_164 : vector<16xf32> to vector<1x16xf32>
        tpu.vector_store %arg11[%swap3A_165, %swap3A_166], %swap3A_169 {strides = array<i32>} : memref<128x144xf32, #tpu.memory_space<vmem>>, vector<1x16xf32>,
        %slice3A_170 = vector.extract_strided_slice %exp3A {offsets = [2], sizes = [1], strides = [1]} : vector<16xf32> to vector<1xf32>
        %squeeze3A_171 = vector.extract %slice3A_170[0] : f32 from vector<1xf32>
        %get3A_172 = arith.index_cast %scan3A_107 : i32 to index
        %get3A_173 = arith.constant 64 : index
        %get3A_174 = tpu.vector_load %arg11[%get3A_172, %get3A_173] {strides = array<i32>} : memref<128x144xf32, #tpu.memory_space<vmem>>, vector<1x16xf32>,
        %get3A_175 = vector.shape_cast %get3A_174 : vector<1x16xf32> to vector<16xf32>
        %mul3A_176 = vector.broadcast %squeeze3A_171 : f32 to vector<16xf32>
        %mul3A_177 = arith.mulf %get3A_175, %mul3A_176 : vector<16xf32>
        %swap3A_178 = arith.index_cast %scan3A_107 : i32 to index
        %swap3A_179 = arith.constant 64 : index
        %swap3A_180 = tpu.vector_load %arg11[%swap3A_178, %swap3A_179] {strides = array<i32>} : memref<128x144xf32, #tpu.memory_space<vmem>>, vector<1x16xf32>,
        %swap3A_181 = vector.shape_cast %swap3A_180 : vector<1x16xf32> to vector<16xf32>
        %swap3A_182 = vector.shape_cast %mul3A_177 : vector<16xf32> to vector<1x16xf32>
        tpu.vector_store %arg11[%swap3A_178, %swap3A_179], %swap3A_182 {strides = array<i32>} : memref<128x144xf32, #tpu.memory_space<vmem>>, vector<1x16xf32>,
        %get3A_183 = arith.index_cast %scan3A_107 : i32 to index
        %get3A_184 = arith.constant 80 : index
        %get3A_185 = tpu.vector_load %arg11[%get3A_183, %get3A_184] {strides = array<i32>} : memref<128x144xf32, #tpu.memory_space<vmem>>, vector<1x16xf32>,
        %get3A_186 = vector.shape_cast %get3A_185 : vector<1x16xf32> to vector<16xf32>
        %mul3A_187 = vector.broadcast %squeeze3A_171 : f32 to vector<16xf32>
        %mul3A_188 = arith.mulf %get3A_186, %mul3A_187 : vector<16xf32>
        %swap3A_189 = arith.index_cast %scan3A_107 : i32 to index
        %swap3A_190 = arith.constant 80 : index
        %swap3A_191 = tpu.vector_load %arg11[%swap3A_189, %swap3A_190] {strides = array<i32>} : memref<128x144xf32, #tpu.memory_space<vmem>>, vector<1x16xf32>,
        %swap3A_192 = vector.shape_cast %swap3A_191 : vector<1x16xf32> to vector<16xf32>
        %swap3A_193 = vector.shape_cast %mul3A_188 : vector<16xf32> to vector<1x16xf32>
        tpu.vector_store %arg11[%swap3A_189, %swap3A_190], %swap3A_193 {strides = array<i32>} : memref<128x144xf32, #tpu.memory_space<vmem>>, vector<1x16xf32>,
        %slice3A_194 = vector.extract_strided_slice %exp3A {offsets = [3], sizes = [1], strides = [1]} : vector<16xf32> to vector<1xf32>
        %squeeze3A_195 = vector.extract %slice3A_194[0] : f32 from vector<1xf32>
        %get3A_196 = arith.index_cast %scan3A_107 : i32 to index
        %get3A_197 = arith.constant 96 : index
        %get3A_198 = tpu.vector_load %arg11[%get3A_196, %get3A_197] {strides = array<i32>} : memref<128x144xf32, #tpu.memory_space<vmem>>, vector<1x16xf32>,
        %get3A_199 = vector.shape_cast %get3A_198 : vector<1x16xf32> to vector<16xf32>
        %mul3A_200 = vector.broadcast %squeeze3A_195 : f32 to vector<16xf32>
        %mul3A_201 = arith.mulf %get3A_199, %mul3A_200 : vector<16xf32>
        %swap3A_202 = arith.index_cast %scan3A_107 : i32 to index
        %swap3A_203 = arith.constant 96 : index
        %swap3A_204 = tpu.vector_load %arg11[%swap3A_202, %swap3A_203] {strides = array<i32>} : memref<128x144xf32, #tpu.memory_space<vmem>>, vector<1x16xf32>,
        %swap3A_205 = vector.shape_cast %swap3A_204 : vector<1x16xf32> to vector<16xf32>
        %swap3A_206 = vector.shape_cast %mul3A_201 : vector<16xf32> to vector<1x16xf32>
        tpu.vector_store %arg11[%swap3A_202, %swap3A_203], %swap3A_206 {strides = array<i32>} : memref<128x144xf32, #tpu.memory_space<vmem>>, vector<1x16xf32>,
        %get3A_207 = arith.index_cast %scan3A_107 : i32 to index
        %get3A_208 = arith.constant 112 : index
        %get3A_209 = tpu.vector_load %arg11[%get3A_207, %get3A_208] {strides = array<i32>} : memref<128x144xf32, #tpu.memory_space<vmem>>, vector<1x16xf32>,
        %get3A_210 = vector.shape_cast %get3A_209 : vector<1x16xf32> to vector<16xf32>
        %mul3A_211 = vector.broadcast %squeeze3A_195 : f32 to vector<16xf32>
        %mul3A_212 = arith.mulf %get3A_210, %mul3A_211 : vector<16xf32>
        %swap3A_213 = arith.index_cast %scan3A_107 : i32 to index
        %swap3A_214 = arith.constant 112 : index
        %swap3A_215 = tpu.vector_load %arg11[%swap3A_213, %swap3A_214] {strides = array<i32>} : memref<128x144xf32, #tpu.memory_space<vmem>>, vector<1x16xf32>,
        %swap3A_216 = vector.shape_cast %swap3A_215 : vector<1x16xf32> to vector<16xf32>
        %swap3A_217 = vector.shape_cast %mul3A_212 : vector<16xf32> to vector<1x16xf32>
        tpu.vector_store %arg11[%swap3A_213, %swap3A_214], %swap3A_217 {strides = array<i32>} : memref<128x144xf32, #tpu.memory_space<vmem>>, vector<1x16xf32>,
        %scan3A_218 = arith.constant 0 : i32
        scf.yield %scan3A_218 : i32
      }
      %scan3A_76 = arith.constant 128 : i32
      "tpu.region"() ({
        %run_scoped3A = tpu.sem_alloc : memref<!tpu.dma_semaphore, #tpu.memory_space<semaphore_mem>>
        %dma_start3A_107 = arith.constant 0 : i32
        %dma_start3A_108 = arith.constant 0 : i32
        %dma_start3A_109 = tpu.memref_slice %arg14[%dma_start3A_107, %dma_start3A_108] : memref<10112x144xf32, #tpu.memory_space<vmem_shared>> -> memref<10112x144xf32, #tpu.memory_space<vmem_shared>>
        tpu.enqueue_indirect_dma source(%arg11 : memref<128x144xf32, #tpu.memory_space<vmem>>) target(%dma_start3A_109 : memref<10112x144xf32, #tpu.memory_space<vmem_shared>>) offsets(%arg8 : memref<128xi32, #tpu.memory_space<vmem>>) semaphore(%run_scoped3A : memref<!tpu.dma_semaphore, #tpu.memory_space<semaphore_mem>>) {add = true}
        %dma_wait3A_110 = arith.constant 0 : i32
        %dma_wait3A_111 = arith.constant 0 : i32
        %dma_wait3A_112 = tpu.memref_slice %arg14[%dma_wait3A_110, %dma_wait3A_111] : memref<10112x144xf32, #tpu.memory_space<vmem_shared>> -> memref<10112x144xf32, #tpu.memory_space<vmem_shared>>
        tpu.wait_indirect_dma semaphore(%run_scoped3A : memref<!tpu.dma_semaphore, #tpu.memory_space<semaphore_mem>>) src(%arg11 : memref<128x144xf32, #tpu.memory_space<vmem>>) dst(%dma_wait3A_112 : memref<10112x144xf32, #tpu.memory_space<vmem_shared>>)
        tpu.yield
      }) : () -> ()
      %add3A_77 = arith.constant 2 : i32
      %add3A_78 = arith.addi %mul3A_50, %add3A_77 : i32
      %ge3A = arith.constant 80 : i32
      %ge3A_79 = arith.cmpi sge, %add3A_78, %ge3A : i32
      %add3A_80 = arith.constant 2 : i32
      %add3A_81 = arith.addi %mul3A_50, %add3A_80 : i32
      %jit3A = arith.constant 0 : i32
      %select_n3A = arith.select %ge3A_79, %jit3A, %add3A_81 : i32
      %mul3A_82 = arith.constant 32 : i32
      %mul3A_83 = arith.muli %select_n3A, %mul3A_82 : i32
      %add3A_84 = arith.addi %mul3A_83, %add3A : i32
      %mul3A_85 = arith.constant 128 : i32
      %mul3A_86 = arith.muli %add3A_84, %mul3A_85 : i32
      "tpu.region"() ({
        %run_scoped3A = tpu.sem_alloc : memref<!tpu.dma_semaphore, #tpu.memory_space<semaphore_mem>>
        %dma_start3A_107 = tpu.memref_slice %arg2[%mul3A_86] : memref<327680xi32, #tpu.memory_space<hbm>> -> memref<128xi32, #tpu.memory_space<hbm>>
        %dma_start3A_108 = tpu.memref_slice %arg2[%mul3A_86] : memref<327680xi32, #tpu.memory_space<hbm>> -> memref<128xi32, #tpu.memory_space<hbm>>
        tpu.enqueue_dma source(%dma_start3A_108 : memref<128xi32, #tpu.memory_space<hbm>>) target(%arg7 : memref<128xi32, #tpu.memory_space<vmem>>) target_semaphore(%run_scoped3A : memref<!tpu.dma_semaphore, #tpu.memory_space<semaphore_mem>>)
        %dma_wait3A_109 = tpu.memref_slice %arg2[%mul3A_86] : memref<327680xi32, #tpu.memory_space<hbm>> -> memref<128xi32, #tpu.memory_space<hbm>>
        %dma_wait3A_110 = tpu.memref_slice %arg2[%mul3A_86] : memref<327680xi32, #tpu.memory_space<hbm>> -> memref<128xi32, #tpu.memory_space<hbm>>
        tpu.wait_dma2 semaphore(%run_scoped3A : memref<!tpu.dma_semaphore, #tpu.memory_space<semaphore_mem>>) src(%dma_wait3A_110 : memref<128xi32, #tpu.memory_space<hbm>>) dst(%arg7 : memref<128xi32, #tpu.memory_space<vmem>>)
        tpu.yield
      }) : () -> ()
      "tpu.region"() ({
        %run_scoped3A = tpu.sem_alloc : memref<!tpu.dma_semaphore, #tpu.memory_space<semaphore_mem>>
        %dma_start3A_107 = tpu.memref_slice %arg3[%mul3A_86] : memref<327680xi32, #tpu.memory_space<hbm>> -> memref<128xi32, #tpu.memory_space<hbm>>
        %dma_start3A_108 = tpu.memref_slice %arg3[%mul3A_86] : memref<327680xi32, #tpu.memory_space<hbm>> -> memref<128xi32, #tpu.memory_space<hbm>>
        tpu.enqueue_dma source(%dma_start3A_108 : memref<128xi32, #tpu.memory_space<hbm>>) target(%arg8 : memref<128xi32, #tpu.memory_space<vmem>>) target_semaphore(%run_scoped3A : memref<!tpu.dma_semaphore, #tpu.memory_space<semaphore_mem>>)
        %dma_wait3A_109 = tpu.memref_slice %arg3[%mul3A_86] : memref<327680xi32, #tpu.memory_space<hbm>> -> memref<128xi32, #tpu.memory_space<hbm>>
        %dma_wait3A_110 = tpu.memref_slice %arg3[%mul3A_86] : memref<327680xi32, #tpu.memory_space<hbm>> -> memref<128xi32, #tpu.memory_space<hbm>>
        tpu.wait_dma2 semaphore(%run_scoped3A : memref<!tpu.dma_semaphore, #tpu.memory_space<semaphore_mem>>) src(%dma_wait3A_110 : memref<128xi32, #tpu.memory_space<hbm>>) dst(%arg8 : memref<128xi32, #tpu.memory_space<vmem>>)
        tpu.yield
      }) : () -> ()
      %dma_start3A_87 = arith.constant 0 : i32
      %dma_start3A_88 = arith.constant 0 : i32
      %dma_start3A_89 = tpu.memref_slice %arg4[%dma_start3A_87, %dma_start3A_88] : memref<10112x144xf32, #tpu.memory_space<hbm>> -> memref<10112x144xf32, #tpu.memory_space<hbm>>
      tpu.enqueue_indirect_dma source(%dma_start3A_89 : memref<10112x144xf32, #tpu.memory_space<hbm>>) target(%arg11 : memref<128x144xf32, #tpu.memory_space<vmem>>) offsets(%arg7 : memref<128xi32, #tpu.memory_space<vmem>>) semaphore(%arg15 : memref<!tpu.dma_semaphore, #tpu.memory_space<semaphore_mem>>)
      %dma_wait3A_90 = arith.constant 0 : i32
      %dma_wait3A_91 = arith.constant 0 : i32
      %dma_wait3A_92 = tpu.memref_slice %arg4[%dma_wait3A_90, %dma_wait3A_91] : memref<10112x144xf32, #tpu.memory_space<hbm>> -> memref<10112x144xf32, #tpu.memory_space<hbm>>
      tpu.wait_indirect_dma semaphore(%arg15 : memref<!tpu.dma_semaphore, #tpu.memory_space<semaphore_mem>>) src(%dma_wait3A_92 : memref<10112x144xf32, #tpu.memory_space<hbm>>) dst(%arg11 : memref<128x144xf32, #tpu.memory_space<vmem>>)
      %dma_start3A_93 = arith.constant 0 : i32
      %dma_start3A_94 = arith.constant 0 : i32
      %dma_start3A_95 = tpu.memref_slice %arg5[%dma_start3A_93, %dma_start3A_94] : memref<10112x16xf32, #tpu.memory_space<hbm>> -> memref<10112x16xf32, #tpu.memory_space<hbm>>
      tpu.enqueue_indirect_dma source(%dma_start3A_95 : memref<10112x16xf32, #tpu.memory_space<hbm>>) target(%arg13 : memref<128x16xf32, #tpu.memory_space<vmem>>) offsets(%arg10 : memref<128xi32, #tpu.memory_space<vmem>>) semaphore(%arg16 : memref<!tpu.dma_semaphore, #tpu.memory_space<semaphore_mem>>)
      %dma_wait3A_96 = arith.constant 0 : i32
      %dma_wait3A_97 = arith.constant 0 : i32
      %dma_wait3A_98 = tpu.memref_slice %arg5[%dma_wait3A_96, %dma_wait3A_97] : memref<10112x16xf32, #tpu.memory_space<hbm>> -> memref<10112x16xf32, #tpu.memory_space<hbm>>
      tpu.wait_indirect_dma semaphore(%arg16 : memref<!tpu.dma_semaphore, #tpu.memory_space<semaphore_mem>>) src(%dma_wait3A_98 : memref<10112x16xf32, #tpu.memory_space<hbm>>) dst(%arg13 : memref<128x16xf32, #tpu.memory_space<vmem>>)
      %scan3A_99 = arith.constant 0 : i32
      %scan3A_100 = arith.constant 0 : i32
      %scan3A_101 = arith.constant 128 : i32
      %scan3A_102 = arith.addi %scan3A_100, %scan3A_101 : i32
      %scan3A_103 = arith.constant 1 : i32
      %scan3A_104 = scf.for %scan3A_107 = %scan3A_100 to %scan3A_102 step %scan3A_103 iter_args(%scan3A_108 = %scan3A_99) -> (i32)  : i32 {
        %get3A = arith.index_cast %scan3A_107 : i32 to index
        %get3A_109 = arith.constant 128 : index
        %get3A_110 = tpu.vector_load %arg12[%get3A, %get3A_109] {strides = array<i32>} : memref<128x144xf32, #tpu.memory_space<vmem>>, vector<1x16xf32>,
        %get3A_111 = vector.shape_cast %get3A_110 : vector<1x16xf32> to vector<16xf32>
        %get3A_112 = arith.index_cast %scan3A_107 : i32 to index
        %get3A_113 = arith.constant 0 : index
        %get3A_114 = tpu.vector_load %arg13[%get3A_112, %get3A_113] {strides = array<i32>} : memref<128x16xf32, #tpu.memory_space<vmem>>, vector<1x16xf32>,
        %get3A_115 = vector.shape_cast %get3A_114 : vector<1x16xf32> to vector<16xf32>
        %add3A_116 = arith.addf %get3A_111, %get3A_115 : vector<16xf32>
        %mul3A_117 = arith.constant 2.000000e-01 : f32
        %mul3A_118 = vector.broadcast %mul3A_117 : f32 to vector<16xf32>
        %mul3A_119 = arith.mulf %mul3A_118, %add3A_116 : vector<16xf32>
        %max3A = arith.maximumf %add3A_116, %mul3A_119 : vector<16xf32>
        %exp3A = math.exp %max3A : vector<16xf32>
        %swap3A = arith.index_cast %scan3A_107 : i32 to index
        %swap3A_120 = arith.constant 128 : index
        %swap3A_121 = tpu.vector_load %arg12[%swap3A, %swap3A_120] {strides = array<i32>} : memref<128x144xf32, #tpu.memory_space<vmem>>, vector<1x16xf32>,
        %swap3A_122 = vector.shape_cast %swap3A_121 : vector<1x16xf32> to vector<16xf32>
        %swap3A_123 = vector.shape_cast %exp3A : vector<16xf32> to vector<1x16xf32>
        tpu.vector_store %arg12[%swap3A, %swap3A_120], %swap3A_123 {strides = array<i32>} : memref<128x144xf32, #tpu.memory_space<vmem>>, vector<1x16xf32>,
        %slice3A = vector.extract_strided_slice %exp3A {offsets = [0], sizes = [1], strides = [1]} : vector<16xf32> to vector<1xf32>
        %squeeze3A = vector.extract %slice3A[0] : f32 from vector<1xf32>
        %get3A_124 = arith.index_cast %scan3A_107 : i32 to index
        %get3A_125 = arith.constant 0 : index
        %get3A_126 = tpu.vector_load %arg12[%get3A_124, %get3A_125] {strides = array<i32>} : memref<128x144xf32, #tpu.memory_space<vmem>>, vector<1x16xf32>,
        %get3A_127 = vector.shape_cast %get3A_126 : vector<1x16xf32> to vector<16xf32>
        %mul3A_128 = vector.broadcast %squeeze3A : f32 to vector<16xf32>
        %mul3A_129 = arith.mulf %get3A_127, %mul3A_128 : vector<16xf32>
        %swap3A_130 = arith.index_cast %scan3A_107 : i32 to index
        %swap3A_131 = arith.constant 0 : index
        %swap3A_132 = tpu.vector_load %arg12[%swap3A_130, %swap3A_131] {strides = array<i32>} : memref<128x144xf32, #tpu.memory_space<vmem>>, vector<1x16xf32>,
        %swap3A_133 = vector.shape_cast %swap3A_132 : vector<1x16xf32> to vector<16xf32>
        %swap3A_134 = vector.shape_cast %mul3A_129 : vector<16xf32> to vector<1x16xf32>
        tpu.vector_store %arg12[%swap3A_130, %swap3A_131], %swap3A_134 {strides = array<i32>} : memref<128x144xf32, #tpu.memory_space<vmem>>, vector<1x16xf32>,
        %get3A_135 = arith.index_cast %scan3A_107 : i32 to index
        %get3A_136 = arith.constant 16 : index
        %get3A_137 = tpu.vector_load %arg12[%get3A_135, %get3A_136] {strides = array<i32>} : memref<128x144xf32, #tpu.memory_space<vmem>>, vector<1x16xf32>,
        %get3A_138 = vector.shape_cast %get3A_137 : vector<1x16xf32> to vector<16xf32>
        %mul3A_139 = vector.broadcast %squeeze3A : f32 to vector<16xf32>
        %mul3A_140 = arith.mulf %get3A_138, %mul3A_139 : vector<16xf32>
        %swap3A_141 = arith.index_cast %scan3A_107 : i32 to index
        %swap3A_142 = arith.constant 16 : index
        %swap3A_143 = tpu.vector_load %arg12[%swap3A_141, %swap3A_142] {strides = array<i32>} : memref<128x144xf32, #tpu.memory_space<vmem>>, vector<1x16xf32>,
        %swap3A_144 = vector.shape_cast %swap3A_143 : vector<1x16xf32> to vector<16xf32>
        %swap3A_145 = vector.shape_cast %mul3A_140 : vector<16xf32> to vector<1x16xf32>
        tpu.vector_store %arg12[%swap3A_141, %swap3A_142], %swap3A_145 {strides = array<i32>} : memref<128x144xf32, #tpu.memory_space<vmem>>, vector<1x16xf32>,
        %slice3A_146 = vector.extract_strided_slice %exp3A {offsets = [1], sizes = [1], strides = [1]} : vector<16xf32> to vector<1xf32>
        %squeeze3A_147 = vector.extract %slice3A_146[0] : f32 from vector<1xf32>
        %get3A_148 = arith.index_cast %scan3A_107 : i32 to index
        %get3A_149 = arith.constant 32 : index
        %get3A_150 = tpu.vector_load %arg12[%get3A_148, %get3A_149] {strides = array<i32>} : memref<128x144xf32, #tpu.memory_space<vmem>>, vector<1x16xf32>,
        %get3A_151 = vector.shape_cast %get3A_150 : vector<1x16xf32> to vector<16xf32>
        %mul3A_152 = vector.broadcast %squeeze3A_147 : f32 to vector<16xf32>
        %mul3A_153 = arith.mulf %get3A_151, %mul3A_152 : vector<16xf32>
        %swap3A_154 = arith.index_cast %scan3A_107 : i32 to index
        %swap3A_155 = arith.constant 32 : index
        %swap3A_156 = tpu.vector_load %arg12[%swap3A_154, %swap3A_155] {strides = array<i32>} : memref<128x144xf32, #tpu.memory_space<vmem>>, vector<1x16xf32>,
        %swap3A_157 = vector.shape_cast %swap3A_156 : vector<1x16xf32> to vector<16xf32>
        %swap3A_158 = vector.shape_cast %mul3A_153 : vector<16xf32> to vector<1x16xf32>
        tpu.vector_store %arg12[%swap3A_154, %swap3A_155], %swap3A_158 {strides = array<i32>} : memref<128x144xf32, #tpu.memory_space<vmem>>, vector<1x16xf32>,
        %get3A_159 = arith.index_cast %scan3A_107 : i32 to index
        %get3A_160 = arith.constant 48 : index
        %get3A_161 = tpu.vector_load %arg12[%get3A_159, %get3A_160] {strides = array<i32>} : memref<128x144xf32, #tpu.memory_space<vmem>>, vector<1x16xf32>,
        %get3A_162 = vector.shape_cast %get3A_161 : vector<1x16xf32> to vector<16xf32>
        %mul3A_163 = vector.broadcast %squeeze3A_147 : f32 to vector<16xf32>
        %mul3A_164 = arith.mulf %get3A_162, %mul3A_163 : vector<16xf32>
        %swap3A_165 = arith.index_cast %scan3A_107 : i32 to index
        %swap3A_166 = arith.constant 48 : index
        %swap3A_167 = tpu.vector_load %arg12[%swap3A_165, %swap3A_166] {strides = array<i32>} : memref<128x144xf32, #tpu.memory_space<vmem>>, vector<1x16xf32>,
        %swap3A_168 = vector.shape_cast %swap3A_167 : vector<1x16xf32> to vector<16xf32>
        %swap3A_169 = vector.shape_cast %mul3A_164 : vector<16xf32> to vector<1x16xf32>
        tpu.vector_store %arg12[%swap3A_165, %swap3A_166], %swap3A_169 {strides = array<i32>} : memref<128x144xf32, #tpu.memory_space<vmem>>, vector<1x16xf32>,
        %slice3A_170 = vector.extract_strided_slice %exp3A {offsets = [2], sizes = [1], strides = [1]} : vector<16xf32> to vector<1xf32>
        %squeeze3A_171 = vector.extract %slice3A_170[0] : f32 from vector<1xf32>
        %get3A_172 = arith.index_cast %scan3A_107 : i32 to index
        %get3A_173 = arith.constant 64 : index
        %get3A_174 = tpu.vector_load %arg12[%get3A_172, %get3A_173] {strides = array<i32>} : memref<128x144xf32, #tpu.memory_space<vmem>>, vector<1x16xf32>,
        %get3A_175 = vector.shape_cast %get3A_174 : vector<1x16xf32> to vector<16xf32>
        %mul3A_176 = vector.broadcast %squeeze3A_171 : f32 to vector<16xf32>
        %mul3A_177 = arith.mulf %get3A_175, %mul3A_176 : vector<16xf32>
        %swap3A_178 = arith.index_cast %scan3A_107 : i32 to index
        %swap3A_179 = arith.constant 64 : index
        %swap3A_180 = tpu.vector_load %arg12[%swap3A_178, %swap3A_179] {strides = array<i32>} : memref<128x144xf32, #tpu.memory_space<vmem>>, vector<1x16xf32>,
        %swap3A_181 = vector.shape_cast %swap3A_180 : vector<1x16xf32> to vector<16xf32>
        %swap3A_182 = vector.shape_cast %mul3A_177 : vector<16xf32> to vector<1x16xf32>
        tpu.vector_store %arg12[%swap3A_178, %swap3A_179], %swap3A_182 {strides = array<i32>} : memref<128x144xf32, #tpu.memory_space<vmem>>, vector<1x16xf32>,
        %get3A_183 = arith.index_cast %scan3A_107 : i32 to index
        %get3A_184 = arith.constant 80 : index
        %get3A_185 = tpu.vector_load %arg12[%get3A_183, %get3A_184] {strides = array<i32>} : memref<128x144xf32, #tpu.memory_space<vmem>>, vector<1x16xf32>,
        %get3A_186 = vector.shape_cast %get3A_185 : vector<1x16xf32> to vector<16xf32>
        %mul3A_187 = vector.broadcast %squeeze3A_171 : f32 to vector<16xf32>
        %mul3A_188 = arith.mulf %get3A_186, %mul3A_187 : vector<16xf32>
        %swap3A_189 = arith.index_cast %scan3A_107 : i32 to index
        %swap3A_190 = arith.constant 80 : index
        %swap3A_191 = tpu.vector_load %arg12[%swap3A_189, %swap3A_190] {strides = array<i32>} : memref<128x144xf32, #tpu.memory_space<vmem>>, vector<1x16xf32>,
        %swap3A_192 = vector.shape_cast %swap3A_191 : vector<1x16xf32> to vector<16xf32>
        %swap3A_193 = vector.shape_cast %mul3A_188 : vector<16xf32> to vector<1x16xf32>
        tpu.vector_store %arg12[%swap3A_189, %swap3A_190], %swap3A_193 {strides = array<i32>} : memref<128x144xf32, #tpu.memory_space<vmem>>, vector<1x16xf32>,
        %slice3A_194 = vector.extract_strided_slice %exp3A {offsets = [3], sizes = [1], strides = [1]} : vector<16xf32> to vector<1xf32>
        %squeeze3A_195 = vector.extract %slice3A_194[0] : f32 from vector<1xf32>
        %get3A_196 = arith.index_cast %scan3A_107 : i32 to index
        %get3A_197 = arith.constant 96 : index
        %get3A_198 = tpu.vector_load %arg12[%get3A_196, %get3A_197] {strides = array<i32>} : memref<128x144xf32, #tpu.memory_space<vmem>>, vector<1x16xf32>,
        %get3A_199 = vector.shape_cast %get3A_198 : vector<1x16xf32> to vector<16xf32>
        %mul3A_200 = vector.broadcast %squeeze3A_195 : f32 to vector<16xf32>
        %mul3A_201 = arith.mulf %get3A_199, %mul3A_200 : vector<16xf32>
        %swap3A_202 = arith.index_cast %scan3A_107 : i32 to index
        %swap3A_203 = arith.constant 96 : index
        %swap3A_204 = tpu.vector_load %arg12[%swap3A_202, %swap3A_203] {strides = array<i32>} : memref<128x144xf32, #tpu.memory_space<vmem>>, vector<1x16xf32>,
        %swap3A_205 = vector.shape_cast %swap3A_204 : vector<1x16xf32> to vector<16xf32>
        %swap3A_206 = vector.shape_cast %mul3A_201 : vector<16xf32> to vector<1x16xf32>
        tpu.vector_store %arg12[%swap3A_202, %swap3A_203], %swap3A_206 {strides = array<i32>} : memref<128x144xf32, #tpu.memory_space<vmem>>, vector<1x16xf32>,
        %get3A_207 = arith.index_cast %scan3A_107 : i32 to index
        %get3A_208 = arith.constant 112 : index
        %get3A_209 = tpu.vector_load %arg12[%get3A_207, %get3A_208] {strides = array<i32>} : memref<128x144xf32, #tpu.memory_space<vmem>>, vector<1x16xf32>,
        %get3A_210 = vector.shape_cast %get3A_209 : vector<1x16xf32> to vector<16xf32>
        %mul3A_211 = vector.broadcast %squeeze3A_195 : f32 to vector<16xf32>
        %mul3A_212 = arith.mulf %get3A_210, %mul3A_211 : vector<16xf32>
        %swap3A_213 = arith.index_cast %scan3A_107 : i32 to index
        %swap3A_214 = arith.constant 112 : index
        %swap3A_215 = tpu.vector_load %arg12[%swap3A_213, %swap3A_214] {strides = array<i32>} : memref<128x144xf32, #tpu.memory_space<vmem>>, vector<1x16xf32>,
        %swap3A_216 = vector.shape_cast %swap3A_215 : vector<1x16xf32> to vector<16xf32>
        %swap3A_217 = vector.shape_cast %mul3A_212 : vector<16xf32> to vector<1x16xf32>
        tpu.vector_store %arg12[%swap3A_213, %swap3A_214], %swap3A_217 {strides = array<i32>} : memref<128x144xf32, #tpu.memory_space<vmem>>, vector<1x16xf32>,
        %scan3A_218 = arith.constant 0 : i32
        scf.yield %scan3A_218 : i32
      }
      %scan3A_105 = arith.constant 128 : i32
      "tpu.region"() ({
        %run_scoped3A = tpu.sem_alloc : memref<!tpu.dma_semaphore, #tpu.memory_space<semaphore_mem>>
        %dma_start3A_107 = arith.constant 0 : i32
        %dma_start3A_108 = arith.constant 0 : i32
        %dma_start3A_109 = tpu.memref_slice %arg14[%dma_start3A_107, %dma_start3A_108] : memref<10112x144xf32, #tpu.memory_space<vmem_shared>> -> memref<10112x144xf32, #tpu.memory_space<vmem_shared>>
        tpu.enqueue_indirect_dma source(%arg12 : memref<128x144xf32, #tpu.memory_space<vmem>>) target(%dma_start3A_109 : memref<10112x144xf32, #tpu.memory_space<vmem_shared>>) offsets(%arg10 : memref<128xi32, #tpu.memory_space<vmem>>) semaphore(%run_scoped3A : memref<!tpu.dma_semaphore, #tpu.memory_space<semaphore_mem>>) {add = true}
        %dma_wait3A_110 = arith.constant 0 : i32
        %dma_wait3A_111 = arith.constant 0 : i32
        %dma_wait3A_112 = tpu.memref_slice %arg14[%dma_wait3A_110, %dma_wait3A_111] : memref<10112x144xf32, #tpu.memory_space<vmem_shared>> -> memref<10112x144xf32, #tpu.memory_space<vmem_shared>>
        tpu.wait_indirect_dma semaphore(%run_scoped3A : memref<!tpu.dma_semaphore, #tpu.memory_space<semaphore_mem>>) src(%arg12 : memref<128x144xf32, #tpu.memory_space<vmem>>) dst(%dma_wait3A_112 : memref<10112x144xf32, #tpu.memory_space<vmem_shared>>)
        tpu.yield
      }) : () -> ()
      %scan3A_106 = arith.constant 0 : i32
      scf.yield %scan3A_106 : i32
    }
    %scan3A_39 = arith.constant 40 : i32
    %dma_wait3A = arith.constant 0 : i32
    %dma_wait3A_40 = arith.constant 0 : i32
    %dma_wait3A_41 = tpu.memref_slice %arg4[%dma_wait3A, %dma_wait3A_40] : memref<10112x144xf32, #tpu.memory_space<hbm>> -> memref<10112x144xf32, #tpu.memory_space<hbm>>
    tpu.wait_indirect_dma semaphore(%arg15 : memref<!tpu.dma_semaphore, #tpu.memory_space<semaphore_mem>>) src(%dma_wait3A_41 : memref<10112x144xf32, #tpu.memory_space<hbm>>) dst(%arg11 : memref<128x144xf32, #tpu.memory_space<vmem>>)
    %barrier3A_42 = arith.constant 0 : index
    tpu.barrier barrier_id(%barrier3A_42)
    %mul3A_43 = arith.constant 632 : i32
    %mul3A_44 = arith.muli %arg1, %mul3A_43 : i32
    %mul3A_45 = arith.constant 632 : i32
    %mul3A_46 = arith.muli %arg1, %mul3A_45 : i32
    "tpu.region"() ({
      %run_scoped3A = tpu.sem_alloc : memref<!tpu.dma_semaphore, #tpu.memory_space<semaphore_mem>>
      %dma_start3A_47 = arith.constant 0 : i32
      %dma_start3A_48 = tpu.memref_slice %arg6[%arg0, %mul3A_46, %dma_start3A_47] : memref<2x10112x144xf32, #tpu.memory_space<hbm>> -> memref<1x632x144xf32, #tpu.memory_space<hbm>>
      %dma_start3A_49 = tpu.memref_squeeze %dma_start3A_48 : memref<1x632x144xf32, #tpu.memory_space<hbm>> -> memref<632x144xf32, #tpu.memory_space<hbm>>
      %dma_start3A_50 = arith.constant 0 : i32
      %dma_start3A_51 = tpu.memref_slice %arg14[%mul3A_44, %dma_start3A_50] : memref<10112x144xf32, #tpu.memory_space<vmem_shared>> -> memref<632x144xf32, #tpu.memory_space<vmem_shared>>
      tpu.enqueue_dma source(%dma_start3A_51 : memref<632x144xf32, #tpu.memory_space<vmem_shared>>) target(%dma_start3A_49 : memref<632x144xf32, #tpu.memory_space<hbm>>) target_semaphore(%run_scoped3A : memref<!tpu.dma_semaphore, #tpu.memory_space<semaphore_mem>>)
      %dma_wait3A_52 = arith.constant 0 : i32
      %dma_wait3A_53 = tpu.memref_slice %arg6[%arg0, %mul3A_46, %dma_wait3A_52] : memref<2x10112x144xf32, #tpu.memory_space<hbm>> -> memref<1x632x144xf32, #tpu.memory_space<hbm>>
      %dma_wait3A_54 = tpu.memref_squeeze %dma_wait3A_53 : memref<1x632x144xf32, #tpu.memory_space<hbm>> -> memref<632x144xf32, #tpu.memory_space<hbm>>
      %dma_wait3A_55 = arith.constant 0 : i32
      %dma_wait3A_56 = tpu.memref_slice %arg14[%mul3A_44, %dma_wait3A_55] : memref<10112x144xf32, #tpu.memory_space<vmem_shared>> -> memref<632x144xf32, #tpu.memory_space<vmem_shared>>
      tpu.wait_dma2 semaphore(%run_scoped3A : memref<!tpu.dma_semaphore, #tpu.memory_space<semaphore_mem>>) src(%dma_wait3A_56 : memref<632x144xf32, #tpu.memory_space<vmem_shared>>) dst(%dma_wait3A_54 : memref<632x144xf32, #tpu.memory_space<hbm>>)
      tpu.yield
    }) : () -> ()
    return
  }
}

#map = affine_map<(d0, d1) -> (0)>
#map1 = affine_map<(d0, d1) -> (0, 0)>
#map2 = affine_map<(d0, d1) -> (0, 0, 0)>
module attributes {stable_mosaic.version = 14 : i64} {
  func.func @edge_kernel(%arg0: i32, %arg1: i32, %arg2: memref<327680xi32, #tpu.memory_space<hbm>>, %arg3: memref<327680xi32, #tpu.memory_space<hbm>>, %arg4: memref<10112x144xf32, #tpu.memory_space<hbm>>, %arg5: memref<10112x16xf32, #tpu.memory_space<hbm>>, %arg6: memref<2x10112x144xf32, #tpu.memory_space<hbm>>, %arg7: memref<128xi32, #tpu.memory_space<vmem>>, %arg8: memref<128xi32, #tpu.memory_space<vmem>>, %arg9: memref<128xi32, #tpu.memory_space<vmem>>, %arg10: memref<128xi32, #tpu.memory_space<vmem>>, %arg11: memref<128x144xf32, #tpu.memory_space<vmem>>, %arg12: memref<128x144xf32, #tpu.memory_space<vmem>>, %arg13: memref<128x16xf32, #tpu.memory_space<vmem>>, %arg14: memref<10112x144xf32, #tpu.memory_space<vmem_shared>>, %arg15: memref<!tpu.dma_semaphore, #tpu.memory_space<semaphore_mem>>, %arg16: memref<!tpu.dma_semaphore, #tpu.memory_space<semaphore_mem>>) attributes {dimension_semantics = [#tpu.dimension_semantics<core_parallel>, #tpu.dimension_semantics<subcore_parallel>], iteration_bounds = array<i64: 2, 16>, scalar_prefetch = 0 : i64, scratch_operands = 10 : i64, tpu.core_type = #tpu.core_type<sc_vector_subcore>, window_params = [{transform_indices = #map}, {transform_indices = #map}, {transform_indices = #map1}, {transform_indices = #map1}, {transform_indices = #map2}]} {
    %mul3A = arith.constant 16 : i32
    %mul3A_0 = arith.muli %arg0, %mul3A : i32
    %add3A = arith.addi %mul3A_0, %arg1 : i32
    %scan3A = arith.constant 0 : i32
    %scan3A_1 = arith.constant 0 : i32
    %scan3A_2 = arith.constant 128 : i32
    %scan3A_3 = arith.addi %scan3A_1, %scan3A_2 : i32
    %scan3A_4 = arith.constant 1 : i32
    %scan3A_5 = scf.for %scan3A_47 = %scan3A_1 to %scan3A_3 step %scan3A_4 iter_args(%scan3A_48 = %scan3A) -> (i32)  : i32 {
      %broadcast_in_dim3A = arith.constant 0.000000e+00 : f32
      %broadcast_in_dim3A_49 = vector.broadcast %broadcast_in_dim3A : f32 to vector<16xf32>
      %swap3A = arith.index_cast %scan3A_47 : i32 to index
      %swap3A_50 = arith.constant 0 : index
      %swap3A_51 = tpu.vector_load %arg11[%swap3A, %swap3A_50] {strides = array<i32>} : memref<128x144xf32, #tpu.memory_space<vmem>>, vector<1x16xf32>,
      %swap3A_52 = vector.shape_cast %swap3A_51 : vector<1x16xf32> to vector<16xf32>
      %swap3A_53 = vector.shape_cast %broadcast_in_dim3A_49 : vector<16xf32> to vector<1x16xf32>
      tpu.vector_store %arg11[%swap3A, %swap3A_50], %swap3A_53 {strides = array<i32>} : memref<128x144xf32, #tpu.memory_space<vmem>>, vector<1x16xf32>,
      %broadcast_in_dim3A_54 = arith.constant 0.000000e+00 : f32
      %broadcast_in_dim3A_55 = vector.broadcast %broadcast_in_dim3A_54 : f32 to vector<16xf32>
      %swap3A_56 = arith.index_cast %scan3A_47 : i32 to index
      %swap3A_57 = arith.constant 16 : index
      %swap3A_58 = tpu.vector_load %arg11[%swap3A_56, %swap3A_57] {strides = array<i32>} : memref<128x144xf32, #tpu.memory_space<vmem>>, vector<1x16xf32>,
      %swap3A_59 = vector.shape_cast %swap3A_58 : vector<1x16xf32> to vector<16xf32>
      %swap3A_60 = vector.shape_cast %broadcast_in_dim3A_55 : vector<16xf32> to vector<1x16xf32>
      tpu.vector_store %arg11[%swap3A_56, %swap3A_57], %swap3A_60 {strides = array<i32>} : memref<128x144xf32, #tpu.memory_space<vmem>>, vector<1x16xf32>,
      %broadcast_in_dim3A_61 = arith.constant 0.000000e+00 : f32
      %broadcast_in_dim3A_62 = vector.broadcast %broadcast_in_dim3A_61 : f32 to vector<16xf32>
      %swap3A_63 = arith.index_cast %scan3A_47 : i32 to index
      %swap3A_64 = arith.constant 32 : index
      %swap3A_65 = tpu.vector_load %arg11[%swap3A_63, %swap3A_64] {strides = array<i32>} : memref<128x144xf32, #tpu.memory_space<vmem>>, vector<1x16xf32>,
      %swap3A_66 = vector.shape_cast %swap3A_65 : vector<1x16xf32> to vector<16xf32>
      %swap3A_67 = vector.shape_cast %broadcast_in_dim3A_62 : vector<16xf32> to vector<1x16xf32>
      tpu.vector_store %arg11[%swap3A_63, %swap3A_64], %swap3A_67 {strides = array<i32>} : memref<128x144xf32, #tpu.memory_space<vmem>>, vector<1x16xf32>,
      %broadcast_in_dim3A_68 = arith.constant 0.000000e+00 : f32
      %broadcast_in_dim3A_69 = vector.broadcast %broadcast_in_dim3A_68 : f32 to vector<16xf32>
      %swap3A_70 = arith.index_cast %scan3A_47 : i32 to index
      %swap3A_71 = arith.constant 48 : index
      %swap3A_72 = tpu.vector_load %arg11[%swap3A_70, %swap3A_71] {strides = array<i32>} : memref<128x144xf32, #tpu.memory_space<vmem>>, vector<1x16xf32>,
      %swap3A_73 = vector.shape_cast %swap3A_72 : vector<1x16xf32> to vector<16xf32>
      %swap3A_74 = vector.shape_cast %broadcast_in_dim3A_69 : vector<16xf32> to vector<1x16xf32>
      tpu.vector_store %arg11[%swap3A_70, %swap3A_71], %swap3A_74 {strides = array<i32>} : memref<128x144xf32, #tpu.memory_space<vmem>>, vector<1x16xf32>,
      %broadcast_in_dim3A_75 = arith.constant 0.000000e+00 : f32
      %broadcast_in_dim3A_76 = vector.broadcast %broadcast_in_dim3A_75 : f32 to vector<16xf32>
      %swap3A_77 = arith.index_cast %scan3A_47 : i32 to index
      %swap3A_78 = arith.constant 64 : index
      %swap3A_79 = tpu.vector_load %arg11[%swap3A_77, %swap3A_78] {strides = array<i32>} : memref<128x144xf32, #tpu.memory_space<vmem>>, vector<1x16xf32>,
      %swap3A_80 = vector.shape_cast %swap3A_79 : vector<1x16xf32> to vector<16xf32>
      %swap3A_81 = vector.shape_cast %broadcast_in_dim3A_76 : vector<16xf32> to vector<1x16xf32>
      tpu.vector_store %arg11[%swap3A_77, %swap3A_78], %swap3A_81 {strides = array<i32>} : memref<128x144xf32, #tpu.memory_space<vmem>>, vector<1x16xf32>,
      %broadcast_in_dim3A_82 = arith.constant 0.000000e+00 : f32
      %broadcast_in_dim3A_83 = vector.broadcast %broadcast_in_dim3A_82 : f32 to vector<16xf32>
      %swap3A_84 = arith.index_cast %scan3A_47 : i32 to index
      %swap3A_85 = arith.constant 80 : index
      %swap3A_86 = tpu.vector_load %arg11[%swap3A_84, %swap3A_85] {strides = array<i32>} : memref<128x144xf32, #tpu.memory_space<vmem>>, vector<1x16xf32>,
      %swap3A_87 = vector.shape_cast %swap3A_86 : vector<1x16xf32> to vector<16xf32>
      %swap3A_88 = vector.shape_cast %broadcast_in_dim3A_83 : vector<16xf32> to vector<1x16xf32>
      tpu.vector_store %arg11[%swap3A_84, %swap3A_85], %swap3A_88 {strides = array<i32>} : memref<128x144xf32, #tpu.memory_space<vmem>>, vector<1x16xf32>,
      %broadcast_in_dim3A_89 = arith.constant 0.000000e+00 : f32
      %broadcast_in_dim3A_90 = vector.broadcast %broadcast_in_dim3A_89 : f32 to vector<16xf32>
      %swap3A_91 = arith.index_cast %scan3A_47 : i32 to index
      %swap3A_92 = arith.constant 96 : index
      %swap3A_93 = tpu.vector_load %arg11[%swap3A_91, %swap3A_92] {strides = array<i32>} : memref<128x144xf32, #tpu.memory_space<vmem>>, vector<1x16xf32>,
      %swap3A_94 = vector.shape_cast %swap3A_93 : vector<1x16xf32> to vector<16xf32>
      %swap3A_95 = vector.shape_cast %broadcast_in_dim3A_90 : vector<16xf32> to vector<1x16xf32>
      tpu.vector_store %arg11[%swap3A_91, %swap3A_92], %swap3A_95 {strides = array<i32>} : memref<128x144xf32, #tpu.memory_space<vmem>>, vector<1x16xf32>,
      %broadcast_in_dim3A_96 = arith.constant 0.000000e+00 : f32
      %broadcast_in_dim3A_97 = vector.broadcast %broadcast_in_dim3A_96 : f32 to vector<16xf32>
      %swap3A_98 = arith.index_cast %scan3A_47 : i32 to index
      %swap3A_99 = arith.constant 112 : index
      %swap3A_100 = tpu.vector_load %arg11[%swap3A_98, %swap3A_99] {strides = array<i32>} : memref<128x144xf32, #tpu.memory_space<vmem>>, vector<1x16xf32>,
      %swap3A_101 = vector.shape_cast %swap3A_100 : vector<1x16xf32> to vector<16xf32>
      %swap3A_102 = vector.shape_cast %broadcast_in_dim3A_97 : vector<16xf32> to vector<1x16xf32>
      tpu.vector_store %arg11[%swap3A_98, %swap3A_99], %swap3A_102 {strides = array<i32>} : memref<128x144xf32, #tpu.memory_space<vmem>>, vector<1x16xf32>,
      %broadcast_in_dim3A_103 = arith.constant 0.000000e+00 : f32
      %broadcast_in_dim3A_104 = vector.broadcast %broadcast_in_dim3A_103 : f32 to vector<16xf32>
      %swap3A_105 = arith.index_cast %scan3A_47 : i32 to index
      %swap3A_106 = arith.constant 128 : index
      %swap3A_107 = tpu.vector_load %arg11[%swap3A_105, %swap3A_106] {strides = array<i32>} : memref<128x144xf32, #tpu.memory_space<vmem>>, vector<1x16xf32>,
      %swap3A_108 = vector.shape_cast %swap3A_107 : vector<1x16xf32> to vector<16xf32>
      %swap3A_109 = vector.shape_cast %broadcast_in_dim3A_104 : vector<16xf32> to vector<1x16xf32>
      tpu.vector_store %arg11[%swap3A_105, %swap3A_106], %swap3A_109 {strides = array<i32>} : memref<128x144xf32, #tpu.memory_space<vmem>>, vector<1x16xf32>,
      %scan3A_110 = arith.constant 0 : i32
      scf.yield %scan3A_110 : i32
    }
    %scan3A_6 = arith.constant 128 : i32
    %mul3A_7 = arith.constant 632 : i32
    %mul3A_8 = arith.muli %arg1, %mul3A_7 : i32
    %add3A_9 = arith.constant 0 : i32
    %add3A_10 = arith.addi %mul3A_8, %add3A_9 : i32
    "tpu.region"() ({
      %run_scoped3A = tpu.sem_alloc : memref<!tpu.dma_semaphore, #tpu.memory_space<semaphore_mem>>
      %dma_start3A_47 = arith.constant 0 : i32
      %dma_start3A_48 = tpu.memref_slice %arg14[%add3A_10, %dma_start3A_47] : memref<10112x144xf32, #tpu.memory_space<vmem_shared>> -> memref<128x144xf32, #tpu.memory_space<vmem_shared>>
      %dma_start3A_49 = arith.constant 0 : i32
      %dma_start3A_50 = tpu.memref_slice %arg14[%add3A_10, %dma_start3A_49] : memref<10112x144xf32, #tpu.memory_space<vmem_shared>> -> memref<128x144xf32, #tpu.memory_space<vmem_shared>>
      tpu.enqueue_dma source(%arg11 : memref<128x144xf32, #tpu.memory_space<vmem>>) target(%dma_start3A_50 : memref<128x144xf32, #tpu.memory_space<vmem_shared>>) target_semaphore(%run_scoped3A : memref<!tpu.dma_semaphore, #tpu.memory_space<semaphore_mem>>)
      %dma_wait3A_51 = arith.constant 0 : i32
      %dma_wait3A_52 = tpu.memref_slice %arg14[%add3A_10, %dma_wait3A_51] : memref<10112x144xf32, #tpu.memory_space<vmem_shared>> -> memref<128x144xf32, #tpu.memory_space<vmem_shared>>
      %dma_wait3A_53 = arith.constant 0 : i32
      %dma_wait3A_54 = tpu.memref_slice %arg14[%add3A_10, %dma_wait3A_53] : memref<10112x144xf32, #tpu.memory_space<vmem_shared>> -> memref<128x144xf32, #tpu.memory_space<vmem_shared>>
      tpu.wait_dma2 semaphore(%run_scoped3A : memref<!tpu.dma_semaphore, #tpu.memory_space<semaphore_mem>>) src(%arg11 : memref<128x144xf32, #tpu.memory_space<vmem>>) dst(%dma_wait3A_54 : memref<128x144xf32, #tpu.memory_space<vmem_shared>>)
      tpu.yield
    }) : () -> ()
    %mul3A_11 = arith.constant 632 : i32
    %mul3A_12 = arith.muli %arg1, %mul3A_11 : i32
    %add3A_13 = arith.constant 128 : i32
    %add3A_14 = arith.addi %mul3A_12, %add3A_13 : i32
    "tpu.region"() ({
      %run_scoped3A = tpu.sem_alloc : memref<!tpu.dma_semaphore, #tpu.memory_space<semaphore_mem>>
      %dma_start3A_47 = arith.constant 0 : i32
      %dma_start3A_48 = tpu.memref_slice %arg14[%add3A_14, %dma_start3A_47] : memref<10112x144xf32, #tpu.memory_space<vmem_shared>> -> memref<128x144xf32, #tpu.memory_space<vmem_shared>>
      %dma_start3A_49 = arith.constant 0 : i32
      %dma_start3A_50 = tpu.memref_slice %arg14[%add3A_14, %dma_start3A_49] : memref<10112x144xf32, #tpu.memory_space<vmem_shared>> -> memref<128x144xf32, #tpu.memory_space<vmem_shared>>
      tpu.enqueue_dma source(%arg11 : memref<128x144xf32, #tpu.memory_space<vmem>>) target(%dma_start3A_50 : memref<128x144xf32, #tpu.memory_space<vmem_shared>>) target_semaphore(%run_scoped3A : memref<!tpu.dma_semaphore, #tpu.memory_space<semaphore_mem>>)
      %dma_wait3A_51 = arith.constant 0 : i32
      %dma_wait3A_52 = tpu.memref_slice %arg14[%add3A_14, %dma_wait3A_51] : memref<10112x144xf32, #tpu.memory_space<vmem_shared>> -> memref<128x144xf32, #tpu.memory_space<vmem_shared>>
      %dma_wait3A_53 = arith.constant 0 : i32
      %dma_wait3A_54 = tpu.memref_slice %arg14[%add3A_14, %dma_wait3A_53] : memref<10112x144xf32, #tpu.memory_space<vmem_shared>> -> memref<128x144xf32, #tpu.memory_space<vmem_shared>>
      tpu.wait_dma2 semaphore(%run_scoped3A : memref<!tpu.dma_semaphore, #tpu.memory_space<semaphore_mem>>) src(%arg11 : memref<128x144xf32, #tpu.memory_space<vmem>>) dst(%dma_wait3A_54 : memref<128x144xf32, #tpu.memory_space<vmem_shared>>)
      tpu.yield
    }) : () -> ()
    %mul3A_15 = arith.constant 632 : i32
    %mul3A_16 = arith.muli %arg1, %mul3A_15 : i32
    %add3A_17 = arith.constant 256 : i32
    %add3A_18 = arith.addi %mul3A_16, %add3A_17 : i32
    "tpu.region"() ({
      %run_scoped3A = tpu.sem_alloc : memref<!tpu.dma_semaphore, #tpu.memory_space<semaphore_mem>>
      %dma_start3A_47 = arith.constant 0 : i32
      %dma_start3A_48 = tpu.memref_slice %arg14[%add3A_18, %dma_start3A_47] : memref<10112x144xf32, #tpu.memory_space<vmem_shared>> -> memref<128x144xf32, #tpu.memory_space<vmem_shared>>
      %dma_start3A_49 = arith.constant 0 : i32
      %dma_start3A_50 = tpu.memref_slice %arg14[%add3A_18, %dma_start3A_49] : memref<10112x144xf32, #tpu.memory_space<vmem_shared>> -> memref<128x144xf32, #tpu.memory_space<vmem_shared>>
      tpu.enqueue_dma source(%arg11 : memref<128x144xf32, #tpu.memory_space<vmem>>) target(%dma_start3A_50 : memref<128x144xf32, #tpu.memory_space<vmem_shared>>) target_semaphore(%run_scoped3A : memref<!tpu.dma_semaphore, #tpu.memory_space<semaphore_mem>>)
      %dma_wait3A_51 = arith.constant 0 : i32
      %dma_wait3A_52 = tpu.memref_slice %arg14[%add3A_18, %dma_wait3A_51] : memref<10112x144xf32, #tpu.memory_space<vmem_shared>> -> memref<128x144xf32, #tpu.memory_space<vmem_shared>>
      %dma_wait3A_53 = arith.constant 0 : i32
      %dma_wait3A_54 = tpu.memref_slice %arg14[%add3A_18, %dma_wait3A_53] : memref<10112x144xf32, #tpu.memory_space<vmem_shared>> -> memref<128x144xf32, #tpu.memory_space<vmem_shared>>
      tpu.wait_dma2 semaphore(%run_scoped3A : memref<!tpu.dma_semaphore, #tpu.memory_space<semaphore_mem>>) src(%arg11 : memref<128x144xf32, #tpu.memory_space<vmem>>) dst(%dma_wait3A_54 : memref<128x144xf32, #tpu.memory_space<vmem_shared>>)
      tpu.yield
    }) : () -> ()
    %mul3A_19 = arith.constant 632 : i32
    %mul3A_20 = arith.muli %arg1, %mul3A_19 : i32
    %add3A_21 = arith.constant 384 : i32
    %add3A_22 = arith.addi %mul3A_20, %add3A_21 : i32
    "tpu.region"() ({
      %run_scoped3A = tpu.sem_alloc : memref<!tpu.dma_semaphore, #tpu.memory_space<semaphore_mem>>
      %dma_start3A_47 = arith.constant 0 : i32
      %dma_start3A_48 = tpu.memref_slice %arg14[%add3A_22, %dma_start3A_47] : memref<10112x144xf32, #tpu.memory_space<vmem_shared>> -> memref<128x144xf32, #tpu.memory_space<vmem_shared>>
      %dma_start3A_49 = arith.constant 0 : i32
      %dma_start3A_50 = tpu.memref_slice %arg14[%add3A_22, %dma_start3A_49] : memref<10112x144xf32, #tpu.memory_space<vmem_shared>> -> memref<128x144xf32, #tpu.memory_space<vmem_shared>>
      tpu.enqueue_dma source(%arg11 : memref<128x144xf32, #tpu.memory_space<vmem>>) target(%dma_start3A_50 : memref<128x144xf32, #tpu.memory_space<vmem_shared>>) target_semaphore(%run_scoped3A : memref<!tpu.dma_semaphore, #tpu.memory_space<semaphore_mem>>)
      %dma_wait3A_51 = arith.constant 0 : i32
      %dma_wait3A_52 = tpu.memref_slice %arg14[%add3A_22, %dma_wait3A_51] : memref<10112x144xf32, #tpu.memory_space<vmem_shared>> -> memref<128x144xf32, #tpu.memory_space<vmem_shared>>
      %dma_wait3A_53 = arith.constant 0 : i32
      %dma_wait3A_54 = tpu.memref_slice %arg14[%add3A_22, %dma_wait3A_53] : memref<10112x144xf32, #tpu.memory_space<vmem_shared>> -> memref<128x144xf32, #tpu.memory_space<vmem_shared>>
      tpu.wait_dma2 semaphore(%run_scoped3A : memref<!tpu.dma_semaphore, #tpu.memory_space<semaphore_mem>>) src(%arg11 : memref<128x144xf32, #tpu.memory_space<vmem>>) dst(%dma_wait3A_54 : memref<128x144xf32, #tpu.memory_space<vmem_shared>>)
      tpu.yield
    }) : () -> ()
    %mul3A_23 = arith.constant 632 : i32
    %mul3A_24 = arith.muli %arg1, %mul3A_23 : i32
    %add3A_25 = arith.constant 512 : i32
    %add3A_26 = arith.addi %mul3A_24, %add3A_25 : i32
    "tpu.region"() ({
      %run_scoped3A = tpu.sem_alloc : memref<!tpu.dma_semaphore, #tpu.memory_space<semaphore_mem>>
      %dma_start3A_47 = arith.constant 0 : i32
      %dma_start3A_48 = arith.constant 0 : i32
      %dma_start3A_49 = tpu.memref_slice %arg11[%dma_start3A_47, %dma_start3A_48] : memref<128x144xf32, #tpu.memory_space<vmem>> -> memref<120x144xf32, #tpu.memory_space<vmem>>
      %dma_start3A_50 = arith.constant 0 : i32
      %dma_start3A_51 = tpu.memref_slice %arg14[%add3A_26, %dma_start3A_50] : memref<10112x144xf32, #tpu.memory_space<vmem_shared>> -> memref<120x144xf32, #tpu.memory_space<vmem_shared>>
      %dma_start3A_52 = arith.constant 0 : i32
      %dma_start3A_53 = tpu.memref_slice %arg14[%add3A_26, %dma_start3A_52] : memref<10112x144xf32, #tpu.memory_space<vmem_shared>> -> memref<120x144xf32, #tpu.memory_space<vmem_shared>>
      %dma_start3A_54 = arith.constant 0 : i32
      %dma_start3A_55 = arith.constant 0 : i32
      %dma_start3A_56 = tpu.memref_slice %arg11[%dma_start3A_54, %dma_start3A_55] : memref<128x144xf32, #tpu.memory_space<vmem>> -> memref<120x144xf32, #tpu.memory_space<vmem>>
      tpu.enqueue_dma source(%dma_start3A_56 : memref<120x144xf32, #tpu.memory_space<vmem>>) target(%dma_start3A_53 : memref<120x144xf32, #tpu.memory_space<vmem_shared>>) target_semaphore(%run_scoped3A : memref<!tpu.dma_semaphore, #tpu.memory_space<semaphore_mem>>)
      %dma_wait3A_57 = arith.constant 0 : i32
      %dma_wait3A_58 = arith.constant 0 : i32
      %dma_wait3A_59 = tpu.memref_slice %arg11[%dma_wait3A_57, %dma_wait3A_58] : memref<128x144xf32, #tpu.memory_space<vmem>> -> memref<120x144xf32, #tpu.memory_space<vmem>>
      %dma_wait3A_60 = arith.constant 0 : i32
      %dma_wait3A_61 = tpu.memref_slice %arg14[%add3A_26, %dma_wait3A_60] : memref<10112x144xf32, #tpu.memory_space<vmem_shared>> -> memref<120x144xf32, #tpu.memory_space<vmem_shared>>
      %dma_wait3A_62 = arith.constant 0 : i32
      %dma_wait3A_63 = tpu.memref_slice %arg14[%add3A_26, %dma_wait3A_62] : memref<10112x144xf32, #tpu.memory_space<vmem_shared>> -> memref<120x144xf32, #tpu.memory_space<vmem_shared>>
      %dma_wait3A_64 = arith.constant 0 : i32
      %dma_wait3A_65 = arith.constant 0 : i32
      %dma_wait3A_66 = tpu.memref_slice %arg11[%dma_wait3A_64, %dma_wait3A_65] : memref<128x144xf32, #tpu.memory_space<vmem>> -> memref<120x144xf32, #tpu.memory_space<vmem>>
      tpu.wait_dma2 semaphore(%run_scoped3A : memref<!tpu.dma_semaphore, #tpu.memory_space<semaphore_mem>>) src(%dma_wait3A_66 : memref<120x144xf32, #tpu.memory_space<vmem>>) dst(%dma_wait3A_63 : memref<120x144xf32, #tpu.memory_space<vmem_shared>>)
      tpu.yield
    }) : () -> ()
    %barrier3A = arith.constant 0 : index
    tpu.barrier barrier_id(%barrier3A)
    %add3A_27 = arith.constant 0 : i32
    %add3A_28 = arith.addi %add3A_27, %add3A : i32
    %mul3A_29 = arith.constant 128 : i32
    %mul3A_30 = arith.muli %add3A_28, %mul3A_29 : i32
    "tpu.region"() ({
      %run_scoped3A = tpu.sem_alloc : memref<!tpu.dma_semaphore, #tpu.memory_space<semaphore_mem>>
      %dma_start3A_47 = tpu.memref_slice %arg2[%mul3A_30] : memref<327680xi32, #tpu.memory_space<hbm>> -> memref<128xi32, #tpu.memory_space<hbm>>
      %dma_start3A_48 = tpu.memref_slice %arg2[%mul3A_30] : memref<327680xi32, #tpu.memory_space<hbm>> -> memref<128xi32, #tpu.memory_space<hbm>>
      tpu.enqueue_dma source(%dma_start3A_48 : memref<128xi32, #tpu.memory_space<hbm>>) target(%arg7 : memref<128xi32, #tpu.memory_space<vmem>>) target_semaphore(%run_scoped3A : memref<!tpu.dma_semaphore, #tpu.memory_space<semaphore_mem>>)
      %dma_wait3A_49 = tpu.memref_slice %arg2[%mul3A_30] : memref<327680xi32, #tpu.memory_space<hbm>> -> memref<128xi32, #tpu.memory_space<hbm>>
      %dma_wait3A_50 = tpu.memref_slice %arg2[%mul3A_30] : memref<327680xi32, #tpu.memory_space<hbm>> -> memref<128xi32, #tpu.memory_space<hbm>>
      tpu.wait_dma2 semaphore(%run_scoped3A : memref<!tpu.dma_semaphore, #tpu.memory_space<semaphore_mem>>) src(%dma_wait3A_50 : memref<128xi32, #tpu.memory_space<hbm>>) dst(%arg7 : memref<128xi32, #tpu.memory_space<vmem>>)
      tpu.yield
    }) : () -> ()
    "tpu.region"() ({
      %run_scoped3A = tpu.sem_alloc : memref<!tpu.dma_semaphore, #tpu.memory_space<semaphore_mem>>
      %dma_start3A_47 = tpu.memref_slice %arg3[%mul3A_30] : memref<327680xi32, #tpu.memory_space<hbm>> -> memref<128xi32, #tpu.memory_space<hbm>>
      %dma_start3A_48 = tpu.memref_slice %arg3[%mul3A_30] : memref<327680xi32, #tpu.memory_space<hbm>> -> memref<128xi32, #tpu.memory_space<hbm>>
      tpu.enqueue_dma source(%dma_start3A_48 : memref<128xi32, #tpu.memory_space<hbm>>) target(%arg8 : memref<128xi32, #tpu.memory_space<vmem>>) target_semaphore(%run_scoped3A : memref<!tpu.dma_semaphore, #tpu.memory_space<semaphore_mem>>)
      %dma_wait3A_49 = tpu.memref_slice %arg3[%mul3A_30] : memref<327680xi32, #tpu.memory_space<hbm>> -> memref<128xi32, #tpu.memory_space<hbm>>
      %dma_wait3A_50 = tpu.memref_slice %arg3[%mul3A_30] : memref<327680xi32, #tpu.memory_space<hbm>> -> memref<128xi32, #tpu.memory_space<hbm>>
      tpu.wait_dma2 semaphore(%run_scoped3A : memref<!tpu.dma_semaphore, #tpu.memory_space<semaphore_mem>>) src(%dma_wait3A_50 : memref<128xi32, #tpu.memory_space<hbm>>) dst(%arg8 : memref<128xi32, #tpu.memory_space<vmem>>)
      tpu.yield
    }) : () -> ()
    %dma_start3A = arith.constant 0 : i32
    %dma_start3A_31 = arith.constant 0 : i32
    %dma_start3A_32 = tpu.memref_slice %arg4[%dma_start3A, %dma_start3A_31] : memref<10112x144xf32, #tpu.memory_space<hbm>> -> memref<10112x144xf32, #tpu.memory_space<hbm>>
    tpu.enqueue_indirect_dma source(%dma_start3A_32 : memref<10112x144xf32, #tpu.memory_space<hbm>>) target(%arg11 : memref<128x144xf32, #tpu.memory_space<vmem>>) offsets(%arg7 : memref<128xi32, #tpu.memory_space<vmem>>) semaphore(%arg15 : memref<!tpu.dma_semaphore, #tpu.memory_space<semaphore_mem>>)
    %scan3A_33 = arith.constant 0 : i32
    %scan3A_34 = arith.constant 0 : i32
    %scan3A_35 = arith.constant 40 : i32
    %scan3A_36 = arith.addi %scan3A_34, %scan3A_35 : i32
    %scan3A_37 = arith.constant 1 : i32
    %scan3A_38 = scf.for %scan3A_47 = %scan3A_34 to %scan3A_36 step %scan3A_37 iter_args(%scan3A_48 = %scan3A_33) -> (i32)  : i32 {
      %mul3A_49 = arith.constant 2 : i32
      %mul3A_50 = arith.muli %mul3A_49, %scan3A_47 : i32
      %add3A_51 = arith.constant 1 : i32
      %add3A_52 = arith.addi %mul3A_50, %add3A_51 : i32
      %mul3A_53 = arith.constant 32 : i32
      %mul3A_54 = arith.muli %add3A_52, %mul3A_53 : i32
      %add3A_55 = arith.addi %mul3A_54, %add3A : i32
      %mul3A_56 = arith.constant 128 : i32
      %mul3A_57 = arith.muli %add3A_55, %mul3A_56 : i32
      "tpu.region"() ({
        %run_scoped3A = tpu.sem_alloc : memref<!tpu.dma_semaphore, #tpu.memory_space<semaphore_mem>>
        %dma_start3A_107 = tpu.memref_slice %arg2[%mul3A_57] : memref<327680xi32, #tpu.memory_space<hbm>> -> memref<128xi32, #tpu.memory_space<hbm>>
        %dma_start3A_108 = tpu.memref_slice %arg2[%mul3A_57] : memref<327680xi32, #tpu.memory_space<hbm>> -> memref<128xi32, #tpu.memory_space<hbm>>
        tpu.enqueue_dma source(%dma_start3A_108 : memref<128xi32, #tpu.memory_space<hbm>>) target(%arg9 : memref<128xi32, #tpu.memory_space<vmem>>) target_semaphore(%run_scoped3A : memref<!tpu.dma_semaphore, #tpu.memory_space<semaphore_mem>>)
        %dma_wait3A_109 = tpu.memref_slice %arg2[%mul3A_57] : memref<327680xi32, #tpu.memory_space<hbm>> -> memref<128xi32, #tpu.memory_space<hbm>>
        %dma_wait3A_110 = tpu.memref_slice %arg2[%mul3A_57] : memref<327680xi32, #tpu.memory_space<hbm>> -> memref<128xi32, #tpu.memory_space<hbm>>
        tpu.wait_dma2 semaphore(%run_scoped3A : memref<!tpu.dma_semaphore, #tpu.memory_space<semaphore_mem>>) src(%dma_wait3A_110 : memref<128xi32, #tpu.memory_space<hbm>>) dst(%arg9 : memref<128xi32, #tpu.memory_space<vmem>>)
        tpu.yield
      }) : () -> ()
      "tpu.region"() ({
        %run_scoped3A = tpu.sem_alloc : memref<!tpu.dma_semaphore, #tpu.memory_space<semaphore_mem>>
        %dma_start3A_107 = tpu.memref_slice %arg3[%mul3A_57] : memref<327680xi32, #tpu.memory_space<hbm>> -> memref<128xi32, #tpu.memory_space<hbm>>
        %dma_start3A_108 = tpu.memref_slice %arg3[%mul3A_57] : memref<327680xi32, #tpu.memory_space<hbm>> -> memref<128xi32, #tpu.memory_space<hbm>>
        tpu.enqueue_dma source(%dma_start3A_108 : memref<128xi32, #tpu.memory_space<hbm>>) target(%arg10 : memref<128xi32, #tpu.memory_space<vmem>>) target_semaphore(%run_scoped3A : memref<!tpu.dma_semaphore, #tpu.memory_space<semaphore_mem>>)
        %dma_wait3A_109 = tpu.memref_slice %arg3[%mul3A_57] : memref<327680xi32, #tpu.memory_space<hbm>> -> memref<128xi32, #tpu.memory_space<hbm>>
        %dma_wait3A_110 = tpu.memref_slice %arg3[%mul3A_57] : memref<327680xi32, #tpu.memory_space<hbm>> -> memref<128xi32, #tpu.memory_space<hbm>>
        tpu.wait_dma2 semaphore(%run_scoped3A : memref<!tpu.dma_semaphore, #tpu.memory_space<semaphore_mem>>) src(%dma_wait3A_110 : memref<128xi32, #tpu.memory_space<hbm>>) dst(%arg10 : memref<128xi32, #tpu.memory_space<vmem>>)
        tpu.yield
      }) : () -> ()
      %dma_start3A_58 = arith.constant 0 : i32
      %dma_start3A_59 = arith.constant 0 : i32
      %dma_start3A_60 = tpu.memref_slice %arg4[%dma_start3A_58, %dma_start3A_59] : memref<10112x144xf32, #tpu.memory_space<hbm>> -> memref<10112x144xf32, #tpu.memory_space<hbm>>
      tpu.enqueue_indirect_dma source(%dma_start3A_60 : memref<10112x144xf32, #tpu.memory_space<hbm>>) target(%arg12 : memref<128x144xf32, #tpu.memory_space<vmem>>) offsets(%arg9 : memref<128xi32, #tpu.memory_space<vmem>>) semaphore(%arg15 : memref<!tpu.dma_semaphore, #tpu.memory_space<semaphore_mem>>)
      %dma_wait3A_61 = arith.constant 0 : i32
      %dma_wait3A_62 = arith.constant 0 : i32
      %dma_wait3A_63 = tpu.memref_slice %arg4[%dma_wait3A_61, %dma_wait3A_62] : memref<10112x144xf32, #tpu.memory_space<hbm>> -> memref<10112x144xf32, #tpu.memory_space<hbm>>
      tpu.wait_indirect_dma semaphore(%arg15 : memref<!tpu.dma_semaphore, #tpu.memory_space<semaphore_mem>>) src(%dma_wait3A_63 : memref<10112x144xf32, #tpu.memory_space<hbm>>) dst(%arg12 : memref<128x144xf32, #tpu.memory_space<vmem>>)
      %dma_start3A_64 = arith.constant 0 : i32
      %dma_start3A_65 = arith.constant 0 : i32
      %dma_start3A_66 = tpu.memref_slice %arg5[%dma_start3A_64, %dma_start3A_65] : memref<10112x16xf32, #tpu.memory_space<hbm>> -> memref<10112x16xf32, #tpu.memory_space<hbm>>
      tpu.enqueue_indirect_dma source(%dma_start3A_66 : memref<10112x16xf32, #tpu.memory_space<hbm>>) target(%arg13 : memref<128x16xf32, #tpu.memory_space<vmem>>) offsets(%arg8 : memref<128xi32, #tpu.memory_space<vmem>>) semaphore(%arg16 : memref<!tpu.dma_semaphore, #tpu.memory_space<semaphore_mem>>)
      %dma_wait3A_67 = arith.constant 0 : i32
      %dma_wait3A_68 = arith.constant 0 : i32
      %dma_wait3A_69 = tpu.memref_slice %arg5[%dma_wait3A_67, %dma_wait3A_68] : memref<10112x16xf32, #tpu.memory_space<hbm>> -> memref<10112x16xf32, #tpu.memory_space<hbm>>
      tpu.wait_indirect_dma semaphore(%arg16 : memref<!tpu.dma_semaphore, #tpu.memory_space<semaphore_mem>>) src(%dma_wait3A_69 : memref<10112x16xf32, #tpu.memory_space<hbm>>) dst(%arg13 : memref<128x16xf32, #tpu.memory_space<vmem>>)
      %scan3A_70 = arith.constant 0 : i32
      %scan3A_71 = arith.constant 0 : i32
      %scan3A_72 = arith.constant 128 : i32
      %scan3A_73 = arith.addi %scan3A_71, %scan3A_72 : i32
      %scan3A_74 = arith.constant 1 : i32
      %scan3A_75 = scf.for %scan3A_107 = %scan3A_71 to %scan3A_73 step %scan3A_74 iter_args(%scan3A_108 = %scan3A_70) -> (i32)  : i32 {
        %get3A = arith.index_cast %scan3A_107 : i32 to index
        %get3A_109 = arith.constant 128 : index
        %get3A_110 = tpu.vector_load %arg11[%get3A, %get3A_109] {strides = array<i32>} : memref<128x144xf32, #tpu.memory_space<vmem>>, vector<1x16xf32>,
        %get3A_111 = vector.shape_cast %get3A_110 : vector<1x16xf32> to vector<16xf32>
        %get3A_112 = arith.index_cast %scan3A_107 : i32 to index
        %get3A_113 = arith.constant 0 : index
        %get3A_114 = tpu.vector_load %arg13[%get3A_112, %get3A_113] {strides = array<i32>} : memref<128x16xf32, #tpu.memory_space<vmem>>, vector<1x16xf32>,
        %get3A_115 = vector.shape_cast %get3A_114 : vector<1x16xf32> to vector<16xf32>
        %add3A_116 = arith.addf %get3A_111, %get3A_115 : vector<16xf32>
        %mul3A_117 = arith.constant 2.000000e-01 : f32
        %mul3A_118 = vector.broadcast %mul3A_117 : f32 to vector<16xf32>
        %mul3A_119 = arith.mulf %mul3A_118, %add3A_116 : vector<16xf32>
        %max3A = arith.maximumf %add3A_116, %mul3A_119 : vector<16xf32>
        %exp3A = math.exp %max3A : vector<16xf32>
        %swap3A = arith.index_cast %scan3A_107 : i32 to index
        %swap3A_120 = arith.constant 128 : index
        %swap3A_121 = tpu.vector_load %arg11[%swap3A, %swap3A_120] {strides = array<i32>} : memref<128x144xf32, #tpu.memory_space<vmem>>, vector<1x16xf32>,
        %swap3A_122 = vector.shape_cast %swap3A_121 : vector<1x16xf32> to vector<16xf32>
        %swap3A_123 = vector.shape_cast %exp3A : vector<16xf32> to vector<1x16xf32>
        tpu.vector_store %arg11[%swap3A, %swap3A_120], %swap3A_123 {strides = array<i32>} : memref<128x144xf32, #tpu.memory_space<vmem>>, vector<1x16xf32>,
        %slice3A = vector.extract_strided_slice %exp3A {offsets = [0], sizes = [1], strides = [1]} : vector<16xf32> to vector<1xf32>
        %squeeze3A = vector.extract %slice3A[0] : f32 from vector<1xf32>
        %get3A_124 = arith.index_cast %scan3A_107 : i32 to index
        %get3A_125 = arith.constant 0 : index
        %get3A_126 = tpu.vector_load %arg11[%get3A_124, %get3A_125] {strides = array<i32>} : memref<128x144xf32, #tpu.memory_space<vmem>>, vector<1x16xf32>,
        %get3A_127 = vector.shape_cast %get3A_126 : vector<1x16xf32> to vector<16xf32>
        %mul3A_128 = vector.broadcast %squeeze3A : f32 to vector<16xf32>
        %mul3A_129 = arith.mulf %get3A_127, %mul3A_128 : vector<16xf32>
        %swap3A_130 = arith.index_cast %scan3A_107 : i32 to index
        %swap3A_131 = arith.constant 0 : index
        %swap3A_132 = tpu.vector_load %arg11[%swap3A_130, %swap3A_131] {strides = array<i32>} : memref<128x144xf32, #tpu.memory_space<vmem>>, vector<1x16xf32>,
        %swap3A_133 = vector.shape_cast %swap3A_132 : vector<1x16xf32> to vector<16xf32>
        %swap3A_134 = vector.shape_cast %mul3A_129 : vector<16xf32> to vector<1x16xf32>
        tpu.vector_store %arg11[%swap3A_130, %swap3A_131], %swap3A_134 {strides = array<i32>} : memref<128x144xf32, #tpu.memory_space<vmem>>, vector<1x16xf32>,
        %get3A_135 = arith.index_cast %scan3A_107 : i32 to index
        %get3A_136 = arith.constant 16 : index
        %get3A_137 = tpu.vector_load %arg11[%get3A_135, %get3A_136] {strides = array<i32>} : memref<128x144xf32, #tpu.memory_space<vmem>>, vector<1x16xf32>,
        %get3A_138 = vector.shape_cast %get3A_137 : vector<1x16xf32> to vector<16xf32>
        %mul3A_139 = vector.broadcast %squeeze3A : f32 to vector<16xf32>
        %mul3A_140 = arith.mulf %get3A_138, %mul3A_139 : vector<16xf32>
        %swap3A_141 = arith.index_cast %scan3A_107 : i32 to index
        %swap3A_142 = arith.constant 16 : index
        %swap3A_143 = tpu.vector_load %arg11[%swap3A_141, %swap3A_142] {strides = array<i32>} : memref<128x144xf32, #tpu.memory_space<vmem>>, vector<1x16xf32>,
        %swap3A_144 = vector.shape_cast %swap3A_143 : vector<1x16xf32> to vector<16xf32>
        %swap3A_145 = vector.shape_cast %mul3A_140 : vector<16xf32> to vector<1x16xf32>
        tpu.vector_store %arg11[%swap3A_141, %swap3A_142], %swap3A_145 {strides = array<i32>} : memref<128x144xf32, #tpu.memory_space<vmem>>, vector<1x16xf32>,
        %slice3A_146 = vector.extract_strided_slice %exp3A {offsets = [1], sizes = [1], strides = [1]} : vector<16xf32> to vector<1xf32>
        %squeeze3A_147 = vector.extract %slice3A_146[0] : f32 from vector<1xf32>
        %get3A_148 = arith.index_cast %scan3A_107 : i32 to index
        %get3A_149 = arith.constant 32 : index
        %get3A_150 = tpu.vector_load %arg11[%get3A_148, %get3A_149] {strides = array<i32>} : memref<128x144xf32, #tpu.memory_space<vmem>>, vector<1x16xf32>,
        %get3A_151 = vector.shape_cast %get3A_150 : vector<1x16xf32> to vector<16xf32>
        %mul3A_152 = vector.broadcast %squeeze3A_147 : f32 to vector<16xf32>
        %mul3A_153 = arith.mulf %get3A_151, %mul3A_152 : vector<16xf32>
        %swap3A_154 = arith.index_cast %scan3A_107 : i32 to index
        %swap3A_155 = arith.constant 32 : index
        %swap3A_156 = tpu.vector_load %arg11[%swap3A_154, %swap3A_155] {strides = array<i32>} : memref<128x144xf32, #tpu.memory_space<vmem>>, vector<1x16xf32>,
        %swap3A_157 = vector.shape_cast %swap3A_156 : vector<1x16xf32> to vector<16xf32>
        %swap3A_158 = vector.shape_cast %mul3A_153 : vector<16xf32> to vector<1x16xf32>
        tpu.vector_store %arg11[%swap3A_154, %swap3A_155], %swap3A_158 {strides = array<i32>} : memref<128x144xf32, #tpu.memory_space<vmem>>, vector<1x16xf32>,
        %get3A_159 = arith.index_cast %scan3A_107 : i32 to index
        %get3A_160 = arith.constant 48 : index
        %get3A_161 = tpu.vector_load %arg11[%get3A_159, %get3A_160] {strides = array<i32>} : memref<128x144xf32, #tpu.memory_space<vmem>>, vector<1x16xf32>,
        %get3A_162 = vector.shape_cast %get3A_161 : vector<1x16xf32> to vector<16xf32>
        %mul3A_163 = vector.broadcast %squeeze3A_147 : f32 to vector<16xf32>
        %mul3A_164 = arith.mulf %get3A_162, %mul3A_163 : vector<16xf32>
        %swap3A_165 = arith.index_cast %scan3A_107 : i32 to index
        %swap3A_166 = arith.constant 48 : index
        %swap3A_167 = tpu.vector_load %arg11[%swap3A_165, %swap3A_166] {strides = array<i32>} : memref<128x144xf32, #tpu.memory_space<vmem>>, vector<1x16xf32>,
        %swap3A_168 = vector.shape_cast %swap3A_167 : vector<1x16xf32> to vector<16xf32>
        %swap3A_169 = vector.shape_cast %mul3A_164 : vector<16xf32> to vector<1x16xf32>
        tpu.vector_store %arg11[%swap3A_165, %swap3A_166], %swap3A_169 {strides = array<i32>} : memref<128x144xf32, #tpu.memory_space<vmem>>, vector<1x16xf32>,
        %slice3A_170 = vector.extract_strided_slice %exp3A {offsets = [2], sizes = [1], strides = [1]} : vector<16xf32> to vector<1xf32>
        %squeeze3A_171 = vector.extract %slice3A_170[0] : f32 from vector<1xf32>
        %get3A_172 = arith.index_cast %scan3A_107 : i32 to index
        %get3A_173 = arith.constant 64 : index
        %get3A_174 = tpu.vector_load %arg11[%get3A_172, %get3A_173] {strides = array<i32>} : memref<128x144xf32, #tpu.memory_space<vmem>>, vector<1x16xf32>,
        %get3A_175 = vector.shape_cast %get3A_174 : vector<1x16xf32> to vector<16xf32>
        %mul3A_176 = vector.broadcast %squeeze3A_171 : f32 to vector<16xf32>
        %mul3A_177 = arith.mulf %get3A_175, %mul3A_176 : vector<16xf32>
        %swap3A_178 = arith.index_cast %scan3A_107 : i32 to index
        %swap3A_179 = arith.constant 64 : index
        %swap3A_180 = tpu.vector_load %arg11[%swap3A_178, %swap3A_179] {strides = array<i32>} : memref<128x144xf32, #tpu.memory_space<vmem>>, vector<1x16xf32>,
        %swap3A_181 = vector.shape_cast %swap3A_180 : vector<1x16xf32> to vector<16xf32>
        %swap3A_182 = vector.shape_cast %mul3A_177 : vector<16xf32> to vector<1x16xf32>
        tpu.vector_store %arg11[%swap3A_178, %swap3A_179], %swap3A_182 {strides = array<i32>} : memref<128x144xf32, #tpu.memory_space<vmem>>, vector<1x16xf32>,
        %get3A_183 = arith.index_cast %scan3A_107 : i32 to index
        %get3A_184 = arith.constant 80 : index
        %get3A_185 = tpu.vector_load %arg11[%get3A_183, %get3A_184] {strides = array<i32>} : memref<128x144xf32, #tpu.memory_space<vmem>>, vector<1x16xf32>,
        %get3A_186 = vector.shape_cast %get3A_185 : vector<1x16xf32> to vector<16xf32>
        %mul3A_187 = vector.broadcast %squeeze3A_171 : f32 to vector<16xf32>
        %mul3A_188 = arith.mulf %get3A_186, %mul3A_187 : vector<16xf32>
        %swap3A_189 = arith.index_cast %scan3A_107 : i32 to index
        %swap3A_190 = arith.constant 80 : index
        %swap3A_191 = tpu.vector_load %arg11[%swap3A_189, %swap3A_190] {strides = array<i32>} : memref<128x144xf32, #tpu.memory_space<vmem>>, vector<1x16xf32>,
        %swap3A_192 = vector.shape_cast %swap3A_191 : vector<1x16xf32> to vector<16xf32>
        %swap3A_193 = vector.shape_cast %mul3A_188 : vector<16xf32> to vector<1x16xf32>
        tpu.vector_store %arg11[%swap3A_189, %swap3A_190], %swap3A_193 {strides = array<i32>} : memref<128x144xf32, #tpu.memory_space<vmem>>, vector<1x16xf32>,
        %slice3A_194 = vector.extract_strided_slice %exp3A {offsets = [3], sizes = [1], strides = [1]} : vector<16xf32> to vector<1xf32>
        %squeeze3A_195 = vector.extract %slice3A_194[0] : f32 from vector<1xf32>
        %get3A_196 = arith.index_cast %scan3A_107 : i32 to index
        %get3A_197 = arith.constant 96 : index
        %get3A_198 = tpu.vector_load %arg11[%get3A_196, %get3A_197] {strides = array<i32>} : memref<128x144xf32, #tpu.memory_space<vmem>>, vector<1x16xf32>,
        %get3A_199 = vector.shape_cast %get3A_198 : vector<1x16xf32> to vector<16xf32>
        %mul3A_200 = vector.broadcast %squeeze3A_195 : f32 to vector<16xf32>
        %mul3A_201 = arith.mulf %get3A_199, %mul3A_200 : vector<16xf32>
        %swap3A_202 = arith.index_cast %scan3A_107 : i32 to index
        %swap3A_203 = arith.constant 96 : index
        %swap3A_204 = tpu.vector_load %arg11[%swap3A_202, %swap3A_203] {strides = array<i32>} : memref<128x144xf32, #tpu.memory_space<vmem>>, vector<1x16xf32>,
        %swap3A_205 = vector.shape_cast %swap3A_204 : vector<1x16xf32> to vector<16xf32>
        %swap3A_206 = vector.shape_cast %mul3A_201 : vector<16xf32> to vector<1x16xf32>
        tpu.vector_store %arg11[%swap3A_202, %swap3A_203], %swap3A_206 {strides = array<i32>} : memref<128x144xf32, #tpu.memory_space<vmem>>, vector<1x16xf32>,
        %get3A_207 = arith.index_cast %scan3A_107 : i32 to index
        %get3A_208 = arith.constant 112 : index
        %get3A_209 = tpu.vector_load %arg11[%get3A_207, %get3A_208] {strides = array<i32>} : memref<128x144xf32, #tpu.memory_space<vmem>>, vector<1x16xf32>,
        %get3A_210 = vector.shape_cast %get3A_209 : vector<1x16xf32> to vector<16xf32>
        %mul3A_211 = vector.broadcast %squeeze3A_195 : f32 to vector<16xf32>
        %mul3A_212 = arith.mulf %get3A_210, %mul3A_211 : vector<16xf32>
        %swap3A_213 = arith.index_cast %scan3A_107 : i32 to index
        %swap3A_214 = arith.constant 112 : index
        %swap3A_215 = tpu.vector_load %arg11[%swap3A_213, %swap3A_214] {strides = array<i32>} : memref<128x144xf32, #tpu.memory_space<vmem>>, vector<1x16xf32>,
        %swap3A_216 = vector.shape_cast %swap3A_215 : vector<1x16xf32> to vector<16xf32>
        %swap3A_217 = vector.shape_cast %mul3A_212 : vector<16xf32> to vector<1x16xf32>
        tpu.vector_store %arg11[%swap3A_213, %swap3A_214], %swap3A_217 {strides = array<i32>} : memref<128x144xf32, #tpu.memory_space<vmem>>, vector<1x16xf32>,
        %scan3A_218 = arith.constant 0 : i32
        scf.yield %scan3A_218 : i32
      }
      %scan3A_76 = arith.constant 128 : i32
      "tpu.region"() ({
        %run_scoped3A = tpu.sem_alloc : memref<!tpu.dma_semaphore, #tpu.memory_space<semaphore_mem>>
        %dma_start3A_107 = arith.constant 0 : i32
        %dma_start3A_108 = arith.constant 0 : i32
        %dma_start3A_109 = tpu.memref_slice %arg14[%dma_start3A_107, %dma_start3A_108] : memref<10112x144xf32, #tpu.memory_space<vmem_shared>> -> memref<10112x144xf32, #tpu.memory_space<vmem_shared>>
        tpu.enqueue_indirect_dma source(%arg11 : memref<128x144xf32, #tpu.memory_space<vmem>>) target(%dma_start3A_109 : memref<10112x144xf32, #tpu.memory_space<vmem_shared>>) offsets(%arg8 : memref<128xi32, #tpu.memory_space<vmem>>) semaphore(%run_scoped3A : memref<!tpu.dma_semaphore, #tpu.memory_space<semaphore_mem>>) {add = true}
        %dma_wait3A_110 = arith.constant 0 : i32
        %dma_wait3A_111 = arith.constant 0 : i32
        %dma_wait3A_112 = tpu.memref_slice %arg14[%dma_wait3A_110, %dma_wait3A_111] : memref<10112x144xf32, #tpu.memory_space<vmem_shared>> -> memref<10112x144xf32, #tpu.memory_space<vmem_shared>>
        tpu.wait_indirect_dma semaphore(%run_scoped3A : memref<!tpu.dma_semaphore, #tpu.memory_space<semaphore_mem>>) src(%arg11 : memref<128x144xf32, #tpu.memory_space<vmem>>) dst(%dma_wait3A_112 : memref<10112x144xf32, #tpu.memory_space<vmem_shared>>)
        tpu.yield
      }) : () -> ()
      %add3A_77 = arith.constant 2 : i32
      %add3A_78 = arith.addi %mul3A_50, %add3A_77 : i32
      %ge3A = arith.constant 80 : i32
      %ge3A_79 = arith.cmpi sge, %add3A_78, %ge3A : i32
      %add3A_80 = arith.constant 2 : i32
      %add3A_81 = arith.addi %mul3A_50, %add3A_80 : i32
      %jit3A = arith.constant 0 : i32
      %select_n3A = arith.select %ge3A_79, %jit3A, %add3A_81 : i32
      %mul3A_82 = arith.constant 32 : i32
      %mul3A_83 = arith.muli %select_n3A, %mul3A_82 : i32
      %add3A_84 = arith.addi %mul3A_83, %add3A : i32
      %mul3A_85 = arith.constant 128 : i32
      %mul3A_86 = arith.muli %add3A_84, %mul3A_85 : i32
      "tpu.region"() ({
        %run_scoped3A = tpu.sem_alloc : memref<!tpu.dma_semaphore, #tpu.memory_space<semaphore_mem>>
        %dma_start3A_107 = tpu.memref_slice %arg2[%mul3A_86] : memref<327680xi32, #tpu.memory_space<hbm>> -> memref<128xi32, #tpu.memory_space<hbm>>
        %dma_start3A_108 = tpu.memref_slice %arg2[%mul3A_86] : memref<327680xi32, #tpu.memory_space<hbm>> -> memref<128xi32, #tpu.memory_space<hbm>>
        tpu.enqueue_dma source(%dma_start3A_108 : memref<128xi32, #tpu.memory_space<hbm>>) target(%arg7 : memref<128xi32, #tpu.memory_space<vmem>>) target_semaphore(%run_scoped3A : memref<!tpu.dma_semaphore, #tpu.memory_space<semaphore_mem>>)
        %dma_wait3A_109 = tpu.memref_slice %arg2[%mul3A_86] : memref<327680xi32, #tpu.memory_space<hbm>> -> memref<128xi32, #tpu.memory_space<hbm>>
        %dma_wait3A_110 = tpu.memref_slice %arg2[%mul3A_86] : memref<327680xi32, #tpu.memory_space<hbm>> -> memref<128xi32, #tpu.memory_space<hbm>>
        tpu.wait_dma2 semaphore(%run_scoped3A : memref<!tpu.dma_semaphore, #tpu.memory_space<semaphore_mem>>) src(%dma_wait3A_110 : memref<128xi32, #tpu.memory_space<hbm>>) dst(%arg7 : memref<128xi32, #tpu.memory_space<vmem>>)
        tpu.yield
      }) : () -> ()
      "tpu.region"() ({
        %run_scoped3A = tpu.sem_alloc : memref<!tpu.dma_semaphore, #tpu.memory_space<semaphore_mem>>
        %dma_start3A_107 = tpu.memref_slice %arg3[%mul3A_86] : memref<327680xi32, #tpu.memory_space<hbm>> -> memref<128xi32, #tpu.memory_space<hbm>>
        %dma_start3A_108 = tpu.memref_slice %arg3[%mul3A_86] : memref<327680xi32, #tpu.memory_space<hbm>> -> memref<128xi32, #tpu.memory_space<hbm>>
        tpu.enqueue_dma source(%dma_start3A_108 : memref<128xi32, #tpu.memory_space<hbm>>) target(%arg8 : memref<128xi32, #tpu.memory_space<vmem>>) target_semaphore(%run_scoped3A : memref<!tpu.dma_semaphore, #tpu.memory_space<semaphore_mem>>)
        %dma_wait3A_109 = tpu.memref_slice %arg3[%mul3A_86] : memref<327680xi32, #tpu.memory_space<hbm>> -> memref<128xi32, #tpu.memory_space<hbm>>
        %dma_wait3A_110 = tpu.memref_slice %arg3[%mul3A_86] : memref<327680xi32, #tpu.memory_space<hbm>> -> memref<128xi32, #tpu.memory_space<hbm>>
        tpu.wait_dma2 semaphore(%run_scoped3A : memref<!tpu.dma_semaphore, #tpu.memory_space<semaphore_mem>>) src(%dma_wait3A_110 : memref<128xi32, #tpu.memory_space<hbm>>) dst(%arg8 : memref<128xi32, #tpu.memory_space<vmem>>)
        tpu.yield
      }) : () -> ()
      %dma_start3A_87 = arith.constant 0 : i32
      %dma_start3A_88 = arith.constant 0 : i32
      %dma_start3A_89 = tpu.memref_slice %arg4[%dma_start3A_87, %dma_start3A_88] : memref<10112x144xf32, #tpu.memory_space<hbm>> -> memref<10112x144xf32, #tpu.memory_space<hbm>>
      tpu.enqueue_indirect_dma source(%dma_start3A_89 : memref<10112x144xf32, #tpu.memory_space<hbm>>) target(%arg11 : memref<128x144xf32, #tpu.memory_space<vmem>>) offsets(%arg7 : memref<128xi32, #tpu.memory_space<vmem>>) semaphore(%arg15 : memref<!tpu.dma_semaphore, #tpu.memory_space<semaphore_mem>>)
      %dma_wait3A_90 = arith.constant 0 : i32
      %dma_wait3A_91 = arith.constant 0 : i32
      %dma_wait3A_92 = tpu.memref_slice %arg4[%dma_wait3A_90, %dma_wait3A_91] : memref<10112x144xf32, #tpu.memory_space<hbm>> -> memref<10112x144xf32, #tpu.memory_space<hbm>>
      tpu.wait_indirect_dma semaphore(%arg15 : memref<!tpu.dma_semaphore, #tpu.memory_space<semaphore_mem>>) src(%dma_wait3A_92 : memref<10112x144xf32, #tpu.memory_space<hbm>>) dst(%arg11 : memref<128x144xf32, #tpu.memory_space<vmem>>)
      %dma_start3A_93 = arith.constant 0 : i32
      %dma_start3A_94 = arith.constant 0 : i32
      %dma_start3A_95 = tpu.memref_slice %arg5[%dma_start3A_93, %dma_start3A_94] : memref<10112x16xf32, #tpu.memory_space<hbm>> -> memref<10112x16xf32, #tpu.memory_space<hbm>>
      tpu.enqueue_indirect_dma source(%dma_start3A_95 : memref<10112x16xf32, #tpu.memory_space<hbm>>) target(%arg13 : memref<128x16xf32, #tpu.memory_space<vmem>>) offsets(%arg10 : memref<128xi32, #tpu.memory_space<vmem>>) semaphore(%arg16 : memref<!tpu.dma_semaphore, #tpu.memory_space<semaphore_mem>>)
      %dma_wait3A_96 = arith.constant 0 : i32
      %dma_wait3A_97 = arith.constant 0 : i32
      %dma_wait3A_98 = tpu.memref_slice %arg5[%dma_wait3A_96, %dma_wait3A_97] : memref<10112x16xf32, #tpu.memory_space<hbm>> -> memref<10112x16xf32, #tpu.memory_space<hbm>>
      tpu.wait_indirect_dma semaphore(%arg16 : memref<!tpu.dma_semaphore, #tpu.memory_space<semaphore_mem>>) src(%dma_wait3A_98 : memref<10112x16xf32, #tpu.memory_space<hbm>>) dst(%arg13 : memref<128x16xf32, #tpu.memory_space<vmem>>)
      %scan3A_99 = arith.constant 0 : i32
      %scan3A_100 = arith.constant 0 : i32
      %scan3A_101 = arith.constant 128 : i32
      %scan3A_102 = arith.addi %scan3A_100, %scan3A_101 : i32
      %scan3A_103 = arith.constant 1 : i32
      %scan3A_104 = scf.for %scan3A_107 = %scan3A_100 to %scan3A_102 step %scan3A_103 iter_args(%scan3A_108 = %scan3A_99) -> (i32)  : i32 {
        %get3A = arith.index_cast %scan3A_107 : i32 to index
        %get3A_109 = arith.constant 128 : index
        %get3A_110 = tpu.vector_load %arg12[%get3A, %get3A_109] {strides = array<i32>} : memref<128x144xf32, #tpu.memory_space<vmem>>, vector<1x16xf32>,
        %get3A_111 = vector.shape_cast %get3A_110 : vector<1x16xf32> to vector<16xf32>
        %get3A_112 = arith.index_cast %scan3A_107 : i32 to index
        %get3A_113 = arith.constant 0 : index
        %get3A_114 = tpu.vector_load %arg13[%get3A_112, %get3A_113] {strides = array<i32>} : memref<128x16xf32, #tpu.memory_space<vmem>>, vector<1x16xf32>,
        %get3A_115 = vector.shape_cast %get3A_114 : vector<1x16xf32> to vector<16xf32>
        %add3A_116 = arith.addf %get3A_111, %get3A_115 : vector<16xf32>
        %mul3A_117 = arith.constant 2.000000e-01 : f32
        %mul3A_118 = vector.broadcast %mul3A_117 : f32 to vector<16xf32>
        %mul3A_119 = arith.mulf %mul3A_118, %add3A_116 : vector<16xf32>
        %max3A = arith.maximumf %add3A_116, %mul3A_119 : vector<16xf32>
        %exp3A = math.exp %max3A : vector<16xf32>
        %swap3A = arith.index_cast %scan3A_107 : i32 to index
        %swap3A_120 = arith.constant 128 : index
        %swap3A_121 = tpu.vector_load %arg12[%swap3A, %swap3A_120] {strides = array<i32>} : memref<128x144xf32, #tpu.memory_space<vmem>>, vector<1x16xf32>,
        %swap3A_122 = vector.shape_cast %swap3A_121 : vector<1x16xf32> to vector<16xf32>
        %swap3A_123 = vector.shape_cast %exp3A : vector<16xf32> to vector<1x16xf32>
        tpu.vector_store %arg12[%swap3A, %swap3A_120], %swap3A_123 {strides = array<i32>} : memref<128x144xf32, #tpu.memory_space<vmem>>, vector<1x16xf32>,
        %slice3A = vector.extract_strided_slice %exp3A {offsets = [0], sizes = [1], strides = [1]} : vector<16xf32> to vector<1xf32>
        %squeeze3A = vector.extract %slice3A[0] : f32 from vector<1xf32>
        %get3A_124 = arith.index_cast %scan3A_107 : i32 to index
        %get3A_125 = arith.constant 0 : index
        %get3A_126 = tpu.vector_load %arg12[%get3A_124, %get3A_125] {strides = array<i32>} : memref<128x144xf32, #tpu.memory_space<vmem>>, vector<1x16xf32>,
        %get3A_127 = vector.shape_cast %get3A_126 : vector<1x16xf32> to vector<16xf32>
        %mul3A_128 = vector.broadcast %squeeze3A : f32 to vector<16xf32>
        %mul3A_129 = arith.mulf %get3A_127, %mul3A_128 : vector<16xf32>
        %swap3A_130 = arith.index_cast %scan3A_107 : i32 to index
        %swap3A_131 = arith.constant 0 : index
        %swap3A_132 = tpu.vector_load %arg12[%swap3A_130, %swap3A_131] {strides = array<i32>} : memref<128x144xf32, #tpu.memory_space<vmem>>, vector<1x16xf32>,
        %swap3A_133 = vector.shape_cast %swap3A_132 : vector<1x16xf32> to vector<16xf32>
        %swap3A_134 = vector.shape_cast %mul3A_129 : vector<16xf32> to vector<1x16xf32>
        tpu.vector_store %arg12[%swap3A_130, %swap3A_131], %swap3A_134 {strides = array<i32>} : memref<128x144xf32, #tpu.memory_space<vmem>>, vector<1x16xf32>,
        %get3A_135 = arith.index_cast %scan3A_107 : i32 to index
        %get3A_136 = arith.constant 16 : index
        %get3A_137 = tpu.vector_load %arg12[%get3A_135, %get3A_136] {strides = array<i32>} : memref<128x144xf32, #tpu.memory_space<vmem>>, vector<1x16xf32>,
        %get3A_138 = vector.shape_cast %get3A_137 : vector<1x16xf32> to vector<16xf32>
        %mul3A_139 = vector.broadcast %squeeze3A : f32 to vector<16xf32>
        %mul3A_140 = arith.mulf %get3A_138, %mul3A_139 : vector<16xf32>
        %swap3A_141 = arith.index_cast %scan3A_107 : i32 to index
        %swap3A_142 = arith.constant 16 : index
        %swap3A_143 = tpu.vector_load %arg12[%swap3A_141, %swap3A_142] {strides = array<i32>} : memref<128x144xf32, #tpu.memory_space<vmem>>, vector<1x16xf32>,
        %swap3A_144 = vector.shape_cast %swap3A_143 : vector<1x16xf32> to vector<16xf32>
        %swap3A_145 = vector.shape_cast %mul3A_140 : vector<16xf32> to vector<1x16xf32>
        tpu.vector_store %arg12[%swap3A_141, %swap3A_142], %swap3A_145 {strides = array<i32>} : memref<128x144xf32, #tpu.memory_space<vmem>>, vector<1x16xf32>,
        %slice3A_146 = vector.extract_strided_slice %exp3A {offsets = [1], sizes = [1], strides = [1]} : vector<16xf32> to vector<1xf32>
        %squeeze3A_147 = vector.extract %slice3A_146[0] : f32 from vector<1xf32>
        %get3A_148 = arith.index_cast %scan3A_107 : i32 to index
        %get3A_149 = arith.constant 32 : index
        %get3A_150 = tpu.vector_load %arg12[%get3A_148, %get3A_149] {strides = array<i32>} : memref<128x144xf32, #tpu.memory_space<vmem>>, vector<1x16xf32>,
        %get3A_151 = vector.shape_cast %get3A_150 : vector<1x16xf32> to vector<16xf32>
        %mul3A_152 = vector.broadcast %squeeze3A_147 : f32 to vector<16xf32>
        %mul3A_153 = arith.mulf %get3A_151, %mul3A_152 : vector<16xf32>
        %swap3A_154 = arith.index_cast %scan3A_107 : i32 to index
        %swap3A_155 = arith.constant 32 : index
        %swap3A_156 = tpu.vector_load %arg12[%swap3A_154, %swap3A_155] {strides = array<i32>} : memref<128x144xf32, #tpu.memory_space<vmem>>, vector<1x16xf32>,
        %swap3A_157 = vector.shape_cast %swap3A_156 : vector<1x16xf32> to vector<16xf32>
        %swap3A_158 = vector.shape_cast %mul3A_153 : vector<16xf32> to vector<1x16xf32>
        tpu.vector_store %arg12[%swap3A_154, %swap3A_155], %swap3A_158 {strides = array<i32>} : memref<128x144xf32, #tpu.memory_space<vmem>>, vector<1x16xf32>,
        %get3A_159 = arith.index_cast %scan3A_107 : i32 to index
        %get3A_160 = arith.constant 48 : index
        %get3A_161 = tpu.vector_load %arg12[%get3A_159, %get3A_160] {strides = array<i32>} : memref<128x144xf32, #tpu.memory_space<vmem>>, vector<1x16xf32>,
        %get3A_162 = vector.shape_cast %get3A_161 : vector<1x16xf32> to vector<16xf32>
        %mul3A_163 = vector.broadcast %squeeze3A_147 : f32 to vector<16xf32>
        %mul3A_164 = arith.mulf %get3A_162, %mul3A_163 : vector<16xf32>
        %swap3A_165 = arith.index_cast %scan3A_107 : i32 to index
        %swap3A_166 = arith.constant 48 : index
        %swap3A_167 = tpu.vector_load %arg12[%swap3A_165, %swap3A_166] {strides = array<i32>} : memref<128x144xf32, #tpu.memory_space<vmem>>, vector<1x16xf32>,
        %swap3A_168 = vector.shape_cast %swap3A_167 : vector<1x16xf32> to vector<16xf32>
        %swap3A_169 = vector.shape_cast %mul3A_164 : vector<16xf32> to vector<1x16xf32>
        tpu.vector_store %arg12[%swap3A_165, %swap3A_166], %swap3A_169 {strides = array<i32>} : memref<128x144xf32, #tpu.memory_space<vmem>>, vector<1x16xf32>,
        %slice3A_170 = vector.extract_strided_slice %exp3A {offsets = [2], sizes = [1], strides = [1]} : vector<16xf32> to vector<1xf32>
        %squeeze3A_171 = vector.extract %slice3A_170[0] : f32 from vector<1xf32>
        %get3A_172 = arith.index_cast %scan3A_107 : i32 to index
        %get3A_173 = arith.constant 64 : index
        %get3A_174 = tpu.vector_load %arg12[%get3A_172, %get3A_173] {strides = array<i32>} : memref<128x144xf32, #tpu.memory_space<vmem>>, vector<1x16xf32>,
        %get3A_175 = vector.shape_cast %get3A_174 : vector<1x16xf32> to vector<16xf32>
        %mul3A_176 = vector.broadcast %squeeze3A_171 : f32 to vector<16xf32>
        %mul3A_177 = arith.mulf %get3A_175, %mul3A_176 : vector<16xf32>
        %swap3A_178 = arith.index_cast %scan3A_107 : i32 to index
        %swap3A_179 = arith.constant 64 : index
        %swap3A_180 = tpu.vector_load %arg12[%swap3A_178, %swap3A_179] {strides = array<i32>} : memref<128x144xf32, #tpu.memory_space<vmem>>, vector<1x16xf32>,
        %swap3A_181 = vector.shape_cast %swap3A_180 : vector<1x16xf32> to vector<16xf32>
        %swap3A_182 = vector.shape_cast %mul3A_177 : vector<16xf32> to vector<1x16xf32>
        tpu.vector_store %arg12[%swap3A_178, %swap3A_179], %swap3A_182 {strides = array<i32>} : memref<128x144xf32, #tpu.memory_space<vmem>>, vector<1x16xf32>,
        %get3A_183 = arith.index_cast %scan3A_107 : i32 to index
        %get3A_184 = arith.constant 80 : index
        %get3A_185 = tpu.vector_load %arg12[%get3A_183, %get3A_184] {strides = array<i32>} : memref<128x144xf32, #tpu.memory_space<vmem>>, vector<1x16xf32>,
        %get3A_186 = vector.shape_cast %get3A_185 : vector<1x16xf32> to vector<16xf32>
        %mul3A_187 = vector.broadcast %squeeze3A_171 : f32 to vector<16xf32>
        %mul3A_188 = arith.mulf %get3A_186, %mul3A_187 : vector<16xf32>
        %swap3A_189 = arith.index_cast %scan3A_107 : i32 to index
        %swap3A_190 = arith.constant 80 : index
        %swap3A_191 = tpu.vector_load %arg12[%swap3A_189, %swap3A_190] {strides = array<i32>} : memref<128x144xf32, #tpu.memory_space<vmem>>, vector<1x16xf32>,
        %swap3A_192 = vector.shape_cast %swap3A_191 : vector<1x16xf32> to vector<16xf32>
        %swap3A_193 = vector.shape_cast %mul3A_188 : vector<16xf32> to vector<1x16xf32>
        tpu.vector_store %arg12[%swap3A_189, %swap3A_190], %swap3A_193 {strides = array<i32>} : memref<128x144xf32, #tpu.memory_space<vmem>>, vector<1x16xf32>,
        %slice3A_194 = vector.extract_strided_slice %exp3A {offsets = [3], sizes = [1], strides = [1]} : vector<16xf32> to vector<1xf32>
        %squeeze3A_195 = vector.extract %slice3A_194[0] : f32 from vector<1xf32>
        %get3A_196 = arith.index_cast %scan3A_107 : i32 to index
        %get3A_197 = arith.constant 96 : index
        %get3A_198 = tpu.vector_load %arg12[%get3A_196, %get3A_197] {strides = array<i32>} : memref<128x144xf32, #tpu.memory_space<vmem>>, vector<1x16xf32>,
        %get3A_199 = vector.shape_cast %get3A_198 : vector<1x16xf32> to vector<16xf32>
        %mul3A_200 = vector.broadcast %squeeze3A_195 : f32 to vector<16xf32>
        %mul3A_201 = arith.mulf %get3A_199, %mul3A_200 : vector<16xf32>
        %swap3A_202 = arith.index_cast %scan3A_107 : i32 to index
        %swap3A_203 = arith.constant 96 : index
        %swap3A_204 = tpu.vector_load %arg12[%swap3A_202, %swap3A_203] {strides = array<i32>} : memref<128x144xf32, #tpu.memory_space<vmem>>, vector<1x16xf32>,
        %swap3A_205 = vector.shape_cast %swap3A_204 : vector<1x16xf32> to vector<16xf32>
        %swap3A_206 = vector.shape_cast %mul3A_201 : vector<16xf32> to vector<1x16xf32>
        tpu.vector_store %arg12[%swap3A_202, %swap3A_203], %swap3A_206 {strides = array<i32>} : memref<128x144xf32, #tpu.memory_space<vmem>>, vector<1x16xf32>,
        %get3A_207 = arith.index_cast %scan3A_107 : i32 to index
        %get3A_208 = arith.constant 112 : index
        %get3A_209 = tpu.vector_load %arg12[%get3A_207, %get3A_208] {strides = array<i32>} : memref<128x144xf32, #tpu.memory_space<vmem>>, vector<1x16xf32>,
        %get3A_210 = vector.shape_cast %get3A_209 : vector<1x16xf32> to vector<16xf32>
        %mul3A_211 = vector.broadcast %squeeze3A_195 : f32 to vector<16xf32>
        %mul3A_212 = arith.mulf %get3A_210, %mul3A_211 : vector<16xf32>
        %swap3A_213 = arith.index_cast %scan3A_107 : i32 to index
        %swap3A_214 = arith.constant 112 : index
        %swap3A_215 = tpu.vector_load %arg12[%swap3A_213, %swap3A_214] {strides = array<i32>} : memref<128x144xf32, #tpu.memory_space<vmem>>, vector<1x16xf32>,
        %swap3A_216 = vector.shape_cast %swap3A_215 : vector<1x16xf32> to vector<16xf32>
        %swap3A_217 = vector.shape_cast %mul3A_212 : vector<16xf32> to vector<1x16xf32>
        tpu.vector_store %arg12[%swap3A_213, %swap3A_214], %swap3A_217 {strides = array<i32>} : memref<128x144xf32, #tpu.memory_space<vmem>>, vector<1x16xf32>,
        %scan3A_218 = arith.constant 0 : i32
        scf.yield %scan3A_218 : i32
      }
      %scan3A_105 = arith.constant 128 : i32
      "tpu.region"() ({
        %run_scoped3A = tpu.sem_alloc : memref<!tpu.dma_semaphore, #tpu.memory_space<semaphore_mem>>
        %dma_start3A_107 = arith.constant 0 : i32
        %dma_start3A_108 = arith.constant 0 : i32
        %dma_start3A_109 = tpu.memref_slice %arg14[%dma_start3A_107, %dma_start3A_108] : memref<10112x144xf32, #tpu.memory_space<vmem_shared>> -> memref<10112x144xf32, #tpu.memory_space<vmem_shared>>
        tpu.enqueue_indirect_dma source(%arg12 : memref<128x144xf32, #tpu.memory_space<vmem>>) target(%dma_start3A_109 : memref<10112x144xf32, #tpu.memory_space<vmem_shared>>) offsets(%arg10 : memref<128xi32, #tpu.memory_space<vmem>>) semaphore(%run_scoped3A : memref<!tpu.dma_semaphore, #tpu.memory_space<semaphore_mem>>) {add = true}
        %dma_wait3A_110 = arith.constant 0 : i32
        %dma_wait3A_111 = arith.constant 0 : i32
        %dma_wait3A_112 = tpu.memref_slice %arg14[%dma_wait3A_110, %dma_wait3A_111] : memref<10112x144xf32, #tpu.memory_space<vmem_shared>> -> memref<10112x144xf32, #tpu.memory_space<vmem_shared>>
        tpu.wait_indirect_dma semaphore(%run_scoped3A : memref<!tpu.dma_semaphore, #tpu.memory_space<semaphore_mem>>) src(%arg12 : memref<128x144xf32, #tpu.memory_space<vmem>>) dst(%dma_wait3A_112 : memref<10112x144xf32, #tpu.memory_space<vmem_shared>>)
        tpu.yield
      }) : () -> ()
      %scan3A_106 = arith.constant 0 : i32
      scf.yield %scan3A_106 : i32
    }
    %scan3A_39 = arith.constant 40 : i32
    %dma_wait3A = arith.constant 0 : i32
    %dma_wait3A_40 = arith.constant 0 : i32
    %dma_wait3A_41 = tpu.memref_slice %arg4[%dma_wait3A, %dma_wait3A_40] : memref<10112x144xf32, #tpu.memory_space<hbm>> -> memref<10112x144xf32, #tpu.memory_space<hbm>>
    tpu.wait_indirect_dma semaphore(%arg15 : memref<!tpu.dma_semaphore, #tpu.memory_space<semaphore_mem>>) src(%dma_wait3A_41 : memref<10112x144xf32, #tpu.memory_space<hbm>>) dst(%arg11 : memref<128x144xf32, #tpu.memory_space<vmem>>)
    %barrier3A_42 = arith.constant 0 : index
    tpu.barrier barrier_id(%barrier3A_42)
    %mul3A_43 = arith.constant 632 : i32
    %mul3A_44 = arith.muli %arg1, %mul3A_43 : i32
    %mul3A_45 = arith.constant 632 : i32
    %mul3A_46 = arith.muli %arg1, %mul3A_45 : i32
    "tpu.region"() ({
      %run_scoped3A = tpu.sem_alloc : memref<!tpu.dma_semaphore, #tpu.memory_space<semaphore_mem>>
      %dma_start3A_47 = arith.constant 0 : i32
      %dma_start3A_48 = tpu.memref_slice %arg6[%arg0, %mul3A_46, %dma_start3A_47] : memref<2x10112x144xf32, #tpu.memory_space<hbm>> -> memref<1x632x144xf32, #tpu.memory_space<hbm>>
      %dma_start3A_49 = tpu.memref_squeeze %dma_start3A_48 : memref<1x632x144xf32, #tpu.memory_space<hbm>> -> memref<632x144xf32, #tpu.memory_space<hbm>>
      %dma_start3A_50 = arith.constant 0 : i32
      %dma_start3A_51 = tpu.memref_slice %arg14[%mul3A_44, %dma_start3A_50] : memref<10112x144xf32, #tpu.memory_space<vmem_shared>> -> memref<632x144xf32, #tpu.memory_space<vmem_shared>>
      tpu.enqueue_dma source(%dma_start3A_51 : memref<632x144xf32, #tpu.memory_space<vmem_shared>>) target(%dma_start3A_49 : memref<632x144xf32, #tpu.memory_space<hbm>>) target_semaphore(%run_scoped3A : memref<!tpu.dma_semaphore, #tpu.memory_space<semaphore_mem>>)
      %dma_wait3A_52 = arith.constant 0 : i32
      %dma_wait3A_53 = tpu.memref_slice %arg6[%arg0, %mul3A_46, %dma_wait3A_52] : memref<2x10112x144xf32, #tpu.memory_space<hbm>> -> memref<1x632x144xf32, #tpu.memory_space<hbm>>
      %dma_wait3A_54 = tpu.memref_squeeze %dma_wait3A_53 : memref<1x632x144xf32, #tpu.memory_space<hbm>> -> memref<632x144xf32, #tpu.memory_space<hbm>>
      %dma_wait3A_55 = arith.constant 0 : i32
      %dma_wait3A_56 = tpu.memref_slice %arg14[%mul3A_44, %dma_wait3A_55] : memref<10112x144xf32, #tpu.memory_space<vmem_shared>> -> memref<632x144xf32, #tpu.memory_space<vmem_shared>>
      tpu.wait_dma2 semaphore(%run_scoped3A : memref<!tpu.dma_semaphore, #tpu.memory_space<semaphore_mem>>) src(%dma_wait3A_56 : memref<632x144xf32, #tpu.memory_space<vmem_shared>>) dst(%dma_wait3A_54 : memref<632x144xf32, #tpu.memory_space<hbm>>)
      tpu.yield
    }) : () -> ()
    return
  }
}

#map = affine_map<(d0, d1) -> (0)>
#map1 = affine_map<(d0, d1) -> (0, 0)>
#map2 = affine_map<(d0, d1) -> (0, 0, 0)>
module attributes {stable_mosaic.version = 14 : i64} {
  func.func @edge_kernel(%arg0: i32, %arg1: i32, %arg2: memref<327680xi32, #tpu.memory_space<hbm>>, %arg3: memref<327680xi32, #tpu.memory_space<hbm>>, %arg4: memref<10112x48xf32, #tpu.memory_space<hbm>>, %arg5: memref<10112x16xf32, #tpu.memory_space<hbm>>, %arg6: memref<2x10112x48xf32, #tpu.memory_space<hbm>>, %arg7: memref<128xi32, #tpu.memory_space<vmem>>, %arg8: memref<128xi32, #tpu.memory_space<vmem>>, %arg9: memref<128xi32, #tpu.memory_space<vmem>>, %arg10: memref<128xi32, #tpu.memory_space<vmem>>, %arg11: memref<128x48xf32, #tpu.memory_space<vmem>>, %arg12: memref<128x48xf32, #tpu.memory_space<vmem>>, %arg13: memref<128x16xf32, #tpu.memory_space<vmem>>, %arg14: memref<10112x48xf32, #tpu.memory_space<vmem_shared>>, %arg15: memref<!tpu.dma_semaphore, #tpu.memory_space<semaphore_mem>>, %arg16: memref<!tpu.dma_semaphore, #tpu.memory_space<semaphore_mem>>) attributes {dimension_semantics = [#tpu.dimension_semantics<core_parallel>, #tpu.dimension_semantics<subcore_parallel>], iteration_bounds = array<i64: 2, 16>, scalar_prefetch = 0 : i64, scratch_operands = 10 : i64, tpu.core_type = #tpu.core_type<sc_vector_subcore>, window_params = [{transform_indices = #map}, {transform_indices = #map}, {transform_indices = #map1}, {transform_indices = #map1}, {transform_indices = #map2}]} {
    %mul3A = arith.constant 16 : i32
    %mul3A_0 = arith.muli %arg0, %mul3A : i32
    %add3A = arith.addi %mul3A_0, %arg1 : i32
    %scan3A = arith.constant 0 : i32
    %scan3A_1 = arith.constant 0 : i32
    %scan3A_2 = arith.constant 128 : i32
    %scan3A_3 = arith.addi %scan3A_1, %scan3A_2 : i32
    %scan3A_4 = arith.constant 1 : i32
    %scan3A_5 = scf.for %scan3A_47 = %scan3A_1 to %scan3A_3 step %scan3A_4 iter_args(%scan3A_48 = %scan3A) -> (i32)  : i32 {
      %broadcast_in_dim3A = arith.constant 0.000000e+00 : f32
      %broadcast_in_dim3A_49 = vector.broadcast %broadcast_in_dim3A : f32 to vector<16xf32>
      %swap3A = arith.index_cast %scan3A_47 : i32 to index
      %swap3A_50 = arith.constant 0 : index
      %swap3A_51 = tpu.vector_load %arg11[%swap3A, %swap3A_50] {strides = array<i32>} : memref<128x48xf32, #tpu.memory_space<vmem>>, vector<1x16xf32>,
      %swap3A_52 = vector.shape_cast %swap3A_51 : vector<1x16xf32> to vector<16xf32>
      %swap3A_53 = vector.shape_cast %broadcast_in_dim3A_49 : vector<16xf32> to vector<1x16xf32>
      tpu.vector_store %arg11[%swap3A, %swap3A_50], %swap3A_53 {strides = array<i32>} : memref<128x48xf32, #tpu.memory_space<vmem>>, vector<1x16xf32>,
      %broadcast_in_dim3A_54 = arith.constant 0.000000e+00 : f32
      %broadcast_in_dim3A_55 = vector.broadcast %broadcast_in_dim3A_54 : f32 to vector<16xf32>
      %swap3A_56 = arith.index_cast %scan3A_47 : i32 to index
      %swap3A_57 = arith.constant 16 : index
      %swap3A_58 = tpu.vector_load %arg11[%swap3A_56, %swap3A_57] {strides = array<i32>} : memref<128x48xf32, #tpu.memory_space<vmem>>, vector<1x16xf32>,
      %swap3A_59 = vector.shape_cast %swap3A_58 : vector<1x16xf32> to vector<16xf32>
      %swap3A_60 = vector.shape_cast %broadcast_in_dim3A_55 : vector<16xf32> to vector<1x16xf32>
      tpu.vector_store %arg11[%swap3A_56, %swap3A_57], %swap3A_60 {strides = array<i32>} : memref<128x48xf32, #tpu.memory_space<vmem>>, vector<1x16xf32>,
      %broadcast_in_dim3A_61 = arith.constant 0.000000e+00 : f32
      %broadcast_in_dim3A_62 = vector.broadcast %broadcast_in_dim3A_61 : f32 to vector<16xf32>
      %swap3A_63 = arith.index_cast %scan3A_47 : i32 to index
      %swap3A_64 = arith.constant 32 : index
      %swap3A_65 = tpu.vector_load %arg11[%swap3A_63, %swap3A_64] {strides = array<i32>} : memref<128x48xf32, #tpu.memory_space<vmem>>, vector<1x16xf32>,
      %swap3A_66 = vector.shape_cast %swap3A_65 : vector<1x16xf32> to vector<16xf32>
      %swap3A_67 = vector.shape_cast %broadcast_in_dim3A_62 : vector<16xf32> to vector<1x16xf32>
      tpu.vector_store %arg11[%swap3A_63, %swap3A_64], %swap3A_67 {strides = array<i32>} : memref<128x48xf32, #tpu.memory_space<vmem>>, vector<1x16xf32>,
      %scan3A_68 = arith.constant 0 : i32
      scf.yield %scan3A_68 : i32
    }
    %scan3A_6 = arith.constant 128 : i32
    %mul3A_7 = arith.constant 632 : i32
    %mul3A_8 = arith.muli %arg1, %mul3A_7 : i32
    %add3A_9 = arith.constant 0 : i32
    %add3A_10 = arith.addi %mul3A_8, %add3A_9 : i32
    "tpu.region"() ({
      %run_scoped3A = tpu.sem_alloc : memref<!tpu.dma_semaphore, #tpu.memory_space<semaphore_mem>>
      %dma_start3A_47 = arith.constant 0 : i32
      %dma_start3A_48 = tpu.memref_slice %arg14[%add3A_10, %dma_start3A_47] : memref<10112x48xf32, #tpu.memory_space<vmem_shared>> -> memref<128x48xf32, #tpu.memory_space<vmem_shared>>
      %dma_start3A_49 = arith.constant 0 : i32
      %dma_start3A_50 = tpu.memref_slice %arg14[%add3A_10, %dma_start3A_49] : memref<10112x48xf32, #tpu.memory_space<vmem_shared>> -> memref<128x48xf32, #tpu.memory_space<vmem_shared>>
      tpu.enqueue_dma source(%arg11 : memref<128x48xf32, #tpu.memory_space<vmem>>) target(%dma_start3A_50 : memref<128x48xf32, #tpu.memory_space<vmem_shared>>) target_semaphore(%run_scoped3A : memref<!tpu.dma_semaphore, #tpu.memory_space<semaphore_mem>>)
      %dma_wait3A_51 = arith.constant 0 : i32
      %dma_wait3A_52 = tpu.memref_slice %arg14[%add3A_10, %dma_wait3A_51] : memref<10112x48xf32, #tpu.memory_space<vmem_shared>> -> memref<128x48xf32, #tpu.memory_space<vmem_shared>>
      %dma_wait3A_53 = arith.constant 0 : i32
      %dma_wait3A_54 = tpu.memref_slice %arg14[%add3A_10, %dma_wait3A_53] : memref<10112x48xf32, #tpu.memory_space<vmem_shared>> -> memref<128x48xf32, #tpu.memory_space<vmem_shared>>
      tpu.wait_dma2 semaphore(%run_scoped3A : memref<!tpu.dma_semaphore, #tpu.memory_space<semaphore_mem>>) src(%arg11 : memref<128x48xf32, #tpu.memory_space<vmem>>) dst(%dma_wait3A_54 : memref<128x48xf32, #tpu.memory_space<vmem_shared>>)
      tpu.yield
    }) : () -> ()
    %mul3A_11 = arith.constant 632 : i32
    %mul3A_12 = arith.muli %arg1, %mul3A_11 : i32
    %add3A_13 = arith.constant 128 : i32
    %add3A_14 = arith.addi %mul3A_12, %add3A_13 : i32
    "tpu.region"() ({
      %run_scoped3A = tpu.sem_alloc : memref<!tpu.dma_semaphore, #tpu.memory_space<semaphore_mem>>
      %dma_start3A_47 = arith.constant 0 : i32
      %dma_start3A_48 = tpu.memref_slice %arg14[%add3A_14, %dma_start3A_47] : memref<10112x48xf32, #tpu.memory_space<vmem_shared>> -> memref<128x48xf32, #tpu.memory_space<vmem_shared>>
      %dma_start3A_49 = arith.constant 0 : i32
      %dma_start3A_50 = tpu.memref_slice %arg14[%add3A_14, %dma_start3A_49] : memref<10112x48xf32, #tpu.memory_space<vmem_shared>> -> memref<128x48xf32, #tpu.memory_space<vmem_shared>>
      tpu.enqueue_dma source(%arg11 : memref<128x48xf32, #tpu.memory_space<vmem>>) target(%dma_start3A_50 : memref<128x48xf32, #tpu.memory_space<vmem_shared>>) target_semaphore(%run_scoped3A : memref<!tpu.dma_semaphore, #tpu.memory_space<semaphore_mem>>)
      %dma_wait3A_51 = arith.constant 0 : i32
      %dma_wait3A_52 = tpu.memref_slice %arg14[%add3A_14, %dma_wait3A_51] : memref<10112x48xf32, #tpu.memory_space<vmem_shared>> -> memref<128x48xf32, #tpu.memory_space<vmem_shared>>
      %dma_wait3A_53 = arith.constant 0 : i32
      %dma_wait3A_54 = tpu.memref_slice %arg14[%add3A_14, %dma_wait3A_53] : memref<10112x48xf32, #tpu.memory_space<vmem_shared>> -> memref<128x48xf32, #tpu.memory_space<vmem_shared>>
      tpu.wait_dma2 semaphore(%run_scoped3A : memref<!tpu.dma_semaphore, #tpu.memory_space<semaphore_mem>>) src(%arg11 : memref<128x48xf32, #tpu.memory_space<vmem>>) dst(%dma_wait3A_54 : memref<128x48xf32, #tpu.memory_space<vmem_shared>>)
      tpu.yield
    }) : () -> ()
    %mul3A_15 = arith.constant 632 : i32
    %mul3A_16 = arith.muli %arg1, %mul3A_15 : i32
    %add3A_17 = arith.constant 256 : i32
    %add3A_18 = arith.addi %mul3A_16, %add3A_17 : i32
    "tpu.region"() ({
      %run_scoped3A = tpu.sem_alloc : memref<!tpu.dma_semaphore, #tpu.memory_space<semaphore_mem>>
      %dma_start3A_47 = arith.constant 0 : i32
      %dma_start3A_48 = tpu.memref_slice %arg14[%add3A_18, %dma_start3A_47] : memref<10112x48xf32, #tpu.memory_space<vmem_shared>> -> memref<128x48xf32, #tpu.memory_space<vmem_shared>>
      %dma_start3A_49 = arith.constant 0 : i32
      %dma_start3A_50 = tpu.memref_slice %arg14[%add3A_18, %dma_start3A_49] : memref<10112x48xf32, #tpu.memory_space<vmem_shared>> -> memref<128x48xf32, #tpu.memory_space<vmem_shared>>
      tpu.enqueue_dma source(%arg11 : memref<128x48xf32, #tpu.memory_space<vmem>>) target(%dma_start3A_50 : memref<128x48xf32, #tpu.memory_space<vmem_shared>>) target_semaphore(%run_scoped3A : memref<!tpu.dma_semaphore, #tpu.memory_space<semaphore_mem>>)
      %dma_wait3A_51 = arith.constant 0 : i32
      %dma_wait3A_52 = tpu.memref_slice %arg14[%add3A_18, %dma_wait3A_51] : memref<10112x48xf32, #tpu.memory_space<vmem_shared>> -> memref<128x48xf32, #tpu.memory_space<vmem_shared>>
      %dma_wait3A_53 = arith.constant 0 : i32
      %dma_wait3A_54 = tpu.memref_slice %arg14[%add3A_18, %dma_wait3A_53] : memref<10112x48xf32, #tpu.memory_space<vmem_shared>> -> memref<128x48xf32, #tpu.memory_space<vmem_shared>>
      tpu.wait_dma2 semaphore(%run_scoped3A : memref<!tpu.dma_semaphore, #tpu.memory_space<semaphore_mem>>) src(%arg11 : memref<128x48xf32, #tpu.memory_space<vmem>>) dst(%dma_wait3A_54 : memref<128x48xf32, #tpu.memory_space<vmem_shared>>)
      tpu.yield
    }) : () -> ()
    %mul3A_19 = arith.constant 632 : i32
    %mul3A_20 = arith.muli %arg1, %mul3A_19 : i32
    %add3A_21 = arith.constant 384 : i32
    %add3A_22 = arith.addi %mul3A_20, %add3A_21 : i32
    "tpu.region"() ({
      %run_scoped3A = tpu.sem_alloc : memref<!tpu.dma_semaphore, #tpu.memory_space<semaphore_mem>>
      %dma_start3A_47 = arith.constant 0 : i32
      %dma_start3A_48 = tpu.memref_slice %arg14[%add3A_22, %dma_start3A_47] : memref<10112x48xf32, #tpu.memory_space<vmem_shared>> -> memref<128x48xf32, #tpu.memory_space<vmem_shared>>
      %dma_start3A_49 = arith.constant 0 : i32
      %dma_start3A_50 = tpu.memref_slice %arg14[%add3A_22, %dma_start3A_49] : memref<10112x48xf32, #tpu.memory_space<vmem_shared>> -> memref<128x48xf32, #tpu.memory_space<vmem_shared>>
      tpu.enqueue_dma source(%arg11 : memref<128x48xf32, #tpu.memory_space<vmem>>) target(%dma_start3A_50 : memref<128x48xf32, #tpu.memory_space<vmem_shared>>) target_semaphore(%run_scoped3A : memref<!tpu.dma_semaphore, #tpu.memory_space<semaphore_mem>>)
      %dma_wait3A_51 = arith.constant 0 : i32
      %dma_wait3A_52 = tpu.memref_slice %arg14[%add3A_22, %dma_wait3A_51] : memref<10112x48xf32, #tpu.memory_space<vmem_shared>> -> memref<128x48xf32, #tpu.memory_space<vmem_shared>>
      %dma_wait3A_53 = arith.constant 0 : i32
      %dma_wait3A_54 = tpu.memref_slice %arg14[%add3A_22, %dma_wait3A_53] : memref<10112x48xf32, #tpu.memory_space<vmem_shared>> -> memref<128x48xf32, #tpu.memory_space<vmem_shared>>
      tpu.wait_dma2 semaphore(%run_scoped3A : memref<!tpu.dma_semaphore, #tpu.memory_space<semaphore_mem>>) src(%arg11 : memref<128x48xf32, #tpu.memory_space<vmem>>) dst(%dma_wait3A_54 : memref<128x48xf32, #tpu.memory_space<vmem_shared>>)
      tpu.yield
    }) : () -> ()
    %mul3A_23 = arith.constant 632 : i32
    %mul3A_24 = arith.muli %arg1, %mul3A_23 : i32
    %add3A_25 = arith.constant 512 : i32
    %add3A_26 = arith.addi %mul3A_24, %add3A_25 : i32
    "tpu.region"() ({
      %run_scoped3A = tpu.sem_alloc : memref<!tpu.dma_semaphore, #tpu.memory_space<semaphore_mem>>
      %dma_start3A_47 = arith.constant 0 : i32
      %dma_start3A_48 = arith.constant 0 : i32
      %dma_start3A_49 = tpu.memref_slice %arg11[%dma_start3A_47, %dma_start3A_48] : memref<128x48xf32, #tpu.memory_space<vmem>> -> memref<120x48xf32, #tpu.memory_space<vmem>>
      %dma_start3A_50 = arith.constant 0 : i32
      %dma_start3A_51 = tpu.memref_slice %arg14[%add3A_26, %dma_start3A_50] : memref<10112x48xf32, #tpu.memory_space<vmem_shared>> -> memref<120x48xf32, #tpu.memory_space<vmem_shared>>
      %dma_start3A_52 = arith.constant 0 : i32
      %dma_start3A_53 = tpu.memref_slice %arg14[%add3A_26, %dma_start3A_52] : memref<10112x48xf32, #tpu.memory_space<vmem_shared>> -> memref<120x48xf32, #tpu.memory_space<vmem_shared>>
      %dma_start3A_54 = arith.constant 0 : i32
      %dma_start3A_55 = arith.constant 0 : i32
      %dma_start3A_56 = tpu.memref_slice %arg11[%dma_start3A_54, %dma_start3A_55] : memref<128x48xf32, #tpu.memory_space<vmem>> -> memref<120x48xf32, #tpu.memory_space<vmem>>
      tpu.enqueue_dma source(%dma_start3A_56 : memref<120x48xf32, #tpu.memory_space<vmem>>) target(%dma_start3A_53 : memref<120x48xf32, #tpu.memory_space<vmem_shared>>) target_semaphore(%run_scoped3A : memref<!tpu.dma_semaphore, #tpu.memory_space<semaphore_mem>>)
      %dma_wait3A_57 = arith.constant 0 : i32
      %dma_wait3A_58 = arith.constant 0 : i32
      %dma_wait3A_59 = tpu.memref_slice %arg11[%dma_wait3A_57, %dma_wait3A_58] : memref<128x48xf32, #tpu.memory_space<vmem>> -> memref<120x48xf32, #tpu.memory_space<vmem>>
      %dma_wait3A_60 = arith.constant 0 : i32
      %dma_wait3A_61 = tpu.memref_slice %arg14[%add3A_26, %dma_wait3A_60] : memref<10112x48xf32, #tpu.memory_space<vmem_shared>> -> memref<120x48xf32, #tpu.memory_space<vmem_shared>>
      %dma_wait3A_62 = arith.constant 0 : i32
      %dma_wait3A_63 = tpu.memref_slice %arg14[%add3A_26, %dma_wait3A_62] : memref<10112x48xf32, #tpu.memory_space<vmem_shared>> -> memref<120x48xf32, #tpu.memory_space<vmem_shared>>
      %dma_wait3A_64 = arith.constant 0 : i32
      %dma_wait3A_65 = arith.constant 0 : i32
      %dma_wait3A_66 = tpu.memref_slice %arg11[%dma_wait3A_64, %dma_wait3A_65] : memref<128x48xf32, #tpu.memory_space<vmem>> -> memref<120x48xf32, #tpu.memory_space<vmem>>
      tpu.wait_dma2 semaphore(%run_scoped3A : memref<!tpu.dma_semaphore, #tpu.memory_space<semaphore_mem>>) src(%dma_wait3A_66 : memref<120x48xf32, #tpu.memory_space<vmem>>) dst(%dma_wait3A_63 : memref<120x48xf32, #tpu.memory_space<vmem_shared>>)
      tpu.yield
    }) : () -> ()
    %barrier3A = arith.constant 0 : index
    tpu.barrier barrier_id(%barrier3A)
    %add3A_27 = arith.constant 0 : i32
    %add3A_28 = arith.addi %add3A_27, %add3A : i32
    %mul3A_29 = arith.constant 128 : i32
    %mul3A_30 = arith.muli %add3A_28, %mul3A_29 : i32
    "tpu.region"() ({
      %run_scoped3A = tpu.sem_alloc : memref<!tpu.dma_semaphore, #tpu.memory_space<semaphore_mem>>
      %dma_start3A_47 = tpu.memref_slice %arg2[%mul3A_30] : memref<327680xi32, #tpu.memory_space<hbm>> -> memref<128xi32, #tpu.memory_space<hbm>>
      %dma_start3A_48 = tpu.memref_slice %arg2[%mul3A_30] : memref<327680xi32, #tpu.memory_space<hbm>> -> memref<128xi32, #tpu.memory_space<hbm>>
      tpu.enqueue_dma source(%dma_start3A_48 : memref<128xi32, #tpu.memory_space<hbm>>) target(%arg7 : memref<128xi32, #tpu.memory_space<vmem>>) target_semaphore(%run_scoped3A : memref<!tpu.dma_semaphore, #tpu.memory_space<semaphore_mem>>)
      %dma_wait3A_49 = tpu.memref_slice %arg2[%mul3A_30] : memref<327680xi32, #tpu.memory_space<hbm>> -> memref<128xi32, #tpu.memory_space<hbm>>
      %dma_wait3A_50 = tpu.memref_slice %arg2[%mul3A_30] : memref<327680xi32, #tpu.memory_space<hbm>> -> memref<128xi32, #tpu.memory_space<hbm>>
      tpu.wait_dma2 semaphore(%run_scoped3A : memref<!tpu.dma_semaphore, #tpu.memory_space<semaphore_mem>>) src(%dma_wait3A_50 : memref<128xi32, #tpu.memory_space<hbm>>) dst(%arg7 : memref<128xi32, #tpu.memory_space<vmem>>)
      tpu.yield
    }) : () -> ()
    "tpu.region"() ({
      %run_scoped3A = tpu.sem_alloc : memref<!tpu.dma_semaphore, #tpu.memory_space<semaphore_mem>>
      %dma_start3A_47 = tpu.memref_slice %arg3[%mul3A_30] : memref<327680xi32, #tpu.memory_space<hbm>> -> memref<128xi32, #tpu.memory_space<hbm>>
      %dma_start3A_48 = tpu.memref_slice %arg3[%mul3A_30] : memref<327680xi32, #tpu.memory_space<hbm>> -> memref<128xi32, #tpu.memory_space<hbm>>
      tpu.enqueue_dma source(%dma_start3A_48 : memref<128xi32, #tpu.memory_space<hbm>>) target(%arg8 : memref<128xi32, #tpu.memory_space<vmem>>) target_semaphore(%run_scoped3A : memref<!tpu.dma_semaphore, #tpu.memory_space<semaphore_mem>>)
      %dma_wait3A_49 = tpu.memref_slice %arg3[%mul3A_30] : memref<327680xi32, #tpu.memory_space<hbm>> -> memref<128xi32, #tpu.memory_space<hbm>>
      %dma_wait3A_50 = tpu.memref_slice %arg3[%mul3A_30] : memref<327680xi32, #tpu.memory_space<hbm>> -> memref<128xi32, #tpu.memory_space<hbm>>
      tpu.wait_dma2 semaphore(%run_scoped3A : memref<!tpu.dma_semaphore, #tpu.memory_space<semaphore_mem>>) src(%dma_wait3A_50 : memref<128xi32, #tpu.memory_space<hbm>>) dst(%arg8 : memref<128xi32, #tpu.memory_space<vmem>>)
      tpu.yield
    }) : () -> ()
    %dma_start3A = arith.constant 0 : i32
    %dma_start3A_31 = arith.constant 0 : i32
    %dma_start3A_32 = tpu.memref_slice %arg4[%dma_start3A, %dma_start3A_31] : memref<10112x48xf32, #tpu.memory_space<hbm>> -> memref<10112x48xf32, #tpu.memory_space<hbm>>
    tpu.enqueue_indirect_dma source(%dma_start3A_32 : memref<10112x48xf32, #tpu.memory_space<hbm>>) target(%arg11 : memref<128x48xf32, #tpu.memory_space<vmem>>) offsets(%arg7 : memref<128xi32, #tpu.memory_space<vmem>>) semaphore(%arg15 : memref<!tpu.dma_semaphore, #tpu.memory_space<semaphore_mem>>)
    %scan3A_33 = arith.constant 0 : i32
    %scan3A_34 = arith.constant 0 : i32
    %scan3A_35 = arith.constant 40 : i32
    %scan3A_36 = arith.addi %scan3A_34, %scan3A_35 : i32
    %scan3A_37 = arith.constant 1 : i32
    %scan3A_38 = scf.for %scan3A_47 = %scan3A_34 to %scan3A_36 step %scan3A_37 iter_args(%scan3A_48 = %scan3A_33) -> (i32)  : i32 {
      %mul3A_49 = arith.constant 2 : i32
      %mul3A_50 = arith.muli %mul3A_49, %scan3A_47 : i32
      %add3A_51 = arith.constant 1 : i32
      %add3A_52 = arith.addi %mul3A_50, %add3A_51 : i32
      %mul3A_53 = arith.constant 32 : i32
      %mul3A_54 = arith.muli %add3A_52, %mul3A_53 : i32
      %add3A_55 = arith.addi %mul3A_54, %add3A : i32
      %mul3A_56 = arith.constant 128 : i32
      %mul3A_57 = arith.muli %add3A_55, %mul3A_56 : i32
      "tpu.region"() ({
        %run_scoped3A = tpu.sem_alloc : memref<!tpu.dma_semaphore, #tpu.memory_space<semaphore_mem>>
        %dma_start3A_107 = tpu.memref_slice %arg2[%mul3A_57] : memref<327680xi32, #tpu.memory_space<hbm>> -> memref<128xi32, #tpu.memory_space<hbm>>
        %dma_start3A_108 = tpu.memref_slice %arg2[%mul3A_57] : memref<327680xi32, #tpu.memory_space<hbm>> -> memref<128xi32, #tpu.memory_space<hbm>>
        tpu.enqueue_dma source(%dma_start3A_108 : memref<128xi32, #tpu.memory_space<hbm>>) target(%arg9 : memref<128xi32, #tpu.memory_space<vmem>>) target_semaphore(%run_scoped3A : memref<!tpu.dma_semaphore, #tpu.memory_space<semaphore_mem>>)
        %dma_wait3A_109 = tpu.memref_slice %arg2[%mul3A_57] : memref<327680xi32, #tpu.memory_space<hbm>> -> memref<128xi32, #tpu.memory_space<hbm>>
        %dma_wait3A_110 = tpu.memref_slice %arg2[%mul3A_57] : memref<327680xi32, #tpu.memory_space<hbm>> -> memref<128xi32, #tpu.memory_space<hbm>>
        tpu.wait_dma2 semaphore(%run_scoped3A : memref<!tpu.dma_semaphore, #tpu.memory_space<semaphore_mem>>) src(%dma_wait3A_110 : memref<128xi32, #tpu.memory_space<hbm>>) dst(%arg9 : memref<128xi32, #tpu.memory_space<vmem>>)
        tpu.yield
      }) : () -> ()
      "tpu.region"() ({
        %run_scoped3A = tpu.sem_alloc : memref<!tpu.dma_semaphore, #tpu.memory_space<semaphore_mem>>
        %dma_start3A_107 = tpu.memref_slice %arg3[%mul3A_57] : memref<327680xi32, #tpu.memory_space<hbm>> -> memref<128xi32, #tpu.memory_space<hbm>>
        %dma_start3A_108 = tpu.memref_slice %arg3[%mul3A_57] : memref<327680xi32, #tpu.memory_space<hbm>> -> memref<128xi32, #tpu.memory_space<hbm>>
        tpu.enqueue_dma source(%dma_start3A_108 : memref<128xi32, #tpu.memory_space<hbm>>) target(%arg10 : memref<128xi32, #tpu.memory_space<vmem>>) target_semaphore(%run_scoped3A : memref<!tpu.dma_semaphore, #tpu.memory_space<semaphore_mem>>)
        %dma_wait3A_109 = tpu.memref_slice %arg3[%mul3A_57] : memref<327680xi32, #tpu.memory_space<hbm>> -> memref<128xi32, #tpu.memory_space<hbm>>
        %dma_wait3A_110 = tpu.memref_slice %arg3[%mul3A_57] : memref<327680xi32, #tpu.memory_space<hbm>> -> memref<128xi32, #tpu.memory_space<hbm>>
        tpu.wait_dma2 semaphore(%run_scoped3A : memref<!tpu.dma_semaphore, #tpu.memory_space<semaphore_mem>>) src(%dma_wait3A_110 : memref<128xi32, #tpu.memory_space<hbm>>) dst(%arg10 : memref<128xi32, #tpu.memory_space<vmem>>)
        tpu.yield
      }) : () -> ()
      %dma_start3A_58 = arith.constant 0 : i32
      %dma_start3A_59 = arith.constant 0 : i32
      %dma_start3A_60 = tpu.memref_slice %arg4[%dma_start3A_58, %dma_start3A_59] : memref<10112x48xf32, #tpu.memory_space<hbm>> -> memref<10112x48xf32, #tpu.memory_space<hbm>>
      tpu.enqueue_indirect_dma source(%dma_start3A_60 : memref<10112x48xf32, #tpu.memory_space<hbm>>) target(%arg12 : memref<128x48xf32, #tpu.memory_space<vmem>>) offsets(%arg9 : memref<128xi32, #tpu.memory_space<vmem>>) semaphore(%arg15 : memref<!tpu.dma_semaphore, #tpu.memory_space<semaphore_mem>>)
      %dma_wait3A_61 = arith.constant 0 : i32
      %dma_wait3A_62 = arith.constant 0 : i32
      %dma_wait3A_63 = tpu.memref_slice %arg4[%dma_wait3A_61, %dma_wait3A_62] : memref<10112x48xf32, #tpu.memory_space<hbm>> -> memref<10112x48xf32, #tpu.memory_space<hbm>>
      tpu.wait_indirect_dma semaphore(%arg15 : memref<!tpu.dma_semaphore, #tpu.memory_space<semaphore_mem>>) src(%dma_wait3A_63 : memref<10112x48xf32, #tpu.memory_space<hbm>>) dst(%arg12 : memref<128x48xf32, #tpu.memory_space<vmem>>)
      %dma_start3A_64 = arith.constant 0 : i32
      %dma_start3A_65 = arith.constant 0 : i32
      %dma_start3A_66 = tpu.memref_slice %arg5[%dma_start3A_64, %dma_start3A_65] : memref<10112x16xf32, #tpu.memory_space<hbm>> -> memref<10112x16xf32, #tpu.memory_space<hbm>>
      tpu.enqueue_indirect_dma source(%dma_start3A_66 : memref<10112x16xf32, #tpu.memory_space<hbm>>) target(%arg13 : memref<128x16xf32, #tpu.memory_space<vmem>>) offsets(%arg8 : memref<128xi32, #tpu.memory_space<vmem>>) semaphore(%arg16 : memref<!tpu.dma_semaphore, #tpu.memory_space<semaphore_mem>>)
      %dma_wait3A_67 = arith.constant 0 : i32
      %dma_wait3A_68 = arith.constant 0 : i32
      %dma_wait3A_69 = tpu.memref_slice %arg5[%dma_wait3A_67, %dma_wait3A_68] : memref<10112x16xf32, #tpu.memory_space<hbm>> -> memref<10112x16xf32, #tpu.memory_space<hbm>>
      tpu.wait_indirect_dma semaphore(%arg16 : memref<!tpu.dma_semaphore, #tpu.memory_space<semaphore_mem>>) src(%dma_wait3A_69 : memref<10112x16xf32, #tpu.memory_space<hbm>>) dst(%arg13 : memref<128x16xf32, #tpu.memory_space<vmem>>)
      %scan3A_70 = arith.constant 0 : i32
      %scan3A_71 = arith.constant 0 : i32
      %scan3A_72 = arith.constant 128 : i32
      %scan3A_73 = arith.addi %scan3A_71, %scan3A_72 : i32
      %scan3A_74 = arith.constant 1 : i32
      %scan3A_75 = scf.for %scan3A_107 = %scan3A_71 to %scan3A_73 step %scan3A_74 iter_args(%scan3A_108 = %scan3A_70) -> (i32)  : i32 {
        %get3A = arith.index_cast %scan3A_107 : i32 to index
        %get3A_109 = arith.constant 32 : index
        %get3A_110 = tpu.vector_load %arg11[%get3A, %get3A_109] {strides = array<i32>} : memref<128x48xf32, #tpu.memory_space<vmem>>, vector<1x16xf32>,
        %get3A_111 = vector.shape_cast %get3A_110 : vector<1x16xf32> to vector<16xf32>
        %get3A_112 = arith.index_cast %scan3A_107 : i32 to index
        %get3A_113 = arith.constant 0 : index
        %get3A_114 = tpu.vector_load %arg13[%get3A_112, %get3A_113] {strides = array<i32>} : memref<128x16xf32, #tpu.memory_space<vmem>>, vector<1x16xf32>,
        %get3A_115 = vector.shape_cast %get3A_114 : vector<1x16xf32> to vector<16xf32>
        %add3A_116 = arith.addf %get3A_111, %get3A_115 : vector<16xf32>
        %mul3A_117 = arith.constant 2.000000e-01 : f32
        %mul3A_118 = vector.broadcast %mul3A_117 : f32 to vector<16xf32>
        %mul3A_119 = arith.mulf %mul3A_118, %add3A_116 : vector<16xf32>
        %max3A = arith.maximumf %add3A_116, %mul3A_119 : vector<16xf32>
        %exp3A = math.exp %max3A : vector<16xf32>
        %swap3A = arith.index_cast %scan3A_107 : i32 to index
        %swap3A_120 = arith.constant 32 : index
        %swap3A_121 = tpu.vector_load %arg11[%swap3A, %swap3A_120] {strides = array<i32>} : memref<128x48xf32, #tpu.memory_space<vmem>>, vector<1x16xf32>,
        %swap3A_122 = vector.shape_cast %swap3A_121 : vector<1x16xf32> to vector<16xf32>
        %swap3A_123 = vector.shape_cast %exp3A : vector<16xf32> to vector<1x16xf32>
        tpu.vector_store %arg11[%swap3A, %swap3A_120], %swap3A_123 {strides = array<i32>} : memref<128x48xf32, #tpu.memory_space<vmem>>, vector<1x16xf32>,
        %slice3A = vector.extract_strided_slice %exp3A {offsets = [0], sizes = [1], strides = [1]} : vector<16xf32> to vector<1xf32>
        %squeeze3A = vector.extract %slice3A[0] : f32 from vector<1xf32>
        %get3A_124 = arith.index_cast %scan3A_107 : i32 to index
        %get3A_125 = arith.constant 0 : index
        %get3A_126 = tpu.vector_load %arg11[%get3A_124, %get3A_125] {strides = array<i32>} : memref<128x48xf32, #tpu.memory_space<vmem>>, vector<1x16xf32>,
        %get3A_127 = vector.shape_cast %get3A_126 : vector<1x16xf32> to vector<16xf32>
        %mul3A_128 = vector.broadcast %squeeze3A : f32 to vector<16xf32>
        %mul3A_129 = arith.mulf %get3A_127, %mul3A_128 : vector<16xf32>
        %swap3A_130 = arith.index_cast %scan3A_107 : i32 to index
        %swap3A_131 = arith.constant 0 : index
        %swap3A_132 = tpu.vector_load %arg11[%swap3A_130, %swap3A_131] {strides = array<i32>} : memref<128x48xf32, #tpu.memory_space<vmem>>, vector<1x16xf32>,
        %swap3A_133 = vector.shape_cast %swap3A_132 : vector<1x16xf32> to vector<16xf32>
        %swap3A_134 = vector.shape_cast %mul3A_129 : vector<16xf32> to vector<1x16xf32>
        tpu.vector_store %arg11[%swap3A_130, %swap3A_131], %swap3A_134 {strides = array<i32>} : memref<128x48xf32, #tpu.memory_space<vmem>>, vector<1x16xf32>,
        %get3A_135 = arith.index_cast %scan3A_107 : i32 to index
        %get3A_136 = arith.constant 16 : index
        %get3A_137 = tpu.vector_load %arg11[%get3A_135, %get3A_136] {strides = array<i32>} : memref<128x48xf32, #tpu.memory_space<vmem>>, vector<1x16xf32>,
        %get3A_138 = vector.shape_cast %get3A_137 : vector<1x16xf32> to vector<16xf32>
        %mul3A_139 = vector.broadcast %squeeze3A : f32 to vector<16xf32>
        %mul3A_140 = arith.mulf %get3A_138, %mul3A_139 : vector<16xf32>
        %swap3A_141 = arith.index_cast %scan3A_107 : i32 to index
        %swap3A_142 = arith.constant 16 : index
        %swap3A_143 = tpu.vector_load %arg11[%swap3A_141, %swap3A_142] {strides = array<i32>} : memref<128x48xf32, #tpu.memory_space<vmem>>, vector<1x16xf32>,
        %swap3A_144 = vector.shape_cast %swap3A_143 : vector<1x16xf32> to vector<16xf32>
        %swap3A_145 = vector.shape_cast %mul3A_140 : vector<16xf32> to vector<1x16xf32>
        tpu.vector_store %arg11[%swap3A_141, %swap3A_142], %swap3A_145 {strides = array<i32>} : memref<128x48xf32, #tpu.memory_space<vmem>>, vector<1x16xf32>,
        %scan3A_146 = arith.constant 0 : i32
        scf.yield %scan3A_146 : i32
      }
      %scan3A_76 = arith.constant 128 : i32
      "tpu.region"() ({
        %run_scoped3A = tpu.sem_alloc : memref<!tpu.dma_semaphore, #tpu.memory_space<semaphore_mem>>
        %dma_start3A_107 = arith.constant 0 : i32
        %dma_start3A_108 = arith.constant 0 : i32
        %dma_start3A_109 = tpu.memref_slice %arg14[%dma_start3A_107, %dma_start3A_108] : memref<10112x48xf32, #tpu.memory_space<vmem_shared>> -> memref<10112x48xf32, #tpu.memory_space<vmem_shared>>
        tpu.enqueue_indirect_dma source(%arg11 : memref<128x48xf32, #tpu.memory_space<vmem>>) target(%dma_start3A_109 : memref<10112x48xf32, #tpu.memory_space<vmem_shared>>) offsets(%arg8 : memref<128xi32, #tpu.memory_space<vmem>>) semaphore(%run_scoped3A : memref<!tpu.dma_semaphore, #tpu.memory_space<semaphore_mem>>) {add = true}
        %dma_wait3A_110 = arith.constant 0 : i32
        %dma_wait3A_111 = arith.constant 0 : i32
        %dma_wait3A_112 = tpu.memref_slice %arg14[%dma_wait3A_110, %dma_wait3A_111] : memref<10112x48xf32, #tpu.memory_space<vmem_shared>> -> memref<10112x48xf32, #tpu.memory_space<vmem_shared>>
        tpu.wait_indirect_dma semaphore(%run_scoped3A : memref<!tpu.dma_semaphore, #tpu.memory_space<semaphore_mem>>) src(%arg11 : memref<128x48xf32, #tpu.memory_space<vmem>>) dst(%dma_wait3A_112 : memref<10112x48xf32, #tpu.memory_space<vmem_shared>>)
        tpu.yield
      }) : () -> ()
      %add3A_77 = arith.constant 2 : i32
      %add3A_78 = arith.addi %mul3A_50, %add3A_77 : i32
      %ge3A = arith.constant 80 : i32
      %ge3A_79 = arith.cmpi sge, %add3A_78, %ge3A : i32
      %add3A_80 = arith.constant 2 : i32
      %add3A_81 = arith.addi %mul3A_50, %add3A_80 : i32
      %jit3A = arith.constant 0 : i32
      %select_n3A = arith.select %ge3A_79, %jit3A, %add3A_81 : i32
      %mul3A_82 = arith.constant 32 : i32
      %mul3A_83 = arith.muli %select_n3A, %mul3A_82 : i32
      %add3A_84 = arith.addi %mul3A_83, %add3A : i32
      %mul3A_85 = arith.constant 128 : i32
      %mul3A_86 = arith.muli %add3A_84, %mul3A_85 : i32
      "tpu.region"() ({
        %run_scoped3A = tpu.sem_alloc : memref<!tpu.dma_semaphore, #tpu.memory_space<semaphore_mem>>
        %dma_start3A_107 = tpu.memref_slice %arg2[%mul3A_86] : memref<327680xi32, #tpu.memory_space<hbm>> -> memref<128xi32, #tpu.memory_space<hbm>>
        %dma_start3A_108 = tpu.memref_slice %arg2[%mul3A_86] : memref<327680xi32, #tpu.memory_space<hbm>> -> memref<128xi32, #tpu.memory_space<hbm>>
        tpu.enqueue_dma source(%dma_start3A_108 : memref<128xi32, #tpu.memory_space<hbm>>) target(%arg7 : memref<128xi32, #tpu.memory_space<vmem>>) target_semaphore(%run_scoped3A : memref<!tpu.dma_semaphore, #tpu.memory_space<semaphore_mem>>)
        %dma_wait3A_109 = tpu.memref_slice %arg2[%mul3A_86] : memref<327680xi32, #tpu.memory_space<hbm>> -> memref<128xi32, #tpu.memory_space<hbm>>
        %dma_wait3A_110 = tpu.memref_slice %arg2[%mul3A_86] : memref<327680xi32, #tpu.memory_space<hbm>> -> memref<128xi32, #tpu.memory_space<hbm>>
        tpu.wait_dma2 semaphore(%run_scoped3A : memref<!tpu.dma_semaphore, #tpu.memory_space<semaphore_mem>>) src(%dma_wait3A_110 : memref<128xi32, #tpu.memory_space<hbm>>) dst(%arg7 : memref<128xi32, #tpu.memory_space<vmem>>)
        tpu.yield
      }) : () -> ()
      "tpu.region"() ({
        %run_scoped3A = tpu.sem_alloc : memref<!tpu.dma_semaphore, #tpu.memory_space<semaphore_mem>>
        %dma_start3A_107 = tpu.memref_slice %arg3[%mul3A_86] : memref<327680xi32, #tpu.memory_space<hbm>> -> memref<128xi32, #tpu.memory_space<hbm>>
        %dma_start3A_108 = tpu.memref_slice %arg3[%mul3A_86] : memref<327680xi32, #tpu.memory_space<hbm>> -> memref<128xi32, #tpu.memory_space<hbm>>
        tpu.enqueue_dma source(%dma_start3A_108 : memref<128xi32, #tpu.memory_space<hbm>>) target(%arg8 : memref<128xi32, #tpu.memory_space<vmem>>) target_semaphore(%run_scoped3A : memref<!tpu.dma_semaphore, #tpu.memory_space<semaphore_mem>>)
        %dma_wait3A_109 = tpu.memref_slice %arg3[%mul3A_86] : memref<327680xi32, #tpu.memory_space<hbm>> -> memref<128xi32, #tpu.memory_space<hbm>>
        %dma_wait3A_110 = tpu.memref_slice %arg3[%mul3A_86] : memref<327680xi32, #tpu.memory_space<hbm>> -> memref<128xi32, #tpu.memory_space<hbm>>
        tpu.wait_dma2 semaphore(%run_scoped3A : memref<!tpu.dma_semaphore, #tpu.memory_space<semaphore_mem>>) src(%dma_wait3A_110 : memref<128xi32, #tpu.memory_space<hbm>>) dst(%arg8 : memref<128xi32, #tpu.memory_space<vmem>>)
        tpu.yield
      }) : () -> ()
      %dma_start3A_87 = arith.constant 0 : i32
      %dma_start3A_88 = arith.constant 0 : i32
      %dma_start3A_89 = tpu.memref_slice %arg4[%dma_start3A_87, %dma_start3A_88] : memref<10112x48xf32, #tpu.memory_space<hbm>> -> memref<10112x48xf32, #tpu.memory_space<hbm>>
      tpu.enqueue_indirect_dma source(%dma_start3A_89 : memref<10112x48xf32, #tpu.memory_space<hbm>>) target(%arg11 : memref<128x48xf32, #tpu.memory_space<vmem>>) offsets(%arg7 : memref<128xi32, #tpu.memory_space<vmem>>) semaphore(%arg15 : memref<!tpu.dma_semaphore, #tpu.memory_space<semaphore_mem>>)
      %dma_wait3A_90 = arith.constant 0 : i32
      %dma_wait3A_91 = arith.constant 0 : i32
      %dma_wait3A_92 = tpu.memref_slice %arg4[%dma_wait3A_90, %dma_wait3A_91] : memref<10112x48xf32, #tpu.memory_space<hbm>> -> memref<10112x48xf32, #tpu.memory_space<hbm>>
      tpu.wait_indirect_dma semaphore(%arg15 : memref<!tpu.dma_semaphore, #tpu.memory_space<semaphore_mem>>) src(%dma_wait3A_92 : memref<10112x48xf32, #tpu.memory_space<hbm>>) dst(%arg11 : memref<128x48xf32, #tpu.memory_space<vmem>>)
      %dma_start3A_93 = arith.constant 0 : i32
      %dma_start3A_94 = arith.constant 0 : i32
      %dma_start3A_95 = tpu.memref_slice %arg5[%dma_start3A_93, %dma_start3A_94] : memref<10112x16xf32, #tpu.memory_space<hbm>> -> memref<10112x16xf32, #tpu.memory_space<hbm>>
      tpu.enqueue_indirect_dma source(%dma_start3A_95 : memref<10112x16xf32, #tpu.memory_space<hbm>>) target(%arg13 : memref<128x16xf32, #tpu.memory_space<vmem>>) offsets(%arg10 : memref<128xi32, #tpu.memory_space<vmem>>) semaphore(%arg16 : memref<!tpu.dma_semaphore, #tpu.memory_space<semaphore_mem>>)
      %dma_wait3A_96 = arith.constant 0 : i32
      %dma_wait3A_97 = arith.constant 0 : i32
      %dma_wait3A_98 = tpu.memref_slice %arg5[%dma_wait3A_96, %dma_wait3A_97] : memref<10112x16xf32, #tpu.memory_space<hbm>> -> memref<10112x16xf32, #tpu.memory_space<hbm>>
      tpu.wait_indirect_dma semaphore(%arg16 : memref<!tpu.dma_semaphore, #tpu.memory_space<semaphore_mem>>) src(%dma_wait3A_98 : memref<10112x16xf32, #tpu.memory_space<hbm>>) dst(%arg13 : memref<128x16xf32, #tpu.memory_space<vmem>>)
      %scan3A_99 = arith.constant 0 : i32
      %scan3A_100 = arith.constant 0 : i32
      %scan3A_101 = arith.constant 128 : i32
      %scan3A_102 = arith.addi %scan3A_100, %scan3A_101 : i32
      %scan3A_103 = arith.constant 1 : i32
      %scan3A_104 = scf.for %scan3A_107 = %scan3A_100 to %scan3A_102 step %scan3A_103 iter_args(%scan3A_108 = %scan3A_99) -> (i32)  : i32 {
        %get3A = arith.index_cast %scan3A_107 : i32 to index
        %get3A_109 = arith.constant 32 : index
        %get3A_110 = tpu.vector_load %arg12[%get3A, %get3A_109] {strides = array<i32>} : memref<128x48xf32, #tpu.memory_space<vmem>>, vector<1x16xf32>,
        %get3A_111 = vector.shape_cast %get3A_110 : vector<1x16xf32> to vector<16xf32>
        %get3A_112 = arith.index_cast %scan3A_107 : i32 to index
        %get3A_113 = arith.constant 0 : index
        %get3A_114 = tpu.vector_load %arg13[%get3A_112, %get3A_113] {strides = array<i32>} : memref<128x16xf32, #tpu.memory_space<vmem>>, vector<1x16xf32>,
        %get3A_115 = vector.shape_cast %get3A_114 : vector<1x16xf32> to vector<16xf32>
        %add3A_116 = arith.addf %get3A_111, %get3A_115 : vector<16xf32>
        %mul3A_117 = arith.constant 2.000000e-01 : f32
        %mul3A_118 = vector.broadcast %mul3A_117 : f32 to vector<16xf32>
        %mul3A_119 = arith.mulf %mul3A_118, %add3A_116 : vector<16xf32>
        %max3A = arith.maximumf %add3A_116, %mul3A_119 : vector<16xf32>
        %exp3A = math.exp %max3A : vector<16xf32>
        %swap3A = arith.index_cast %scan3A_107 : i32 to index
        %swap3A_120 = arith.constant 32 : index
        %swap3A_121 = tpu.vector_load %arg12[%swap3A, %swap3A_120] {strides = array<i32>} : memref<128x48xf32, #tpu.memory_space<vmem>>, vector<1x16xf32>,
        %swap3A_122 = vector.shape_cast %swap3A_121 : vector<1x16xf32> to vector<16xf32>
        %swap3A_123 = vector.shape_cast %exp3A : vector<16xf32> to vector<1x16xf32>
        tpu.vector_store %arg12[%swap3A, %swap3A_120], %swap3A_123 {strides = array<i32>} : memref<128x48xf32, #tpu.memory_space<vmem>>, vector<1x16xf32>,
        %slice3A = vector.extract_strided_slice %exp3A {offsets = [0], sizes = [1], strides = [1]} : vector<16xf32> to vector<1xf32>
        %squeeze3A = vector.extract %slice3A[0] : f32 from vector<1xf32>
        %get3A_124 = arith.index_cast %scan3A_107 : i32 to index
        %get3A_125 = arith.constant 0 : index
        %get3A_126 = tpu.vector_load %arg12[%get3A_124, %get3A_125] {strides = array<i32>} : memref<128x48xf32, #tpu.memory_space<vmem>>, vector<1x16xf32>,
        %get3A_127 = vector.shape_cast %get3A_126 : vector<1x16xf32> to vector<16xf32>
        %mul3A_128 = vector.broadcast %squeeze3A : f32 to vector<16xf32>
        %mul3A_129 = arith.mulf %get3A_127, %mul3A_128 : vector<16xf32>
        %swap3A_130 = arith.index_cast %scan3A_107 : i32 to index
        %swap3A_131 = arith.constant 0 : index
        %swap3A_132 = tpu.vector_load %arg12[%swap3A_130, %swap3A_131] {strides = array<i32>} : memref<128x48xf32, #tpu.memory_space<vmem>>, vector<1x16xf32>,
        %swap3A_133 = vector.shape_cast %swap3A_132 : vector<1x16xf32> to vector<16xf32>
        %swap3A_134 = vector.shape_cast %mul3A_129 : vector<16xf32> to vector<1x16xf32>
        tpu.vector_store %arg12[%swap3A_130, %swap3A_131], %swap3A_134 {strides = array<i32>} : memref<128x48xf32, #tpu.memory_space<vmem>>, vector<1x16xf32>,
        %get3A_135 = arith.index_cast %scan3A_107 : i32 to index
        %get3A_136 = arith.constant 16 : index
        %get3A_137 = tpu.vector_load %arg12[%get3A_135, %get3A_136] {strides = array<i32>} : memref<128x48xf32, #tpu.memory_space<vmem>>, vector<1x16xf32>,
        %get3A_138 = vector.shape_cast %get3A_137 : vector<1x16xf32> to vector<16xf32>
        %mul3A_139 = vector.broadcast %squeeze3A : f32 to vector<16xf32>
        %mul3A_140 = arith.mulf %get3A_138, %mul3A_139 : vector<16xf32>
        %swap3A_141 = arith.index_cast %scan3A_107 : i32 to index
        %swap3A_142 = arith.constant 16 : index
        %swap3A_143 = tpu.vector_load %arg12[%swap3A_141, %swap3A_142] {strides = array<i32>} : memref<128x48xf32, #tpu.memory_space<vmem>>, vector<1x16xf32>,
        %swap3A_144 = vector.shape_cast %swap3A_143 : vector<1x16xf32> to vector<16xf32>
        %swap3A_145 = vector.shape_cast %mul3A_140 : vector<16xf32> to vector<1x16xf32>
        tpu.vector_store %arg12[%swap3A_141, %swap3A_142], %swap3A_145 {strides = array<i32>} : memref<128x48xf32, #tpu.memory_space<vmem>>, vector<1x16xf32>,
        %scan3A_146 = arith.constant 0 : i32
        scf.yield %scan3A_146 : i32
      }
      %scan3A_105 = arith.constant 128 : i32
      "tpu.region"() ({
        %run_scoped3A = tpu.sem_alloc : memref<!tpu.dma_semaphore, #tpu.memory_space<semaphore_mem>>
        %dma_start3A_107 = arith.constant 0 : i32
        %dma_start3A_108 = arith.constant 0 : i32
        %dma_start3A_109 = tpu.memref_slice %arg14[%dma_start3A_107, %dma_start3A_108] : memref<10112x48xf32, #tpu.memory_space<vmem_shared>> -> memref<10112x48xf32, #tpu.memory_space<vmem_shared>>
        tpu.enqueue_indirect_dma source(%arg12 : memref<128x48xf32, #tpu.memory_space<vmem>>) target(%dma_start3A_109 : memref<10112x48xf32, #tpu.memory_space<vmem_shared>>) offsets(%arg10 : memref<128xi32, #tpu.memory_space<vmem>>) semaphore(%run_scoped3A : memref<!tpu.dma_semaphore, #tpu.memory_space<semaphore_mem>>) {add = true}
        %dma_wait3A_110 = arith.constant 0 : i32
        %dma_wait3A_111 = arith.constant 0 : i32
        %dma_wait3A_112 = tpu.memref_slice %arg14[%dma_wait3A_110, %dma_wait3A_111] : memref<10112x48xf32, #tpu.memory_space<vmem_shared>> -> memref<10112x48xf32, #tpu.memory_space<vmem_shared>>
        tpu.wait_indirect_dma semaphore(%run_scoped3A : memref<!tpu.dma_semaphore, #tpu.memory_space<semaphore_mem>>) src(%arg12 : memref<128x48xf32, #tpu.memory_space<vmem>>) dst(%dma_wait3A_112 : memref<10112x48xf32, #tpu.memory_space<vmem_shared>>)
        tpu.yield
      }) : () -> ()
      %scan3A_106 = arith.constant 0 : i32
      scf.yield %scan3A_106 : i32
    }
    %scan3A_39 = arith.constant 40 : i32
    %dma_wait3A = arith.constant 0 : i32
    %dma_wait3A_40 = arith.constant 0 : i32
    %dma_wait3A_41 = tpu.memref_slice %arg4[%dma_wait3A, %dma_wait3A_40] : memref<10112x48xf32, #tpu.memory_space<hbm>> -> memref<10112x48xf32, #tpu.memory_space<hbm>>
    tpu.wait_indirect_dma semaphore(%arg15 : memref<!tpu.dma_semaphore, #tpu.memory_space<semaphore_mem>>) src(%dma_wait3A_41 : memref<10112x48xf32, #tpu.memory_space<hbm>>) dst(%arg11 : memref<128x48xf32, #tpu.memory_space<vmem>>)
    %barrier3A_42 = arith.constant 0 : index
    tpu.barrier barrier_id(%barrier3A_42)
    %mul3A_43 = arith.constant 632 : i32
    %mul3A_44 = arith.muli %arg1, %mul3A_43 : i32
    %mul3A_45 = arith.constant 632 : i32
    %mul3A_46 = arith.muli %arg1, %mul3A_45 : i32
    "tpu.region"() ({
      %run_scoped3A = tpu.sem_alloc : memref<!tpu.dma_semaphore, #tpu.memory_space<semaphore_mem>>
      %dma_start3A_47 = arith.constant 0 : i32
      %dma_start3A_48 = tpu.memref_slice %arg6[%arg0, %mul3A_46, %dma_start3A_47] : memref<2x10112x48xf32, #tpu.memory_space<hbm>> -> memref<1x632x48xf32, #tpu.memory_space<hbm>>
      %dma_start3A_49 = tpu.memref_squeeze %dma_start3A_48 : memref<1x632x48xf32, #tpu.memory_space<hbm>> -> memref<632x48xf32, #tpu.memory_space<hbm>>
      %dma_start3A_50 = arith.constant 0 : i32
      %dma_start3A_51 = tpu.memref_slice %arg14[%mul3A_44, %dma_start3A_50] : memref<10112x48xf32, #tpu.memory_space<vmem_shared>> -> memref<632x48xf32, #tpu.memory_space<vmem_shared>>
      tpu.enqueue_dma source(%dma_start3A_51 : memref<632x48xf32, #tpu.memory_space<vmem_shared>>) target(%dma_start3A_49 : memref<632x48xf32, #tpu.memory_space<hbm>>) target_semaphore(%run_scoped3A : memref<!tpu.dma_semaphore, #tpu.memory_space<semaphore_mem>>)
      %dma_wait3A_52 = arith.constant 0 : i32
      %dma_wait3A_53 = tpu.memref_slice %arg6[%arg0, %mul3A_46, %dma_wait3A_52] : memref<2x10112x48xf32, #tpu.memory_space<hbm>> -> memref<1x632x48xf32, #tpu.memory_space<hbm>>
      %dma_wait3A_54 = tpu.memref_squeeze %dma_wait3A_53 : memref<1x632x48xf32, #tpu.memory_space<hbm>> -> memref<632x48xf32, #tpu.memory_space<hbm>>
      %dma_wait3A_55 = arith.constant 0 : i32
      %dma_wait3A_56 = tpu.memref_slice %arg14[%mul3A_44, %dma_wait3A_55] : memref<10112x48xf32, #tpu.memory_space<vmem_shared>> -> memref<632x48xf32, #tpu.memory_space<vmem_shared>>
      tpu.wait_dma2 semaphore(%run_scoped3A : memref<!tpu.dma_semaphore, #tpu.memory_space<semaphore_mem>>) src(%dma_wait3A_56 : memref<632x48xf32, #tpu.memory_space<vmem_shared>>) dst(%dma_wait3A_54 : memref<632x48xf32, #tpu.memory_space<hbm>>)
      tpu.yield
    }) : () -> ()
    return
  }
}

module attributes {stable_mosaic.version = 14 : i64} {
  func.func @_first_dense_kernel(%arg0: i32, %arg1: memref<632x128xf32, #tpu.memory_space<vmem>>, %arg2: memref<128x128xf32, #tpu.memory_space<vmem>>, %arg3: memref<128x16xf32, #tpu.memory_space<vmem>>, %arg4: memref<128x16xf32, #tpu.memory_space<vmem>>, %arg5: memref<632x144xf32, #tpu.memory_space<vmem>>, %arg6: memref<632x16xf32, #tpu.memory_space<vmem>>) attributes {dimension_semantics = [#tpu.dimension_semantics<arbitrary>], iteration_bounds = array<i64: 16>, scalar_prefetch = 0 : i64, scratch_operands = 0 : i64, tpu.core_type = #tpu.core_type<tc>, window_params = [{transform_indices = @transform_0, window_bounds = array<i64: 632, 128>}, {pipeline_mode = #tpu.pipeline_mode<synchronous>, transform_indices = @transform_1, window_bounds = array<i64: 128, 128>}, {pipeline_mode = #tpu.pipeline_mode<synchronous>, transform_indices = @transform_2, window_bounds = array<i64: 128, 16>}, {pipeline_mode = #tpu.pipeline_mode<synchronous>, transform_indices = @transform_3, window_bounds = array<i64: 128, 16>}, {transform_indices = @transform_4, window_bounds = array<i64: 632, 144>}, {transform_indices = @transform_5, window_bounds = array<i64: 632, 16>}]} {
    %get3A = arith.constant 0 : index
    %get3A_0 = arith.constant 0 : index
    %get3A_1 = vector.load %arg1[%get3A, %get3A_0] : memref<632x128xf32, #tpu.memory_space<vmem>>, vector<632x128xf32>
    %get3A_2 = arith.constant 0 : index
    %get3A_3 = arith.constant 0 : index
    %get3A_4 = vector.load %arg2[%get3A_2, %get3A_3] : memref<128x128xf32, #tpu.memory_space<vmem>>, vector<128x128xf32>
    %dot_general3A = arith.constant dense<0.000000e+00> : vector<632x128xf32>
    %dot_general3A_5 = tpu.matmul %get3A_1, %get3A_4, %dot_general3A {dimension_numbers = #tpu.dot_dimension_numbers<[1], [0], [0], [1], [0, 0, 1, 1], [], []>, transpose_lhs_hint = false} : vector<632x128xf32>, vector<128x128xf32>, vector<632x128xf32> -> vector<632x128xf32>
    %get3A_6 = arith.constant 0 : index
    %get3A_7 = arith.constant 0 : index
    %get3A_8 = vector.load %arg3[%get3A_6, %get3A_7] : memref<128x16xf32, #tpu.memory_space<vmem>>, vector<128x16xf32>
    %dot_general3A_9 = arith.constant dense<0.000000e+00> : vector<632x16xf32>
    %dot_general3A_10 = tpu.matmul %dot_general3A_5, %get3A_8, %dot_general3A_9 {dimension_numbers = #tpu.dot_dimension_numbers<[1], [0], [0], [1], [0, 0, 1, 1], [], []>, transpose_lhs_hint = false} : vector<632x128xf32>, vector<128x16xf32>, vector<632x16xf32> -> vector<632x16xf32>
    %get3A_11 = arith.constant 0 : index
    %get3A_12 = arith.constant 0 : index
    %get3A_13 = vector.load %arg4[%get3A_11, %get3A_12] : memref<128x16xf32, #tpu.memory_space<vmem>>, vector<128x16xf32>
    %dot_general3A_14 = arith.constant dense<0.000000e+00> : vector<632x16xf32>
    %dot_general3A_15 = tpu.matmul %dot_general3A_5, %get3A_13, %dot_general3A_14 {dimension_numbers = #tpu.dot_dimension_numbers<[1], [0], [0], [1], [0, 0, 1, 1], [], []>, transpose_lhs_hint = false} : vector<632x128xf32>, vector<128x16xf32>, vector<632x16xf32> -> vector<632x16xf32>
    %swap3A = arith.constant 0 : index
    %swap3A_16 = arith.constant 0 : index
    %swap3A_17 = vector.load %arg5[%swap3A, %swap3A_16] : memref<632x144xf32, #tpu.memory_space<vmem>>, vector<632x128xf32>
    tpu.vector_store %arg5[%swap3A, %swap3A_16], %dot_general3A_5 {strides = array<i32>} : memref<632x144xf32, #tpu.memory_space<vmem>>, vector<632x128xf32>,
    %swap3A_18 = arith.constant 0 : index
    %swap3A_19 = arith.constant 128 : index
    %swap3A_20 = vector.load %arg5[%swap3A_18, %swap3A_19] : memref<632x144xf32, #tpu.memory_space<vmem>>, vector<632x16xf32>
    tpu.vector_store %arg5[%swap3A_18, %swap3A_19], %dot_general3A_10 {strides = array<i32>} : memref<632x144xf32, #tpu.memory_space<vmem>>, vector<632x16xf32>,
    %swap3A_21 = arith.constant 0 : index
    %swap3A_22 = arith.constant 0 : index
    %swap3A_23 = vector.load %arg6[%swap3A_21, %swap3A_22] : memref<632x16xf32, #tpu.memory_space<vmem>>, vector<632x16xf32>
    tpu.vector_store %arg6[%swap3A_21, %swap3A_22], %dot_general3A_15 {strides = array<i32>} : memref<632x16xf32, #tpu.memory_space<vmem>>, vector<632x16xf32>,
    return
  }
  func.func @transform_0(%arg0: i32) -> (i32, i32) {
    %c0_i32 = arith.constant 0 : i32
    %c0_i32_0 = arith.constant 0 : i32
    return %arg0, %c0_i32 : i32, i32
  }
  func.func @transform_1(%arg0: i32) -> (i32, i32) {
    %c0_i32 = arith.constant 0 : i32
    %c0_i32_0 = arith.constant 0 : i32
    %c0_i32_1 = arith.constant 0 : i32
    return %c0_i32, %c0_i32_0 : i32, i32
  }
  func.func @transform_2(%arg0: i32) -> (i32, i32) {
    %c0_i32 = arith.constant 0 : i32
    %c0_i32_0 = arith.constant 0 : i32
    %c0_i32_1 = arith.constant 0 : i32
    return %c0_i32, %c0_i32_0 : i32, i32
  }
  func.func @transform_3(%arg0: i32) -> (i32, i32) {
    %c0_i32 = arith.constant 0 : i32
    %c0_i32_0 = arith.constant 0 : i32
    %c0_i32_1 = arith.constant 0 : i32
    return %c0_i32, %c0_i32_0 : i32, i32
  }
  func.func @transform_4(%arg0: i32) -> (i32, i32) {
    %c0_i32 = arith.constant 0 : i32
    %c0_i32_0 = arith.constant 0 : i32
    return %arg0, %c0_i32 : i32, i32
  }
  func.func @transform_5(%arg0: i32) -> (i32, i32) {
    %c0_i32 = arith.constant 0 : i32
    %c0_i32_0 = arith.constant 0 : i32
    return %arg0, %c0_i32 : i32, i32
  }
}

module attributes {stable_mosaic.version = 14 : i64} {
  func.func @_norm_dense_kernel(%arg0: i32, %arg1: memref<2x632x144xf32, #tpu.memory_space<vmem>>, %arg2: memref<1x128xf32, #tpu.memory_space<vmem>>, %arg3: memref<16x128xf32, #tpu.memory_space<vmem>>, %arg4: memref<128x32xf32, #tpu.memory_space<vmem>>, %arg5: memref<32x16xf32, #tpu.memory_space<vmem>>, %arg6: memref<32x16xf32, #tpu.memory_space<vmem>>, %arg7: memref<632x48xf32, #tpu.memory_space<vmem>>, %arg8: memref<632x16xf32, #tpu.memory_space<vmem>>) attributes {dimension_semantics = [#tpu.dimension_semantics<arbitrary>], iteration_bounds = array<i64: 16>, scalar_prefetch = 0 : i64, scratch_operands = 0 : i64, tpu.core_type = #tpu.core_type<tc>, window_params = [{transform_indices = @transform_0, window_bounds = array<i64: 2, 632, 144>}, {pipeline_mode = #tpu.pipeline_mode<synchronous>, transform_indices = @transform_1, window_bounds = array<i64: 1, 128>}, {pipeline_mode = #tpu.pipeline_mode<synchronous>, transform_indices = @transform_2, window_bounds = array<i64: 16, 128>}, {pipeline_mode = #tpu.pipeline_mode<synchronous>, transform_indices = @transform_3, window_bounds = array<i64: 128, 32>}, {pipeline_mode = #tpu.pipeline_mode<synchronous>, transform_indices = @transform_4, window_bounds = array<i64: 32, 16>}, {pipeline_mode = #tpu.pipeline_mode<synchronous>, transform_indices = @transform_5, window_bounds = array<i64: 32, 16>}, {transform_indices = @transform_6, window_bounds = array<i64: 632, 48>}, {transform_indices = @transform_7, window_bounds = array<i64: 632, 16>}]} {
    %get3A = arith.constant 0 : index
    %get3A_0 = arith.constant 0 : index
    %get3A_1 = arith.constant 0 : index
    %get3A_2 = vector.load %arg1[%get3A, %get3A_0, %get3A_1] : memref<2x632x144xf32, #tpu.memory_space<vmem>>, vector<1x632x144xf32>
    %get3A_3 = vector.shape_cast %get3A_2 : vector<1x632x144xf32> to vector<632x144xf32>
    %get3A_4 = arith.constant 1 : index
    %get3A_5 = arith.constant 0 : index
    %get3A_6 = arith.constant 0 : index
    %get3A_7 = vector.load %arg1[%get3A_4, %get3A_5, %get3A_6] : memref<2x632x144xf32, #tpu.memory_space<vmem>>, vector<1x632x144xf32>
    %get3A_8 = vector.shape_cast %get3A_7 : vector<1x632x144xf32> to vector<632x144xf32>
    %add3A = arith.addf %get3A_3, %get3A_8 : vector<632x144xf32>
    %slice3A = vector.extract_strided_slice %add3A {offsets = [0, 0], sizes = [632, 128], strides = [1, 1]} : vector<632x144xf32> to vector<632x128xf32>
    %slice3A_9 = vector.extract_strided_slice %add3A {offsets = [0, 128], sizes = [632, 16], strides = [1, 1]} : vector<632x144xf32> to vector<632x16xf32>
    %get3A_10 = arith.constant 0 : index
    %get3A_11 = arith.constant 0 : index
    %get3A_12 = vector.load %arg3[%get3A_10, %get3A_11] : memref<16x128xf32, #tpu.memory_space<vmem>>, vector<16x128xf32>
    %dot_general3A = arith.constant dense<0.000000e+00> : vector<632x128xf32>
    %dot_general3A_13 = tpu.matmul %slice3A_9, %get3A_12, %dot_general3A {dimension_numbers = #tpu.dot_dimension_numbers<[1], [0], [0], [1], [0, 0, 1, 1], [], []>, transpose_lhs_hint = false} : vector<632x16xf32>, vector<16x128xf32>, vector<632x128xf32> -> vector<632x128xf32>
    %add3A_14 = arith.constant 1.000000e-16 : f32
    %add3A_15 = vector.broadcast %add3A_14 : f32 to vector<632x128xf32>
    %add3A_16 = arith.addf %dot_general3A_13, %add3A_15 : vector<632x128xf32>
    %div3A = arith.divf %slice3A, %add3A_16 : vector<632x128xf32>
    %get3A_17 = arith.constant 0 : index
    %get3A_18 = arith.constant 0 : index
    %get3A_19 = vector.load %arg2[%get3A_17, %get3A_18] : memref<1x128xf32, #tpu.memory_space<vmem>>, vector<1x128xf32>
    %add3A_20 = vector.broadcast %get3A_19 : vector<1x128xf32> to vector<632x128xf32>
    %add3A_21 = arith.addf %div3A, %add3A_20 : vector<632x128xf32>
    %max3A = arith.constant 0.000000e+00 : f32
    %max3A_22 = vector.broadcast %max3A : f32 to vector<632x128xf32>
    %max3A_23 = arith.maximumf %add3A_21, %max3A_22 : vector<632x128xf32>
    %get3A_24 = arith.constant 0 : index
    %get3A_25 = arith.constant 0 : index
    %get3A_26 = vector.load %arg4[%get3A_24, %get3A_25] : memref<128x32xf32, #tpu.memory_space<vmem>>, vector<128x32xf32>
    %dot_general3A_27 = arith.constant dense<0.000000e+00> : vector<632x32xf32>
    %dot_general3A_28 = tpu.matmul %max3A_23, %get3A_26, %dot_general3A_27 {dimension_numbers = #tpu.dot_dimension_numbers<[1], [0], [0], [1], [0, 0, 1, 1], [], []>, transpose_lhs_hint = false} : vector<632x128xf32>, vector<128x32xf32>, vector<632x32xf32> -> vector<632x32xf32>
    %get3A_29 = arith.constant 0 : index
    %get3A_30 = arith.constant 0 : index
    %get3A_31 = vector.load %arg5[%get3A_29, %get3A_30] : memref<32x16xf32, #tpu.memory_space<vmem>>, vector<32x16xf32>
    %dot_general3A_32 = arith.constant dense<0.000000e+00> : vector<632x16xf32>
    %dot_general3A_33 = tpu.matmul %dot_general3A_28, %get3A_31, %dot_general3A_32 {dimension_numbers = #tpu.dot_dimension_numbers<[1], [0], [0], [1], [0, 0, 1, 1], [], []>, transpose_lhs_hint = false} : vector<632x32xf32>, vector<32x16xf32>, vector<632x16xf32> -> vector<632x16xf32>
    %get3A_34 = arith.constant 0 : index
    %get3A_35 = arith.constant 0 : index
    %get3A_36 = vector.load %arg6[%get3A_34, %get3A_35] : memref<32x16xf32, #tpu.memory_space<vmem>>, vector<32x16xf32>
    %dot_general3A_37 = arith.constant dense<0.000000e+00> : vector<632x16xf32>
    %dot_general3A_38 = tpu.matmul %dot_general3A_28, %get3A_36, %dot_general3A_37 {dimension_numbers = #tpu.dot_dimension_numbers<[1], [0], [0], [1], [0, 0, 1, 1], [], []>, transpose_lhs_hint = false} : vector<632x32xf32>, vector<32x16xf32>, vector<632x16xf32> -> vector<632x16xf32>
    %swap3A = arith.constant 0 : index
    %swap3A_39 = arith.constant 0 : index
    %swap3A_40 = vector.load %arg7[%swap3A, %swap3A_39] : memref<632x48xf32, #tpu.memory_space<vmem>>, vector<632x32xf32>
    tpu.vector_store %arg7[%swap3A, %swap3A_39], %dot_general3A_28 {strides = array<i32>} : memref<632x48xf32, #tpu.memory_space<vmem>>, vector<632x32xf32>,
    %swap3A_41 = arith.constant 0 : index
    %swap3A_42 = arith.constant 32 : index
    %swap3A_43 = vector.load %arg7[%swap3A_41, %swap3A_42] : memref<632x48xf32, #tpu.memory_space<vmem>>, vector<632x16xf32>
    tpu.vector_store %arg7[%swap3A_41, %swap3A_42], %dot_general3A_33 {strides = array<i32>} : memref<632x48xf32, #tpu.memory_space<vmem>>, vector<632x16xf32>,
    %swap3A_44 = arith.constant 0 : index
    %swap3A_45 = arith.constant 0 : index
    %swap3A_46 = vector.load %arg8[%swap3A_44, %swap3A_45] : memref<632x16xf32, #tpu.memory_space<vmem>>, vector<632x16xf32>
    tpu.vector_store %arg8[%swap3A_44, %swap3A_45], %dot_general3A_38 {strides = array<i32>} : memref<632x16xf32, #tpu.memory_space<vmem>>, vector<632x16xf32>,
    return
  }
  func.func @transform_0(%arg0: i32) -> (i32, i32, i32) {
    %c0_i32 = arith.constant 0 : i32
    %c0_i32_0 = arith.constant 0 : i32
    %c0_i32_1 = arith.constant 0 : i32
    return %c0_i32, %arg0, %c0_i32_0 : i32, i32, i32
  }
  func.func @transform_1(%arg0: i32) -> (i32, i32) {
    %c0_i32 = arith.constant 0 : i32
    %c0_i32_0 = arith.constant 0 : i32
    %c0_i32_1 = arith.constant 0 : i32
    return %c0_i32, %c0_i32_0 : i32, i32
  }
  func.func @transform_2(%arg0: i32) -> (i32, i32) {
    %c0_i32 = arith.constant 0 : i32
    %c0_i32_0 = arith.constant 0 : i32
    %c0_i32_1 = arith.constant 0 : i32
    return %c0_i32, %c0_i32_0 : i32, i32
  }
  func.func @transform_3(%arg0: i32) -> (i32, i32) {
    %c0_i32 = arith.constant 0 : i32
    %c0_i32_0 = arith.constant 0 : i32
    %c0_i32_1 = arith.constant 0 : i32
    return %c0_i32, %c0_i32_0 : i32, i32
  }
  func.func @transform_4(%arg0: i32) -> (i32, i32) {
    %c0_i32 = arith.constant 0 : i32
    %c0_i32_0 = arith.constant 0 : i32
    %c0_i32_1 = arith.constant 0 : i32
    return %c0_i32, %c0_i32_0 : i32, i32
  }
  func.func @transform_5(%arg0: i32) -> (i32, i32) {
    %c0_i32 = arith.constant 0 : i32
    %c0_i32_0 = arith.constant 0 : i32
    %c0_i32_1 = arith.constant 0 : i32
    return %c0_i32, %c0_i32_0 : i32, i32
  }
  func.func @transform_6(%arg0: i32) -> (i32, i32) {
    %c0_i32 = arith.constant 0 : i32
    %c0_i32_0 = arith.constant 0 : i32
    return %arg0, %c0_i32 : i32, i32
  }
  func.func @transform_7(%arg0: i32) -> (i32, i32) {
    %c0_i32 = arith.constant 0 : i32
    %c0_i32_0 = arith.constant 0 : i32
    return %arg0, %c0_i32 : i32, i32
  }
}

module attributes {stable_mosaic.version = 14 : i64} {
  func.func @_norm_dense_kernel(%arg0: i32, %arg1: memref<2x632x48xf32, #tpu.memory_space<vmem>>, %arg2: memref<1x32xf32, #tpu.memory_space<vmem>>, %arg3: memref<16x32xf32, #tpu.memory_space<vmem>>, %arg4: memref<32x128xf32, #tpu.memory_space<vmem>>, %arg5: memref<128x16xf32, #tpu.memory_space<vmem>>, %arg6: memref<128x16xf32, #tpu.memory_space<vmem>>, %arg7: memref<632x144xf32, #tpu.memory_space<vmem>>, %arg8: memref<632x16xf32, #tpu.memory_space<vmem>>) attributes {dimension_semantics = [#tpu.dimension_semantics<arbitrary>], iteration_bounds = array<i64: 16>, scalar_prefetch = 0 : i64, scratch_operands = 0 : i64, tpu.core_type = #tpu.core_type<tc>, window_params = [{transform_indices = @transform_0, window_bounds = array<i64: 2, 632, 48>}, {pipeline_mode = #tpu.pipeline_mode<synchronous>, transform_indices = @transform_1, window_bounds = array<i64: 1, 32>}, {pipeline_mode = #tpu.pipeline_mode<synchronous>, transform_indices = @transform_2, window_bounds = array<i64: 16, 32>}, {pipeline_mode = #tpu.pipeline_mode<synchronous>, transform_indices = @transform_3, window_bounds = array<i64: 32, 128>}, {pipeline_mode = #tpu.pipeline_mode<synchronous>, transform_indices = @transform_4, window_bounds = array<i64: 128, 16>}, {pipeline_mode = #tpu.pipeline_mode<synchronous>, transform_indices = @transform_5, window_bounds = array<i64: 128, 16>}, {transform_indices = @transform_6, window_bounds = array<i64: 632, 144>}, {transform_indices = @transform_7, window_bounds = array<i64: 632, 16>}]} {
    %get3A = arith.constant 0 : index
    %get3A_0 = arith.constant 0 : index
    %get3A_1 = arith.constant 0 : index
    %get3A_2 = vector.load %arg1[%get3A, %get3A_0, %get3A_1] : memref<2x632x48xf32, #tpu.memory_space<vmem>>, vector<1x632x48xf32>
    %get3A_3 = vector.shape_cast %get3A_2 : vector<1x632x48xf32> to vector<632x48xf32>
    %get3A_4 = arith.constant 1 : index
    %get3A_5 = arith.constant 0 : index
    %get3A_6 = arith.constant 0 : index
    %get3A_7 = vector.load %arg1[%get3A_4, %get3A_5, %get3A_6] : memref<2x632x48xf32, #tpu.memory_space<vmem>>, vector<1x632x48xf32>
    %get3A_8 = vector.shape_cast %get3A_7 : vector<1x632x48xf32> to vector<632x48xf32>
    %add3A = arith.addf %get3A_3, %get3A_8 : vector<632x48xf32>
    %slice3A = vector.extract_strided_slice %add3A {offsets = [0, 0], sizes = [632, 32], strides = [1, 1]} : vector<632x48xf32> to vector<632x32xf32>
    %slice3A_9 = vector.extract_strided_slice %add3A {offsets = [0, 32], sizes = [632, 16], strides = [1, 1]} : vector<632x48xf32> to vector<632x16xf32>
    %get3A_10 = arith.constant 0 : index
    %get3A_11 = arith.constant 0 : index
    %get3A_12 = vector.load %arg3[%get3A_10, %get3A_11] : memref<16x32xf32, #tpu.memory_space<vmem>>, vector<16x32xf32>
    %dot_general3A = arith.constant dense<0.000000e+00> : vector<632x32xf32>
    %dot_general3A_13 = tpu.matmul %slice3A_9, %get3A_12, %dot_general3A {dimension_numbers = #tpu.dot_dimension_numbers<[1], [0], [0], [1], [0, 0, 1, 1], [], []>, transpose_lhs_hint = false} : vector<632x16xf32>, vector<16x32xf32>, vector<632x32xf32> -> vector<632x32xf32>
    %add3A_14 = arith.constant 1.000000e-16 : f32
    %add3A_15 = vector.broadcast %add3A_14 : f32 to vector<632x32xf32>
    %add3A_16 = arith.addf %dot_general3A_13, %add3A_15 : vector<632x32xf32>
    %div3A = arith.divf %slice3A, %add3A_16 : vector<632x32xf32>
    %get3A_17 = arith.constant 0 : index
    %get3A_18 = arith.constant 0 : index
    %get3A_19 = vector.load %arg2[%get3A_17, %get3A_18] : memref<1x32xf32, #tpu.memory_space<vmem>>, vector<1x32xf32>
    %add3A_20 = vector.broadcast %get3A_19 : vector<1x32xf32> to vector<632x32xf32>
    %add3A_21 = arith.addf %div3A, %add3A_20 : vector<632x32xf32>
    %max3A = arith.constant 0.000000e+00 : f32
    %max3A_22 = vector.broadcast %max3A : f32 to vector<632x32xf32>
    %max3A_23 = arith.maximumf %add3A_21, %max3A_22 : vector<632x32xf32>
    %get3A_24 = arith.constant 0 : index
    %get3A_25 = arith.constant 0 : index
    %get3A_26 = vector.load %arg4[%get3A_24, %get3A_25] : memref<32x128xf32, #tpu.memory_space<vmem>>, vector<32x128xf32>
    %dot_general3A_27 = arith.constant dense<0.000000e+00> : vector<632x128xf32>
    %dot_general3A_28 = tpu.matmul %max3A_23, %get3A_26, %dot_general3A_27 {dimension_numbers = #tpu.dot_dimension_numbers<[1], [0], [0], [1], [0, 0, 1, 1], [], []>, transpose_lhs_hint = false} : vector<632x32xf32>, vector<32x128xf32>, vector<632x128xf32> -> vector<632x128xf32>
    %get3A_29 = arith.constant 0 : index
    %get3A_30 = arith.constant 0 : index
    %get3A_31 = vector.load %arg5[%get3A_29, %get3A_30] : memref<128x16xf32, #tpu.memory_space<vmem>>, vector<128x16xf32>
    %dot_general3A_32 = arith.constant dense<0.000000e+00> : vector<632x16xf32>
    %dot_general3A_33 = tpu.matmul %dot_general3A_28, %get3A_31, %dot_general3A_32 {dimension_numbers = #tpu.dot_dimension_numbers<[1], [0], [0], [1], [0, 0, 1, 1], [], []>, transpose_lhs_hint = false} : vector<632x128xf32>, vector<128x16xf32>, vector<632x16xf32> -> vector<632x16xf32>
    %get3A_34 = arith.constant 0 : index
    %get3A_35 = arith.constant 0 : index
    %get3A_36 = vector.load %arg6[%get3A_34, %get3A_35] : memref<128x16xf32, #tpu.memory_space<vmem>>, vector<128x16xf32>
    %dot_general3A_37 = arith.constant dense<0.000000e+00> : vector<632x16xf32>
    %dot_general3A_38 = tpu.matmul %dot_general3A_28, %get3A_36, %dot_general3A_37 {dimension_numbers = #tpu.dot_dimension_numbers<[1], [0], [0], [1], [0, 0, 1, 1], [], []>, transpose_lhs_hint = false} : vector<632x128xf32>, vector<128x16xf32>, vector<632x16xf32> -> vector<632x16xf32>
    %swap3A = arith.constant 0 : index
    %swap3A_39 = arith.constant 0 : index
    %swap3A_40 = vector.load %arg7[%swap3A, %swap3A_39] : memref<632x144xf32, #tpu.memory_space<vmem>>, vector<632x128xf32>
    tpu.vector_store %arg7[%swap3A, %swap3A_39], %dot_general3A_28 {strides = array<i32>} : memref<632x144xf32, #tpu.memory_space<vmem>>, vector<632x128xf32>,
    %swap3A_41 = arith.constant 0 : index
    %swap3A_42 = arith.constant 128 : index
    %swap3A_43 = vector.load %arg7[%swap3A_41, %swap3A_42] : memref<632x144xf32, #tpu.memory_space<vmem>>, vector<632x16xf32>
    tpu.vector_store %arg7[%swap3A_41, %swap3A_42], %dot_general3A_33 {strides = array<i32>} : memref<632x144xf32, #tpu.memory_space<vmem>>, vector<632x16xf32>,
    %swap3A_44 = arith.constant 0 : index
    %swap3A_45 = arith.constant 0 : index
    %swap3A_46 = vector.load %arg8[%swap3A_44, %swap3A_45] : memref<632x16xf32, #tpu.memory_space<vmem>>, vector<632x16xf32>
    tpu.vector_store %arg8[%swap3A_44, %swap3A_45], %dot_general3A_38 {strides = array<i32>} : memref<632x16xf32, #tpu.memory_space<vmem>>, vector<632x16xf32>,
    return
  }
  func.func @transform_0(%arg0: i32) -> (i32, i32, i32) {
    %c0_i32 = arith.constant 0 : i32
    %c0_i32_0 = arith.constant 0 : i32
    %c0_i32_1 = arith.constant 0 : i32
    return %c0_i32, %arg0, %c0_i32_0 : i32, i32, i32
  }
  func.func @transform_1(%arg0: i32) -> (i32, i32) {
    %c0_i32 = arith.constant 0 : i32
    %c0_i32_0 = arith.constant 0 : i32
    %c0_i32_1 = arith.constant 0 : i32
    return %c0_i32, %c0_i32_0 : i32, i32
  }
  func.func @transform_2(%arg0: i32) -> (i32, i32) {
    %c0_i32 = arith.constant 0 : i32
    %c0_i32_0 = arith.constant 0 : i32
    %c0_i32_1 = arith.constant 0 : i32
    return %c0_i32, %c0_i32_0 : i32, i32
  }
  func.func @transform_3(%arg0: i32) -> (i32, i32) {
    %c0_i32 = arith.constant 0 : i32
    %c0_i32_0 = arith.constant 0 : i32
    %c0_i32_1 = arith.constant 0 : i32
    return %c0_i32, %c0_i32_0 : i32, i32
  }
  func.func @transform_4(%arg0: i32) -> (i32, i32) {
    %c0_i32 = arith.constant 0 : i32
    %c0_i32_0 = arith.constant 0 : i32
    %c0_i32_1 = arith.constant 0 : i32
    return %c0_i32, %c0_i32_0 : i32, i32
  }
  func.func @transform_5(%arg0: i32) -> (i32, i32) {
    %c0_i32 = arith.constant 0 : i32
    %c0_i32_0 = arith.constant 0 : i32
    %c0_i32_1 = arith.constant 0 : i32
    return %c0_i32, %c0_i32_0 : i32, i32
  }
  func.func @transform_6(%arg0: i32) -> (i32, i32) {
    %c0_i32 = arith.constant 0 : i32
    %c0_i32_0 = arith.constant 0 : i32
    return %arg0, %c0_i32 : i32, i32
  }
  func.func @transform_7(%arg0: i32) -> (i32, i32) {
    %c0_i32 = arith.constant 0 : i32
    %c0_i32_0 = arith.constant 0 : i32
    return %arg0, %c0_i32 : i32, i32
  }
}

module attributes {stable_mosaic.version = 14 : i64} {
  func.func @_norm_dense_kernel(%arg0: i32, %arg1: memref<2x632x144xf32, #tpu.memory_space<vmem>>, %arg2: memref<1x128xf32, #tpu.memory_space<vmem>>, %arg3: memref<16x128xf32, #tpu.memory_space<vmem>>, %arg4: memref<128x128xf32, #tpu.memory_space<vmem>>, %arg5: memref<128x16xf32, #tpu.memory_space<vmem>>, %arg6: memref<128x16xf32, #tpu.memory_space<vmem>>, %arg7: memref<632x144xf32, #tpu.memory_space<vmem>>, %arg8: memref<632x16xf32, #tpu.memory_space<vmem>>) attributes {dimension_semantics = [#tpu.dimension_semantics<arbitrary>], iteration_bounds = array<i64: 16>, scalar_prefetch = 0 : i64, scratch_operands = 0 : i64, tpu.core_type = #tpu.core_type<tc>, window_params = [{transform_indices = @transform_0, window_bounds = array<i64: 2, 632, 144>}, {pipeline_mode = #tpu.pipeline_mode<synchronous>, transform_indices = @transform_1, window_bounds = array<i64: 1, 128>}, {pipeline_mode = #tpu.pipeline_mode<synchronous>, transform_indices = @transform_2, window_bounds = array<i64: 16, 128>}, {pipeline_mode = #tpu.pipeline_mode<synchronous>, transform_indices = @transform_3, window_bounds = array<i64: 128, 128>}, {pipeline_mode = #tpu.pipeline_mode<synchronous>, transform_indices = @transform_4, window_bounds = array<i64: 128, 16>}, {pipeline_mode = #tpu.pipeline_mode<synchronous>, transform_indices = @transform_5, window_bounds = array<i64: 128, 16>}, {transform_indices = @transform_6, window_bounds = array<i64: 632, 144>}, {transform_indices = @transform_7, window_bounds = array<i64: 632, 16>}]} {
    %get3A = arith.constant 0 : index
    %get3A_0 = arith.constant 0 : index
    %get3A_1 = arith.constant 0 : index
    %get3A_2 = vector.load %arg1[%get3A, %get3A_0, %get3A_1] : memref<2x632x144xf32, #tpu.memory_space<vmem>>, vector<1x632x144xf32>
    %get3A_3 = vector.shape_cast %get3A_2 : vector<1x632x144xf32> to vector<632x144xf32>
    %get3A_4 = arith.constant 1 : index
    %get3A_5 = arith.constant 0 : index
    %get3A_6 = arith.constant 0 : index
    %get3A_7 = vector.load %arg1[%get3A_4, %get3A_5, %get3A_6] : memref<2x632x144xf32, #tpu.memory_space<vmem>>, vector<1x632x144xf32>
    %get3A_8 = vector.shape_cast %get3A_7 : vector<1x632x144xf32> to vector<632x144xf32>
    %add3A = arith.addf %get3A_3, %get3A_8 : vector<632x144xf32>
    %slice3A = vector.extract_strided_slice %add3A {offsets = [0, 0], sizes = [632, 128], strides = [1, 1]} : vector<632x144xf32> to vector<632x128xf32>
    %slice3A_9 = vector.extract_strided_slice %add3A {offsets = [0, 128], sizes = [632, 16], strides = [1, 1]} : vector<632x144xf32> to vector<632x16xf32>
    %get3A_10 = arith.constant 0 : index
    %get3A_11 = arith.constant 0 : index
    %get3A_12 = vector.load %arg3[%get3A_10, %get3A_11] : memref<16x128xf32, #tpu.memory_space<vmem>>, vector<16x128xf32>
    %dot_general3A = arith.constant dense<0.000000e+00> : vector<632x128xf32>
    %dot_general3A_13 = tpu.matmul %slice3A_9, %get3A_12, %dot_general3A {dimension_numbers = #tpu.dot_dimension_numbers<[1], [0], [0], [1], [0, 0, 1, 1], [], []>, transpose_lhs_hint = false} : vector<632x16xf32>, vector<16x128xf32>, vector<632x128xf32> -> vector<632x128xf32>
    %add3A_14 = arith.constant 1.000000e-16 : f32
    %add3A_15 = vector.broadcast %add3A_14 : f32 to vector<632x128xf32>
    %add3A_16 = arith.addf %dot_general3A_13, %add3A_15 : vector<632x128xf32>
    %div3A = arith.divf %slice3A, %add3A_16 : vector<632x128xf32>
    %get3A_17 = arith.constant 0 : index
    %get3A_18 = arith.constant 0 : index
    %get3A_19 = vector.load %arg2[%get3A_17, %get3A_18] : memref<1x128xf32, #tpu.memory_space<vmem>>, vector<1x128xf32>
    %add3A_20 = vector.broadcast %get3A_19 : vector<1x128xf32> to vector<632x128xf32>
    %add3A_21 = arith.addf %div3A, %add3A_20 : vector<632x128xf32>
    %max3A = arith.constant 0.000000e+00 : f32
    %max3A_22 = vector.broadcast %max3A : f32 to vector<632x128xf32>
    %max3A_23 = arith.maximumf %add3A_21, %max3A_22 : vector<632x128xf32>
    %get3A_24 = arith.constant 0 : index
    %get3A_25 = arith.constant 0 : index
    %get3A_26 = vector.load %arg4[%get3A_24, %get3A_25] : memref<128x128xf32, #tpu.memory_space<vmem>>, vector<128x128xf32>
    %dot_general3A_27 = arith.constant dense<0.000000e+00> : vector<632x128xf32>
    %dot_general3A_28 = tpu.matmul %max3A_23, %get3A_26, %dot_general3A_27 {dimension_numbers = #tpu.dot_dimension_numbers<[1], [0], [0], [1], [0, 0, 1, 1], [], []>, transpose_lhs_hint = false} : vector<632x128xf32>, vector<128x128xf32>, vector<632x128xf32> -> vector<632x128xf32>
    %get3A_29 = arith.constant 0 : index
    %get3A_30 = arith.constant 0 : index
    %get3A_31 = vector.load %arg5[%get3A_29, %get3A_30] : memref<128x16xf32, #tpu.memory_space<vmem>>, vector<128x16xf32>
    %dot_general3A_32 = arith.constant dense<0.000000e+00> : vector<632x16xf32>
    %dot_general3A_33 = tpu.matmul %dot_general3A_28, %get3A_31, %dot_general3A_32 {dimension_numbers = #tpu.dot_dimension_numbers<[1], [0], [0], [1], [0, 0, 1, 1], [], []>, transpose_lhs_hint = false} : vector<632x128xf32>, vector<128x16xf32>, vector<632x16xf32> -> vector<632x16xf32>
    %get3A_34 = arith.constant 0 : index
    %get3A_35 = arith.constant 0 : index
    %get3A_36 = vector.load %arg6[%get3A_34, %get3A_35] : memref<128x16xf32, #tpu.memory_space<vmem>>, vector<128x16xf32>
    %dot_general3A_37 = arith.constant dense<0.000000e+00> : vector<632x16xf32>
    %dot_general3A_38 = tpu.matmul %dot_general3A_28, %get3A_36, %dot_general3A_37 {dimension_numbers = #tpu.dot_dimension_numbers<[1], [0], [0], [1], [0, 0, 1, 1], [], []>, transpose_lhs_hint = false} : vector<632x128xf32>, vector<128x16xf32>, vector<632x16xf32> -> vector<632x16xf32>
    %swap3A = arith.constant 0 : index
    %swap3A_39 = arith.constant 0 : index
    %swap3A_40 = vector.load %arg7[%swap3A, %swap3A_39] : memref<632x144xf32, #tpu.memory_space<vmem>>, vector<632x128xf32>
    tpu.vector_store %arg7[%swap3A, %swap3A_39], %dot_general3A_28 {strides = array<i32>} : memref<632x144xf32, #tpu.memory_space<vmem>>, vector<632x128xf32>,
    %swap3A_41 = arith.constant 0 : index
    %swap3A_42 = arith.constant 128 : index
    %swap3A_43 = vector.load %arg7[%swap3A_41, %swap3A_42] : memref<632x144xf32, #tpu.memory_space<vmem>>, vector<632x16xf32>
    tpu.vector_store %arg7[%swap3A_41, %swap3A_42], %dot_general3A_33 {strides = array<i32>} : memref<632x144xf32, #tpu.memory_space<vmem>>, vector<632x16xf32>,
    %swap3A_44 = arith.constant 0 : index
    %swap3A_45 = arith.constant 0 : index
    %swap3A_46 = vector.load %arg8[%swap3A_44, %swap3A_45] : memref<632x16xf32, #tpu.memory_space<vmem>>, vector<632x16xf32>
    tpu.vector_store %arg8[%swap3A_44, %swap3A_45], %dot_general3A_38 {strides = array<i32>} : memref<632x16xf32, #tpu.memory_space<vmem>>, vector<632x16xf32>,
    return
  }
  func.func @transform_0(%arg0: i32) -> (i32, i32, i32) {
    %c0_i32 = arith.constant 0 : i32
    %c0_i32_0 = arith.constant 0 : i32
    %c0_i32_1 = arith.constant 0 : i32
    return %c0_i32, %arg0, %c0_i32_0 : i32, i32, i32
  }
  func.func @transform_1(%arg0: i32) -> (i32, i32) {
    %c0_i32 = arith.constant 0 : i32
    %c0_i32_0 = arith.constant 0 : i32
    %c0_i32_1 = arith.constant 0 : i32
    return %c0_i32, %c0_i32_0 : i32, i32
  }
  func.func @transform_2(%arg0: i32) -> (i32, i32) {
    %c0_i32 = arith.constant 0 : i32
    %c0_i32_0 = arith.constant 0 : i32
    %c0_i32_1 = arith.constant 0 : i32
    return %c0_i32, %c0_i32_0 : i32, i32
  }
  func.func @transform_3(%arg0: i32) -> (i32, i32) {
    %c0_i32 = arith.constant 0 : i32
    %c0_i32_0 = arith.constant 0 : i32
    %c0_i32_1 = arith.constant 0 : i32
    return %c0_i32, %c0_i32_0 : i32, i32
  }
  func.func @transform_4(%arg0: i32) -> (i32, i32) {
    %c0_i32 = arith.constant 0 : i32
    %c0_i32_0 = arith.constant 0 : i32
    %c0_i32_1 = arith.constant 0 : i32
    return %c0_i32, %c0_i32_0 : i32, i32
  }
  func.func @transform_5(%arg0: i32) -> (i32, i32) {
    %c0_i32 = arith.constant 0 : i32
    %c0_i32_0 = arith.constant 0 : i32
    %c0_i32_1 = arith.constant 0 : i32
    return %c0_i32, %c0_i32_0 : i32, i32
  }
  func.func @transform_6(%arg0: i32) -> (i32, i32) {
    %c0_i32 = arith.constant 0 : i32
    %c0_i32_0 = arith.constant 0 : i32
    return %arg0, %c0_i32 : i32, i32
  }
  func.func @transform_7(%arg0: i32) -> (i32, i32) {
    %c0_i32 = arith.constant 0 : i32
    %c0_i32_0 = arith.constant 0 : i32
    return %arg0, %c0_i32 : i32, i32
  }
}

module attributes {stable_mosaic.version = 14 : i64} {
  func.func @_final_kernel(%arg0: i32, %arg1: memref<2x632x144xf32, #tpu.memory_space<vmem>>, %arg2: memref<1x128xf32, #tpu.memory_space<vmem>>, %arg3: memref<632x128xf32, #tpu.memory_space<vmem>>) attributes {dimension_semantics = [#tpu.dimension_semantics<arbitrary>], iteration_bounds = array<i64: 16>, scalar_prefetch = 0 : i64, scratch_operands = 0 : i64, tpu.core_type = #tpu.core_type<tc>, window_params = [{transform_indices = @transform_0, window_bounds = array<i64: 2, 632, 144>}, {pipeline_mode = #tpu.pipeline_mode<synchronous>, transform_indices = @transform_1, window_bounds = array<i64: 1, 128>}, {transform_indices = @transform_2, window_bounds = array<i64: 632, 128>}]} {
    %get3A = arith.constant 0 : index
    %get3A_0 = arith.constant 0 : index
    %get3A_1 = arith.constant 0 : index
    %get3A_2 = vector.load %arg1[%get3A, %get3A_0, %get3A_1] : memref<2x632x144xf32, #tpu.memory_space<vmem>>, vector<1x632x144xf32>
    %get3A_3 = vector.shape_cast %get3A_2 : vector<1x632x144xf32> to vector<632x144xf32>
    %get3A_4 = arith.constant 1 : index
    %get3A_5 = arith.constant 0 : index
    %get3A_6 = arith.constant 0 : index
    %get3A_7 = vector.load %arg1[%get3A_4, %get3A_5, %get3A_6] : memref<2x632x144xf32, #tpu.memory_space<vmem>>, vector<1x632x144xf32>
    %get3A_8 = vector.shape_cast %get3A_7 : vector<1x632x144xf32> to vector<632x144xf32>
    %add3A = arith.addf %get3A_3, %get3A_8 : vector<632x144xf32>
    %slice3A = vector.extract_strided_slice %add3A {offsets = [0, 0], sizes = [632, 128], strides = [1, 1]} : vector<632x144xf32> to vector<632x128xf32>
    %iota3A = tpu.iota {dimensions = array<i32: 0>} : vector<16x1xi32>
    %eq3A = arith.constant 0 : i32
    %eq3A_9 = vector.broadcast %eq3A : i32 to vector<16x1xi32>
    %eq3A_10 = arith.cmpi eq, %iota3A, %eq3A_9 : vector<16x1xi32>
    %convert_element_type3A = arith.extui %eq3A_10 : vector<16x1xi1> to vector<16x1xi32>
    %convert_element_type3A_11 = arith.sitofp %convert_element_type3A : vector<16x1xi32> to vector<16x1xf32>
    %slice3A_12 = vector.extract_strided_slice %add3A {offsets = [0, 128], sizes = [632, 16], strides = [1, 1]} : vector<632x144xf32> to vector<632x16xf32>
    %dot_general3A = arith.constant dense<0.000000e+00> : vector<632x1xf32>
    %dot_general3A_13 = tpu.matmul %slice3A_12, %convert_element_type3A_11, %dot_general3A {dimension_numbers = #tpu.dot_dimension_numbers<[1], [0], [0], [1], [0, 0, 1, 1], [], []>, transpose_lhs_hint = false} : vector<632x16xf32>, vector<16x1xf32>, vector<632x1xf32> -> vector<632x1xf32>
    %add3A_14 = arith.constant 1.000000e-16 : f32
    %add3A_15 = vector.broadcast %add3A_14 : f32 to vector<632x1xf32>
    %add3A_16 = arith.addf %dot_general3A_13, %add3A_15 : vector<632x1xf32>
    %div3A = vector.broadcast %add3A_16 : vector<632x1xf32> to vector<632x128xf32>
    %div3A_17 = arith.divf %slice3A, %div3A : vector<632x128xf32>
    %get3A_18 = arith.constant 0 : index
    %get3A_19 = arith.constant 0 : index
    %get3A_20 = vector.load %arg2[%get3A_18, %get3A_19] : memref<1x128xf32, #tpu.memory_space<vmem>>, vector<1x128xf32>
    %add3A_21 = vector.broadcast %get3A_20 : vector<1x128xf32> to vector<632x128xf32>
    %add3A_22 = arith.addf %div3A_17, %add3A_21 : vector<632x128xf32>
    %logistic3A = arith.negf %add3A_22 : vector<632x128xf32>
    %logistic3A_23 = math.exp %logistic3A : vector<632x128xf32>
    %logistic3A_24 = arith.constant 1.000000e+00 : f32
    %logistic3A_25 = vector.broadcast %logistic3A_24 : f32 to vector<632x128xf32>
    %logistic3A_26 = arith.addf %logistic3A_25, %logistic3A_23 : vector<632x128xf32>
    %logistic3A_27 = arith.divf %logistic3A_25, %logistic3A_26 : vector<632x128xf32>
    %swap3A = arith.constant 0 : index
    %swap3A_28 = arith.constant 0 : index
    %swap3A_29 = vector.load %arg3[%swap3A, %swap3A_28] : memref<632x128xf32, #tpu.memory_space<vmem>>, vector<632x128xf32>
    tpu.vector_store %arg3[%swap3A, %swap3A_28], %logistic3A_27 {strides = array<i32>} : memref<632x128xf32, #tpu.memory_space<vmem>>, vector<632x128xf32>,
    return
  }
  func.func @transform_0(%arg0: i32) -> (i32, i32, i32) {
    %c0_i32 = arith.constant 0 : i32
    %c0_i32_0 = arith.constant 0 : i32
    %c0_i32_1 = arith.constant 0 : i32
    return %c0_i32, %arg0, %c0_i32_0 : i32, i32, i32
  }
  func.func @transform_1(%arg0: i32) -> (i32, i32) {
    %c0_i32 = arith.constant 0 : i32
    %c0_i32_0 = arith.constant 0 : i32
    %c0_i32_1 = arith.constant 0 : i32
    return %c0_i32, %c0_i32_0 : i32, i32
  }
  func.func @transform_2(%arg0: i32) -> (i32, i32) {
    %c0_i32 = arith.constant 0 : i32
    %c0_i32_0 = arith.constant 0 : i32
    return %arg0, %c0_i32 : i32, i32
  }
}

</mosaic_0001>

<sc_bundles>
// kernel: kernel.11.cloned.1.call-start
scs
__scs_entry_jumppad:
0x0: {  	(pc) =	sbr.rel $0x88, $3  }
0x1: {  	(tag) =	ssettag $0x0;
	lr =	simm.s32 $0x1  }
0x2: {  	[smem:$0x3F8F] =	sst lr;
	_ =	strace $0xD0000000  }
0x3: {  	_ = 	snop  }
0x4: {  	_ = 	snop  }
0x5: {  	_ = 	snop  }
0x6: {  	_ = 	snop  }
0x7: {  	_ = 	snop  }
__scs_overlays_trampoline_lowered:
0x8: {  	[smem:$0x3F9E] =	sst s0  }
0x9: {  	[smem:$0x3F9F] =	sst s1  }
0xa: {  	[smem:$0x3FA0] =	sst s2  }
0xb: {  	[smem:$0x3FA1] =	sst s3  }
0xc: {  	[smem:$0x3FA2] =	sst s4  }
0xd: {  	[smem:$0x3FA3] =	sst s5  }
0xe: {  	[smem:$0x3FA4] =	sst s6  }
0xf: {  	[smem:$0x3FA5] =	sst s7  }
0x10: {  	[smem:$0x3FA6] =	sst s8  }
0x11: {  	[smem:$0x3FA7] =	sst s9;
	s0 =	simm.s32 @!p0 $0x0  }
0x12: {  	s1 =	sld [smem:$0x3F8D];
	s0 =	simm.s32 @p0 $0x1  }
0x13: {  	[smem:$0x3FA8] =	sst s0;
	s0 =	simm.s32 @!p1 $0x0  }
0x14: {  	s2 =	sld [smem:$0x3F8C];
	s0 =	simm.s32 @p1 $0x1  }
0x15: {  	[smem:$0x3FA9] =	sst s0;
	s0 =	simm.s32 @!p2 $0x0  }
0x16: {  	s3 =	sld [smem:$0x3FDB];
	s0 =	simm.s32 @p2 $0x1  }
0x17: {  	s4 =	simm.s32 $0x1BF5;
	[smem:$0x3FAB] =	sst s0  }
0x18: {  	s0 =	sld [smem:$0x3F8E];
	_ =	swait.ge [sflag:s4], $0x0  }
0x19: {  	s7 =	sld [smem:$0x3F8F]  }
0x1a: {  	s8 =	sadd.s32 $0xFFFFE003, lr  }
0x1b: {  	s9 =	sadd.s32 $0xFFFFFEF7, lr;
	s5 =	simm.s32 $0xFFFFFFFF;
	p2 =	slt.u32 s8, $0xFFFFF086  }
0x1c: {  	p1 =	slt.u32 s9, $0xF7A;
	s5 =	simm.s32 @!p2 $0x0  }
0x1d: {  	s5 =	simm.s32 @p1 $0x1;
	p0 =	seq.s32 s7, s2  }
0x1e: {  	s7 =	smul.u32 @!p0 $0xF7A, s2;
	p2 =	seq.s32 @!p0 s5, $0x0  }
0x1f: {  	s9 =	smul.u32 $0xF7A, s1;
	s8 =	simm.s32 @!p0 $0x1BF5;
	p2 =	por !p2, p0  }
0x20: {  	[sflag:s8] =	ssyncset.s32 @!p0 $0xFFFFF086;
	s6 =	sadd.s32 @!p0 s3, s7;
	s7 =	simm.s32 @!p0 $0x108  }
0x21: {  	s3 =	sadd.s32 s3, s9;
	s6 =	sadd.s32 @!p0 $0x88, s6;
	s7 =	simm.s32 @p2 $0x1082  }
0x22: {  	[simem:s7], [sflag:s8] =	dma.local @!p0 [hbm:s6], $0xF7A  }
0x23: {  	s9 =	sor.u32 $0xD0000000, s2;
	s6 =	simm.s32 $0x108;
	_ =	swait.ge @!p0 [sflag:s8], $0x0  }
0x24: {  	s3 =	sadd.s32 $0x88, s3;
	s6 =	simm.s32 @!p1 $0x1082;
	[sflag:s4] =	ssyncset.s32 $0xFFFFF086  }
0x25: {  	[simem:s6], [sflag:s4] =	dma.local [hbm:s3], $0xF7A  }
0x26: {  	[smem:$0x3F8F] =	sst s1;
	(tag) =	ssettag s2;
	_ =	strace s9  }
0x27: {  	s1 =	sld [smem:$0x3F9F]  }
0x28: {  	s2 =	sld [smem:$0x3FA0]  }
0x29: {  	s4 =	sld [smem:$0x3FA2]  }
0x2a: {  	p0 =	seq.s32 s5, $0x0;
	s5 =	sld [smem:$0x3FA3]  }
0x2b: {  	s6 =	sld [smem:$0x3FA4]  }
0x2c: {  	s7 =	sld [smem:$0x3FA5]  }
0x2d: {  	s3 =	simm.s32 $0x108;
	s8 =	sld [smem:$0x3FA6]  }
0x2e: {  	s3 =	simm.s32 @!p0 $0x1082;
	s9 =	sld [smem:$0x3FA7]  }
0x2f: {  	lr =	sadd.s32 s0, s3;
	s0 =	sld [smem:$0x3F9E]  }
0x30: {  	s3 =	sld [smem:$0x3FA1]  }
0x31: {  	[smem:$0x3FAA] =	sst s10  }
0x32: {  	s10 =	sld [smem:$0x3FA8];
	_ =	sdelay $0x3  }
0x33: {  	p0 =	seq.s32 s10, $0x1;
	s10 =	sld [smem:$0x3FAA];
	_ =	sdelay $0x3  }
0x34: {  	[smem:$0x3FAA] =	sst s10  }
0x35: {  	s10 =	sld [smem:$0x3FA9];
	_ =	sdelay $0x3  }
0x36: {  	p1 =	seq.s32 s10, $0x1;
	s10 =	sld [smem:$0x3FAA];
	_ =	sdelay $0x3  }
0x37: {  	[smem:$0x3FAA] =	sst s10  }
0x38: {  	s10 =	sld [smem:$0x3FAB]  }
0x39: {  	_ = 	snop;
	(pc) =	sbr.ind lr, $3  }
0x3a: {  	_ = 	snop  }
0x3b: {  	_ = 	snop  }
0x3c: {  	p2 =	seq.s32 s10, $0x1;
	s10 =	sld [smem:$0x3FAA]  }
0x3d: {  	_ =	shalt  }
0x3e: {  	_ =	shalt  }
0x3f: {  	_ =	shalt  }
0x40: {  	_ =	shalt  }
0x41: {  	_ =	shalt  }
0x42: {  	_ =	shalt  }
0x43: {  	_ =	shalt  }
0x44: {  	_ =	shalt  }
0x45: {  	_ =	shalt  }
0x46: {  	_ =	shalt  }
0x47: {  	_ =	shalt  }
0x48: {  	_ =	shalt  }
0x49: {  	_ =	shalt  }
0x4a: {  	_ =	shalt  }
0x4b: {  	_ =	shalt  }
0x4c: {  	_ =	shalt  }
0x4d: {  	_ =	shalt  }
0x4e: {  	_ =	shalt  }
0x4f: {  	_ =	shalt  }
0x50: {  	_ =	shalt  }
0x51: {  	_ =	shalt  }
0x52: {  	_ =	shalt  }
0x53: {  	_ =	shalt  }
0x54: {  	_ =	shalt  }
0x55: {  	_ =	shalt  }
0x56: {  	_ =	shalt  }
0x57: {  	_ =	shalt  }
0x58: {  	_ =	shalt  }
0x59: {  	_ =	shalt  }
0x5a: {  	_ =	shalt  }
0x5b: {  	_ =	shalt  }
0x5c: {  	_ =	shalt  }
0x5d: {  	_ =	shalt  }
0x5e: {  	_ =	shalt  }
0x5f: {  	_ =	shalt  }
0x60: {  	_ =	shalt  }
0x61: {  	_ =	shalt  }
0x62: {  	_ =	shalt  }
0x63: {  	_ =	shalt  }
0x64: {  	_ =	shalt  }
0x65: {  	_ =	shalt  }
0x66: {  	_ =	shalt  }
0x67: {  	_ =	shalt  }
0x68: {  	_ =	shalt  }
0x69: {  	_ =	shalt  }
0x6a: {  	_ =	shalt  }
0x6b: {  	_ =	shalt  }
0x6c: {  	_ =	shalt  }
0x6d: {  	_ =	shalt  }
0x6e: {  	_ =	shalt  }
0x6f: {  	_ =	shalt  }
0x70: {  	_ =	shalt  }
0x71: {  	_ =	shalt  }
0x72: {  	_ =	shalt  }
0x73: {  	_ =	shalt  }
0x74: {  	_ =	shalt  }
0x75: {  	_ =	shalt  }
0x76: {  	_ =	shalt  }
0x77: {  	_ =	shalt  }
0x78: {  	_ =	shalt  }
0x79: {  	_ =	shalt  }
0x7a: {  	_ =	shalt  }
0x7b: {  	_ =	shalt  }
0x7c: {  	_ =	shalt  }
0x7d: {  	_ =	shalt  }
0x7e: {  	_ =	shalt  }
0x7f: {  	_ =	shalt  }
0x80: {  	_ =	shalt  }
0x81: {  	_ =	shalt  }
0x82: {  	_ =	shalt  }
0x83: {  	_ =	shalt  }
0x84: {  	_ =	shalt  }
0x85: {  	_ =	shalt  }
0x86: {  	_ =	shalt  }
0x87: {  	_ =	shalt  }
.Lfunc_end0:
.L_simem_size_0:
called_computation_lowered:
.L_overlay_start_0:
0x88: {  	s2 =	sld [smem:$0x3FD9]  }
0x89: {  	s3 =	sld [smem:$0x3FFE];
	_ =	sdelay $0x1  }
0x8a: {  	s1 =	srdreg.scid  }
0x8b: {  	s0 =	sand.u32 $0x1, s1  }
0x8c: {  	s17 =	sshll.u32 s0, $0xA;
	s2 =	sadd.s32 s3, s2  }
0x8d: {  	s2 =	sadd.s32 s2, s17  }
0x8e: {  	[smem:$0x3FB6] =	sst s2  }
0x8f: {  	_ = 	snop  }
0x90: {  	s2 =	sld [smem:$0x3FD0];
	(tm) =	ssettm $0x1  }
0x91: {  	s18 =	sld [smem:$0x3FFB];
	_ =	sdelay $0x3  }
0x92: {  	_ =	strace s18  }
0x93: {  	s3 =	sld [smem:$0x3FFC];
	_ =	sdelay $0x3  }
0x94: {  	_ =	strace s3  }
0x95: {  	s3 =	sld [smem:$0x3FFD];
	_ =	sdelay $0x3  }
0x96: {  	_ =	strace s3  }
0x97: {  	_ =	strace $0x8FFFFFFF  }
0x98: {  	s19 =	sld [smem:$0x3FDB];
	_ =	sdelay $0x1  }
0x99: {  	s4 =	simm.s32 $_scs_section_size  }
0x9a: {  	s5 =	simm.s32 $_size__tile_overlayer_lowered;
	s6 =	simm.s32 $_tile_overlayer_lowered  }
0x9b: {  	s22 =	simm.s32 $0x1BFF;
	s21 =	sshll.u32 s6, $0x1;
	s3 =	sadd.s32 s4, s19  }
0x9c: {  	s7 =	simm.s32 $0x0;
	s20 =	sshll.u32 s5, $0x1;
	s5 =	sadd.s32 s21, s3  }
0x9d: {  	[timem:s7], [sflag:s22] =	dma.local [hbm:s5], s20  }
0x9e: {  	_ =	swait.ge [sflag:s22], s20  }
0x9f: {  	s4 =	ssub.s32 $0x0, s20;
	[sflag:s22] =	ssyncset.done $0x0  }
0xa0: {  	[sflag:s22] =	ssyncadd.s32 s4;
	_ =	sdelay $0x1  }
0xa1: {  	s23 =	simm.s32 $0x1B8B  }
0xa2: {  	_ =	swait.ge [sflag:s23], $0x1  }
0xa3: {  	[sflag:s23] =	ssyncset.done $0x0  }
0xa4: {  	s25 =	simm.s32 $0x1B8E;
	s24 =	sld [smem:$0x3FFE];
	[sflag:s23] =	ssyncadd.s32 $0xFFFFFFFF  }
0xa5: {  	s26 =	simm.s32 $execute0_lowered;
	[smem:$0x3FD2] =	sst s25  }
0xa6: {  	s5 =	sshll.u32 s26, $0x1;
	_ =	strace $0x80000046;
	[dreg:$0x1] =	wrdreg $0xFFFFFFFF  }
0xa7: {  	s28 =	simm.s32 $_size_execute0_lowered;
	s3 =	sadd.s32 s3, s5;
	[dreg:$0x0] =	wrdreg $0x0  }
0xa8: {  	s5 =	sshll.u32 s28, $0x1;
	[dreg:$0x2] =	wrdreg s3  }
0xa9: {  	[dreg:$0x3] =	wrdreg s5  }
0xaa: {  	[dreg:$0x4] =	wrdreg $0xC0  }
0xab: {  	_ =	task [dreg:s7], $0x5FFFF  }
0xac: {  	[dreg:$0x1] =	wrdreg $0xFFFFFFFF  }
0xad: {  	[dreg:$0x0] =	wrdreg $0x60  }
0xae: {  	[dreg:$0x2] =	wrdreg s24  }
0xaf: {  	[dreg:$0x3] =	wrdreg s2  }
0xb0: {  	[dreg:$0x4] =	wrdreg $0x9A000  }
0xb1: {  	[dreg:$0x5] =	wrdreg $0x9  }
0xb2: {  	_ =	task.clear_ibuf [dreg:s7], $0x6FFFF;
	_ =	strace $0x90000046  }
0xb3: {  	s29 =	simm.s32 $0x9;
	_ =	strace $0x80000048  }
0xb4: {  	_ =	swait.ge [sflag:s29], $0x1  }
0xb5: {  	[sflag:s29] =	ssyncadd.s32 $0xFFFFFFFF  }
0xb6: {  	_ =	strace $0x90000048  }
0xb7: {  	_ =	sfence  }
0xb8: {  	s30 =	sld [smem:$0x0];
	_ =	sdelay $0x2  }
0xb9: {  	s31 =	sshll.u32 s1, $0xD;
	s1 =	sshrl.u32 s1, $0x2  }
0xba: {  	s3 =	sand.u32 $0x4000, s31;
	s1 =	sadd.s32 s1, s30  }
0xbb: {  	s0 =	sor.u32 s3, s0;
	s1 =	sshll.u32 s1, $0x11  }
0xbc: {  	s0 =	sor.u32 s1, s0  }
0xbd: {  	s0 =	sadd.s32 $0x8F2B, s0  }
0xbe: {  	[sflag:s0] =	ssyncadd.remote.s32 $0x1  }
0xbf: {  	_ =	sfence.sel $0xFFFF  }
0xc0: {  	[dreg:$0x0] =	wrdreg $0xFFFFFFFF;
	(pc) =	sbr.abs _section_cstart, $3  }
0xc1: {  	[dreg:$0x1] =	wrdreg $0xFFFFFFFF  }
0xc2: {  	_ =	task.clear_ibuf [dreg:s7], $0x2FFFF;
	_ =	strace $0x9FFFFFFF  }
0xc3: {  	(tm) =	ssettm $0x7FFFFFFF  }
tec
execute0_lowered:
.L_overlay_start_1:
0x0: {  	(tag) =	ssettag $0x1  }
0x1: {  	s0 =	rddreg [dreg:$0x0]  }
0x2: {  	s2 =	rddreg [dreg:$0x1]  }
0x3: {  	s3 =	rddreg [dreg:$0x2]  }
0x4: {  	s1 =	srdreg.scid;
	s12 =	stileid.u32  }
0x5: {  	s4 =	simm.s32 $0x0;
	s19 =	simm.s32 $0x200;
	s20 =	simm.s32 $0x3  }
0x6: {  	s21 =	simm.s32 $0x80;
	s22 =	simm.s32 $0x100;
	s23 =	simm.s32 $0x180  }
0x7: {  	s24 =	simm.s32 $0x4A00;
	s25 =	simm.s32 $0x1;
	s28 =	simm.s32 $0x2  }
0x8: {  	s29 =	simm.s32 $0x0;
	s1 =	sand.u32 $0x1, s1;
	s9 =	smul.u32 $0x16380, s12  }
0x9: {  	[smem:$0x7FF] =	sst s4;
	s5 =	sadd.s32 $0x39200, s0;
	s10 =	smul.u32 $0x58E00, s12  }
0xa: {  	s6 =	sadd.s32 $0x2F200, s0;
	s7 =	smul.u32 $0x163800, s1;
	s11 =	ssub.s32 $0x2, s1  }
0xb: {  	_ =	strace $0x80000047;
	s1 =	sshll.u32 s1, $0x4;
	s26 =	sshrl.u32 s11, $0x1  }
0xc: {  	s10 =	sshrl.u32 s10, $0x2;
	s8 =	sadd.s32 s9, s7;
	s7 =	sadd.s32 $0x2A00, s0  }
0xd: {  	s18 =	ssub.s32 s11, s26;
	s10 =	sadd.s32 s10, s3;
	s9 =	sadd.s32 s9, s3  }
0xe: {  	s26 =	simm.s32 $0x9200;
	s8 =	sshrl.u32 s8, $0x3;
	s30 =	sadd.s32 $0x4800, s10  }
0xf: {  	s11 =	sadd.s32 $0x9000, s10;
	s13 =	sadd.s32 $0x12000, s10;
	s18 =	smax.u32 s18, $0x1  }
0x10: {  	s0 =	sadd.s32 s8, s0;
	s8 =	sor.u32 s12, s1;
	[dreg:$0x4] =	wrdreg s30  }
0x11: {  	s12 =	sadd.s32 $0xD800, s10;
	s31 =	sshll.u32 s8, $0x4;
	s17 =	sadd.s32 $0x43200, s0  }
0x12: {  	v0 =	vimm.f32 $0.0e+00;
	s14 =	sadd.s32 s5, s31;
	s15 =	sadd.s32 s6, s31;
	s16 =	sor.u32 $0x200, s31  }
.LBB2_1:
0x13: {  	s0 =	simm.s32 $0x0;
	s1 =	simm.s32 $0x240  }
.LBB2_2:
0x14: {  	p0 =	sne.s32 s1, $0x11DC0;
	[tilespmem:s0+$0x280] =	vst v0  }
0x15: {  	[tilespmem:s0+$0x200] =	vst v0  }
0x16: {  	[tilespmem:s0+$0x210] =	vst v0  }
0x17: {  	[tilespmem:s0+$0x220] =	vst v0  }
.Ltmp0:
0x18: {  	[tilespmem:s0+$0x230] =	vst v0;
	(pc) =	sbr.rel @p0 .LBB2_2-.Ltmp0, $4  }
0x19: {  	[tilespmem:s0+$0x240] =	vst v0  }
0x1a: {  	[tilespmem:s0+$0x250] =	vst v0  }
0x1b: {  	[tilespmem:s0+$0x260] =	vst v0  }
0x1c: {  	[tilespmem:s0+$0x270] =	vst v0;
	s0 =	sshra.s32 s1, $0x2;
	s1 =	sadd.s32 $0x240, s1  }
0x1d: {  	[tilespmem:s0+$0x280] =	vst v0  }
0x1e: {  	[tilespmem:s0+$0x200] =	vst v0  }
0x1f: {  	[tilespmem:s0+$0x210] =	vst v0  }
0x20: {  	[tilespmem:s0+$0x220] =	vst v0  }
0x21: {  	[tilespmem:s0+$0x230] =	vst v0  }
0x22: {  	[tilespmem:s0+$0x240] =	vst v0  }
0x23: {  	[tilespmem:s0+$0x250] =	vst v0  }
0x24: {  	[tilespmem:s0+$0x260] =	vst v0  }
0x25: {  	[tilespmem:s0+$0x270] =	vst v0  }
0x26: {  	[spmem:s9] =	stream.linear.scatter [tilespmem:s19], [sflag:$0x3], $0x4800, $0x38;
	[tilespmem:$0x1FD80] =	vst v63  }
0x27: {  	_ =	swait.ge [sflag:s20], $0x4800  }
0x28: {  	[sflag:s20] =	ssyncset.done $0x0  }
0x29: {  	s31 =	rddreg [dreg:$0x4];
	[sflag:s20] =	ssyncadd.s32 $0xFFFFB800  }
0x2a: {  	[spmem:s31] =	stream.linear.scatter [tilespmem:s19], [sflag:$0x3], $0x4800, $0x38;
	[tilespmem:$0x1FD80] =	vst v63  }
0x2b: {  	_ =	swait.ge [sflag:s20], $0x4800  }
0x2c: {  	[sflag:s20] =	ssyncset.done $0x0  }
0x2d: {  	[sflag:s20] =	ssyncadd.s32 $0xFFFFB800  }
0x2e: {  	[spmem:s11] =	stream.linear.scatter [tilespmem:s19], [sflag:$0x3], $0x4800, $0x38;
	[tilespmem:$0x1FD80] =	vst v63  }
0x2f: {  	_ =	swait.ge [sflag:s20], $0x4800  }
0x30: {  	[sflag:s20] =	ssyncset.done $0x0  }
0x31: {  	[sflag:s20] =	ssyncadd.s32 $0xFFFFB800  }
0x32: {  	[spmem:s12] =	stream.linear.scatter [tilespmem:s19], [sflag:$0x3], $0x4800, $0x38;
	[tilespmem:$0x1FD80] =	vst v63  }
0x33: {  	_ =	swait.ge [sflag:s20], $0x4800  }
0x34: {  	[sflag:s20] =	ssyncset.done $0x0  }
0x35: {  	[sflag:s20] =	ssyncadd.s32 $0xFFFFB800  }
0x36: {  	[spmem:s13] =	stream.linear.scatter [tilespmem:s19], [sflag:$0x3], $0x4380, $0x38;
	[tilespmem:$0x1FD80] =	vst v63  }
0x37: {  	_ =	swait.ge [sflag:s20], $0x4380  }
0x38: {  	[sflag:s20] =	ssyncset.done $0x0  }
0x39: {  	[sflag:s20] =	ssyncadd.s32 $0xFFFFBC80  }
0x3a: {  	[bflag:$0x0] =	sbarrier.arrive $0xFFFF  }
0x3b: {  	[tilespmem:s29], [sflag:$0x3] =	stream.linear.gather [hbm4b:s14+s29], $0x80, $0x38;
	[tilespmem:$0x1FD80] =	vst v63  }
0x3c: {  	_ =	swait.ge [sflag:s20], $0x80  }
0x3d: {  	[sflag:s20] =	ssyncset.done $0x0  }
0x3e: {  	[sflag:s20] =	ssyncadd.s32 $0xFFFFFF80  }
0x3f: {  	[tilespmem:s21], [sflag:$0x3] =	stream.linear.gather [hbm4b:s15+s29], $0x80, $0x38;
	[tilespmem:$0x1FD80] =	vst v63  }
0x40: {  	_ =	swait.ge [sflag:s20], $0x80  }
0x41: {  	[sflag:s20] =	ssyncset.done $0x0  }
0x42: {  	s30 =	simm.s32 $0x0;
	[sflag:s20] =	ssyncadd.s32 $0xFFFFFF80  }
0x43: {  	[tilespmem:s19], [sflag:$0x1] =	stream.indirect.gather [hbm4b:s7+s21], $0x90, s29, s21, $0xb8;
	[tilespmem:$0x1FD80] =	vst v63  }
.LBB2_4:
0x44: {  	s0 =	sshll.u32 s30, $0xA  }
0x45: {  	s0 =	sor.u32 s16, s0  }
0x46: {  	s1 =	sadd.s32 s5, s0  }
0x47: {  	[tilespmem:s22], [sflag:$0x3] =	stream.linear.gather [hbm4b:s1+s29], $0x80, $0x38;
	[tilespmem:$0x1FD80] =	vst v63  }
0x48: {  	_ =	swait.ge [sflag:s20], $0x80  }
0x49: {  	[sflag:s20] =	ssyncset.done $0x0  }
0x4a: {  	s0 =	sadd.s32 s6, s0;
	[sflag:s20] =	ssyncadd.s32 $0xFFFFFF80  }
0x4b: {  	[tilespmem:s23], [sflag:$0x3] =	stream.linear.gather [hbm4b:s0+s29], $0x80, $0x38;
	[tilespmem:$0x1FD80] =	vst v63  }
0x4c: {  	_ =	swait.ge [sflag:s20], $0x80  }
0x4d: {  	[sflag:s20] =	ssyncset.done $0x0  }
0x4e: {  	[sflag:s20] =	ssyncadd.s32 $0xFFFFFF80  }
0x4f: {  	[tilespmem:s24], [sflag:$0x1] =	stream.indirect.gather [hbm4b:s7+s21], $0x90, s22, s21, $0xb8;
	[tilespmem:$0x1FD80] =	vst v63  }
0x50: {  	_ =	swait.ge [sflag:s25], $0x4800  }
0x51: {  	[sflag:s25] =	ssyncset.done $0x0  }
0x52: {  	[sflag:s25] =	ssyncadd.s32 $0xFFFFB800  }
0x53: {  	[tilespmem:s26], [sflag:$0x2] =	stream.indirect.gather [hbm4b:s2+s21], $0x10, s21, s21, $0xb8;
	[tilespmem:$0x1FD80] =	vst v63  }
0x54: {  	_ =	swait.ge [sflag:s28], $0x800  }
0x55: {  	[sflag:s28] =	ssyncset.done $0x0  }
0x56: {  	s31 =	simm.s32 $0x240;
	[sflag:s28] =	ssyncadd.s32 $0xFFFFF800  }
0x57: {  	s10 =	simm.s32 $0x0;
	s1 =	simm.s32 $0x40;
	s0 =	simm.s32 $0x240;
	v1 =	vld [tilespmem:s31+$0x40]  }
.LBB2_5:
0x58: {  	p0 =	sne.s32 s1, $0x1FC0;
	v2 =	vld [tilespmem:s10+$0x9200];
	_ =	sdelay $0x4  }
0x59: {  	v1 =	vadd.f32 v2, v1;
	_ =	sdelay $0x1  }
0x5a: {  	v2 =	vmul.f32 $2.000000030e-01, v1;
	_ =	sdelay $0x1  }
0x5b: {  	v1 =	vmax.f32 v1, v2  }
0x5c: {  	v1 =	vmul.f32 $1.442695020e+00, v1;
	_ =	sdelay $0x1  }
0x5d: {  	(erf) = vpow2.f32 v1;
	_ =	sdelay $0x2  }
0x5e: {  	v1 =	vld [tilespmem:s31+$0xFFFFFFF0]  }
0x5f: {  	v2 =	vld [tilespmem:s31+$0x30]  }
0x60: {  	v3 =	vld [tilespmem:s31+$0x10]  }
0x61: {  	v4 =	vld [tilespmem:s31+$0xFFFFFFD0]  }
0x62: {  	v5 =	vld [tilespmem:s31+$0xFFFFFFC0]  }
0x63: {  	v6 =	vld [tilespmem:s31+$0xFFFFFFE0]  }
0x64: {  	v7 =	vld [tilespmem:s31+$0x0];
	v8 =	vpop (erf)  }
0x65: {  	[tilespmem:s31+$0x40] =	vst v8;
	v9 =	vbroadcast v8, $0x0;
	v10 =	vbroadcast v8, $0x1;
	v11 =	vld [tilespmem:s31+$0x20]  }
0x66: {  	v12 =	vbroadcast v8, $0x2;
	v8 =	vbroadcast v8, $0x3  }
0x67: {  	v5 =	vmul.f32 v9, v5;
	v4 =	vmul.f32 v9, v4  }
0x68: {  	v1 =	vmul.f32 v1, v10;
	v6 =	vmul.f32 v10, v6  }
0x69: {  	v3 =	vmul.f32 v3, v12;
	[tilespmem:s31+$0xFFFFFFC0] =	vst v5;
	v5 =	vmul.f32 v7, v12  }
0x6a: {  	v2 =	vmul.f32 v2, v8;
	[tilespmem:s31+$0xFFFFFFD0] =	vst v4;
	v4 =	vmul.f32 v11, v8  }
0x6b: {  	[tilespmem:s31+$0xFFFFFFE0] =	vst v6  }
.Ltmp1:
0x6c: {  	[tilespmem:s31+$0xFFFFFFF0] =	vst v1;
	(pc) =	sbr.rel @p0 .LBB2_5-.Ltmp1, $4  }
0x6d: {  	[tilespmem:s31+$0x0] =	vst v5  }
0x6e: {  	[tilespmem:s31+$0x10] =	vst v3  }
0x6f: {  	s31 =	sadd.s32 $0x90, s31;
	[tilespmem:s0+$0x20] =	vst v4  }
0x70: {  	s10 =	sshra.s32 s1, $0x2;
	s1 =	sadd.s32 $0x40, s1;
	v1 =	vld [tilespmem:s31+$0x40];
	[tilespmem:s0+$0x30] =	vst v2;
	s0 =	smov.u32 s31  }
0x71: {  	v2 =	vld [tilespmem:s10+$0x9200];
	_ =	sdelay $0x4  }
0x72: {  	v1 =	vadd.f32 v2, v1;
	_ =	sdelay $0x1  }
0x73: {  	v2 =	vmul.f32 $2.000000030e-01, v1;
	_ =	sdelay $0x1  }
0x74: {  	v1 =	vmax.f32 v1, v2  }
0x75: {  	v1 =	vmul.f32 $1.442695020e+00, v1;
	_ =	sdelay $0x1  }
0x76: {  	(erf) = vpow2.f32 v1;
	_ =	sdelay $0x6  }
0x77: {  	v3 =	vld [tilespmem:s31+$0xFFFFFFC0]  }
0x78: {  	v4 =	vld [tilespmem:s31+$0xFFFFFFD0]  }
0x79: {  	v5 =	vld [tilespmem:s31+$0xFFFFFFE0];
	v6 =	vpop (erf)  }
0x7a: {  	v1 =	vld [tilespmem:s31+$0xFFFFFFF0];
	v8 =	vbroadcast v6, $0x0  }
0x7b: {  	v9 =	vld [tilespmem:s31+$0x0]  }
0x7c: {  	v7 =	vld [tilespmem:s31+$0x10];
	v10 =	vbroadcast v6, $0x1;
	v3 =	vmul.f32 v8, v3  }
0x7d: {  	v11 =	vld [tilespmem:s31+$0x20];
	[tilespmem:s31+$0x40] =	vst v6;
	v4 =	vmul.f32 v8, v4  }
0x7e: {  	v2 =	vld [tilespmem:s31+$0x30];
	v61 =	vbroadcast v6, $0x2;
	v5 =	vmul.f32 v10, v5;
	[tilespmem:s31+$0xFFFFFFC0] =	vst v3  }
0x7f: {  	v1 =	vmul.f32 v1, v10;
	[tilespmem:s31+$0xFFFFFFD0] =	vst v4  }
0x80: {  	v62 =	vmul.f32 v9, v61;
	v3 =	vbroadcast v6, $0x3;
	[tilespmem:s31+$0xFFFFFFE0] =	vst v5  }
0x81: {  	v63 =	vmul.f32 v7, v61;
	[tilespmem:s31+$0xFFFFFFF0] =	vst v1  }
0x82: {  	[tilespmem:s31+$0x0] =	vst v62;
	v1 =	vmul.f32 v11, v3  }
0x83: {  	[tilespmem:s31+$0x10] =	vst v63;
	v2 =	vmul.f32 v2, v3  }
0x84: {  	s10 =	sshll.u32 s30, $0x6;
	[tilespmem:s0+$0x20] =	vst v1  }
0x85: {  	p0 =	seq.s32 s30, $0x27;
	[tilespmem:s0+$0x30] =	vst v2;
	s0 =	sadd.s32 $0x40, s10  }
0x86: {  	[spmem:s3] =	stream.indirect.scatter.add.f32 [tilespmem:s19], [sflag:$0x3], $0x90, s21, s21, $0xb8;
	[tilespmem:$0x1FD80] =	vst v63  }
0x87: {  	s0 =	simm.s32 @p0 $0x0  }
0x88: {  	s0 =	sor.u32 s8, s0  }
0x89: {  	_ =	swait.ge [sflag:s20], $0x4800;
	s0 =	sshll.u32 s0, $0x4  }
0x8a: {  	[sflag:s20] =	ssyncset.done $0x0;
	s0 =	sand.u32 $0x1FFFFDF0, s0  }
0x8b: {  	s10 =	simm.s32 $0x0;
	[sflag:s20] =	ssyncadd.s32 $0xFFFFB800;
	s1 =	sadd.s32 s5, s0  }
0x8c: {  	[tilespmem:s10], [sflag:$0x3] =	stream.linear.gather [hbm4b:s1+s10], $0x80, $0x38;
	[tilespmem:$0x1FD80] =	vst v63  }
0x8d: {  	_ =	swait.ge [sflag:s20], $0x80  }
0x8e: {  	[sflag:s20] =	ssyncset.done $0x0  }
0x8f: {  	s0 =	sadd.s32 s6, s0;
	[sflag:s20] =	ssyncadd.s32 $0xFFFFFF80  }
0x90: {  	[tilespmem:s21], [sflag:$0x3] =	stream.linear.gather [hbm4b:s0+s10], $0x80, $0x38;
	[tilespmem:$0x1FD80] =	vst v63  }
0x91: {  	_ =	swait.ge [sflag:s20], $0x80  }
0x92: {  	[sflag:s20] =	ssyncset.done $0x0  }
0x93: {  	[sflag:s20] =	ssyncadd.s32 $0xFFFFFF80  }
0x94: {  	[tilespmem:s19], [sflag:$0x1] =	stream.indirect.gather [hbm4b:s7+s21], $0x90, s10, s21, $0xb8;
	[tilespmem:$0x1FD80] =	vst v63  }
0x95: {  	_ =	swait.ge [sflag:s25], $0x4800  }
0x96: {  	[sflag:s25] =	ssyncset.done $0x0  }
0x97: {  	[sflag:s25] =	ssyncadd.s32 $0xFFFFB800  }
0x98: {  	[tilespmem:s26], [sflag:$0x2] =	stream.indirect.gather [hbm4b:s2+s21], $0x10, s23, s21, $0xb8;
	[tilespmem:$0x1FD80] =	vst v63  }
0x99: {  	_ =	swait.ge [sflag:s28], $0x800  }
0x9a: {  	[sflag:s28] =	ssyncset.done $0x0  }
0x9b: {  	s31 =	simm.s32 $0x4A40;
	[sflag:s28] =	ssyncadd.s32 $0xFFFFF800  }
0x9c: {  	s1 =	simm.s32 $0x40;
	s0 =	simm.s32 $0x4A40;
	s10 =	simm.s32 $0x0;
	v1 =	vld [tilespmem:s31+$0x40]  }
.LBB2_7:
0x9d: {  	p0 =	sne.s32 s1, $0x1FC0;
	v2 =	vld [tilespmem:s10+$0x9200];
	_ =	sdelay $0x4  }
0x9e: {  	v1 =	vadd.f32 v2, v1;
	_ =	sdelay $0x1  }
0x9f: {  	v2 =	vmul.f32 $2.000000030e-01, v1;
	_ =	sdelay $0x1  }
0xa0: {  	v1 =	vmax.f32 v1, v2  }
0xa1: {  	v1 =	vmul.f32 $1.442695020e+00, v1;
	_ =	sdelay $0x1  }
0xa2: {  	(erf) = vpow2.f32 v1;
	_ =	sdelay $0x2  }
0xa3: {  	v1 =	vld [tilespmem:s31+$0xFFFFFFF0]  }
0xa4: {  	v2 =	vld [tilespmem:s31+$0x30]  }
0xa5: {  	v3 =	vld [tilespmem:s31+$0x10]  }
0xa6: {  	v4 =	vld [tilespmem:s31+$0xFFFFFFD0]  }
0xa7: {  	v5 =	vld [tilespmem:s31+$0xFFFFFFC0]  }
0xa8: {  	v6 =	vld [tilespmem:s31+$0xFFFFFFE0]  }
0xa9: {  	v7 =	vld [tilespmem:s31+$0x0];
	v8 =	vpop (erf)  }
0xaa: {  	[tilespmem:s31+$0x40] =	vst v8;
	v9 =	vbroadcast v8, $0x0;
	v10 =	vbroadcast v8, $0x1;
	v11 =	vld [tilespmem:s31+$0x20]  }
0xab: {  	v12 =	vbroadcast v8, $0x2;
	v8 =	vbroadcast v8, $0x3  }
0xac: {  	v5 =	vmul.f32 v9, v5;
	v4 =	vmul.f32 v9, v4  }
0xad: {  	v1 =	vmul.f32 v1, v10;
	v6 =	vmul.f32 v10, v6  }
0xae: {  	v3 =	vmul.f32 v3, v12;
	[tilespmem:s31+$0xFFFFFFC0] =	vst v5;
	v5 =	vmul.f32 v7, v12  }
0xaf: {  	v2 =	vmul.f32 v2, v8;
	[tilespmem:s31+$0xFFFFFFD0] =	vst v4;
	v4 =	vmul.f32 v11, v8  }
0xb0: {  	[tilespmem:s31+$0xFFFFFFE0] =	vst v6  }
.Ltmp2:
0xb1: {  	[tilespmem:s31+$0xFFFFFFF0] =	vst v1;
	(pc) =	sbr.rel @p0 .LBB2_7-.Ltmp2, $4  }
0xb2: {  	[tilespmem:s31+$0x0] =	vst v5  }
0xb3: {  	[tilespmem:s31+$0x10] =	vst v3  }
0xb4: {  	s31 =	sadd.s32 $0x90, s31;
	[tilespmem:s0+$0x20] =	vst v4  }
0xb5: {  	s10 =	sshra.s32 s1, $0x2;
	s1 =	sadd.s32 $0x40, s1;
	v1 =	vld [tilespmem:s31+$0x40];
	[tilespmem:s0+$0x30] =	vst v2;
	s0 =	smov.u32 s31  }
0xb6: {  	v2 =	vld [tilespmem:s10+$0x9200];
	_ =	sdelay $0x4  }
0xb7: {  	v1 =	vadd.f32 v2, v1;
	_ =	sdelay $0x1  }
0xb8: {  	v2 =	vmul.f32 $2.000000030e-01, v1;
	_ =	sdelay $0x1  }
0xb9: {  	v1 =	vmax.f32 v1, v2  }
0xba: {  	v1 =	vmul.f32 $1.442695020e+00, v1;
	_ =	sdelay $0x1  }
0xbb: {  	(erf) = vpow2.f32 v1;
	_ =	sdelay $0x6  }
0xbc: {  	v3 =	vld [tilespmem:s31+$0xFFFFFFC0]  }
0xbd: {  	v4 =	vld [tilespmem:s31+$0xFFFFFFD0]  }
0xbe: {  	v5 =	vld [tilespmem:s31+$0xFFFFFFE0];
	v6 =	vpop (erf)  }
0xbf: {  	v1 =	vld [tilespmem:s31+$0xFFFFFFF0];
	v8 =	vbroadcast v6, $0x0  }
0xc0: {  	v9 =	vld [tilespmem:s31+$0x0]  }
0xc1: {  	v7 =	vld [tilespmem:s31+$0x10];
	v10 =	vbroadcast v6, $0x1;
	v3 =	vmul.f32 v8, v3  }
0xc2: {  	v11 =	vld [tilespmem:s31+$0x20];
	[tilespmem:s31+$0x40] =	vst v6;
	v4 =	vmul.f32 v8, v4  }
0xc3: {  	v2 =	vld [tilespmem:s31+$0x30];
	v61 =	vbroadcast v6, $0x2;
	v5 =	vmul.f32 v10, v5;
	[tilespmem:s31+$0xFFFFFFC0] =	vst v3  }
0xc4: {  	v1 =	vmul.f32 v1, v10;
	[tilespmem:s31+$0xFFFFFFD0] =	vst v4  }
0xc5: {  	v62 =	vmul.f32 v9, v61;
	v3 =	vbroadcast v6, $0x3;
	[tilespmem:s31+$0xFFFFFFE0] =	vst v5  }
0xc6: {  	v63 =	vmul.f32 v7, v61;
	[tilespmem:s31+$0xFFFFFFF0] =	vst v1  }
0xc7: {  	[tilespmem:s31+$0x0] =	vst v62;
	v1 =	vmul.f32 v11, v3  }
0xc8: {  	s30 =	sadd.s32 $0x1, s30;
	[tilespmem:s31+$0x10] =	vst v63;
	v2 =	vmul.f32 v2, v3  }
0xc9: {  	p0 =	sne.s32 s30, $0x28;
	[tilespmem:s0+$0x20] =	vst v1  }
.Ltmp3:
0xca: {  	[tilespmem:s0+$0x30] =	vst v2;
	(pc) =	sbr.rel @p0 .LBB2_4-.Ltmp3, $4  }
0xcb: {  	[spmem:s3] =	stream.indirect.scatter.add.f32 [tilespmem:s24], [sflag:$0x3], $0x90, s23, s21, $0xb8;
	[tilespmem:$0x1FD80] =	vst v63  }
0xcc: {  	_ =	swait.ge [sflag:s20], $0x4800  }
0xcd: {  	[sflag:s20] =	ssyncset.done $0x0  }
0xce: {  	[sflag:s20] =	ssyncadd.s32 $0xFFFFB800  }
0xcf: {  	_ =	swait.ge [sflag:s25], $0x4800;
	s0 =	stileid.u32  }
0xd0: {  	s1 =	sshrl.u32 s9, $0x3;
	s4 =	sadd.s32 $0x1, s4;
	[sflag:s25] =	ssyncset.done $0x0  }
0xd1: {  	s0 =	sshll.u32 s0, $0x6;
	p0 =	sne.s32 s4, s18;
	[sflag:s25] =	ssyncadd.s32 $0xFFFFB800  }
.Ltmp4:
0xd2: {  	s0 =	sor.u32 $0x1C03, s0;
	[bflag:$0x0] =	sbarrier.arrive $0xFFFF;
	(pc) =	sbr.rel @p0 .LBB2_1-.Ltmp4, $4  }
0xd3: {  	[hbm:s17], [sflag:s0] =	dma.local [spmem:s1], $0x2C70  }
0xd4: {  	_ =	swait.ge [sflag:s20], $0x2C70  }
0xd5: {  	[sflag:s20] =	ssyncset.done $0x0  }
0xd6: {  	[sflag:s20] =	ssyncadd.s32 $0xFFFFD390  }
0xd7: {  	_ =	sfence.sel $0x180000  }
0xd8: {  	[bflag:$0x0] =	sbarrier.arrive $0xFFFF  }
0xd9: {  	_ =	strace $0x90000047  }
0xda: {  	s0 =	stileid.u32;
	[bflag:$0x2] =	sbarrier.arrive $0xFFFF  }
0xdb: {  	p0 =	sne.s32 s0, $0x0;
	s0 =	rddreg [dreg:$0x3]  }
0xdc: {  	s0 =	sadd.s32 @!p0 $0x100000, s0  }
0xdd: {  	[sflag:s0] =	ssyncadd.tile.s32 @!p0 $0x1;
	_ =	shalt  }
.Lfunc_end2:
_tile_overlayer_lowered:
.L_overlay_start_2:
0xde: {  	(tag) =	ssettag $0x2  }
0xdf: {  	s0 =	rddreg [dreg:$0x0];
	s2 =	stileid.u32  }
0xe0: {  	s1 =	rddreg [dreg:$0x1];
	p0 =	sne.s32 s2, $0x0  }
0xe1: {  	s3 =	rddreg [dreg:$0x2];
	[bflag:$0x3] =	sbarrier.arrive $0xFFFF;
	s2 =	simm.s32 @!p0 $0x1C03  }
0xe2: {  	[timem:s3], [sflag:s2] =	dma.local @!p0 [hbm:s0], s1  }
0xe3: {  	s0 =	simm.s32 @!p0 $0x3  }
0xe4: {  	_ =	swait.ge @!p0 [sflag:s0], s1  }
0xe5: {  	s1 =	ssub.s32 @!p0 $0x0, s1;
	[sflag:s0] =	ssyncset.done @!p0 $0x0  }
0xe6: {  	[sflag:s0] =	ssyncadd.s32 @!p0 s1  }
0xe7: {  	[bflag:$0x3] =	sbarrier.arrive $0xFFFF  }
0xe8: {  	_ =	shalt  }

// kernel: kernel.14.cloned.1.call-start
scs
__scs_entry_jumppad:
0x0: {  	(pc) =	sbr.rel $0x88, $3  }
0x1: {  	(tag) =	ssettag $0x0;
	lr =	simm.s32 $0x1  }
0x2: {  	[smem:$0x3F8F] =	sst lr;
	_ =	strace $0xD0000000  }
0x3: {  	_ = 	snop  }
0x4: {  	_ = 	snop  }
0x5: {  	_ = 	snop  }
0x6: {  	_ = 	snop  }
0x7: {  	_ = 	snop  }
__scs_overlays_trampoline_lowered:
0x8: {  	[smem:$0x3F9E] =	sst s0  }
0x9: {  	[smem:$0x3F9F] =	sst s1  }
0xa: {  	[smem:$0x3FA0] =	sst s2  }
0xb: {  	[smem:$0x3FA1] =	sst s3  }
0xc: {  	[smem:$0x3FA2] =	sst s4  }
0xd: {  	[smem:$0x3FA3] =	sst s5  }
0xe: {  	[smem:$0x3FA4] =	sst s6  }
0xf: {  	[smem:$0x3FA5] =	sst s7  }
0x10: {  	[smem:$0x3FA6] =	sst s8  }
0x11: {  	[smem:$0x3FA7] =	sst s9;
	s0 =	simm.s32 @!p0 $0x0  }
0x12: {  	s1 =	sld [smem:$0x3F8D];
	s0 =	simm.s32 @p0 $0x1  }
0x13: {  	[smem:$0x3FA8] =	sst s0;
	s0 =	simm.s32 @!p1 $0x0  }
0x14: {  	s2 =	sld [smem:$0x3F8C];
	s0 =	simm.s32 @p1 $0x1  }
0x15: {  	[smem:$0x3FA9] =	sst s0;
	s0 =	simm.s32 @!p2 $0x0  }
0x16: {  	s3 =	sld [smem:$0x3FDB];
	s0 =	simm.s32 @p2 $0x1  }
0x17: {  	s4 =	simm.s32 $0x1BF5;
	[smem:$0x3FAB] =	sst s0  }
0x18: {  	s0 =	sld [smem:$0x3F8E];
	_ =	swait.ge [sflag:s4], $0x0  }
0x19: {  	s7 =	sld [smem:$0x3F8F]  }
0x1a: {  	s8 =	sadd.s32 $0xFFFFE003, lr  }
0x1b: {  	s9 =	sadd.s32 $0xFFFFFEF7, lr;
	s5 =	simm.s32 $0xFFFFFFFF;
	p2 =	slt.u32 s8, $0xFFFFF086  }
0x1c: {  	p1 =	slt.u32 s9, $0xF7A;
	s5 =	simm.s32 @!p2 $0x0  }
0x1d: {  	s5 =	simm.s32 @p1 $0x1;
	p0 =	seq.s32 s7, s2  }
0x1e: {  	s7 =	smul.u32 @!p0 $0xF7A, s2;
	p2 =	seq.s32 @!p0 s5, $0x0  }
0x1f: {  	s9 =	smul.u32 $0xF7A, s1;
	s8 =	simm.s32 @!p0 $0x1BF5;
	p2 =	por !p2, p0  }
0x20: {  	[sflag:s8] =	ssyncset.s32 @!p0 $0xFFFFF086;
	s6 =	sadd.s32 @!p0 s3, s7;
	s7 =	simm.s32 @!p0 $0x108  }
0x21: {  	s3 =	sadd.s32 s3, s9;
	s6 =	sadd.s32 @!p0 $0x88, s6;
	s7 =	simm.s32 @p2 $0x1082  }
0x22: {  	[simem:s7], [sflag:s8] =	dma.local @!p0 [hbm:s6], $0xF7A  }
0x23: {  	s9 =	sor.u32 $0xD0000000, s2;
	s6 =	simm.s32 $0x108;
	_ =	swait.ge @!p0 [sflag:s8], $0x0  }
0x24: {  	s3 =	sadd.s32 $0x88, s3;
	s6 =	simm.s32 @!p1 $0x1082;
	[sflag:s4] =	ssyncset.s32 $0xFFFFF086  }
0x25: {  	[simem:s6], [sflag:s4] =	dma.local [hbm:s3], $0xF7A  }
0x26: {  	[smem:$0x3F8F] =	sst s1;
	(tag) =	ssettag s2;
	_ =	strace s9  }
0x27: {  	s1 =	sld [smem:$0x3F9F]  }
0x28: {  	s2 =	sld [smem:$0x3FA0]  }
0x29: {  	s4 =	sld [smem:$0x3FA2]  }
0x2a: {  	p0 =	seq.s32 s5, $0x0;
	s5 =	sld [smem:$0x3FA3]  }
0x2b: {  	s6 =	sld [smem:$0x3FA4]  }
0x2c: {  	s7 =	sld [smem:$0x3FA5]  }
0x2d: {  	s3 =	simm.s32 $0x108;
	s8 =	sld [smem:$0x3FA6]  }
0x2e: {  	s3 =	simm.s32 @!p0 $0x1082;
	s9 =	sld [smem:$0x3FA7]  }
0x2f: {  	lr =	sadd.s32 s0, s3;
	s0 =	sld [smem:$0x3F9E]  }
0x30: {  	s3 =	sld [smem:$0x3FA1]  }
0x31: {  	[smem:$0x3FAA] =	sst s10  }
0x32: {  	s10 =	sld [smem:$0x3FA8];
	_ =	sdelay $0x3  }
0x33: {  	p0 =	seq.s32 s10, $0x1;
	s10 =	sld [smem:$0x3FAA];
	_ =	sdelay $0x3  }
0x34: {  	[smem:$0x3FAA] =	sst s10  }
0x35: {  	s10 =	sld [smem:$0x3FA9];
	_ =	sdelay $0x3  }
0x36: {  	p1 =	seq.s32 s10, $0x1;
	s10 =	sld [smem:$0x3FAA];
	_ =	sdelay $0x3  }
0x37: {  	[smem:$0x3FAA] =	sst s10  }
0x38: {  	s10 =	sld [smem:$0x3FAB]  }
0x39: {  	_ = 	snop;
	(pc) =	sbr.ind lr, $3  }
0x3a: {  	_ = 	snop  }
0x3b: {  	_ = 	snop  }
0x3c: {  	p2 =	seq.s32 s10, $0x1;
	s10 =	sld [smem:$0x3FAA]  }
0x3d: {  	_ =	shalt  }
0x3e: {  	_ =	shalt  }
0x3f: {  	_ =	shalt  }
0x40: {  	_ =	shalt  }
0x41: {  	_ =	shalt  }
0x42: {  	_ =	shalt  }
0x43: {  	_ =	shalt  }
0x44: {  	_ =	shalt  }
0x45: {  	_ =	shalt  }
0x46: {  	_ =	shalt  }
0x47: {  	_ =	shalt  }
0x48: {  	_ =	shalt  }
0x49: {  	_ =	shalt  }
0x4a: {  	_ =	shalt  }
0x4b: {  	_ =	shalt  }
0x4c: {  	_ =	shalt  }
0x4d: {  	_ =	shalt  }
0x4e: {  	_ =	shalt  }
0x4f: {  	_ =	shalt  }
0x50: {  	_ =	shalt  }
0x51: {  	_ =	shalt  }
0x52: {  	_ =	shalt  }
0x53: {  	_ =	shalt  }
0x54: {  	_ =	shalt  }
0x55: {  	_ =	shalt  }
0x56: {  	_ =	shalt  }
0x57: {  	_ =	shalt  }
0x58: {  	_ =	shalt  }
0x59: {  	_ =	shalt  }
0x5a: {  	_ =	shalt  }
0x5b: {  	_ =	shalt  }
0x5c: {  	_ =	shalt  }
0x5d: {  	_ =	shalt  }
0x5e: {  	_ =	shalt  }
0x5f: {  	_ =	shalt  }
0x60: {  	_ =	shalt  }
0x61: {  	_ =	shalt  }
0x62: {  	_ =	shalt  }
0x63: {  	_ =	shalt  }
0x64: {  	_ =	shalt  }
0x65: {  	_ =	shalt  }
0x66: {  	_ =	shalt  }
0x67: {  	_ =	shalt  }
0x68: {  	_ =	shalt  }
0x69: {  	_ =	shalt  }
0x6a: {  	_ =	shalt  }
0x6b: {  	_ =	shalt  }
0x6c: {  	_ =	shalt  }
0x6d: {  	_ =	shalt  }
0x6e: {  	_ =	shalt  }
0x6f: {  	_ =	shalt  }
0x70: {  	_ =	shalt  }
0x71: {  	_ =	shalt  }
0x72: {  	_ =	shalt  }
0x73: {  	_ =	shalt  }
0x74: {  	_ =	shalt  }
0x75: {  	_ =	shalt  }
0x76: {  	_ =	shalt  }
0x77: {  	_ =	shalt  }
0x78: {  	_ =	shalt  }
0x79: {  	_ =	shalt  }
0x7a: {  	_ =	shalt  }
0x7b: {  	_ =	shalt  }
0x7c: {  	_ =	shalt  }
0x7d: {  	_ =	shalt  }
0x7e: {  	_ =	shalt  }
0x7f: {  	_ =	shalt  }
0x80: {  	_ =	shalt  }
0x81: {  	_ =	shalt  }
0x82: {  	_ =	shalt  }
0x83: {  	_ =	shalt  }
0x84: {  	_ =	shalt  }
0x85: {  	_ =	shalt  }
0x86: {  	_ =	shalt  }
0x87: {  	_ =	shalt  }
.Lfunc_end0:
.L_simem_size_0:
called_computation.1_lowered:
.L_overlay_start_0:
0x88: {  	s2 =	sld [smem:$0x3FD9]  }
0x89: {  	s3 =	sld [smem:$0x3FFE];
	_ =	sdelay $0x1  }
0x8a: {  	s1 =	srdreg.scid  }
0x8b: {  	s0 =	sand.u32 $0x1, s1  }
0x8c: {  	s17 =	sshll.u32 s0, $0xA;
	s2 =	sadd.s32 s3, s2  }
0x8d: {  	s2 =	sadd.s32 s2, s17  }
0x8e: {  	[smem:$0x3FB6] =	sst s2  }
0x8f: {  	_ = 	snop  }
0x90: {  	s2 =	sld [smem:$0x3FD0];
	(tm) =	ssettm $0x1  }
0x91: {  	s18 =	sld [smem:$0x3FFB];
	_ =	sdelay $0x3  }
0x92: {  	_ =	strace s18  }
0x93: {  	s3 =	sld [smem:$0x3FFC];
	_ =	sdelay $0x3  }
0x94: {  	_ =	strace s3  }
0x95: {  	s3 =	sld [smem:$0x3FFD];
	_ =	sdelay $0x3  }
0x96: {  	_ =	strace s3  }
0x97: {  	_ =	strace $0x8FFFFFFF  }
0x98: {  	s19 =	sld [smem:$0x3FDB];
	_ =	sdelay $0x1  }
0x99: {  	s4 =	simm.s32 $_scs_section_size  }
0x9a: {  	s5 =	simm.s32 $_size__tile_overlayer_lowered;
	s6 =	simm.s32 $_tile_overlayer_lowered  }
0x9b: {  	s22 =	simm.s32 $0x1BFF;
	s21 =	sshll.u32 s6, $0x1;
	s3 =	sadd.s32 s4, s19  }
0x9c: {  	s7 =	simm.s32 $0x0;
	s20 =	sshll.u32 s5, $0x1;
	s5 =	sadd.s32 s21, s3  }
0x9d: {  	[timem:s7], [sflag:s22] =	dma.local [hbm:s5], s20  }
0x9e: {  	_ =	swait.ge [sflag:s22], s20  }
0x9f: {  	s4 =	ssub.s32 $0x0, s20;
	[sflag:s22] =	ssyncset.done $0x0  }
0xa0: {  	[sflag:s22] =	ssyncadd.s32 s4;
	_ =	sdelay $0x1  }
0xa1: {  	s23 =	simm.s32 $0x1B8B  }
0xa2: {  	_ =	swait.ge [sflag:s23], $0x1  }
0xa3: {  	[sflag:s23] =	ssyncset.done $0x0  }
0xa4: {  	s25 =	simm.s32 $0x1B8E;
	s24 =	sld [smem:$0x3FFE];
	[sflag:s23] =	ssyncadd.s32 $0xFFFFFFFF  }
0xa5: {  	s26 =	simm.s32 $execute0_lowered;
	[smem:$0x3FD2] =	sst s25  }
0xa6: {  	s5 =	sshll.u32 s26, $0x1;
	_ =	strace $0x80000049;
	[dreg:$0x1] =	wrdreg $0xFFFFFFFF  }
0xa7: {  	s28 =	simm.s32 $_size_execute0_lowered;
	s3 =	sadd.s32 s3, s5;
	[dreg:$0x0] =	wrdreg $0x0  }
0xa8: {  	s5 =	sshll.u32 s28, $0x1;
	[dreg:$0x2] =	wrdreg s3  }
0xa9: {  	[dreg:$0x3] =	wrdreg s5  }
0xaa: {  	[dreg:$0x4] =	wrdreg $0xC0  }
0xab: {  	_ =	task [dreg:s7], $0x5FFFF  }
0xac: {  	[dreg:$0x1] =	wrdreg $0xFFFFFFFF  }
0xad: {  	[dreg:$0x0] =	wrdreg $0x60  }
0xae: {  	[dreg:$0x2] =	wrdreg s24  }
0xaf: {  	[dreg:$0x3] =	wrdreg s2  }
0xb0: {  	[dreg:$0x4] =	wrdreg $0x3A000  }
0xb1: {  	[dreg:$0x5] =	wrdreg $0x9  }
0xb2: {  	_ =	task.clear_ibuf [dreg:s7], $0x6FFFF;
	_ =	strace $0x90000049  }
0xb3: {  	s29 =	simm.s32 $0x9;
	_ =	strace $0x8000004B  }
0xb4: {  	_ =	swait.ge [sflag:s29], $0x1  }
0xb5: {  	[sflag:s29] =	ssyncadd.s32 $0xFFFFFFFF  }
0xb6: {  	_ =	strace $0x9000004B  }
0xb7: {  	_ =	sfence  }
0xb8: {  	s30 =	sld [smem:$0x0];
	_ =	sdelay $0x2  }
0xb9: {  	s31 =	sshll.u32 s1, $0xD;
	s1 =	sshrl.u32 s1, $0x2  }
0xba: {  	s3 =	sand.u32 $0x4000, s31;
	s1 =	sadd.s32 s1, s30  }
0xbb: {  	s0 =	sor.u32 s3, s0;
	s1 =	sshll.u32 s1, $0x11  }
0xbc: {  	s0 =	sor.u32 s1, s0  }
0xbd: {  	s0 =	sadd.s32 $0x8F2B, s0  }
0xbe: {  	[sflag:s0] =	ssyncadd.remote.s32 $0x1  }
0xbf: {  	_ =	sfence.sel $0xFFFF  }
0xc0: {  	[dreg:$0x0] =	wrdreg $0xFFFFFFFF;
	(pc) =	sbr.abs _section_cstart, $3  }
0xc1: {  	[dreg:$0x1] =	wrdreg $0xFFFFFFFF  }
0xc2: {  	_ =	task.clear_ibuf [dreg:s7], $0x2FFFF;
	_ =	strace $0x9FFFFFFF  }
0xc3: {  	(tm) =	ssettm $0x7FFFFFFF  }
tec
execute0_lowered:
.L_overlay_start_1:
0x0: {  	(tag) =	ssettag $0x1  }
0x1: {  	s0 =	rddreg [dreg:$0x0]  }
0x2: {  	s3 =	rddreg [dreg:$0x1]  }
0x3: {  	s1 =	rddreg [dreg:$0x2];
	s2 =	simm.s32 $0x0;
	s7 =	srdreg.scid  }
0x4: {  	s12 =	stileid.u32;
	s19 =	simm.s32 $0x200;
	s20 =	simm.s32 $0x3  }
0x5: {  	s21 =	simm.s32 $0x80;
	s22 =	simm.s32 $0x100;
	s23 =	simm.s32 $0x180  }
0x6: {  	s24 =	simm.s32 $0x1A00;
	s25 =	simm.s32 $0x1;
	s26 =	simm.s32 $0x3200  }
0x7: {  	s28 =	simm.s32 $0x2;
	s29 =	simm.s32 $0x0;
	[smem:$0x7FF] =	sst s2  }
0x8: {  	s4 =	sadd.s32 $0x39200, s0;
	s5 =	sadd.s32 $0x2F200, s0;
	s6 =	sadd.s32 $0x2A00, s0  }
0x9: {  	s10 =	sand.u32 $0x1, s7;
	s7 =	sadd.s32 $0x11800, s0;
	s9 =	smul.u32 $0x1DA00, s12  }
0xa: {  	s14 =	smul.u32 $0x7680, s12;
	_ =	strace $0x8000004A;
	s30 =	ssub.s32 $0x2, s10  }
0xb: {  	s11 =	sshll.u32 s10, $0x4;
	s10 =	smul.u32 $0x76800, s10;
	s8 =	sshrl.u32 s30, $0x1  }
0xc: {  	s31 =	sshrl.u32 s9, $0x2;
	s9 =	sadd.s32 s14, s1;
	s0 =	ssub.s32 s30, s8  }
0xd: {  	s8 =	sor.u32 s12, s11;
	s13 =	sadd.s32 s31, s1;
	s10 =	sadd.s32 s14, s10  }
0xe: {  	s11 =	sadd.s32 $0x1800, s13;
	s12 =	sadd.s32 $0x4800, s13;
	s16 =	sshll.u32 s8, $0x4  }
0xf: {  	s10 =	sshrl.u32 s10, $0x3;
	s18 =	smax.u32 s0, $0x1;
	[dreg:$0x4] =	wrdreg s11  }
0x10: {  	s11 =	sadd.s32 $0x3000, s13;
	s13 =	sadd.s32 $0x6000, s13;
	s14 =	sadd.s32 s4, s16  }
0x11: {  	v0 =	vimm.f32 $0.0e+00;
	s15 =	sadd.s32 s5, s16;
	s16 =	sor.u32 $0x200, s16;
	s17 =	sadd.s32 s3, s10  }
.LBB2_1:
0x12: {  	s0 =	simm.s32 $0xC0;
	s3 =	simm.s32 $0x0  }
.LBB2_2:
0x13: {  	p0 =	sne.s32 s0, $0x5F40;
	[tilespmem:s3+$0x220] =	vst v0;
	s10 =	smov.u32 s0;
	s0 =	sadd.s32 $0xC0, s0  }
.Ltmp0:
0x14: {  	[tilespmem:s3+$0x200] =	vst v0;
	(pc) =	sbr.rel @p0 .LBB2_2-.Ltmp0, $2  }
0x15: {  	[tilespmem:s3+$0x210] =	vst v0;
	_ =	sdelay $0x2  }
0x16: {  	s3 =	sshra.s32 s10, $0x2  }
0x17: {  	[tilespmem:s3+$0x220] =	vst v0  }
0x18: {  	[tilespmem:s3+$0x200] =	vst v0  }
0x19: {  	[tilespmem:s3+$0x210] =	vst v0  }
0x1a: {  	[spmem:s9] =	stream.linear.scatter [tilespmem:s19], [sflag:$0x3], $0x1800, $0x38;
	[tilespmem:$0xB080] =	vst v63  }
0x1b: {  	_ =	swait.ge [sflag:s20], $0x1800  }
0x1c: {  	[sflag:s20] =	ssyncset.done $0x0  }
0x1d: {  	s0 =	rddreg [dreg:$0x4];
	[sflag:s20] =	ssyncadd.s32 $0xFFFFE800  }
0x1e: {  	[spmem:s0] =	stream.linear.scatter [tilespmem:s19], [sflag:$0x3], $0x1800, $0x38;
	[tilespmem:$0xB080] =	vst v63  }
0x1f: {  	_ =	swait.ge [sflag:s20], $0x1800  }
0x20: {  	[sflag:s20] =	ssyncset.done $0x0  }
0x21: {  	[sflag:s20] =	ssyncadd.s32 $0xFFFFE800  }
0x22: {  	[spmem:s11] =	stream.linear.scatter [tilespmem:s19], [sflag:$0x3], $0x1800, $0x38;
	[tilespmem:$0xB080] =	vst v63  }
0x23: {  	_ =	swait.ge [sflag:s20], $0x1800  }
0x24: {  	[sflag:s20] =	ssyncset.done $0x0  }
0x25: {  	[sflag:s20] =	ssyncadd.s32 $0xFFFFE800  }
0x26: {  	[spmem:s12] =	stream.linear.scatter [tilespmem:s19], [sflag:$0x3], $0x1800, $0x38;
	[tilespmem:$0xB080] =	vst v63  }
0x27: {  	_ =	swait.ge [sflag:s20], $0x1800  }
0x28: {  	[sflag:s20] =	ssyncset.done $0x0  }
0x29: {  	[sflag:s20] =	ssyncadd.s32 $0xFFFFE800  }
0x2a: {  	[spmem:s13] =	stream.linear.scatter [tilespmem:s19], [sflag:$0x3], $0x1680, $0x38;
	[tilespmem:$0xB080] =	vst v63  }
0x2b: {  	_ =	swait.ge [sflag:s20], $0x1680  }
0x2c: {  	[sflag:s20] =	ssyncset.done $0x0  }
0x2d: {  	[sflag:s20] =	ssyncadd.s32 $0xFFFFE980  }
0x2e: {  	[bflag:$0x0] =	sbarrier.arrive $0xFFFF  }
0x2f: {  	[tilespmem:s29], [sflag:$0x3] =	stream.linear.gather [hbm4b:s14+s29], $0x80, $0x38;
	[tilespmem:$0xB080] =	vst v63  }
0x30: {  	_ =	swait.ge [sflag:s20], $0x80  }
0x31: {  	[sflag:s20] =	ssyncset.done $0x0  }
0x32: {  	[sflag:s20] =	ssyncadd.s32 $0xFFFFFF80  }
0x33: {  	[tilespmem:s21], [sflag:$0x3] =	stream.linear.gather [hbm4b:s15+s29], $0x80, $0x38;
	[tilespmem:$0xB080] =	vst v63  }
0x34: {  	_ =	swait.ge [sflag:s20], $0x80  }
0x35: {  	[sflag:s20] =	ssyncset.done $0x0  }
0x36: {  	s30 =	simm.s32 $0x0;
	[sflag:s20] =	ssyncadd.s32 $0xFFFFFF80  }
0x37: {  	[tilespmem:s19], [sflag:$0x1] =	stream.indirect.gather [hbm4b:s6+s21], $0x30, s29, s21, $0xb8;
	[tilespmem:$0xB080] =	vst v63  }
.LBB2_4:
0x38: {  	s0 =	sshll.u32 s30, $0xA  }
0x39: {  	s0 =	sor.u32 s16, s0  }
0x3a: {  	s3 =	sadd.s32 s4, s0  }
0x3b: {  	[tilespmem:s22], [sflag:$0x3] =	stream.linear.gather [hbm4b:s3+s29], $0x80, $0x38;
	[tilespmem:$0xB080] =	vst v63  }
0x3c: {  	_ =	swait.ge [sflag:s20], $0x80  }
0x3d: {  	[sflag:s20] =	ssyncset.done $0x0  }
0x3e: {  	s0 =	sadd.s32 s5, s0;
	[sflag:s20] =	ssyncadd.s32 $0xFFFFFF80  }
0x3f: {  	[tilespmem:s23], [sflag:$0x3] =	stream.linear.gather [hbm4b:s0+s29], $0x80, $0x38;
	[tilespmem:$0xB080] =	vst v63  }
0x40: {  	_ =	swait.ge [sflag:s20], $0x80  }
0x41: {  	[sflag:s20] =	ssyncset.done $0x0  }
0x42: {  	[sflag:s20] =	ssyncadd.s32 $0xFFFFFF80  }
0x43: {  	[tilespmem:s24], [sflag:$0x1] =	stream.indirect.gather [hbm4b:s6+s21], $0x30, s22, s21, $0xb8;
	[tilespmem:$0xB080] =	vst v63  }
0x44: {  	_ =	swait.ge [sflag:s25], $0x1800  }
0x45: {  	[sflag:s25] =	ssyncset.done $0x0  }
0x46: {  	[sflag:s25] =	ssyncadd.s32 $0xFFFFE800  }
0x47: {  	[tilespmem:s26], [sflag:$0x2] =	stream.indirect.gather [hbm4b:s7+s21], $0x10, s21, s21, $0xb8;
	[tilespmem:$0xB080] =	vst v63  }
0x48: {  	_ =	swait.ge [sflag:s28], $0x800  }
0x49: {  	[sflag:s28] =	ssyncset.done $0x0  }
0x4a: {  	s31 =	simm.s32 $0x220;
	[sflag:s28] =	ssyncadd.s32 $0xFFFFF800  }
0x4b: {  	s10 =	simm.s32 $0x0;
	s3 =	simm.s32 $0x40;
	s0 =	simm.s32 $0x220;
	v1 =	vld [tilespmem:s31+$0x0]  }
.LBB2_5:
0x4c: {  	p0 =	sne.s32 s3, $0x1FC0;
	v2 =	vld [tilespmem:s10+$0x3200];
	_ =	sdelay $0x4  }
0x4d: {  	v1 =	vadd.f32 v2, v1;
	_ =	sdelay $0x1  }
0x4e: {  	v2 =	vmul.f32 $2.000000030e-01, v1;
	_ =	sdelay $0x1  }
0x4f: {  	v1 =	vmax.f32 v1, v2  }
0x50: {  	v1 =	vmul.f32 $1.442695020e+00, v1;
	_ =	sdelay $0x1  }
0x51: {  	(erf) = vpow2.f32 v1;
	_ =	sdelay $0x5  }
0x52: {  	v1 =	vld [tilespmem:s31+$0xFFFFFFF0]  }
0x53: {  	v2 =	vld [tilespmem:s31+$0xFFFFFFE0];
	_ =	sdelay $0x1  }
0x54: {  	v3 =	vpop (erf)  }
0x55: {  	[tilespmem:s31+$0x0] =	vst v3;
	v3 =	vbroadcast v3, $0x0  }
.Ltmp1:
0x56: {  	(pc) =	sbr.rel @p0 .LBB2_5-.Ltmp1, $3  }
0x57: {  	v2 =	vmul.f32 v3, v2;
	v3 =	vmul.f32 v3, v1;
	_ =	sdelay $0x1  }
0x58: {  	s31 =	sadd.s32 $0x30, s31;
	[tilespmem:s0+$0xFFFFFFE0] =	vst v2  }
0x59: {  	s10 =	sshra.s32 s3, $0x2;
	s3 =	sadd.s32 $0x40, s3;
	v1 =	vld [tilespmem:s31+$0x0];
	[tilespmem:s0+$0xFFFFFFF0] =	vst v3;
	s0 =	smov.u32 s31  }
0x5a: {  	v2 =	vld [tilespmem:s10+$0x3200];
	_ =	sdelay $0x4  }
0x5b: {  	v1 =	vadd.f32 v2, v1;
	_ =	sdelay $0x1  }
0x5c: {  	v2 =	vmul.f32 $2.000000030e-01, v1;
	_ =	sdelay $0x1  }
0x5d: {  	v1 =	vmax.f32 v1, v2  }
0x5e: {  	v1 =	vmul.f32 $1.442695020e+00, v1;
	_ =	sdelay $0x1  }
0x5f: {  	(erf) = vpow2.f32 v1;
	_ =	sdelay $0x6  }
0x60: {  	v1 =	vld [tilespmem:s31+$0xFFFFFFE0]  }
0x61: {  	v2 =	vld [tilespmem:s31+$0xFFFFFFF0]  }
0x62: {  	v3 =	vpop (erf)  }
0x63: {  	v4 =	vbroadcast v3, $0x0;
	_ =	sdelay $0x1  }
0x64: {  	v1 =	vmul.f32 v4, v1  }
0x65: {  	[tilespmem:s31+$0x0] =	vst v3;
	v2 =	vmul.f32 v4, v2  }
0x66: {  	s10 =	sshll.u32 s30, $0x6;
	[tilespmem:s0+$0xFFFFFFE0] =	vst v1  }
0x67: {  	p0 =	seq.s32 s30, $0x27;
	[tilespmem:s0+$0xFFFFFFF0] =	vst v2;
	s0 =	sadd.s32 $0x40, s10  }
0x68: {  	[spmem:s1] =	stream.indirect.scatter.add.f32 [tilespmem:s19], [sflag:$0x3], $0x30, s21, s21, $0xb8;
	[tilespmem:$0xB080] =	vst v63  }
0x69: {  	s0 =	simm.s32 @p0 $0x0  }
0x6a: {  	s0 =	sor.u32 s8, s0  }
0x6b: {  	_ =	swait.ge [sflag:s20], $0x1800;
	s0 =	sshll.u32 s0, $0x4  }
0x6c: {  	[sflag:s20] =	ssyncset.done $0x0;
	s0 =	sand.u32 $0x1FFFFDF0, s0  }
0x6d: {  	s10 =	simm.s32 $0x0;
	[sflag:s20] =	ssyncadd.s32 $0xFFFFE800;
	s3 =	sadd.s32 s4, s0  }
0x6e: {  	[tilespmem:s10], [sflag:$0x3] =	stream.linear.gather [hbm4b:s3+s10], $0x80, $0x38;
	[tilespmem:$0xB080] =	vst v63  }
0x6f: {  	_ =	swait.ge [sflag:s20], $0x80  }
0x70: {  	[sflag:s20] =	ssyncset.done $0x0  }
0x71: {  	s0 =	sadd.s32 s5, s0;
	[sflag:s20] =	ssyncadd.s32 $0xFFFFFF80  }
0x72: {  	[tilespmem:s21], [sflag:$0x3] =	stream.linear.gather [hbm4b:s0+s10], $0x80, $0x38;
	[tilespmem:$0xB080] =	vst v63  }
0x73: {  	_ =	swait.ge [sflag:s20], $0x80  }
0x74: {  	[sflag:s20] =	ssyncset.done $0x0  }
0x75: {  	[sflag:s20] =	ssyncadd.s32 $0xFFFFFF80  }
0x76: {  	[tilespmem:s19], [sflag:$0x1] =	stream.indirect.gather [hbm4b:s6+s21], $0x30, s10, s21, $0xb8;
	[tilespmem:$0xB080] =	vst v63  }
0x77: {  	_ =	swait.ge [sflag:s25], $0x1800  }
0x78: {  	[sflag:s25] =	ssyncset.done $0x0  }
0x79: {  	[sflag:s25] =	ssyncadd.s32 $0xFFFFE800  }
0x7a: {  	[tilespmem:s26], [sflag:$0x2] =	stream.indirect.gather [hbm4b:s7+s21], $0x10, s23, s21, $0xb8;
	[tilespmem:$0xB080] =	vst v63  }
0x7b: {  	_ =	swait.ge [sflag:s28], $0x800  }
0x7c: {  	[sflag:s28] =	ssyncset.done $0x0  }
0x7d: {  	s31 =	simm.s32 $0x1A20;
	[sflag:s28] =	ssyncadd.s32 $0xFFFFF800  }
0x7e: {  	s3 =	simm.s32 $0x40;
	s0 =	simm.s32 $0x1A20;
	s10 =	simm.s32 $0x0;
	v1 =	vld [tilespmem:s31+$0x0]  }
.LBB2_7:
0x7f: {  	p0 =	sne.s32 s3, $0x1FC0;
	v2 =	vld [tilespmem:s10+$0x3200];
	_ =	sdelay $0x4  }
0x80: {  	v1 =	vadd.f32 v2, v1;
	_ =	sdelay $0x1  }
0x81: {  	v2 =	vmul.f32 $2.000000030e-01, v1;
	_ =	sdelay $0x1  }
0x82: {  	v1 =	vmax.f32 v1, v2  }
0x83: {  	v1 =	vmul.f32 $1.442695020e+00, v1;
	_ =	sdelay $0x1  }
0x84: {  	(erf) = vpow2.f32 v1;
	_ =	sdelay $0x5  }
0x85: {  	v1 =	vld [tilespmem:s31+$0xFFFFFFF0]  }
0x86: {  	v2 =	vld [tilespmem:s31+$0xFFFFFFE0];
	_ =	sdelay $0x1  }
0x87: {  	v3 =	vpop (erf)  }
0x88: {  	[tilespmem:s31+$0x0] =	vst v3;
	v3 =	vbroadcast v3, $0x0  }
.Ltmp2:
0x89: {  	(pc) =	sbr.rel @p0 .LBB2_7-.Ltmp2, $3  }
0x8a: {  	v2 =	vmul.f32 v3, v2;
	v3 =	vmul.f32 v3, v1;
	_ =	sdelay $0x1  }
0x8b: {  	s31 =	sadd.s32 $0x30, s31;
	[tilespmem:s0+$0xFFFFFFE0] =	vst v2  }
0x8c: {  	s10 =	sshra.s32 s3, $0x2;
	s3 =	sadd.s32 $0x40, s3;
	v1 =	vld [tilespmem:s31+$0x0];
	[tilespmem:s0+$0xFFFFFFF0] =	vst v3;
	s0 =	smov.u32 s31  }
0x8d: {  	v2 =	vld [tilespmem:s10+$0x3200];
	_ =	sdelay $0x4  }
0x8e: {  	v1 =	vadd.f32 v2, v1;
	_ =	sdelay $0x1  }
0x8f: {  	v2 =	vmul.f32 $2.000000030e-01, v1;
	_ =	sdelay $0x1  }
0x90: {  	v1 =	vmax.f32 v1, v2  }
0x91: {  	v1 =	vmul.f32 $1.442695020e+00, v1;
	_ =	sdelay $0x1  }
0x92: {  	(erf) = vpow2.f32 v1;
	_ =	sdelay $0x6  }
0x93: {  	v1 =	vld [tilespmem:s31+$0xFFFFFFE0]  }
0x94: {  	v2 =	vld [tilespmem:s31+$0xFFFFFFF0]  }
0x95: {  	v3 =	vpop (erf)  }
0x96: {  	v4 =	vbroadcast v3, $0x0;
	_ =	sdelay $0x1  }
0x97: {  	v1 =	vmul.f32 v4, v1  }
0x98: {  	s30 =	sadd.s32 $0x1, s30;
	[tilespmem:s31+$0x0] =	vst v3;
	v2 =	vmul.f32 v4, v2  }
0x99: {  	p0 =	sne.s32 s30, $0x28;
	[tilespmem:s0+$0xFFFFFFE0] =	vst v1  }
.Ltmp3:
0x9a: {  	[tilespmem:s0+$0xFFFFFFF0] =	vst v2;
	(pc) =	sbr.rel @p0 .LBB2_4-.Ltmp3, $4  }
0x9b: {  	[spmem:s1] =	stream.indirect.scatter.add.f32 [tilespmem:s24], [sflag:$0x3], $0x30, s23, s21, $0xb8;
	[tilespmem:$0xB080] =	vst v63  }
0x9c: {  	_ =	swait.ge [sflag:s20], $0x1800  }
0x9d: {  	[sflag:s20] =	ssyncset.done $0x0  }
0x9e: {  	[sflag:s20] =	ssyncadd.s32 $0xFFFFE800  }
0x9f: {  	_ =	swait.ge [sflag:s25], $0x1800;
	s0 =	stileid.u32  }
0xa0: {  	s3 =	sshrl.u32 s9, $0x3;
	s2 =	sadd.s32 $0x1, s2;
	[sflag:s25] =	ssyncset.done $0x0  }
0xa1: {  	s0 =	sshll.u32 s0, $0x6;
	p0 =	sne.s32 s2, s18;
	[sflag:s25] =	ssyncadd.s32 $0xFFFFE800  }
.Ltmp4:
0xa2: {  	s0 =	sor.u32 $0x1C03, s0;
	[bflag:$0x0] =	sbarrier.arrive $0xFFFF;
	(pc) =	sbr.rel @p0 .LBB2_1-.Ltmp4, $4  }
0xa3: {  	[hbm:s17], [sflag:s0] =	dma.local [spmem:s3], $0xED0  }
0xa4: {  	_ =	swait.ge [sflag:s20], $0xED0  }
0xa5: {  	[sflag:s20] =	ssyncset.done $0x0  }
0xa6: {  	[sflag:s20] =	ssyncadd.s32 $0xFFFFF130  }
0xa7: {  	_ =	sfence.sel $0x180000  }
0xa8: {  	[bflag:$0x0] =	sbarrier.arrive $0xFFFF  }
0xa9: {  	_ =	strace $0x9000004A  }
0xaa: {  	s0 =	stileid.u32;
	[bflag:$0x2] =	sbarrier.arrive $0xFFFF  }
0xab: {  	p0 =	sne.s32 s0, $0x0;
	s0 =	rddreg [dreg:$0x3]  }
0xac: {  	s0 =	sadd.s32 @!p0 $0x100000, s0  }
0xad: {  	[sflag:s0] =	ssyncadd.tile.s32 @!p0 $0x1;
	_ =	shalt  }
.Lfunc_end2:
_tile_overlayer_lowered:
.L_overlay_start_2:
0xae: {  	(tag) =	ssettag $0x2  }
0xaf: {  	s0 =	rddreg [dreg:$0x0];
	s2 =	stileid.u32  }
0xb0: {  	s1 =	rddreg [dreg:$0x1];
	p0 =	sne.s32 s2, $0x0  }
0xb1: {  	s3 =	rddreg [dreg:$0x2];
	[bflag:$0x3] =	sbarrier.arrive $0xFFFF;
	s2 =	simm.s32 @!p0 $0x1C03  }
0xb2: {  	[timem:s3], [sflag:s2] =	dma.local @!p0 [hbm:s0], s1  }
0xb3: {  	s0 =	simm.s32 @!p0 $0x3  }
0xb4: {  	_ =	swait.ge @!p0 [sflag:s0], s1  }
0xb5: {  	s1 =	ssub.s32 @!p0 $0x0, s1;
	[sflag:s0] =	ssyncset.done @!p0 $0x0  }
0xb6: {  	[sflag:s0] =	ssyncadd.s32 @!p0 s1  }
0xb7: {  	[bflag:$0x3] =	sbarrier.arrive $0xFFFF  }
0xb8: {  	_ =	shalt  }

// kernel: kernel.17.cloned.1.call-start
scs
__scs_entry_jumppad:
0x0: {  	(pc) =	sbr.rel $0x88, $3  }
0x1: {  	(tag) =	ssettag $0x0;
	lr =	simm.s32 $0x1  }
0x2: {  	[smem:$0x3F8F] =	sst lr;
	_ =	strace $0xD0000000  }
0x3: {  	_ = 	snop  }
0x4: {  	_ = 	snop  }
0x5: {  	_ = 	snop  }
0x6: {  	_ = 	snop  }
0x7: {  	_ = 	snop  }
__scs_overlays_trampoline_lowered:
0x8: {  	[smem:$0x3F9E] =	sst s0  }
0x9: {  	[smem:$0x3F9F] =	sst s1  }
0xa: {  	[smem:$0x3FA0] =	sst s2  }
0xb: {  	[smem:$0x3FA1] =	sst s3  }
0xc: {  	[smem:$0x3FA2] =	sst s4  }
0xd: {  	[smem:$0x3FA3] =	sst s5  }
0xe: {  	[smem:$0x3FA4] =	sst s6  }
0xf: {  	[smem:$0x3FA5] =	sst s7  }
0x10: {  	[smem:$0x3FA6] =	sst s8  }
0x11: {  	[smem:$0x3FA7] =	sst s9;
	s0 =	simm.s32 @!p0 $0x0  }
0x12: {  	s1 =	sld [smem:$0x3F8D];
	s0 =	simm.s32 @p0 $0x1  }
0x13: {  	[smem:$0x3FA8] =	sst s0;
	s0 =	simm.s32 @!p1 $0x0  }
0x14: {  	s2 =	sld [smem:$0x3F8C];
	s0 =	simm.s32 @p1 $0x1  }
0x15: {  	[smem:$0x3FA9] =	sst s0;
	s0 =	simm.s32 @!p2 $0x0  }
0x16: {  	s3 =	sld [smem:$0x3FDB];
	s0 =	simm.s32 @p2 $0x1  }
0x17: {  	s4 =	simm.s32 $0x1BF5;
	[smem:$0x3FAB] =	sst s0  }
0x18: {  	s0 =	sld [smem:$0x3F8E];
	_ =	swait.ge [sflag:s4], $0x0  }
0x19: {  	s7 =	sld [smem:$0x3F8F]  }
0x1a: {  	s8 =	sadd.s32 $0xFFFFE003, lr  }
0x1b: {  	s9 =	sadd.s32 $0xFFFFFEF7, lr;
	s5 =	simm.s32 $0xFFFFFFFF;
	p2 =	slt.u32 s8, $0xFFFFF086  }
0x1c: {  	p1 =	slt.u32 s9, $0xF7A;
	s5 =	simm.s32 @!p2 $0x0  }
0x1d: {  	s5 =	simm.s32 @p1 $0x1;
	p0 =	seq.s32 s7, s2  }
0x1e: {  	s7 =	smul.u32 @!p0 $0xF7A, s2;
	p2 =	seq.s32 @!p0 s5, $0x0  }
0x1f: {  	s9 =	smul.u32 $0xF7A, s1;
	s8 =	simm.s32 @!p0 $0x1BF5;
	p2 =	por !p2, p0  }
0x20: {  	[sflag:s8] =	ssyncset.s32 @!p0 $0xFFFFF086;
	s6 =	sadd.s32 @!p0 s3, s7;
	s7 =	simm.s32 @!p0 $0x108  }
0x21: {  	s3 =	sadd.s32 s3, s9;
	s6 =	sadd.s32 @!p0 $0x88, s6;
	s7 =	simm.s32 @p2 $0x1082  }
0x22: {  	[simem:s7], [sflag:s8] =	dma.local @!p0 [hbm:s6], $0xF7A  }
0x23: {  	s9 =	sor.u32 $0xD0000000, s2;
	s6 =	simm.s32 $0x108;
	_ =	swait.ge @!p0 [sflag:s8], $0x0  }
0x24: {  	s3 =	sadd.s32 $0x88, s3;
	s6 =	simm.s32 @!p1 $0x1082;
	[sflag:s4] =	ssyncset.s32 $0xFFFFF086  }
0x25: {  	[simem:s6], [sflag:s4] =	dma.local [hbm:s3], $0xF7A  }
0x26: {  	[smem:$0x3F8F] =	sst s1;
	(tag) =	ssettag s2;
	_ =	strace s9  }
0x27: {  	s1 =	sld [smem:$0x3F9F]  }
0x28: {  	s2 =	sld [smem:$0x3FA0]  }
0x29: {  	s4 =	sld [smem:$0x3FA2]  }
0x2a: {  	p0 =	seq.s32 s5, $0x0;
	s5 =	sld [smem:$0x3FA3]  }
0x2b: {  	s6 =	sld [smem:$0x3FA4]  }
0x2c: {  	s7 =	sld [smem:$0x3FA5]  }
0x2d: {  	s3 =	simm.s32 $0x108;
	s8 =	sld [smem:$0x3FA6]  }
0x2e: {  	s3 =	simm.s32 @!p0 $0x1082;
	s9 =	sld [smem:$0x3FA7]  }
0x2f: {  	lr =	sadd.s32 s0, s3;
	s0 =	sld [smem:$0x3F9E]  }
0x30: {  	s3 =	sld [smem:$0x3FA1]  }
0x31: {  	[smem:$0x3FAA] =	sst s10  }
0x32: {  	s10 =	sld [smem:$0x3FA8];
	_ =	sdelay $0x3  }
0x33: {  	p0 =	seq.s32 s10, $0x1;
	s10 =	sld [smem:$0x3FAA];
	_ =	sdelay $0x3  }
0x34: {  	[smem:$0x3FAA] =	sst s10  }
0x35: {  	s10 =	sld [smem:$0x3FA9];
	_ =	sdelay $0x3  }
0x36: {  	p1 =	seq.s32 s10, $0x1;
	s10 =	sld [smem:$0x3FAA];
	_ =	sdelay $0x3  }
0x37: {  	[smem:$0x3FAA] =	sst s10  }
0x38: {  	s10 =	sld [smem:$0x3FAB]  }
0x39: {  	_ = 	snop;
	(pc) =	sbr.ind lr, $3  }
0x3a: {  	_ = 	snop  }
0x3b: {  	_ = 	snop  }
0x3c: {  	p2 =	seq.s32 s10, $0x1;
	s10 =	sld [smem:$0x3FAA]  }
0x3d: {  	_ =	shalt  }
0x3e: {  	_ =	shalt  }
0x3f: {  	_ =	shalt  }
0x40: {  	_ =	shalt  }
0x41: {  	_ =	shalt  }
0x42: {  	_ =	shalt  }
0x43: {  	_ =	shalt  }
0x44: {  	_ =	shalt  }
0x45: {  	_ =	shalt  }
0x46: {  	_ =	shalt  }
0x47: {  	_ =	shalt  }
0x48: {  	_ =	shalt  }
0x49: {  	_ =	shalt  }
0x4a: {  	_ =	shalt  }
0x4b: {  	_ =	shalt  }
0x4c: {  	_ =	shalt  }
0x4d: {  	_ =	shalt  }
0x4e: {  	_ =	shalt  }
0x4f: {  	_ =	shalt  }
0x50: {  	_ =	shalt  }
0x51: {  	_ =	shalt  }
0x52: {  	_ =	shalt  }
0x53: {  	_ =	shalt  }
0x54: {  	_ =	shalt  }
0x55: {  	_ =	shalt  }
0x56: {  	_ =	shalt  }
0x57: {  	_ =	shalt  }
0x58: {  	_ =	shalt  }
0x59: {  	_ =	shalt  }
0x5a: {  	_ =	shalt  }
0x5b: {  	_ =	shalt  }
0x5c: {  	_ =	shalt  }
0x5d: {  	_ =	shalt  }
0x5e: {  	_ =	shalt  }
0x5f: {  	_ =	shalt  }
0x60: {  	_ =	shalt  }
0x61: {  	_ =	shalt  }
0x62: {  	_ =	shalt  }
0x63: {  	_ =	shalt  }
0x64: {  	_ =	shalt  }
0x65: {  	_ =	shalt  }
0x66: {  	_ =	shalt  }
0x67: {  	_ =	shalt  }
0x68: {  	_ =	shalt  }
0x69: {  	_ =	shalt  }
0x6a: {  	_ =	shalt  }
0x6b: {  	_ =	shalt  }
0x6c: {  	_ =	shalt  }
0x6d: {  	_ =	shalt  }
0x6e: {  	_ =	shalt  }
0x6f: {  	_ =	shalt  }
0x70: {  	_ =	shalt  }
0x71: {  	_ =	shalt  }
0x72: {  	_ =	shalt  }
0x73: {  	_ =	shalt  }
0x74: {  	_ =	shalt  }
0x75: {  	_ =	shalt  }
0x76: {  	_ =	shalt  }
0x77: {  	_ =	shalt  }
0x78: {  	_ =	shalt  }
0x79: {  	_ =	shalt  }
0x7a: {  	_ =	shalt  }
0x7b: {  	_ =	shalt  }
0x7c: {  	_ =	shalt  }
0x7d: {  	_ =	shalt  }
0x7e: {  	_ =	shalt  }
0x7f: {  	_ =	shalt  }
0x80: {  	_ =	shalt  }
0x81: {  	_ =	shalt  }
0x82: {  	_ =	shalt  }
0x83: {  	_ =	shalt  }
0x84: {  	_ =	shalt  }
0x85: {  	_ =	shalt  }
0x86: {  	_ =	shalt  }
0x87: {  	_ =	shalt  }
.Lfunc_end0:
.L_simem_size_0:
called_computation.2_lowered:
.L_overlay_start_0:
0x88: {  	s2 =	sld [smem:$0x3FD9]  }
0x89: {  	s3 =	sld [smem:$0x3FFE];
	_ =	sdelay $0x1  }
0x8a: {  	s1 =	srdreg.scid  }
0x8b: {  	s0 =	sand.u32 $0x1, s1  }
0x8c: {  	s17 =	sshll.u32 s0, $0xA;
	s2 =	sadd.s32 s3, s2  }
0x8d: {  	s2 =	sadd.s32 s2, s17  }
0x8e: {  	[smem:$0x3FB6] =	sst s2  }
0x8f: {  	_ = 	snop  }
0x90: {  	s2 =	sld [smem:$0x3FD0];
	(tm) =	ssettm $0x1  }
0x91: {  	s18 =	sld [smem:$0x3FFB];
	_ =	sdelay $0x3  }
0x92: {  	_ =	strace s18  }
0x93: {  	s3 =	sld [smem:$0x3FFC];
	_ =	sdelay $0x3  }
0x94: {  	_ =	strace s3  }
0x95: {  	s3 =	sld [smem:$0x3FFD];
	_ =	sdelay $0x3  }
0x96: {  	_ =	strace s3  }
0x97: {  	_ =	strace $0x8FFFFFFF  }
0x98: {  	s19 =	sld [smem:$0x3FDB];
	_ =	sdelay $0x1  }
0x99: {  	s4 =	simm.s32 $_scs_section_size  }
0x9a: {  	s5 =	simm.s32 $_size__tile_overlayer_lowered;
	s6 =	simm.s32 $_tile_overlayer_lowered  }
0x9b: {  	s22 =	simm.s32 $0x1BFF;
	s21 =	sshll.u32 s6, $0x1;
	s3 =	sadd.s32 s4, s19  }
0x9c: {  	s7 =	simm.s32 $0x0;
	s20 =	sshll.u32 s5, $0x1;
	s5 =	sadd.s32 s21, s3  }
0x9d: {  	[timem:s7], [sflag:s22] =	dma.local [hbm:s5], s20  }
0x9e: {  	_ =	swait.ge [sflag:s22], s20  }
0x9f: {  	s4 =	ssub.s32 $0x0, s20;
	[sflag:s22] =	ssyncset.done $0x0  }
0xa0: {  	[sflag:s22] =	ssyncadd.s32 s4;
	_ =	sdelay $0x1  }
0xa1: {  	s23 =	simm.s32 $0x1B8B  }
0xa2: {  	_ =	swait.ge [sflag:s23], $0x1  }
0xa3: {  	[sflag:s23] =	ssyncset.done $0x0  }
0xa4: {  	s25 =	simm.s32 $0x1B8E;
	s24 =	sld [smem:$0x3FFE];
	[sflag:s23] =	ssyncadd.s32 $0xFFFFFFFF  }
0xa5: {  	s26 =	simm.s32 $execute0_lowered;
	[smem:$0x3FD2] =	sst s25  }
0xa6: {  	s5 =	sshll.u32 s26, $0x1;
	_ =	strace $0x8000004C;
	[dreg:$0x1] =	wrdreg $0xFFFFFFFF  }
0xa7: {  	s28 =	simm.s32 $_size_execute0_lowered;
	s3 =	sadd.s32 s3, s5;
	[dreg:$0x0] =	wrdreg $0x0  }
0xa8: {  	s5 =	sshll.u32 s28, $0x1;
	[dreg:$0x2] =	wrdreg s3  }
0xa9: {  	[dreg:$0x3] =	wrdreg s5  }
0xaa: {  	[dreg:$0x4] =	wrdreg $0xC0  }
0xab: {  	_ =	task [dreg:s7], $0x5FFFF  }
0xac: {  	[dreg:$0x1] =	wrdreg $0xFFFFFFFF  }
0xad: {  	[dreg:$0x0] =	wrdreg $0x60  }
0xae: {  	[dreg:$0x2] =	wrdreg s24  }
0xaf: {  	[dreg:$0x3] =	wrdreg s2  }
0xb0: {  	[dreg:$0x4] =	wrdreg $0x9A000  }
0xb1: {  	[dreg:$0x5] =	wrdreg $0x9  }
0xb2: {  	_ =	task.clear_ibuf [dreg:s7], $0x6FFFF;
	_ =	strace $0x9000004C  }
0xb3: {  	s29 =	simm.s32 $0x9;
	_ =	strace $0x8000004E  }
0xb4: {  	_ =	swait.ge [sflag:s29], $0x1  }
0xb5: {  	[sflag:s29] =	ssyncadd.s32 $0xFFFFFFFF  }
0xb6: {  	_ =	strace $0x9000004E  }
0xb7: {  	_ =	sfence  }
0xb8: {  	s30 =	sld [smem:$0x0];
	_ =	sdelay $0x2  }
0xb9: {  	s31 =	sshll.u32 s1, $0xD;
	s1 =	sshrl.u32 s1, $0x2  }
0xba: {  	s3 =	sand.u32 $0x4000, s31;
	s1 =	sadd.s32 s1, s30  }
0xbb: {  	s0 =	sor.u32 s3, s0;
	s1 =	sshll.u32 s1, $0x11  }
0xbc: {  	s0 =	sor.u32 s1, s0  }
0xbd: {  	s0 =	sadd.s32 $0x8F2B, s0  }
0xbe: {  	[sflag:s0] =	ssyncadd.remote.s32 $0x1  }
0xbf: {  	_ =	sfence.sel $0xFFFF  }
0xc0: {  	[dreg:$0x0] =	wrdreg $0xFFFFFFFF;
	(pc) =	sbr.abs _section_cstart, $3  }
0xc1: {  	[dreg:$0x1] =	wrdreg $0xFFFFFFFF  }
0xc2: {  	_ =	task.clear_ibuf [dreg:s7], $0x2FFFF;
	_ =	strace $0x9FFFFFFF  }
0xc3: {  	(tm) =	ssettm $0x7FFFFFFF  }
tec
execute0_lowered:
.L_overlay_start_1:
0x0: {  	(tag) =	ssettag $0x1  }
0x1: {  	s0 =	rddreg [dreg:$0x0]  }
0x2: {  	s2 =	rddreg [dreg:$0x1]  }
0x3: {  	s3 =	rddreg [dreg:$0x2]  }
0x4: {  	s1 =	srdreg.scid;
	s12 =	stileid.u32  }
0x5: {  	s4 =	simm.s32 $0x0;
	s19 =	simm.s32 $0x200;
	s20 =	simm.s32 $0x3  }
0x6: {  	s21 =	simm.s32 $0x80;
	s22 =	simm.s32 $0x100;
	s23 =	simm.s32 $0x180  }
0x7: {  	s24 =	simm.s32 $0x4A00;
	s25 =	simm.s32 $0x1;
	s28 =	simm.s32 $0x2  }
0x8: {  	s29 =	simm.s32 $0x0;
	s1 =	sand.u32 $0x1, s1;
	s9 =	smul.u32 $0x16380, s12  }
0x9: {  	[smem:$0x7FF] =	sst s4;
	s5 =	sadd.s32 $0x39200, s0;
	s10 =	smul.u32 $0x58E00, s12  }
0xa: {  	s6 =	sadd.s32 $0x2F200, s0;
	s7 =	smul.u32 $0x163800, s1;
	s11 =	ssub.s32 $0x2, s1  }
0xb: {  	_ =	strace $0x8000004D;
	s1 =	sshll.u32 s1, $0x4;
	s26 =	sshrl.u32 s11, $0x1  }
0xc: {  	s10 =	sshrl.u32 s10, $0x2;
	s8 =	sadd.s32 s9, s7;
	s7 =	sadd.s32 $0x2A00, s0  }
0xd: {  	s18 =	ssub.s32 s11, s26;
	s10 =	sadd.s32 s10, s3;
	s9 =	sadd.s32 s9, s3  }
0xe: {  	s26 =	simm.s32 $0x9200;
	s8 =	sshrl.u32 s8, $0x3;
	s30 =	sadd.s32 $0x4800, s10  }
0xf: {  	s11 =	sadd.s32 $0x9000, s10;
	s13 =	sadd.s32 $0x12000, s10;
	s18 =	smax.u32 s18, $0x1  }
0x10: {  	s0 =	sadd.s32 s8, s0;
	s8 =	sor.u32 s12, s1;
	[dreg:$0x4] =	wrdreg s30  }
0x11: {  	s12 =	sadd.s32 $0xD800, s10;
	s31 =	sshll.u32 s8, $0x4;
	s17 =	sadd.s32 $0x43200, s0  }
0x12: {  	v0 =	vimm.f32 $0.0e+00;
	s14 =	sadd.s32 s5, s31;
	s15 =	sadd.s32 s6, s31;
	s16 =	sor.u32 $0x200, s31  }
.LBB2_1:
0x13: {  	s0 =	simm.s32 $0x0;
	s1 =	simm.s32 $0x240  }
.LBB2_2:
0x14: {  	p0 =	sne.s32 s1, $0x11DC0;
	[tilespmem:s0+$0x280] =	vst v0  }
0x15: {  	[tilespmem:s0+$0x200] =	vst v0  }
0x16: {  	[tilespmem:s0+$0x210] =	vst v0  }
0x17: {  	[tilespmem:s0+$0x220] =	vst v0  }
.Ltmp0:
0x18: {  	[tilespmem:s0+$0x230] =	vst v0;
	(pc) =	sbr.rel @p0 .LBB2_2-.Ltmp0, $4  }
0x19: {  	[tilespmem:s0+$0x240] =	vst v0  }
0x1a: {  	[tilespmem:s0+$0x250] =	vst v0  }
0x1b: {  	[tilespmem:s0+$0x260] =	vst v0  }
0x1c: {  	[tilespmem:s0+$0x270] =	vst v0;
	s0 =	sshra.s32 s1, $0x2;
	s1 =	sadd.s32 $0x240, s1  }
0x1d: {  	[tilespmem:s0+$0x280] =	vst v0  }
0x1e: {  	[tilespmem:s0+$0x200] =	vst v0  }
0x1f: {  	[tilespmem:s0+$0x210] =	vst v0  }
0x20: {  	[tilespmem:s0+$0x220] =	vst v0  }
0x21: {  	[tilespmem:s0+$0x230] =	vst v0  }
0x22: {  	[tilespmem:s0+$0x240] =	vst v0  }
0x23: {  	[tilespmem:s0+$0x250] =	vst v0  }
0x24: {  	[tilespmem:s0+$0x260] =	vst v0  }
0x25: {  	[tilespmem:s0+$0x270] =	vst v0  }
0x26: {  	[spmem:s9] =	stream.linear.scatter [tilespmem:s19], [sflag:$0x3], $0x4800, $0x38;
	[tilespmem:$0x1FD80] =	vst v63  }
0x27: {  	_ =	swait.ge [sflag:s20], $0x4800  }
0x28: {  	[sflag:s20] =	ssyncset.done $0x0  }
0x29: {  	s31 =	rddreg [dreg:$0x4];
	[sflag:s20] =	ssyncadd.s32 $0xFFFFB800  }
0x2a: {  	[spmem:s31] =	stream.linear.scatter [tilespmem:s19], [sflag:$0x3], $0x4800, $0x38;
	[tilespmem:$0x1FD80] =	vst v63  }
0x2b: {  	_ =	swait.ge [sflag:s20], $0x4800  }
0x2c: {  	[sflag:s20] =	ssyncset.done $0x0  }
0x2d: {  	[sflag:s20] =	ssyncadd.s32 $0xFFFFB800  }
0x2e: {  	[spmem:s11] =	stream.linear.scatter [tilespmem:s19], [sflag:$0x3], $0x4800, $0x38;
	[tilespmem:$0x1FD80] =	vst v63  }
0x2f: {  	_ =	swait.ge [sflag:s20], $0x4800  }
0x30: {  	[sflag:s20] =	ssyncset.done $0x0  }
0x31: {  	[sflag:s20] =	ssyncadd.s32 $0xFFFFB800  }
0x32: {  	[spmem:s12] =	stream.linear.scatter [tilespmem:s19], [sflag:$0x3], $0x4800, $0x38;
	[tilespmem:$0x1FD80] =	vst v63  }
0x33: {  	_ =	swait.ge [sflag:s20], $0x4800  }
0x34: {  	[sflag:s20] =	ssyncset.done $0x0  }
0x35: {  	[sflag:s20] =	ssyncadd.s32 $0xFFFFB800  }
0x36: {  	[spmem:s13] =	stream.linear.scatter [tilespmem:s19], [sflag:$0x3], $0x4380, $0x38;
	[tilespmem:$0x1FD80] =	vst v63  }
0x37: {  	_ =	swait.ge [sflag:s20], $0x4380  }
0x38: {  	[sflag:s20] =	ssyncset.done $0x0  }
0x39: {  	[sflag:s20] =	ssyncadd.s32 $0xFFFFBC80  }
0x3a: {  	[bflag:$0x0] =	sbarrier.arrive $0xFFFF  }
0x3b: {  	[tilespmem:s29], [sflag:$0x3] =	stream.linear.gather [hbm4b:s14+s29], $0x80, $0x38;
	[tilespmem:$0x1FD80] =	vst v63  }
0x3c: {  	_ =	swait.ge [sflag:s20], $0x80  }
0x3d: {  	[sflag:s20] =	ssyncset.done $0x0  }
0x3e: {  	[sflag:s20] =	ssyncadd.s32 $0xFFFFFF80  }
0x3f: {  	[tilespmem:s21], [sflag:$0x3] =	stream.linear.gather [hbm4b:s15+s29], $0x80, $0x38;
	[tilespmem:$0x1FD80] =	vst v63  }
0x40: {  	_ =	swait.ge [sflag:s20], $0x80  }
0x41: {  	[sflag:s20] =	ssyncset.done $0x0  }
0x42: {  	s30 =	simm.s32 $0x0;
	[sflag:s20] =	ssyncadd.s32 $0xFFFFFF80  }
0x43: {  	[tilespmem:s19], [sflag:$0x1] =	stream.indirect.gather [hbm4b:s7+s21], $0x90, s29, s21, $0xb8;
	[tilespmem:$0x1FD80] =	vst v63  }
.LBB2_4:
0x44: {  	s0 =	sshll.u32 s30, $0xA  }
0x45: {  	s0 =	sor.u32 s16, s0  }
0x46: {  	s1 =	sadd.s32 s5, s0  }
0x47: {  	[tilespmem:s22], [sflag:$0x3] =	stream.linear.gather [hbm4b:s1+s29], $0x80, $0x38;
	[tilespmem:$0x1FD80] =	vst v63  }
0x48: {  	_ =	swait.ge [sflag:s20], $0x80  }
0x49: {  	[sflag:s20] =	ssyncset.done $0x0  }
0x4a: {  	s0 =	sadd.s32 s6, s0;
	[sflag:s20] =	ssyncadd.s32 $0xFFFFFF80  }
0x4b: {  	[tilespmem:s23], [sflag:$0x3] =	stream.linear.gather [hbm4b:s0+s29], $0x80, $0x38;
	[tilespmem:$0x1FD80] =	vst v63  }
0x4c: {  	_ =	swait.ge [sflag:s20], $0x80  }
0x4d: {  	[sflag:s20] =	ssyncset.done $0x0  }
0x4e: {  	[sflag:s20] =	ssyncadd.s32 $0xFFFFFF80  }
0x4f: {  	[tilespmem:s24], [sflag:$0x1] =	stream.indirect.gather [hbm4b:s7+s21], $0x90, s22, s21, $0xb8;
	[tilespmem:$0x1FD80] =	vst v63  }
0x50: {  	_ =	swait.ge [sflag:s25], $0x4800  }
0x51: {  	[sflag:s25] =	ssyncset.done $0x0  }
0x52: {  	[sflag:s25] =	ssyncadd.s32 $0xFFFFB800  }
0x53: {  	[tilespmem:s26], [sflag:$0x2] =	stream.indirect.gather [hbm4b:s2+s21], $0x10, s21, s21, $0xb8;
	[tilespmem:$0x1FD80] =	vst v63  }
0x54: {  	_ =	swait.ge [sflag:s28], $0x800  }
0x55: {  	[sflag:s28] =	ssyncset.done $0x0  }
0x56: {  	s31 =	simm.s32 $0x240;
	[sflag:s28] =	ssyncadd.s32 $0xFFFFF800  }
0x57: {  	s10 =	simm.s32 $0x0;
	s1 =	simm.s32 $0x40;
	s0 =	simm.s32 $0x240;
	v1 =	vld [tilespmem:s31+$0x40]  }
.LBB2_5:
0x58: {  	p0 =	sne.s32 s1, $0x1FC0;
	v2 =	vld [tilespmem:s10+$0x9200];
	_ =	sdelay $0x4  }
0x59: {  	v1 =	vadd.f32 v2, v1;
	_ =	sdelay $0x1  }
0x5a: {  	v2 =	vmul.f32 $2.000000030e-01, v1;
	_ =	sdelay $0x1  }
0x5b: {  	v1 =	vmax.f32 v1, v2  }
0x5c: {  	v1 =	vmul.f32 $1.442695020e+00, v1;
	_ =	sdelay $0x1  }
0x5d: {  	(erf) = vpow2.f32 v1;
	_ =	sdelay $0x2  }
0x5e: {  	v1 =	vld [tilespmem:s31+$0xFFFFFFF0]  }
0x5f: {  	v2 =	vld [tilespmem:s31+$0x30]  }
0x60: {  	v3 =	vld [tilespmem:s31+$0x10]  }
0x61: {  	v4 =	vld [tilespmem:s31+$0xFFFFFFD0]  }
0x62: {  	v5 =	vld [tilespmem:s31+$0xFFFFFFC0]  }
0x63: {  	v6 =	vld [tilespmem:s31+$0xFFFFFFE0]  }
0x64: {  	v7 =	vld [tilespmem:s31+$0x0];
	v8 =	vpop (erf)  }
0x65: {  	[tilespmem:s31+$0x40] =	vst v8;
	v9 =	vbroadcast v8, $0x0;
	v10 =	vbroadcast v8, $0x1;
	v11 =	vld [tilespmem:s31+$0x20]  }
0x66: {  	v12 =	vbroadcast v8, $0x2;
	v8 =	vbroadcast v8, $0x3  }
0x67: {  	v5 =	vmul.f32 v9, v5;
	v4 =	vmul.f32 v9, v4  }
0x68: {  	v1 =	vmul.f32 v1, v10;
	v6 =	vmul.f32 v10, v6  }
0x69: {  	v3 =	vmul.f32 v3, v12;
	[tilespmem:s31+$0xFFFFFFC0] =	vst v5;
	v5 =	vmul.f32 v7, v12  }
0x6a: {  	v2 =	vmul.f32 v2, v8;
	[tilespmem:s31+$0xFFFFFFD0] =	vst v4;
	v4 =	vmul.f32 v11, v8  }
0x6b: {  	[tilespmem:s31+$0xFFFFFFE0] =	vst v6  }
.Ltmp1:
0x6c: {  	[tilespmem:s31+$0xFFFFFFF0] =	vst v1;
	(pc) =	sbr.rel @p0 .LBB2_5-.Ltmp1, $4  }
0x6d: {  	[tilespmem:s31+$0x0] =	vst v5  }
0x6e: {  	[tilespmem:s31+$0x10] =	vst v3  }
0x6f: {  	s31 =	sadd.s32 $0x90, s31;
	[tilespmem:s0+$0x20] =	vst v4  }
0x70: {  	s10 =	sshra.s32 s1, $0x2;
	s1 =	sadd.s32 $0x40, s1;
	v1 =	vld [tilespmem:s31+$0x40];
	[tilespmem:s0+$0x30] =	vst v2;
	s0 =	smov.u32 s31  }
0x71: {  	v2 =	vld [tilespmem:s10+$0x9200];
	_ =	sdelay $0x4  }
0x72: {  	v1 =	vadd.f32 v2, v1;
	_ =	sdelay $0x1  }
0x73: {  	v2 =	vmul.f32 $2.000000030e-01, v1;
	_ =	sdelay $0x1  }
0x74: {  	v1 =	vmax.f32 v1, v2  }
0x75: {  	v1 =	vmul.f32 $1.442695020e+00, v1;
	_ =	sdelay $0x1  }
0x76: {  	(erf) = vpow2.f32 v1;
	_ =	sdelay $0x6  }
0x77: {  	v3 =	vld [tilespmem:s31+$0xFFFFFFC0]  }
0x78: {  	v4 =	vld [tilespmem:s31+$0xFFFFFFD0]  }
0x79: {  	v5 =	vld [tilespmem:s31+$0xFFFFFFE0];
	v6 =	vpop (erf)  }
0x7a: {  	v1 =	vld [tilespmem:s31+$0xFFFFFFF0];
	v8 =	vbroadcast v6, $0x0  }
0x7b: {  	v9 =	vld [tilespmem:s31+$0x0]  }
0x7c: {  	v7 =	vld [tilespmem:s31+$0x10];
	v10 =	vbroadcast v6, $0x1;
	v3 =	vmul.f32 v8, v3  }
0x7d: {  	v11 =	vld [tilespmem:s31+$0x20];
	[tilespmem:s31+$0x40] =	vst v6;
	v4 =	vmul.f32 v8, v4  }
0x7e: {  	v2 =	vld [tilespmem:s31+$0x30];
	v61 =	vbroadcast v6, $0x2;
	v5 =	vmul.f32 v10, v5;
	[tilespmem:s31+$0xFFFFFFC0] =	vst v3  }
0x7f: {  	v1 =	vmul.f32 v1, v10;
	[tilespmem:s31+$0xFFFFFFD0] =	vst v4  }
0x80: {  	v62 =	vmul.f32 v9, v61;
	v3 =	vbroadcast v6, $0x3;
	[tilespmem:s31+$0xFFFFFFE0] =	vst v5  }
0x81: {  	v63 =	vmul.f32 v7, v61;
	[tilespmem:s31+$0xFFFFFFF0] =	vst v1  }
0x82: {  	[tilespmem:s31+$0x0] =	vst v62;
	v1 =	vmul.f32 v11, v3  }
0x83: {  	[tilespmem:s31+$0x10] =	vst v63;
	v2 =	vmul.f32 v2, v3  }
0x84: {  	s10 =	sshll.u32 s30, $0x6;
	[tilespmem:s0+$0x20] =	vst v1  }
0x85: {  	p0 =	seq.s32 s30, $0x27;
	[tilespmem:s0+$0x30] =	vst v2;
	s0 =	sadd.s32 $0x40, s10  }
0x86: {  	[spmem:s3] =	stream.indirect.scatter.add.f32 [tilespmem:s19], [sflag:$0x3], $0x90, s21, s21, $0xb8;
	[tilespmem:$0x1FD80] =	vst v63  }
0x87: {  	s0 =	simm.s32 @p0 $0x0  }
0x88: {  	s0 =	sor.u32 s8, s0  }
0x89: {  	_ =	swait.ge [sflag:s20], $0x4800;
	s0 =	sshll.u32 s0, $0x4  }
0x8a: {  	[sflag:s20] =	ssyncset.done $0x0;
	s0 =	sand.u32 $0x1FFFFDF0, s0  }
0x8b: {  	s10 =	simm.s32 $0x0;
	[sflag:s20] =	ssyncadd.s32 $0xFFFFB800;
	s1 =	sadd.s32 s5, s0  }
0x8c: {  	[tilespmem:s10], [sflag:$0x3] =	stream.linear.gather [hbm4b:s1+s10], $0x80, $0x38;
	[tilespmem:$0x1FD80] =	vst v63  }
0x8d: {  	_ =	swait.ge [sflag:s20], $0x80  }
0x8e: {  	[sflag:s20] =	ssyncset.done $0x0  }
0x8f: {  	s0 =	sadd.s32 s6, s0;
	[sflag:s20] =	ssyncadd.s32 $0xFFFFFF80  }
0x90: {  	[tilespmem:s21], [sflag:$0x3] =	stream.linear.gather [hbm4b:s0+s10], $0x80, $0x38;
	[tilespmem:$0x1FD80] =	vst v63  }
0x91: {  	_ =	swait.ge [sflag:s20], $0x80  }
0x92: {  	[sflag:s20] =	ssyncset.done $0x0  }
0x93: {  	[sflag:s20] =	ssyncadd.s32 $0xFFFFFF80  }
0x94: {  	[tilespmem:s19], [sflag:$0x1] =	stream.indirect.gather [hbm4b:s7+s21], $0x90, s10, s21, $0xb8;
	[tilespmem:$0x1FD80] =	vst v63  }
0x95: {  	_ =	swait.ge [sflag:s25], $0x4800  }
0x96: {  	[sflag:s25] =	ssyncset.done $0x0  }
0x97: {  	[sflag:s25] =	ssyncadd.s32 $0xFFFFB800  }
0x98: {  	[tilespmem:s26], [sflag:$0x2] =	stream.indirect.gather [hbm4b:s2+s21], $0x10, s23, s21, $0xb8;
	[tilespmem:$0x1FD80] =	vst v63  }
0x99: {  	_ =	swait.ge [sflag:s28], $0x800  }
0x9a: {  	[sflag:s28] =	ssyncset.done $0x0  }
0x9b: {  	s31 =	simm.s32 $0x4A40;
	[sflag:s28] =	ssyncadd.s32 $0xFFFFF800  }
0x9c: {  	s1 =	simm.s32 $0x40;
	s0 =	simm.s32 $0x4A40;
	s10 =	simm.s32 $0x0;
	v1 =	vld [tilespmem:s31+$0x40]  }
.LBB2_7:
0x9d: {  	p0 =	sne.s32 s1, $0x1FC0;
	v2 =	vld [tilespmem:s10+$0x9200];
	_ =	sdelay $0x4  }
0x9e: {  	v1 =	vadd.f32 v2, v1;
	_ =	sdelay $0x1  }
0x9f: {  	v2 =	vmul.f32 $2.000000030e-01, v1;
	_ =	sdelay $0x1  }
0xa0: {  	v1 =	vmax.f32 v1, v2  }
0xa1: {  	v1 =	vmul.f32 $1.442695020e+00, v1;
	_ =	sdelay $0x1  }
0xa2: {  	(erf) = vpow2.f32 v1;
	_ =	sdelay $0x2  }
0xa3: {  	v1 =	vld [tilespmem:s31+$0xFFFFFFF0]  }
0xa4: {  	v2 =	vld [tilespmem:s31+$0x30]  }
0xa5: {  	v3 =	vld [tilespmem:s31+$0x10]  }
0xa6: {  	v4 =	vld [tilespmem:s31+$0xFFFFFFD0]  }
0xa7: {  	v5 =	vld [tilespmem:s31+$0xFFFFFFC0]  }
0xa8: {  	v6 =	vld [tilespmem:s31+$0xFFFFFFE0]  }
0xa9: {  	v7 =	vld [tilespmem:s31+$0x0];
	v8 =	vpop (erf)  }
0xaa: {  	[tilespmem:s31+$0x40] =	vst v8;
	v9 =	vbroadcast v8, $0x0;
	v10 =	vbroadcast v8, $0x1;
	v11 =	vld [tilespmem:s31+$0x20]  }
0xab: {  	v12 =	vbroadcast v8, $0x2;
	v8 =	vbroadcast v8, $0x3  }
0xac: {  	v5 =	vmul.f32 v9, v5;
	v4 =	vmul.f32 v9, v4  }
0xad: {  	v1 =	vmul.f32 v1, v10;
	v6 =	vmul.f32 v10, v6  }
0xae: {  	v3 =	vmul.f32 v3, v12;
	[tilespmem:s31+$0xFFFFFFC0] =	vst v5;
	v5 =	vmul.f32 v7, v12  }
0xaf: {  	v2 =	vmul.f32 v2, v8;
	[tilespmem:s31+$0xFFFFFFD0] =	vst v4;
	v4 =	vmul.f32 v11, v8  }
0xb0: {  	[tilespmem:s31+$0xFFFFFFE0] =	vst v6  }
.Ltmp2:
0xb1: {  	[tilespmem:s31+$0xFFFFFFF0] =	vst v1;
	(pc) =	sbr.rel @p0 .LBB2_7-.Ltmp2, $4  }
0xb2: {  	[tilespmem:s31+$0x0] =	vst v5  }
0xb3: {  	[tilespmem:s31+$0x10] =	vst v3  }
0xb4: {  	s31 =	sadd.s32 $0x90, s31;
	[tilespmem:s0+$0x20] =	vst v4  }
0xb5: {  	s10 =	sshra.s32 s1, $0x2;
	s1 =	sadd.s32 $0x40, s1;
	v1 =	vld [tilespmem:s31+$0x40];
	[tilespmem:s0+$0x30] =	vst v2;
	s0 =	smov.u32 s31  }
0xb6: {  	v2 =	vld [tilespmem:s10+$0x9200];
	_ =	sdelay $0x4  }
0xb7: {  	v1 =	vadd.f32 v2, v1;
	_ =	sdelay $0x1  }
0xb8: {  	v2 =	vmul.f32 $2.000000030e-01, v1;
	_ =	sdelay $0x1  }
0xb9: {  	v1 =	vmax.f32 v1, v2  }
0xba: {  	v1 =	vmul.f32 $1.442695020e+00, v1;
	_ =	sdelay $0x1  }
0xbb: {  	(erf) = vpow2.f32 v1;
	_ =	sdelay $0x6  }
0xbc: {  	v3 =	vld [tilespmem:s31+$0xFFFFFFC0]  }
0xbd: {  	v4 =	vld [tilespmem:s31+$0xFFFFFFD0]  }
0xbe: {  	v5 =	vld [tilespmem:s31+$0xFFFFFFE0];
	v6 =	vpop (erf)  }
0xbf: {  	v1 =	vld [tilespmem:s31+$0xFFFFFFF0];
	v8 =	vbroadcast v6, $0x0  }
0xc0: {  	v9 =	vld [tilespmem:s31+$0x0]  }
0xc1: {  	v7 =	vld [tilespmem:s31+$0x10];
	v10 =	vbroadcast v6, $0x1;
	v3 =	vmul.f32 v8, v3  }
0xc2: {  	v11 =	vld [tilespmem:s31+$0x20];
	[tilespmem:s31+$0x40] =	vst v6;
	v4 =	vmul.f32 v8, v4  }
0xc3: {  	v2 =	vld [tilespmem:s31+$0x30];
	v61 =	vbroadcast v6, $0x2;
	v5 =	vmul.f32 v10, v5;
	[tilespmem:s31+$0xFFFFFFC0] =	vst v3  }
0xc4: {  	v1 =	vmul.f32 v1, v10;
	[tilespmem:s31+$0xFFFFFFD0] =	vst v4  }
0xc5: {  	v62 =	vmul.f32 v9, v61;
	v3 =	vbroadcast v6, $0x3;
	[tilespmem:s31+$0xFFFFFFE0] =	vst v5  }
0xc6: {  	v63 =	vmul.f32 v7, v61;
	[tilespmem:s31+$0xFFFFFFF0] =	vst v1  }
0xc7: {  	[tilespmem:s31+$0x0] =	vst v62;
	v1 =	vmul.f32 v11, v3  }
0xc8: {  	s30 =	sadd.s32 $0x1, s30;
	[tilespmem:s31+$0x10] =	vst v63;
	v2 =	vmul.f32 v2, v3  }
0xc9: {  	p0 =	sne.s32 s30, $0x28;
	[tilespmem:s0+$0x20] =	vst v1  }
.Ltmp3:
0xca: {  	[tilespmem:s0+$0x30] =	vst v2;
	(pc) =	sbr.rel @p0 .LBB2_4-.Ltmp3, $4  }
0xcb: {  	[spmem:s3] =	stream.indirect.scatter.add.f32 [tilespmem:s24], [sflag:$0x3], $0x90, s23, s21, $0xb8;
	[tilespmem:$0x1FD80] =	vst v63  }
0xcc: {  	_ =	swait.ge [sflag:s20], $0x4800  }
0xcd: {  	[sflag:s20] =	ssyncset.done $0x0  }
0xce: {  	[sflag:s20] =	ssyncadd.s32 $0xFFFFB800  }
0xcf: {  	_ =	swait.ge [sflag:s25], $0x4800;
	s0 =	stileid.u32  }
0xd0: {  	s1 =	sshrl.u32 s9, $0x3;
	s4 =	sadd.s32 $0x1, s4;
	[sflag:s25] =	ssyncset.done $0x0  }
0xd1: {  	s0 =	sshll.u32 s0, $0x6;
	p0 =	sne.s32 s4, s18;
	[sflag:s25] =	ssyncadd.s32 $0xFFFFB800  }
.Ltmp4:
0xd2: {  	s0 =	sor.u32 $0x1C03, s0;
	[bflag:$0x0] =	sbarrier.arrive $0xFFFF;
	(pc) =	sbr.rel @p0 .LBB2_1-.Ltmp4, $4  }
0xd3: {  	[hbm:s17], [sflag:s0] =	dma.local [spmem:s1], $0x2C70  }
0xd4: {  	_ =	swait.ge [sflag:s20], $0x2C70  }
0xd5: {  	[sflag:s20] =	ssyncset.done $0x0  }
0xd6: {  	[sflag:s20] =	ssyncadd.s32 $0xFFFFD390  }
0xd7: {  	_ =	sfence.sel $0x180000  }
0xd8: {  	[bflag:$0x0] =	sbarrier.arrive $0xFFFF  }
0xd9: {  	_ =	strace $0x9000004D  }
0xda: {  	s0 =	stileid.u32;
	[bflag:$0x2] =	sbarrier.arrive $0xFFFF  }
0xdb: {  	p0 =	sne.s32 s0, $0x0;
	s0 =	rddreg [dreg:$0x3]  }
0xdc: {  	s0 =	sadd.s32 @!p0 $0x100000, s0  }
0xdd: {  	[sflag:s0] =	ssyncadd.tile.s32 @!p0 $0x1;
	_ =	shalt  }
.Lfunc_end2:
_tile_overlayer_lowered:
.L_overlay_start_2:
0xde: {  	(tag) =	ssettag $0x2  }
0xdf: {  	s0 =	rddreg [dreg:$0x0];
	s2 =	stileid.u32  }
0xe0: {  	s1 =	rddreg [dreg:$0x1];
	p0 =	sne.s32 s2, $0x0  }
0xe1: {  	s3 =	rddreg [dreg:$0x2];
	[bflag:$0x3] =	sbarrier.arrive $0xFFFF;
	s2 =	simm.s32 @!p0 $0x1C03  }
0xe2: {  	[timem:s3], [sflag:s2] =	dma.local @!p0 [hbm:s0], s1  }
0xe3: {  	s0 =	simm.s32 @!p0 $0x3  }
0xe4: {  	_ =	swait.ge @!p0 [sflag:s0], s1  }
0xe5: {  	s1 =	ssub.s32 @!p0 $0x0, s1;
	[sflag:s0] =	ssyncset.done @!p0 $0x0  }
0xe6: {  	[sflag:s0] =	ssyncadd.s32 @!p0 s1  }
0xe7: {  	[bflag:$0x3] =	sbarrier.arrive $0xFFFF  }
0xe8: {  	_ =	shalt  }

// kernel: kernel.20.cloned.1.call-start
scs
__scs_entry_jumppad:
0x0: {  	(pc) =	sbr.rel $0x88, $3  }
0x1: {  	(tag) =	ssettag $0x0;
	lr =	simm.s32 $0x1  }
0x2: {  	[smem:$0x3F8F] =	sst lr;
	_ =	strace $0xD0000000  }
0x3: {  	_ = 	snop  }
0x4: {  	_ = 	snop  }
0x5: {  	_ = 	snop  }
0x6: {  	_ = 	snop  }
0x7: {  	_ = 	snop  }
__scs_overlays_trampoline_lowered:
0x8: {  	[smem:$0x3F9E] =	sst s0  }
0x9: {  	[smem:$0x3F9F] =	sst s1  }
0xa: {  	[smem:$0x3FA0] =	sst s2  }
0xb: {  	[smem:$0x3FA1] =	sst s3  }
0xc: {  	[smem:$0x3FA2] =	sst s4  }
0xd: {  	[smem:$0x3FA3] =	sst s5  }
0xe: {  	[smem:$0x3FA4] =	sst s6  }
0xf: {  	[smem:$0x3FA5] =	sst s7  }
0x10: {  	[smem:$0x3FA6] =	sst s8  }
0x11: {  	[smem:$0x3FA7] =	sst s9;
	s0 =	simm.s32 @!p0 $0x0  }
0x12: {  	s1 =	sld [smem:$0x3F8D];
	s0 =	simm.s32 @p0 $0x1  }
0x13: {  	[smem:$0x3FA8] =	sst s0;
	s0 =	simm.s32 @!p1 $0x0  }
0x14: {  	s2 =	sld [smem:$0x3F8C];
	s0 =	simm.s32 @p1 $0x1  }
0x15: {  	[smem:$0x3FA9] =	sst s0;
	s0 =	simm.s32 @!p2 $0x0  }
0x16: {  	s3 =	sld [smem:$0x3FDB];
	s0 =	simm.s32 @p2 $0x1  }
0x17: {  	s4 =	simm.s32 $0x1BF5;
	[smem:$0x3FAB] =	sst s0  }
0x18: {  	s0 =	sld [smem:$0x3F8E];
	_ =	swait.ge [sflag:s4], $0x0  }
0x19: {  	s7 =	sld [smem:$0x3F8F]  }
0x1a: {  	s8 =	sadd.s32 $0xFFFFE003, lr  }
0x1b: {  	s9 =	sadd.s32 $0xFFFFFEF7, lr;
	s5 =	simm.s32 $0xFFFFFFFF;
	p2 =	slt.u32 s8, $0xFFFFF086  }
0x1c: {  	p1 =	slt.u32 s9, $0xF7A;
	s5 =	simm.s32 @!p2 $0x0  }
0x1d: {  	s5 =	simm.s32 @p1 $0x1;
	p0 =	seq.s32 s7, s2  }
0x1e: {  	s7 =	smul.u32 @!p0 $0xF7A, s2;
	p2 =	seq.s32 @!p0 s5, $0x0  }
0x1f: {  	s9 =	smul.u32 $0xF7A, s1;
	s8 =	simm.s32 @!p0 $0x1BF5;
	p2 =	por !p2, p0  }
0x20: {  	[sflag:s8] =	ssyncset.s32 @!p0 $0xFFFFF086;
	s6 =	sadd.s32 @!p0 s3, s7;
	s7 =	simm.s32 @!p0 $0x108  }
0x21: {  	s3 =	sadd.s32 s3, s9;
	s6 =	sadd.s32 @!p0 $0x88, s6;
	s7 =	simm.s32 @p2 $0x1082  }
0x22: {  	[simem:s7], [sflag:s8] =	dma.local @!p0 [hbm:s6], $0xF7A  }
0x23: {  	s9 =	sor.u32 $0xD0000000, s2;
	s6 =	simm.s32 $0x108;
	_ =	swait.ge @!p0 [sflag:s8], $0x0  }
0x24: {  	s3 =	sadd.s32 $0x88, s3;
	s6 =	simm.s32 @!p1 $0x1082;
	[sflag:s4] =	ssyncset.s32 $0xFFFFF086  }
0x25: {  	[simem:s6], [sflag:s4] =	dma.local [hbm:s3], $0xF7A  }
0x26: {  	[smem:$0x3F8F] =	sst s1;
	(tag) =	ssettag s2;
	_ =	strace s9  }
0x27: {  	s1 =	sld [smem:$0x3F9F]  }
0x28: {  	s2 =	sld [smem:$0x3FA0]  }
0x29: {  	s4 =	sld [smem:$0x3FA2]  }
0x2a: {  	p0 =	seq.s32 s5, $0x0;
	s5 =	sld [smem:$0x3FA3]  }
0x2b: {  	s6 =	sld [smem:$0x3FA4]  }
0x2c: {  	s7 =	sld [smem:$0x3FA5]  }
0x2d: {  	s3 =	simm.s32 $0x108;
	s8 =	sld [smem:$0x3FA6]  }
0x2e: {  	s3 =	simm.s32 @!p0 $0x1082;
	s9 =	sld [smem:$0x3FA7]  }
0x2f: {  	lr =	sadd.s32 s0, s3;
	s0 =	sld [smem:$0x3F9E]  }
0x30: {  	s3 =	sld [smem:$0x3FA1]  }
0x31: {  	[smem:$0x3FAA] =	sst s10  }
0x32: {  	s10 =	sld [smem:$0x3FA8];
	_ =	sdelay $0x3  }
0x33: {  	p0 =	seq.s32 s10, $0x1;
	s10 =	sld [smem:$0x3FAA];
	_ =	sdelay $0x3  }
0x34: {  	[smem:$0x3FAA] =	sst s10  }
0x35: {  	s10 =	sld [smem:$0x3FA9];
	_ =	sdelay $0x3  }
0x36: {  	p1 =	seq.s32 s10, $0x1;
	s10 =	sld [smem:$0x3FAA];
	_ =	sdelay $0x3  }
0x37: {  	[smem:$0x3FAA] =	sst s10  }
0x38: {  	s10 =	sld [smem:$0x3FAB]  }
0x39: {  	_ = 	snop;
	(pc) =	sbr.ind lr, $3  }
0x3a: {  	_ = 	snop  }
0x3b: {  	_ = 	snop  }
0x3c: {  	p2 =	seq.s32 s10, $0x1;
	s10 =	sld [smem:$0x3FAA]  }
0x3d: {  	_ =	shalt  }
0x3e: {  	_ =	shalt  }
0x3f: {  	_ =	shalt  }
0x40: {  	_ =	shalt  }
0x41: {  	_ =	shalt  }
0x42: {  	_ =	shalt  }
0x43: {  	_ =	shalt  }
0x44: {  	_ =	shalt  }
0x45: {  	_ =	shalt  }
0x46: {  	_ =	shalt  }
0x47: {  	_ =	shalt  }
0x48: {  	_ =	shalt  }
0x49: {  	_ =	shalt  }
0x4a: {  	_ =	shalt  }
0x4b: {  	_ =	shalt  }
0x4c: {  	_ =	shalt  }
0x4d: {  	_ =	shalt  }
0x4e: {  	_ =	shalt  }
0x4f: {  	_ =	shalt  }
0x50: {  	_ =	shalt  }
0x51: {  	_ =	shalt  }
0x52: {  	_ =	shalt  }
0x53: {  	_ =	shalt  }
0x54: {  	_ =	shalt  }
0x55: {  	_ =	shalt  }
0x56: {  	_ =	shalt  }
0x57: {  	_ =	shalt  }
0x58: {  	_ =	shalt  }
0x59: {  	_ =	shalt  }
0x5a: {  	_ =	shalt  }
0x5b: {  	_ =	shalt  }
0x5c: {  	_ =	shalt  }
0x5d: {  	_ =	shalt  }
0x5e: {  	_ =	shalt  }
0x5f: {  	_ =	shalt  }
0x60: {  	_ =	shalt  }
0x61: {  	_ =	shalt  }
0x62: {  	_ =	shalt  }
0x63: {  	_ =	shalt  }
0x64: {  	_ =	shalt  }
0x65: {  	_ =	shalt  }
0x66: {  	_ =	shalt  }
0x67: {  	_ =	shalt  }
0x68: {  	_ =	shalt  }
0x69: {  	_ =	shalt  }
0x6a: {  	_ =	shalt  }
0x6b: {  	_ =	shalt  }
0x6c: {  	_ =	shalt  }
0x6d: {  	_ =	shalt  }
0x6e: {  	_ =	shalt  }
0x6f: {  	_ =	shalt  }
0x70: {  	_ =	shalt  }
0x71: {  	_ =	shalt  }
0x72: {  	_ =	shalt  }
0x73: {  	_ =	shalt  }
0x74: {  	_ =	shalt  }
0x75: {  	_ =	shalt  }
0x76: {  	_ =	shalt  }
0x77: {  	_ =	shalt  }
0x78: {  	_ =	shalt  }
0x79: {  	_ =	shalt  }
0x7a: {  	_ =	shalt  }
0x7b: {  	_ =	shalt  }
0x7c: {  	_ =	shalt  }
0x7d: {  	_ =	shalt  }
0x7e: {  	_ =	shalt  }
0x7f: {  	_ =	shalt  }
0x80: {  	_ =	shalt  }
0x81: {  	_ =	shalt  }
0x82: {  	_ =	shalt  }
0x83: {  	_ =	shalt  }
0x84: {  	_ =	shalt  }
0x85: {  	_ =	shalt  }
0x86: {  	_ =	shalt  }
0x87: {  	_ =	shalt  }
.Lfunc_end0:
.L_simem_size_0:
called_computation.3_lowered:
.L_overlay_start_0:
0x88: {  	s2 =	sld [smem:$0x3FD9]  }
0x89: {  	s3 =	sld [smem:$0x3FFE];
	_ =	sdelay $0x1  }
0x8a: {  	s1 =	srdreg.scid  }
0x8b: {  	s0 =	sand.u32 $0x1, s1  }
0x8c: {  	s17 =	sshll.u32 s0, $0xA;
	s2 =	sadd.s32 s3, s2  }
0x8d: {  	s2 =	sadd.s32 s2, s17  }
0x8e: {  	[smem:$0x3FB6] =	sst s2  }
0x8f: {  	_ = 	snop  }
0x90: {  	s2 =	sld [smem:$0x3FD0];
	(tm) =	ssettm $0x1  }
0x91: {  	s18 =	sld [smem:$0x3FFB];
	_ =	sdelay $0x3  }
0x92: {  	_ =	strace s18  }
0x93: {  	s3 =	sld [smem:$0x3FFC];
	_ =	sdelay $0x3  }
0x94: {  	_ =	strace s3  }
0x95: {  	s3 =	sld [smem:$0x3FFD];
	_ =	sdelay $0x3  }
0x96: {  	_ =	strace s3  }
0x97: {  	_ =	strace $0x8FFFFFFF  }
0x98: {  	s19 =	sld [smem:$0x3FDB];
	_ =	sdelay $0x1  }
0x99: {  	s4 =	simm.s32 $_scs_section_size  }
0x9a: {  	s5 =	simm.s32 $_size__tile_overlayer_lowered;
	s6 =	simm.s32 $_tile_overlayer_lowered  }
0x9b: {  	s22 =	simm.s32 $0x1BFF;
	s21 =	sshll.u32 s6, $0x1;
	s3 =	sadd.s32 s4, s19  }
0x9c: {  	s7 =	simm.s32 $0x0;
	s20 =	sshll.u32 s5, $0x1;
	s5 =	sadd.s32 s21, s3  }
0x9d: {  	[timem:s7], [sflag:s22] =	dma.local [hbm:s5], s20  }
0x9e: {  	_ =	swait.ge [sflag:s22], s20  }
0x9f: {  	s4 =	ssub.s32 $0x0, s20;
	[sflag:s22] =	ssyncset.done $0x0  }
0xa0: {  	[sflag:s22] =	ssyncadd.s32 s4;
	_ =	sdelay $0x1  }
0xa1: {  	s23 =	simm.s32 $0x1B8B  }
0xa2: {  	_ =	swait.ge [sflag:s23], $0x1  }
0xa3: {  	[sflag:s23] =	ssyncset.done $0x0  }
0xa4: {  	s25 =	simm.s32 $0x1B8E;
	s24 =	sld [smem:$0x3FFE];
	[sflag:s23] =	ssyncadd.s32 $0xFFFFFFFF  }
0xa5: {  	s26 =	simm.s32 $execute0_lowered;
	[smem:$0x3FD2] =	sst s25  }
0xa6: {  	s5 =	sshll.u32 s26, $0x1;
	_ =	strace $0x8000004F;
	[dreg:$0x1] =	wrdreg $0xFFFFFFFF  }
0xa7: {  	s28 =	simm.s32 $_size_execute0_lowered;
	s3 =	sadd.s32 s3, s5;
	[dreg:$0x0] =	wrdreg $0x0  }
0xa8: {  	s5 =	sshll.u32 s28, $0x1;
	[dreg:$0x2] =	wrdreg s3  }
0xa9: {  	[dreg:$0x3] =	wrdreg s5  }
0xaa: {  	[dreg:$0x4] =	wrdreg $0xC0  }
0xab: {  	_ =	task [dreg:s7], $0x5FFFF  }
0xac: {  	[dreg:$0x1] =	wrdreg $0xFFFFFFFF  }
0xad: {  	[dreg:$0x0] =	wrdreg $0x60  }
0xae: {  	[dreg:$0x2] =	wrdreg s24  }
0xaf: {  	[dreg:$0x3] =	wrdreg s2  }
0xb0: {  	[dreg:$0x4] =	wrdreg $0x9A000  }
0xb1: {  	[dreg:$0x5] =	wrdreg $0x9  }
0xb2: {  	_ =	task.clear_ibuf [dreg:s7], $0x6FFFF;
	_ =	strace $0x9000004F  }
0xb3: {  	s29 =	simm.s32 $0x9;
	_ =	strace $0x80000051  }
0xb4: {  	_ =	swait.ge [sflag:s29], $0x1  }
0xb5: {  	[sflag:s29] =	ssyncadd.s32 $0xFFFFFFFF  }
0xb6: {  	_ =	strace $0x90000051  }
0xb7: {  	_ =	sfence  }
0xb8: {  	s30 =	sld [smem:$0x0];
	_ =	sdelay $0x2  }
0xb9: {  	s31 =	sshll.u32 s1, $0xD;
	s1 =	sshrl.u32 s1, $0x2  }
0xba: {  	s3 =	sand.u32 $0x4000, s31;
	s1 =	sadd.s32 s1, s30  }
0xbb: {  	s0 =	sor.u32 s3, s0;
	s1 =	sshll.u32 s1, $0x11  }
0xbc: {  	s0 =	sor.u32 s1, s0  }
0xbd: {  	s0 =	sadd.s32 $0x8F2B, s0  }
0xbe: {  	[sflag:s0] =	ssyncadd.remote.s32 $0x1  }
0xbf: {  	_ =	sfence.sel $0xFFFF  }
0xc0: {  	[dreg:$0x0] =	wrdreg $0xFFFFFFFF;
	(pc) =	sbr.abs _section_cstart, $3  }
0xc1: {  	[dreg:$0x1] =	wrdreg $0xFFFFFFFF  }
0xc2: {  	_ =	task.clear_ibuf [dreg:s7], $0x2FFFF;
	_ =	strace $0x9FFFFFFF  }
0xc3: {  	(tm) =	ssettm $0x7FFFFFFF  }
tec
execute0_lowered:
.L_overlay_start_1:
0x0: {  	(tag) =	ssettag $0x1  }
0x1: {  	s0 =	rddreg [dreg:$0x0]  }
0x2: {  	s2 =	rddreg [dreg:$0x1]  }
0x3: {  	s3 =	rddreg [dreg:$0x2]  }
0x4: {  	s1 =	srdreg.scid;
	s12 =	stileid.u32  }
0x5: {  	s4 =	simm.s32 $0x0;
	s19 =	simm.s32 $0x200;
	s20 =	simm.s32 $0x3  }
0x6: {  	s21 =	simm.s32 $0x80;
	s22 =	simm.s32 $0x100;
	s23 =	simm.s32 $0x180  }
0x7: {  	s24 =	simm.s32 $0x4A00;
	s25 =	simm.s32 $0x1;
	s28 =	simm.s32 $0x2  }
0x8: {  	s29 =	simm.s32 $0x0;
	s1 =	sand.u32 $0x1, s1;
	s9 =	smul.u32 $0x16380, s12  }
0x9: {  	[smem:$0x7FF] =	sst s4;
	s5 =	sadd.s32 $0x39200, s0;
	s10 =	smul.u32 $0x58E00, s12  }
0xa: {  	s6 =	sadd.s32 $0x2F200, s0;
	s7 =	smul.u32 $0x163800, s1;
	s11 =	ssub.s32 $0x2, s1  }
0xb: {  	_ =	strace $0x80000050;
	s1 =	sshll.u32 s1, $0x4;
	s26 =	sshrl.u32 s11, $0x1  }
0xc: {  	s10 =	sshrl.u32 s10, $0x2;
	s8 =	sadd.s32 s9, s7;
	s7 =	sadd.s32 $0x2A00, s0  }
0xd: {  	s18 =	ssub.s32 s11, s26;
	s10 =	sadd.s32 s10, s3;
	s9 =	sadd.s32 s9, s3  }
0xe: {  	s26 =	simm.s32 $0x9200;
	s8 =	sshrl.u32 s8, $0x3;
	s30 =	sadd.s32 $0x4800, s10  }
0xf: {  	s11 =	sadd.s32 $0x9000, s10;
	s13 =	sadd.s32 $0x12000, s10;
	s18 =	smax.u32 s18, $0x1  }
0x10: {  	s0 =	sadd.s32 s8, s0;
	s8 =	sor.u32 s12, s1;
	[dreg:$0x4] =	wrdreg s30  }
0x11: {  	s12 =	sadd.s32 $0xD800, s10;
	s31 =	sshll.u32 s8, $0x4;
	s17 =	sadd.s32 $0x43200, s0  }
0x12: {  	v0 =	vimm.f32 $0.0e+00;
	s14 =	sadd.s32 s5, s31;
	s15 =	sadd.s32 s6, s31;
	s16 =	sor.u32 $0x200, s31  }
.LBB2_1:
0x13: {  	s0 =	simm.s32 $0x0;
	s1 =	simm.s32 $0x240  }
.LBB2_2:
0x14: {  	p0 =	sne.s32 s1, $0x11DC0;
	[tilespmem:s0+$0x280] =	vst v0  }
0x15: {  	[tilespmem:s0+$0x200] =	vst v0  }
0x16: {  	[tilespmem:s0+$0x210] =	vst v0  }
0x17: {  	[tilespmem:s0+$0x220] =	vst v0  }
.Ltmp0:
0x18: {  	[tilespmem:s0+$0x230] =	vst v0;
	(pc) =	sbr.rel @p0 .LBB2_2-.Ltmp0, $4  }
0x19: {  	[tilespmem:s0+$0x240] =	vst v0  }
0x1a: {  	[tilespmem:s0+$0x250] =	vst v0  }
0x1b: {  	[tilespmem:s0+$0x260] =	vst v0  }
0x1c: {  	[tilespmem:s0+$0x270] =	vst v0;
	s0 =	sshra.s32 s1, $0x2;
	s1 =	sadd.s32 $0x240, s1  }
0x1d: {  	[tilespmem:s0+$0x280] =	vst v0  }
0x1e: {  	[tilespmem:s0+$0x200] =	vst v0  }
0x1f: {  	[tilespmem:s0+$0x210] =	vst v0  }
0x20: {  	[tilespmem:s0+$0x220] =	vst v0  }
0x21: {  	[tilespmem:s0+$0x230] =	vst v0  }
0x22: {  	[tilespmem:s0+$0x240] =	vst v0  }
0x23: {  	[tilespmem:s0+$0x250] =	vst v0  }
0x24: {  	[tilespmem:s0+$0x260] =	vst v0  }
0x25: {  	[tilespmem:s0+$0x270] =	vst v0  }
0x26: {  	[spmem:s9] =	stream.linear.scatter [tilespmem:s19], [sflag:$0x3], $0x4800, $0x38;
	[tilespmem:$0x1FD80] =	vst v63  }
0x27: {  	_ =	swait.ge [sflag:s20], $0x4800  }
0x28: {  	[sflag:s20] =	ssyncset.done $0x0  }
0x29: {  	s31 =	rddreg [dreg:$0x4];
	[sflag:s20] =	ssyncadd.s32 $0xFFFFB800  }
0x2a: {  	[spmem:s31] =	stream.linear.scatter [tilespmem:s19], [sflag:$0x3], $0x4800, $0x38;
	[tilespmem:$0x1FD80] =	vst v63  }
0x2b: {  	_ =	swait.ge [sflag:s20], $0x4800  }
0x2c: {  	[sflag:s20] =	ssyncset.done $0x0  }
0x2d: {  	[sflag:s20] =	ssyncadd.s32 $0xFFFFB800  }
0x2e: {  	[spmem:s11] =	stream.linear.scatter [tilespmem:s19], [sflag:$0x3], $0x4800, $0x38;
	[tilespmem:$0x1FD80] =	vst v63  }
0x2f: {  	_ =	swait.ge [sflag:s20], $0x4800  }
0x30: {  	[sflag:s20] =	ssyncset.done $0x0  }
0x31: {  	[sflag:s20] =	ssyncadd.s32 $0xFFFFB800  }
0x32: {  	[spmem:s12] =	stream.linear.scatter [tilespmem:s19], [sflag:$0x3], $0x4800, $0x38;
	[tilespmem:$0x1FD80] =	vst v63  }
0x33: {  	_ =	swait.ge [sflag:s20], $0x4800  }
0x34: {  	[sflag:s20] =	ssyncset.done $0x0  }
0x35: {  	[sflag:s20] =	ssyncadd.s32 $0xFFFFB800  }
0x36: {  	[spmem:s13] =	stream.linear.scatter [tilespmem:s19], [sflag:$0x3], $0x4380, $0x38;
	[tilespmem:$0x1FD80] =	vst v63  }
0x37: {  	_ =	swait.ge [sflag:s20], $0x4380  }
0x38: {  	[sflag:s20] =	ssyncset.done $0x0  }
0x39: {  	[sflag:s20] =	ssyncadd.s32 $0xFFFFBC80  }
0x3a: {  	[bflag:$0x0] =	sbarrier.arrive $0xFFFF  }
0x3b: {  	[tilespmem:s29], [sflag:$0x3] =	stream.linear.gather [hbm4b:s14+s29], $0x80, $0x38;
	[tilespmem:$0x1FD80] =	vst v63  }
0x3c: {  	_ =	swait.ge [sflag:s20], $0x80  }
0x3d: {  	[sflag:s20] =	ssyncset.done $0x0  }
0x3e: {  	[sflag:s20] =	ssyncadd.s32 $0xFFFFFF80  }
0x3f: {  	[tilespmem:s21], [sflag:$0x3] =	stream.linear.gather [hbm4b:s15+s29], $0x80, $0x38;
	[tilespmem:$0x1FD80] =	vst v63  }
0x40: {  	_ =	swait.ge [sflag:s20], $0x80  }
0x41: {  	[sflag:s20] =	ssyncset.done $0x0  }
0x42: {  	s30 =	simm.s32 $0x0;
	[sflag:s20] =	ssyncadd.s32 $0xFFFFFF80  }
0x43: {  	[tilespmem:s19], [sflag:$0x1] =	stream.indirect.gather [hbm4b:s7+s21], $0x90, s29, s21, $0xb8;
	[tilespmem:$0x1FD80] =	vst v63  }
.LBB2_4:
0x44: {  	s0 =	sshll.u32 s30, $0xA  }
0x45: {  	s0 =	sor.u32 s16, s0  }
0x46: {  	s1 =	sadd.s32 s5, s0  }
0x47: {  	[tilespmem:s22], [sflag:$0x3] =	stream.linear.gather [hbm4b:s1+s29], $0x80, $0x38;
	[tilespmem:$0x1FD80] =	vst v63  }
0x48: {  	_ =	swait.ge [sflag:s20], $0x80  }
0x49: {  	[sflag:s20] =	ssyncset.done $0x0  }
0x4a: {  	s0 =	sadd.s32 s6, s0;
	[sflag:s20] =	ssyncadd.s32 $0xFFFFFF80  }
0x4b: {  	[tilespmem:s23], [sflag:$0x3] =	stream.linear.gather [hbm4b:s0+s29], $0x80, $0x38;
	[tilespmem:$0x1FD80] =	vst v63  }
0x4c: {  	_ =	swait.ge [sflag:s20], $0x80  }
0x4d: {  	[sflag:s20] =	ssyncset.done $0x0  }
0x4e: {  	[sflag:s20] =	ssyncadd.s32 $0xFFFFFF80  }
0x4f: {  	[tilespmem:s24], [sflag:$0x1] =	stream.indirect.gather [hbm4b:s7+s21], $0x90, s22, s21, $0xb8;
	[tilespmem:$0x1FD80] =	vst v63  }
0x50: {  	_ =	swait.ge [sflag:s25], $0x4800  }
0x51: {  	[sflag:s25] =	ssyncset.done $0x0  }
0x52: {  	[sflag:s25] =	ssyncadd.s32 $0xFFFFB800  }
0x53: {  	[tilespmem:s26], [sflag:$0x2] =	stream.indirect.gather [hbm4b:s2+s21], $0x10, s21, s21, $0xb8;
	[tilespmem:$0x1FD80] =	vst v63  }
0x54: {  	_ =	swait.ge [sflag:s28], $0x800  }
0x55: {  	[sflag:s28] =	ssyncset.done $0x0  }
0x56: {  	s31 =	simm.s32 $0x240;
	[sflag:s28] =	ssyncadd.s32 $0xFFFFF800  }
0x57: {  	s10 =	simm.s32 $0x0;
	s1 =	simm.s32 $0x40;
	s0 =	simm.s32 $0x240;
	v1 =	vld [tilespmem:s31+$0x40]  }
.LBB2_5:
0x58: {  	p0 =	sne.s32 s1, $0x1FC0;
	v2 =	vld [tilespmem:s10+$0x9200];
	_ =	sdelay $0x4  }
0x59: {  	v1 =	vadd.f32 v2, v1;
	_ =	sdelay $0x1  }
0x5a: {  	v2 =	vmul.f32 $2.000000030e-01, v1;
	_ =	sdelay $0x1  }
0x5b: {  	v1 =	vmax.f32 v1, v2  }
0x5c: {  	v1 =	vmul.f32 $1.442695020e+00, v1;
	_ =	sdelay $0x1  }
0x5d: {  	(erf) = vpow2.f32 v1;
	_ =	sdelay $0x2  }
0x5e: {  	v1 =	vld [tilespmem:s31+$0xFFFFFFF0]  }
0x5f: {  	v2 =	vld [tilespmem:s31+$0x30]  }
0x60: {  	v3 =	vld [tilespmem:s31+$0x10]  }
0x61: {  	v4 =	vld [tilespmem:s31+$0xFFFFFFD0]  }
0x62: {  	v5 =	vld [tilespmem:s31+$0xFFFFFFC0]  }
0x63: {  	v6 =	vld [tilespmem:s31+$0xFFFFFFE0]  }
0x64: {  	v7 =	vld [tilespmem:s31+$0x0];
	v8 =	vpop (erf)  }
0x65: {  	[tilespmem:s31+$0x40] =	vst v8;
	v8 =	vbroadcast v8, $0x0;
	v9 =	vld [tilespmem:s31+$0x20];
	_ =	sdelay $0x1  }
0x66: {  	v5 =	vmul.f32 v8, v5;
	v4 =	vmul.f32 v8, v4  }
0x67: {  	v1 =	vmul.f32 v1, v8;
	v6 =	vmul.f32 v8, v6  }
0x68: {  	v3 =	vmul.f32 v3, v8;
	[tilespmem:s31+$0xFFFFFFC0] =	vst v5;
	v5 =	vmul.f32 v7, v8  }
0x69: {  	v2 =	vmul.f32 v2, v8;
	[tilespmem:s31+$0xFFFFFFD0] =	vst v4;
	v4 =	vmul.f32 v9, v8  }
0x6a: {  	[tilespmem:s31+$0xFFFFFFE0] =	vst v6  }
.Ltmp1:
0x6b: {  	[tilespmem:s31+$0xFFFFFFF0] =	vst v1;
	(pc) =	sbr.rel @p0 .LBB2_5-.Ltmp1, $4  }
0x6c: {  	[tilespmem:s31+$0x0] =	vst v5  }
0x6d: {  	[tilespmem:s31+$0x10] =	vst v3  }
0x6e: {  	s31 =	sadd.s32 $0x90, s31;
	[tilespmem:s0+$0x20] =	vst v4  }
0x6f: {  	s10 =	sshra.s32 s1, $0x2;
	s1 =	sadd.s32 $0x40, s1;
	v1 =	vld [tilespmem:s31+$0x40];
	[tilespmem:s0+$0x30] =	vst v2;
	s0 =	smov.u32 s31  }
0x70: {  	v2 =	vld [tilespmem:s10+$0x9200];
	_ =	sdelay $0x4  }
0x71: {  	v1 =	vadd.f32 v2, v1;
	_ =	sdelay $0x1  }
0x72: {  	v2 =	vmul.f32 $2.000000030e-01, v1;
	_ =	sdelay $0x1  }
0x73: {  	v1 =	vmax.f32 v1, v2  }
0x74: {  	v1 =	vmul.f32 $1.442695020e+00, v1;
	_ =	sdelay $0x1  }
0x75: {  	(erf) = vpow2.f32 v1;
	_ =	sdelay $0x6  }
0x76: {  	v3 =	vld [tilespmem:s31+$0xFFFFFFC0]  }
0x77: {  	v4 =	vld [tilespmem:s31+$0xFFFFFFD0]  }
0x78: {  	v5 =	vld [tilespmem:s31+$0xFFFFFFE0];
	v6 =	vpop (erf)  }
0x79: {  	v1 =	vld [tilespmem:s31+$0xFFFFFFF0];
	v8 =	vbroadcast v6, $0x0  }
0x7a: {  	v7 =	vld [tilespmem:s31+$0x10]  }
0x7b: {  	v9 =	vld [tilespmem:s31+$0x0];
	v3 =	vmul.f32 v8, v3  }
0x7c: {  	v62 =	vld [tilespmem:s31+$0x20];
	[tilespmem:s31+$0x40] =	vst v6;
	v4 =	vmul.f32 v8, v4  }
0x7d: {  	v2 =	vld [tilespmem:s31+$0x30];
	v5 =	vmul.f32 v8, v5;
	[tilespmem:s31+$0xFFFFFFC0] =	vst v3  }
0x7e: {  	v1 =	vmul.f32 v1, v8;
	[tilespmem:s31+$0xFFFFFFD0] =	vst v4  }
0x7f: {  	v63 =	vmul.f32 v7, v8;
	[tilespmem:s31+$0xFFFFFFE0] =	vst v5  }
0x80: {  	v3 =	vmul.f32 v9, v8;
	[tilespmem:s31+$0xFFFFFFF0] =	vst v1  }
0x81: {  	v1 =	vmul.f32 v62, v8;
	[tilespmem:s31+$0x10] =	vst v63  }
0x82: {  	v2 =	vmul.f32 v2, v8;
	[tilespmem:s31+$0x0] =	vst v3  }
0x83: {  	s10 =	sshll.u32 s30, $0x6;
	[tilespmem:s0+$0x20] =	vst v1  }
0x84: {  	p0 =	seq.s32 s30, $0x27;
	[tilespmem:s0+$0x30] =	vst v2;
	s0 =	sadd.s32 $0x40, s10  }
0x85: {  	[spmem:s3] =	stream.indirect.scatter.add.f32 [tilespmem:s19], [sflag:$0x3], $0x90, s21, s21, $0xb8;
	[tilespmem:$0x1FD80] =	vst v63  }
0x86: {  	s0 =	simm.s32 @p0 $0x0  }
0x87: {  	s0 =	sor.u32 s8, s0  }
0x88: {  	_ =	swait.ge [sflag:s20], $0x4800;
	s0 =	sshll.u32 s0, $0x4  }
0x89: {  	[sflag:s20] =	ssyncset.done $0x0;
	s0 =	sand.u32 $0x1FFFFDF0, s0  }
0x8a: {  	s10 =	simm.s32 $0x0;
	[sflag:s20] =	ssyncadd.s32 $0xFFFFB800;
	s1 =	sadd.s32 s5, s0  }
0x8b: {  	[tilespmem:s10], [sflag:$0x3] =	stream.linear.gather [hbm4b:s1+s10], $0x80, $0x38;
	[tilespmem:$0x1FD80] =	vst v63  }
0x8c: {  	_ =	swait.ge [sflag:s20], $0x80  }
0x8d: {  	[sflag:s20] =	ssyncset.done $0x0  }
0x8e: {  	s0 =	sadd.s32 s6, s0;
	[sflag:s20] =	ssyncadd.s32 $0xFFFFFF80  }
0x8f: {  	[tilespmem:s21], [sflag:$0x3] =	stream.linear.gather [hbm4b:s0+s10], $0x80, $0x38;
	[tilespmem:$0x1FD80] =	vst v63  }
0x90: {  	_ =	swait.ge [sflag:s20], $0x80  }
0x91: {  	[sflag:s20] =	ssyncset.done $0x0  }
0x92: {  	[sflag:s20] =	ssyncadd.s32 $0xFFFFFF80  }
0x93: {  	[tilespmem:s19], [sflag:$0x1] =	stream.indirect.gather [hbm4b:s7+s21], $0x90, s10, s21, $0xb8;
	[tilespmem:$0x1FD80] =	vst v63  }
0x94: {  	_ =	swait.ge [sflag:s25], $0x4800  }
0x95: {  	[sflag:s25] =	ssyncset.done $0x0  }
0x96: {  	[sflag:s25] =	ssyncadd.s32 $0xFFFFB800  }
0x97: {  	[tilespmem:s26], [sflag:$0x2] =	stream.indirect.gather [hbm4b:s2+s21], $0x10, s23, s21, $0xb8;
	[tilespmem:$0x1FD80] =	vst v63  }
0x98: {  	_ =	swait.ge [sflag:s28], $0x800  }
0x99: {  	[sflag:s28] =	ssyncset.done $0x0  }
0x9a: {  	s31 =	simm.s32 $0x4A40;
	[sflag:s28] =	ssyncadd.s32 $0xFFFFF800  }
0x9b: {  	s1 =	simm.s32 $0x40;
	s0 =	simm.s32 $0x4A40;
	s10 =	simm.s32 $0x0;
	v1 =	vld [tilespmem:s31+$0x40]  }
.LBB2_7:
0x9c: {  	p0 =	sne.s32 s1, $0x1FC0;
	v2 =	vld [tilespmem:s10+$0x9200];
	_ =	sdelay $0x4  }
0x9d: {  	v1 =	vadd.f32 v2, v1;
	_ =	sdelay $0x1  }
0x9e: {  	v2 =	vmul.f32 $2.000000030e-01, v1;
	_ =	sdelay $0x1  }
0x9f: {  	v1 =	vmax.f32 v1, v2  }
0xa0: {  	v1 =	vmul.f32 $1.442695020e+00, v1;
	_ =	sdelay $0x1  }
0xa1: {  	(erf) = vpow2.f32 v1;
	_ =	sdelay $0x2  }
0xa2: {  	v1 =	vld [tilespmem:s31+$0xFFFFFFF0]  }
0xa3: {  	v2 =	vld [tilespmem:s31+$0x30]  }
0xa4: {  	v3 =	vld [tilespmem:s31+$0x10]  }
0xa5: {  	v4 =	vld [tilespmem:s31+$0xFFFFFFD0]  }
0xa6: {  	v5 =	vld [tilespmem:s31+$0xFFFFFFC0]  }
0xa7: {  	v6 =	vld [tilespmem:s31+$0xFFFFFFE0]  }
0xa8: {  	v7 =	vld [tilespmem:s31+$0x0];
	v8 =	vpop (erf)  }
0xa9: {  	[tilespmem:s31+$0x40] =	vst v8;
	v8 =	vbroadcast v8, $0x0;
	v9 =	vld [tilespmem:s31+$0x20];
	_ =	sdelay $0x1  }
0xaa: {  	v5 =	vmul.f32 v8, v5;
	v4 =	vmul.f32 v8, v4  }
0xab: {  	v1 =	vmul.f32 v1, v8;
	v6 =	vmul.f32 v8, v6  }
0xac: {  	v3 =	vmul.f32 v3, v8;
	[tilespmem:s31+$0xFFFFFFC0] =	vst v5;
	v5 =	vmul.f32 v7, v8  }
0xad: {  	v2 =	vmul.f32 v2, v8;
	[tilespmem:s31+$0xFFFFFFD0] =	vst v4;
	v4 =	vmul.f32 v9, v8  }
0xae: {  	[tilespmem:s31+$0xFFFFFFE0] =	vst v6  }
.Ltmp2:
0xaf: {  	[tilespmem:s31+$0xFFFFFFF0] =	vst v1;
	(pc) =	sbr.rel @p0 .LBB2_7-.Ltmp2, $4  }
0xb0: {  	[tilespmem:s31+$0x0] =	vst v5  }
0xb1: {  	[tilespmem:s31+$0x10] =	vst v3  }
0xb2: {  	s31 =	sadd.s32 $0x90, s31;
	[tilespmem:s0+$0x20] =	vst v4  }
0xb3: {  	s10 =	sshra.s32 s1, $0x2;
	s1 =	sadd.s32 $0x40, s1;
	v1 =	vld [tilespmem:s31+$0x40];
	[tilespmem:s0+$0x30] =	vst v2;
	s0 =	smov.u32 s31  }
0xb4: {  	v2 =	vld [tilespmem:s10+$0x9200];
	_ =	sdelay $0x4  }
0xb5: {  	v1 =	vadd.f32 v2, v1;
	_ =	sdelay $0x1  }
0xb6: {  	v2 =	vmul.f32 $2.000000030e-01, v1;
	_ =	sdelay $0x1  }
0xb7: {  	v1 =	vmax.f32 v1, v2  }
0xb8: {  	v1 =	vmul.f32 $1.442695020e+00, v1;
	_ =	sdelay $0x1  }
0xb9: {  	(erf) = vpow2.f32 v1;
	_ =	sdelay $0x6  }
0xba: {  	v3 =	vld [tilespmem:s31+$0xFFFFFFC0]  }
0xbb: {  	v4 =	vld [tilespmem:s31+$0xFFFFFFD0]  }
0xbc: {  	v5 =	vld [tilespmem:s31+$0xFFFFFFE0];
	v6 =	vpop (erf)  }
0xbd: {  	v1 =	vld [tilespmem:s31+$0xFFFFFFF0];
	v8 =	vbroadcast v6, $0x0  }
0xbe: {  	v7 =	vld [tilespmem:s31+$0x10]  }
0xbf: {  	v9 =	vld [tilespmem:s31+$0x0];
	v3 =	vmul.f32 v8, v3  }
0xc0: {  	v62 =	vld [tilespmem:s31+$0x20];
	[tilespmem:s31+$0x40] =	vst v6;
	v4 =	vmul.f32 v8, v4  }
0xc1: {  	v2 =	vld [tilespmem:s31+$0x30];
	v5 =	vmul.f32 v8, v5;
	[tilespmem:s31+$0xFFFFFFC0] =	vst v3  }
0xc2: {  	v1 =	vmul.f32 v1, v8;
	[tilespmem:s31+$0xFFFFFFD0] =	vst v4  }
0xc3: {  	v63 =	vmul.f32 v7, v8;
	[tilespmem:s31+$0xFFFFFFE0] =	vst v5  }
0xc4: {  	v3 =	vmul.f32 v9, v8;
	[tilespmem:s31+$0xFFFFFFF0] =	vst v1  }
0xc5: {  	v1 =	vmul.f32 v62, v8;
	[tilespmem:s31+$0x10] =	vst v63  }
0xc6: {  	s30 =	sadd.s32 $0x1, s30;
	v2 =	vmul.f32 v2, v8;
	[tilespmem:s31+$0x0] =	vst v3  }
0xc7: {  	p0 =	sne.s32 s30, $0x28;
	[tilespmem:s0+$0x20] =	vst v1  }
.Ltmp3:
0xc8: {  	[tilespmem:s0+$0x30] =	vst v2;
	(pc) =	sbr.rel @p0 .LBB2_4-.Ltmp3, $4  }
0xc9: {  	[spmem:s3] =	stream.indirect.scatter.add.f32 [tilespmem:s24], [sflag:$0x3], $0x90, s23, s21, $0xb8;
	[tilespmem:$0x1FD80] =	vst v63  }
0xca: {  	_ =	swait.ge [sflag:s20], $0x4800  }
0xcb: {  	[sflag:s20] =	ssyncset.done $0x0  }
0xcc: {  	[sflag:s20] =	ssyncadd.s32 $0xFFFFB800  }
0xcd: {  	_ =	swait.ge [sflag:s25], $0x4800;
	s0 =	stileid.u32  }
0xce: {  	s1 =	sshrl.u32 s9, $0x3;
	s4 =	sadd.s32 $0x1, s4;
	[sflag:s25] =	ssyncset.done $0x0  }
0xcf: {  	s0 =	sshll.u32 s0, $0x6;
	p0 =	sne.s32 s4, s18;
	[sflag:s25] =	ssyncadd.s32 $0xFFFFB800  }
.Ltmp4:
0xd0: {  	s0 =	sor.u32 $0x1C03, s0;
	[bflag:$0x0] =	sbarrier.arrive $0xFFFF;
	(pc) =	sbr.rel @p0 .LBB2_1-.Ltmp4, $4  }
0xd1: {  	[hbm:s17], [sflag:s0] =	dma.local [spmem:s1], $0x2C70  }
0xd2: {  	_ =	swait.ge [sflag:s20], $0x2C70  }
0xd3: {  	[sflag:s20] =	ssyncset.done $0x0  }
0xd4: {  	[sflag:s20] =	ssyncadd.s32 $0xFFFFD390  }
0xd5: {  	_ =	sfence.sel $0x180000  }
0xd6: {  	[bflag:$0x0] =	sbarrier.arrive $0xFFFF  }
0xd7: {  	_ =	strace $0x90000050  }
0xd8: {  	s0 =	stileid.u32;
	[bflag:$0x2] =	sbarrier.arrive $0xFFFF  }
0xd9: {  	p0 =	sne.s32 s0, $0x0;
	s0 =	rddreg [dreg:$0x3]  }
0xda: {  	s0 =	sadd.s32 @!p0 $0x100000, s0  }
0xdb: {  	[sflag:s0] =	ssyncadd.tile.s32 @!p0 $0x1;
	_ =	shalt  }
.Lfunc_end2:
_tile_overlayer_lowered:
.L_overlay_start_2:
0xdc: {  	(tag) =	ssettag $0x2  }
0xdd: {  	s0 =	rddreg [dreg:$0x0];
	s2 =	stileid.u32  }
0xde: {  	s1 =	rddreg [dreg:$0x1];
	p0 =	sne.s32 s2, $0x0  }
0xdf: {  	s3 =	rddreg [dreg:$0x2];
	[bflag:$0x3] =	sbarrier.arrive $0xFFFF;
	s2 =	simm.s32 @!p0 $0x1C03  }
0xe0: {  	[timem:s3], [sflag:s2] =	dma.local @!p0 [hbm:s0], s1  }
0xe1: {  	s0 =	simm.s32 @!p0 $0x3  }
0xe2: {  	_ =	swait.ge @!p0 [sflag:s0], s1  }
0xe3: {  	s1 =	ssub.s32 @!p0 $0x0, s1;
	[sflag:s0] =	ssyncset.done @!p0 $0x0  }
0xe4: {  	[sflag:s0] =	ssyncadd.s32 @!p0 s1  }
0xe5: {  	[bflag:$0x3] =	sbarrier.arrive $0xFFFF  }
0xe6: {  	_ =	shalt  }

</sc_bundles>
